<compile_context>
chip_gen: v7x
topology: tpu7x:2x2x1
jax: 0.10.2.dev20260603
libtpu: 0.0.44.dev20260713+nightly
codegen_flags: <defaults>
</compile_context>

<pallas_src>
import functools

import jax
import jax.numpy as jnp
from jax import lax
from jax.experimental import pallas as pl
from jax.experimental.pallas import tpu as pltpu
from jax.experimental.pallas import tpu_sc as plsc

FIELD_NUM = 26
LATENT_DIM = 16
BATCH = 4096
TOTAL = BATCH * FIELD_NUM
VOCAB = 2600000

NC = 2
NS = 16

W = 4096
NWIN = 635
SC_LO = (0, 318)
SC_HI = (318, 635)
NWINP = 320
WPT = 20

IPT = TOTAL // NS
IVR = IPT // 16

RCAP = TOTAL + NWINP * 128 + 1024
DUMP_SLOT = RCAP - 256
PAD_POS = TOTAL
PAD_SPREAD = 1024
CHUNK = 128

SENT = 0x7FFFF


def _iota16():
    return lax.iota(jnp.int32, 16)


def _dyngather(vec, idx):
    return jnp.take_along_axis(vec, idx, axis=0)


def _splat(vec, lane):
    return _dyngather(vec, jnp.full((16,), lane, jnp.int32))


def _scal(ref, i):
    a = pl.multiple_of((i // 8) * 8, 8)
    v = ref[pl.ds(a, 16)]
    return _splat(v, i - a)[0]


def _make_k1():
    mesh = plsc.VectorSubcoreMesh(
        core_axis_name="c", subcore_axis_name="s",
        num_cores=NC, num_subcores=NS)

    @functools.partial(
        pl.kernel,
        mesh=mesh,
        out_type=(
            jax.ShapeDtypeStruct((NC * RCAP * LATENT_DIM,), jnp.float32),
            jax.ShapeDtypeStruct((NC * RCAP,), jnp.int32),
            jax.ShapeDtypeStruct((16,), jnp.int32),
        ),
        scratch_types=[
            pltpu.VMEM((IPT,), jnp.int32),
            pltpu.VMEM((16, NWINP), jnp.int32),
            pltpu.VMEM((NWINP,), jnp.int32),
            pltpu.VMEM((NWINP + 16,), jnp.int32),
            pltpu.VMEM((16, NWINP), jnp.int32),
            pltpu.VMEM((IPT,), jnp.int32),
            pltpu.VMEM((IPT,), jnp.int32),
            pltpu.VMEM((IPT,), jnp.int32),
            pltpu.VMEM((16, W), jnp.float32),
            pltpu.VMEM((CHUNK,), jnp.int32),
            pltpu.VMEM((CHUNK,), jnp.int32),
            pltpu.VMEM((CHUNK * 16,), jnp.float32),
            pltpu.VMEM((16,), jnp.int32),
            pltpu.VMEM((CHUNK,), jnp.int32),
            pltpu.VMEM((CHUNK,), jnp.int32),
            pltpu.VMEM((NWINP + 16,), jnp.int32),
            pltpu.VMEM_SHARED((16, NWINP), jnp.int32),
            pltpu.VMEM_SHARED((RCAP,), jnp.int32),
            pltpu.VMEM_SHARED((RCAP,), jnp.int32),
            pltpu.SemaphoreType.DMA,
        ],
        compiler_params=pltpu.CompilerParams(needs_layout_passes=False),
    )
    def k1(xflat, table_t, aux_t, rows_out, pos_out, cnt_out,
           idx_v, hist_v, cur_v, base_v, allc_v,
           slots_v, spos_v, srow_v, win_v, rc_a, rc_b, rows_st,
           int_st, padv_v, padi_v, totals_v,
           counts_sh, recpos_sh, recrow_sh, sem):
        tid = lax.axis_index("s")
        sc = lax.axis_index("c")
        lo = jnp.where(sc == 0, SC_LO[0], SC_LO[1])
        hi = jnp.where(sc == 0, SC_HI[0], SC_HI[1])
        iota = _iota16()
        lane0 = iota == 0

        pltpu.sync_copy(xflat.at[pl.ds(tid * IPT, IPT)], idx_v)

        def _zh(i, _):
            hist_v[i // NWINP_B, pl.ds((i % NWINP_B) * 16, 16)] = jnp.zeros(
                (16,), jnp.int32)
            return 0
        NWINP_B = NWINP // 16
        lax.fori_loop(0, 16 * NWINP_B, _zh, 0)

        def _hist(i, _):
            r = idx_v[pl.ds(i * 16, 16)]
            w = lax.shift_right_logical(r, 12)
            mine = (w >= lo) & (w < hi)
            lw = jnp.clip(w - lo, 0, NWINP - 1)
            plsc.addupdate_scatter(
                hist_v, [iota, lw], jnp.ones((16,), jnp.int32), mask=mine)
            return 0
        lax.fori_loop(0, IVR, _hist, 0)

        def _red(jb, _):
            acc = jnp.zeros((16,), jnp.int32)
            for l in range(16):
                acc = acc + hist_v[l, pl.ds(jb * 16, 16)]
            cur_v[pl.ds(jb * 16, 16)] = acc
            return 0
        lax.fori_loop(0, NWINP_B, _red, 0)

        pltpu.sync_copy(cur_v, counts_sh.at[tid])
        plsc.subcore_barrier()
        pltpu.sync_copy(counts_sh, allc_v)

        def _scan(j, carry):
            jv = jnp.full((16,), j, jnp.int32)
            v = plsc.load_gather(allc_v, [iota, jv])
            cum = plsc.cumsum(v)
            excl = cum - v
            mine_start = carry + _splat(excl, tid)
            plsc.store_scatter(cur_v, [jv], mine_start, mask=lane0)
            plsc.store_scatter(base_v, [jv], carry, mask=lane0)
            total_j = _splat(cum, 15)
            plsc.store_scatter(totals_v, [jv], total_j, mask=lane0)
            padded = (total_j + (CHUNK - 1)) & ~(CHUNK - 1)
            return carry + padded
        total = lax.fori_loop(0, NWINP, _scan, jnp.zeros((16,), jnp.int32))
        plsc.store_scatter(base_v, [jnp.full((16,), NWINP, jnp.int32)],
                           total, mask=lane0)

        def _place(i, _):
            r = idx_v[pl.ds(i * 16, 16)]
            w = lax.shift_right_logical(r, 12)
            mine = (w >= lo) & (w < hi)
            lw = jnp.where(mine, w - lo, SENT)
            p = tid * IPT + i * 16 + iota
            pos = (p & 4095) * FIELD_NUM + lax.shift_right_logical(p, 12)
            sk, perm = plsc.sort_key_val(lw, iota)
            sr = _dyngather(r, perm)
            sp = _dyngather(pos, perm)
            prev = _dyngather(sk, jnp.clip(iota - 1, 0, 15))
            eq = (sk == prev) & (iota > 0)
            run_start = plsc.cummax(jnp.where(eq, 0, iota))
            rank = iota - run_start
            smine = sk != SENT
            skc = jnp.clip(sk, 0, NWINP - 1)
            cbase = plsc.load_gather(cur_v, [skc])
            slot = jnp.where(smine, cbase + rank, DUMP_SLOT)
            nxt = _dyngather(sk, jnp.clip(iota + 1, 0, 15))
            is_last = ((iota == 15) | (sk != nxt)) & smine
            plsc.addupdate_scatter(cur_v, [skc], rank + 1, mask=is_last)
            slots_v[pl.ds(i * 16, 16)] = slot
            spos_v[pl.ds(i * 16, 16)] = sp
            srow_v[pl.ds(i * 16, 16)] = sr
            return 0
        lax.fori_loop(0, IVR, _place, 0)

        pltpu.async_copy(spos_v, recpos_sh.at[slots_v], sem).wait()
        pltpu.async_copy(srow_v, recrow_sh.at[slots_v], sem).wait()

        cnt = _splat(total, 0)
        sc_rec = sc * RCAP

        def _padw(k, _):
            jj = lo + tid * WPT + k

            @pl.when(jj < hi)
            def _p():
                j = jj - lo
                pb0 = _scal(base_v, j)
                pb1 = _scal(base_v, j + 1)
                tj = _scal(totals_v, j)
                for z in range(CHUNK // 16):
                    cand = pb0 + tj + z * 16 + iota
                    padi_v[pl.ds(z * 16, 16)] = jnp.where(
                        cand < pb1, cand, DUMP_SLOT + z * 16 + iota)
                    padv_v[pl.ds(z * 16, 16)] = PAD_POS + (
                        (jj * CHUNK + z * 16 + iota) & (PAD_SPREAD - 1))
                pltpu.async_copy(padv_v, recpos_sh.at[padi_v], sem).wait()
            return 0
        lax.fori_loop(0, WPT, _padw, 0)

        plsc.subcore_barrier()


        def _window(k, _):
            jj = lo + tid * WPT + k

            @pl.when(jj < hi)
            def _do():
                @pl.when(jj < NWIN - 1)
                def _full():
                    pltpu.sync_copy(
                        table_t.at[:, pl.ds(jj * W, W)], win_v)

                @pl.when(jj == NWIN - 1)
                def _tail():
                    pltpu.sync_copy(aux_t, win_v)

                b0 = _scal(base_v, jj - lo)
                b1 = _scal(base_v, jj - lo + 1)
                nrec = b1 - b0

                def _chunk(m, _):
                    s0 = pl.multiple_of(b0 + m * CHUNK, CHUNK)
                    pltpu.sync_copy(recpos_sh.at[pl.ds(s0, CHUNK)], rc_a)
                    pltpu.sync_copy(recrow_sh.at[pl.ds(s0, CHUNK)], rc_b)
                    for kk in range(CHUNK // 16):
                        rv = rc_b[pl.ds(kk * 16, 16)]
                        rl = jnp.clip(rv - jj * W, 0, W - 1)
                        st = rows_st.at[pl.ds(kk * 256, 256)]
                        for c in range(16):
                            vals = plsc.load_gather(
                                win_v, [jnp.full((16,), c, jnp.int32), rl])
                            plsc.store_scatter(st, [iota * 16 + c], vals)
                    pltpu.sync_copy(
                        rows_st,
                        rows_out.at[pl.ds((sc_rec + s0) * LATENT_DIM,
                                          CHUNK * 16)])
                    pltpu.sync_copy(
                        rc_a, pos_out.at[pl.ds(sc_rec + s0, CHUNK)])
                    return 0

                lax.fori_loop(0, lax.div(nrec, CHUNK), _chunk, 0)
            return 0
        lax.fori_loop(0, WPT, _window, 0)

        @pl.when(tid == 0)
        def _copyout():
            int_st[...] = cnt
            pltpu.sync_copy(int_st.at[pl.ds(0, 8)],
                            cnt_out.at[pl.ds(sc * 8, 8)])

    return k1


def _make_k2():
    mesh = plsc.VectorSubcoreMesh(
        core_axis_name="c", subcore_axis_name="s",
        num_cores=NC, num_subcores=NS)

    @functools.partial(
        pl.kernel,
        mesh=mesh,
        out_type=jax.ShapeDtypeStruct((TOTAL + PAD_SPREAD, LATENT_DIM),
                                      jnp.float32),
        scratch_types=[
            pltpu.VMEM((16,), jnp.int32),
            pltpu.VMEM((CHUNK,), jnp.int32),
            pltpu.VMEM((CHUNK, 16), jnp.float32),
            pltpu.SemaphoreType.DMA,
        ],
        compiler_params=pltpu.CompilerParams(
            use_tc_tiling_on_sc=False, needs_layout_passes=False),
    )
    def k2(rows_in, pos_in, cnt_in, out, cv, pv, rows_st, sem):
        tid = lax.axis_index("s")
        sc = lax.axis_index("c")
        wid = tid * NC + sc

        for s in range(NC):
            pltpu.sync_copy(cnt_in.at[pl.ds(s * 8, 8)], cv.at[pl.ds(0, 8)])
            cnt = cv[...][0]
            trips = lax.div(cnt, CHUNK)
            sc_rec = s * RCAP

            def _body(m, _):
                s0 = pl.multiple_of(sc_rec + m * CHUNK, CHUNK)
                pltpu.sync_copy(pos_in.at[pl.ds(s0, CHUNK)], pv)
                pltpu.sync_copy(rows_in.at[pl.ds(s0, CHUNK)], rows_st)
                pltpu.async_copy(rows_st, out.at[pv], sem).wait()
                return 0

            def _cond(carry):
                return carry[0] < trips

            def _step(carry):
                _body(carry[0], 0)
                return (carry[0] + NC * NS,)

            lax.while_loop(_cond, _step, (jnp.int32(wid),))

    return k2


_k1 = _make_k1()
_k2 = _make_k2()


def kernel(x, embedding, oov_embedding):
    xflat = jnp.swapaxes(x, 0, 1).reshape(TOTAL)
    table_t = jnp.swapaxes(embedding, 0, 1)
    tail = jnp.swapaxes(embedding[(NWIN - 1) * W:], 0, 1)
    aux_t = jnp.pad(tail, ((0, 0), (0, W - tail.shape[1])))
    rows, pos, cnt = _k1(xflat, table_t, aux_t)
    out = _k2(rows.reshape(NC * RCAP, LATENT_DIM), pos, cnt)
    return out[:TOTAL].reshape(BATCH, FIELD_NUM, LATENT_DIM)

# --- scband reference (transcript-rebuilt; emitter-appended) ---
"""Pipeline reference for scband-basic-model-40681930227764 (READ-ONLY COPY).

The authoritative reference and input builder live on the scoring server;
editing this copy changes nothing except your own understanding.
"""

import jax, jax.numpy as jnp
import numpy as np

FIELD_NUM = 26
PER_FIELD = 100000
FEATURE_NUM = FIELD_NUM * PER_FIELD  # 2,600,000
LATENT_DIM = 16
BATCH = 4096


def setup_inputs(seed: int = 0) -> dict:
    key = jax.random.key(seed)
    k1, k2, k3 = jax.random.split(key, 3)
    # xavier_uniform init for the embedding table (fan_in=FEATURE_NUM, fan_out=LATENT_DIM)
    bound = float(np.sqrt(6.0 / (FEATURE_NUM + LATENT_DIM)))
    embedding = jax.random.uniform(k1, (FEATURE_NUM, LATENT_DIM), minval=-bound, maxval=bound, dtype=jnp.float32)
    bound_oov = float(np.sqrt(6.0 / (FIELD_NUM + LATENT_DIM)))
    oov_embedding = jax.random.uniform(k2, (FIELD_NUM, LATENT_DIM), minval=-bound_oov, maxval=bound_oov, dtype=jnp.float32)
    x = jax.random.randint(k3, (BATCH, FIELD_NUM), 0, FEATURE_NUM, dtype=jnp.int32)
    return {"x": x, "embedding": embedding, "oov_embedding": oov_embedding}


def calc_feature_mask(embedding):
    # mode_supernet == 'none' -> mask of ones over all features
    return jnp.ones((FEATURE_NUM,), dtype=jnp.float32)


def reference(x, embedding, oov_embedding):
    # Faithful translation of the backbone embedding lookup forward pass:
    #   feature_mask = calc_feature_mask()            (ones, mode 'none')
    #   xv = F.embedding(x, self.embedding) * mask[x].unsqueeze(-1)
    feature_mask = calc_feature_mask(embedding)
    mask_v = jnp.take(feature_mask, x, axis=0)[..., None]  # [B, F, 1]
    xv = jnp.take(embedding, x, axis=0)  # [B, F, D] gather from 2.6M-row table
    xv = xv * mask_v
    return xv

if __name__ == "__main__":
    import jax
    _d = setup_inputs()
    print(jax.jit(kernel)(*tuple(_d.values())))

</pallas_src>

<mosaic_0001>
#map = affine_map<(d0, d1) -> (0)>
#map1 = affine_map<(d0, d1) -> (0, 0)>
module attributes {stable_mosaic.version = 14 : i64} {
  func.func @k1(%arg0: i32, %arg1: i32, %arg2: memref<106496xi32, #tpu.memory_space<hbm>>, %arg3: memref<16x2600000xf32, #tpu.memory_space<hbm>>, %arg4: memref<16x4096xf32, #tpu.memory_space<hbm>>, %arg5: memref<4751360xf32, #tpu.memory_space<hbm>>, %arg6: memref<296960xi32, #tpu.memory_space<hbm>>, %arg7: memref<16xi32, #tpu.memory_space<hbm>>, %arg8: memref<6656xi32, #tpu.memory_space<vmem>>, %arg9: memref<16x320xi32, #tpu.memory_space<vmem>>, %arg10: memref<320xi32, #tpu.memory_space<vmem>>, %arg11: memref<336xi32, #tpu.memory_space<vmem>>, %arg12: memref<16x320xi32, #tpu.memory_space<vmem>>, %arg13: memref<6656xi32, #tpu.memory_space<vmem>>, %arg14: memref<6656xi32, #tpu.memory_space<vmem>>, %arg15: memref<6656xi32, #tpu.memory_space<vmem>>, %arg16: memref<16x4096xf32, #tpu.memory_space<vmem>>, %arg17: memref<128xi32, #tpu.memory_space<vmem>>, %arg18: memref<128xi32, #tpu.memory_space<vmem>>, %arg19: memref<2048xf32, #tpu.memory_space<vmem>>, %arg20: memref<16xi32, #tpu.memory_space<vmem>>, %arg21: memref<128xi32, #tpu.memory_space<vmem>>, %arg22: memref<128xi32, #tpu.memory_space<vmem>>, %arg23: memref<336xi32, #tpu.memory_space<vmem>>, %arg24: memref<16x320xi32, #tpu.memory_space<vmem_shared>>, %arg25: memref<148480xi32, #tpu.memory_space<vmem_shared>>, %arg26: memref<148480xi32, #tpu.memory_space<vmem_shared>>, %arg27: memref<!tpu.dma_semaphore, #tpu.memory_space<semaphore_mem>>) attributes {dimension_semantics = [#tpu.dimension_semantics<core_parallel>, #tpu.dimension_semantics<subcore_parallel>], iteration_bounds = array<i64: 2, 16>, scalar_prefetch = 0 : i64, scratch_operands = 20 : i64, tpu.core_type = #tpu.core_type<sc_vector_subcore>, window_params = [{transform_indices = #map}, {transform_indices = #map1}, {transform_indices = #map1}, {transform_indices = #map}, {transform_indices = #map}, {transform_indices = #map}]} {
    %eq3A = arith.constant 0 : i32
    %eq3A_0 = arith.cmpi eq, %arg0, %eq3A : i32
    %jit3A = arith.constant 0 : i32
    %jit3A_1 = arith.constant 318 : i32
    %select_n3A = arith.select %eq3A_0, %jit3A, %jit3A_1 : i32
    %eq3A_2 = arith.constant 0 : i32
    %eq3A_3 = arith.cmpi eq, %arg0, %eq3A_2 : i32
    %jit3A_4 = arith.constant 318 : i32
    %jit3A_5 = arith.constant 635 : i32
    %select_n3A_6 = arith.select %eq3A_3, %jit3A_4, %jit3A_5 : i32
    %iota3A = tpu.iota {dimensions = array<i32: 0>} : vector<16xi32>
    %eq3A_7 = arith.constant 0 : i32
    %eq3A_8 = vector.broadcast %eq3A_7 : i32 to vector<16xi32>
    %eq3A_9 = arith.cmpi eq, %iota3A, %eq3A_8 : vector<16xi32>
    %mul3A = arith.constant 6656 : i32
    %mul3A_10 = arith.muli %arg1, %mul3A : i32
    "tpu.region"() ({
      %run_scoped3A = tpu.sem_alloc : memref<!tpu.dma_semaphore, #tpu.memory_space<semaphore_mem>>
      %dma_start3A_81 = tpu.memref_slice %arg2[%mul3A_10] : memref<106496xi32, #tpu.memory_space<hbm>> -> memref<6656xi32, #tpu.memory_space<hbm>>
      %dma_start3A_82 = tpu.memref_slice %arg2[%mul3A_10] : memref<106496xi32, #tpu.memory_space<hbm>> -> memref<6656xi32, #tpu.memory_space<hbm>>
      tpu.enqueue_dma source(%dma_start3A_82 : memref<6656xi32, #tpu.memory_space<hbm>>) target(%arg8 : memref<6656xi32, #tpu.memory_space<vmem>>) target_semaphore(%run_scoped3A : memref<!tpu.dma_semaphore, #tpu.memory_space<semaphore_mem>>)
      %dma_wait3A_83 = tpu.memref_slice %arg2[%mul3A_10] : memref<106496xi32, #tpu.memory_space<hbm>> -> memref<6656xi32, #tpu.memory_space<hbm>>
      %dma_wait3A_84 = tpu.memref_slice %arg2[%mul3A_10] : memref<106496xi32, #tpu.memory_space<hbm>> -> memref<6656xi32, #tpu.memory_space<hbm>>
      tpu.wait_dma2 semaphore(%run_scoped3A : memref<!tpu.dma_semaphore, #tpu.memory_space<semaphore_mem>>) src(%dma_wait3A_84 : memref<6656xi32, #tpu.memory_space<hbm>>) dst(%arg8 : memref<6656xi32, #tpu.memory_space<vmem>>)
      tpu.yield
    }) : () -> ()
    %scan3A = arith.constant 0 : i32
    %scan3A_11 = arith.constant 0 : i32
    %scan3A_12 = arith.constant 320 : i32
    %scan3A_13 = arith.addi %scan3A_11, %scan3A_12 : i32
    %scan3A_14 = arith.constant 1 : i32
    %scan3A_15 = scf.for %scan3A_81 = %scan3A_11 to %scan3A_13 step %scan3A_14 iter_args(%scan3A_82 = %scan3A) -> (i32)  : i32 {
      %broadcast_in_dim3A_83 = arith.constant 0 : i32
      %broadcast_in_dim3A_84 = vector.broadcast %broadcast_in_dim3A_83 : i32 to vector<16xi32>
      %jit3A_85 = arith.constant 20 : i32
      %div3A = arith.divsi %scan3A_81, %jit3A_85 : i32
      %sign3A = arith.constant 0 : i32
      %sign3A_86 = arith.cmpi sgt, %scan3A_81, %sign3A : i32
      %sign3A_87 = arith.extui %sign3A_86 : i1 to i32
      %sign3A_88 = arith.constant 0 : i32
      %sign3A_89 = arith.cmpi slt, %scan3A_81, %sign3A_88 : i32
      %sign3A_90 = arith.extui %sign3A_89 : i1 to i32
      %sign3A_91 = arith.subi %sign3A_87, %sign3A_90 : i32
      %sign3A_92 = arith.constant 0 : i32
      %sign3A_93 = arith.cmpi sgt, %jit3A_85, %sign3A_92 : i32
      %sign3A_94 = arith.extui %sign3A_93 : i1 to i32
      %sign3A_95 = arith.constant 0 : i32
      %sign3A_96 = arith.cmpi slt, %jit3A_85, %sign3A_95 : i32
      %sign3A_97 = arith.extui %sign3A_96 : i1 to i32
      %sign3A_98 = arith.subi %sign3A_94, %sign3A_97 : i32
      %ne3A = arith.cmpi ne, %sign3A_91, %sign3A_98 : i32
      %rem3A = arith.remsi %scan3A_81, %jit3A_85 : i32
      %ne3A_99 = arith.constant 0 : i32
      %ne3A_100 = arith.cmpi ne, %rem3A, %ne3A_99 : i32
      %and3A = arith.andi %ne3A, %ne3A_100 : i1
      %sub3A = arith.constant 1 : i32
      %sub3A_101 = arith.subi %div3A, %sub3A : i32
      %select_n3A_102 = arith.select %and3A, %sub3A_101, %div3A : i32
      %jit3A_103 = arith.constant 20 : i32
      %eq3A_104 = arith.constant 0 : i32
      %eq3A_105 = arith.cmpi eq, %jit3A_103, %eq3A_104 : i32
      %jit3A_106 = arith.constant 1 : i32
      %select_n3A_107 = arith.select %eq3A_105, %jit3A_106, %jit3A_103 : i32
      %rem3A_108 = arith.remsi %scan3A_81, %select_n3A_107 : i32
      %ne3A_109 = arith.constant 0 : i32
      %ne3A_110 = arith.cmpi ne, %rem3A_108, %ne3A_109 : i32
      %lt3A_111 = arith.constant 0 : i32
      %lt3A_112 = arith.cmpi slt, %rem3A_108, %lt3A_111 : i32
      %lt3A_113 = arith.constant 0 : i32
      %lt3A_114 = arith.cmpi slt, %select_n3A_107, %lt3A_113 : i32
      %ne3A_115 = arith.xori %lt3A_112, %lt3A_114 : i1
      %and3A_116 = arith.andi %ne3A_115, %ne3A_110 : i1
      %add3A_117 = arith.addi %rem3A_108, %select_n3A_107 : i32
      %select_n3A_118 = arith.select %and3A_116, %add3A_117, %rem3A_108 : i32
      %mul3A_119 = arith.constant 16 : i32
      %mul3A_120 = arith.muli %select_n3A_118, %mul3A_119 : i32
      %swap3A = arith.index_cast %select_n3A_102 : i32 to index
      %swap3A_121 = arith.index_cast %mul3A_120 : i32 to index
      %swap3A_122 = tpu.vector_load %arg9[%swap3A, %swap3A_121] {strides = array<i32>} : memref<16x320xi32, #tpu.memory_space<vmem>>, vector<16xi32>,
      tpu.vector_store %arg9[%swap3A, %swap3A_121], %broadcast_in_dim3A_84 {strides = array<i32>} : memref<16x320xi32, #tpu.memory_space<vmem>>, vector<16xi32>,
      %scan3A_123 = arith.constant 0 : i32
      scf.yield %scan3A_123 : i32
    }
    %scan3A_16 = arith.constant 320 : i32
    %scan3A_17 = arith.constant 0 : i32
    %scan3A_18 = arith.constant 0 : i32
    %scan3A_19 = arith.constant 416 : i32
    %scan3A_20 = arith.addi %scan3A_18, %scan3A_19 : i32
    %scan3A_21 = arith.constant 1 : i32
    %scan3A_22 = scf.for %scan3A_81 = %scan3A_18 to %scan3A_20 step %scan3A_21 iter_args(%scan3A_82 = %scan3A_17) -> (i32)  : i32 {
      %mul3A_83 = arith.constant 16 : i32
      %mul3A_84 = arith.muli %scan3A_81, %mul3A_83 : i32
      %get3A = arith.index_cast %mul3A_84 : i32 to index
      %get3A_85 = tpu.vector_load %arg8[%get3A] {strides = array<i32>} : memref<6656xi32, #tpu.memory_space<vmem>>, vector<16xi32>,
      %shift_right_logical3A = arith.constant 12 : i32
      %shift_right_logical3A_86 = vector.broadcast %shift_right_logical3A : i32 to vector<16xi32>
      %shift_right_logical3A_87 = arith.shrui %get3A_85, %shift_right_logical3A_86 : vector<16xi32>
      %ge3A = vector.broadcast %select_n3A : i32 to vector<16xi32>
      %ge3A_88 = arith.cmpi sge, %shift_right_logical3A_87, %ge3A : vector<16xi32>
      %lt3A_89 = vector.broadcast %select_n3A_6 : i32 to vector<16xi32>
      %lt3A_90 = arith.cmpi slt, %shift_right_logical3A_87, %lt3A_89 : vector<16xi32>
      %and3A = arith.andi %ge3A_88, %lt3A_90 : vector<16xi1>
      %sub3A = vector.broadcast %select_n3A : i32 to vector<16xi32>
      %sub3A_91 = arith.subi %shift_right_logical3A_87, %sub3A : vector<16xi32>
      %jit3A_92 = arith.constant 0 : i32
      %jit3A_93 = arith.constant 319 : i32
      %max3A = vector.broadcast %jit3A_92 : i32 to vector<16xi32>
      %max3A_94 = arith.maxsi %max3A, %sub3A_91 : vector<16xi32>
      %min3A = vector.broadcast %jit3A_93 : i32 to vector<16xi32>
      %min3A_95 = arith.minsi %min3A, %max3A_94 : vector<16xi32>
      %broadcast_in_dim3A_96 = arith.constant 1 : i32
      %broadcast_in_dim3A_97 = vector.broadcast %broadcast_in_dim3A_96 : i32 to vector<16xi32>
      tpu.vector_store_idx %arg9[%iota3A, %min3A_95], %broadcast_in_dim3A_97 masked %and3A {add = true} : memref<16x320xi32, #tpu.memory_space<vmem>>[vector<16xi32>, vector<16xi32>], vector<16xi32>, vector<16xi1>
      %scan3A_98 = arith.constant 0 : i32
      scf.yield %scan3A_98 : i32
    }
    %scan3A_23 = arith.constant 416 : i32
    %scan3A_24 = arith.constant 0 : i32
    %scan3A_25 = arith.constant 0 : i32
    %scan3A_26 = arith.constant 20 : i32
    %scan3A_27 = arith.addi %scan3A_25, %scan3A_26 : i32
    %scan3A_28 = arith.constant 1 : i32
    %scan3A_29 = scf.for %scan3A_81 = %scan3A_25 to %scan3A_27 step %scan3A_28 iter_args(%scan3A_82 = %scan3A_24) -> (i32)  : i32 {
      %broadcast_in_dim3A_83 = arith.constant 0 : i32
      %broadcast_in_dim3A_84 = vector.broadcast %broadcast_in_dim3A_83 : i32 to vector<16xi32>
      %mul3A_85 = arith.constant 16 : i32
      %mul3A_86 = arith.muli %scan3A_81, %mul3A_85 : i32
      %get3A = arith.constant 0 : i32
      %get3A_87 = arith.index_cast %get3A : i32 to index
      %get3A_88 = arith.index_cast %mul3A_86 : i32 to index
      %get3A_89 = tpu.vector_load %arg9[%get3A_87, %get3A_88] {strides = array<i32>} : memref<16x320xi32, #tpu.memory_space<vmem>>, vector<16xi32>,
      %add3A_90 = arith.addi %broadcast_in_dim3A_84, %get3A_89 : vector<16xi32>
      %mul3A_91 = arith.constant 16 : i32
      %mul3A_92 = arith.muli %scan3A_81, %mul3A_91 : i32
      %get3A_93 = arith.constant 1 : i32
      %get3A_94 = arith.index_cast %get3A_93 : i32 to index
      %get3A_95 = arith.index_cast %mul3A_92 : i32 to index
      %get3A_96 = tpu.vector_load %arg9[%get3A_94, %get3A_95] {strides = array<i32>} : memref<16x320xi32, #tpu.memory_space<vmem>>, vector<16xi32>,
      %add3A_97 = arith.addi %add3A_90, %get3A_96 : vector<16xi32>
      %mul3A_98 = arith.constant 16 : i32
      %mul3A_99 = arith.muli %scan3A_81, %mul3A_98 : i32
      %get3A_100 = arith.constant 2 : i32
      %get3A_101 = arith.index_cast %get3A_100 : i32 to index
      %get3A_102 = arith.index_cast %mul3A_99 : i32 to index
      %get3A_103 = tpu.vector_load %arg9[%get3A_101, %get3A_102] {strides = array<i32>} : memref<16x320xi32, #tpu.memory_space<vmem>>, vector<16xi32>,
      %add3A_104 = arith.addi %add3A_97, %get3A_103 : vector<16xi32>
      %mul3A_105 = arith.constant 16 : i32
      %mul3A_106 = arith.muli %scan3A_81, %mul3A_105 : i32
      %get3A_107 = arith.constant 3 : i32
      %get3A_108 = arith.index_cast %get3A_107 : i32 to index
      %get3A_109 = arith.index_cast %mul3A_106 : i32 to index
      %get3A_110 = tpu.vector_load %arg9[%get3A_108, %get3A_109] {strides = array<i32>} : memref<16x320xi32, #tpu.memory_space<vmem>>, vector<16xi32>,
      %add3A_111 = arith.addi %add3A_104, %get3A_110 : vector<16xi32>
      %mul3A_112 = arith.constant 16 : i32
      %mul3A_113 = arith.muli %scan3A_81, %mul3A_112 : i32
      %get3A_114 = arith.constant 4 : i32
      %get3A_115 = arith.index_cast %get3A_114 : i32 to index
      %get3A_116 = arith.index_cast %mul3A_113 : i32 to index
      %get3A_117 = tpu.vector_load %arg9[%get3A_115, %get3A_116] {strides = array<i32>} : memref<16x320xi32, #tpu.memory_space<vmem>>, vector<16xi32>,
      %add3A_118 = arith.addi %add3A_111, %get3A_117 : vector<16xi32>
      %mul3A_119 = arith.constant 16 : i32
      %mul3A_120 = arith.muli %scan3A_81, %mul3A_119 : i32
      %get3A_121 = arith.constant 5 : i32
      %get3A_122 = arith.index_cast %get3A_121 : i32 to index
      %get3A_123 = arith.index_cast %mul3A_120 : i32 to index
      %get3A_124 = tpu.vector_load %arg9[%get3A_122, %get3A_123] {strides = array<i32>} : memref<16x320xi32, #tpu.memory_space<vmem>>, vector<16xi32>,
      %add3A_125 = arith.addi %add3A_118, %get3A_124 : vector<16xi32>
      %mul3A_126 = arith.constant 16 : i32
      %mul3A_127 = arith.muli %scan3A_81, %mul3A_126 : i32
      %get3A_128 = arith.constant 6 : i32
      %get3A_129 = arith.index_cast %get3A_128 : i32 to index
      %get3A_130 = arith.index_cast %mul3A_127 : i32 to index
      %get3A_131 = tpu.vector_load %arg9[%get3A_129, %get3A_130] {strides = array<i32>} : memref<16x320xi32, #tpu.memory_space<vmem>>, vector<16xi32>,
      %add3A_132 = arith.addi %add3A_125, %get3A_131 : vector<16xi32>
      %mul3A_133 = arith.constant 16 : i32
      %mul3A_134 = arith.muli %scan3A_81, %mul3A_133 : i32
      %get3A_135 = arith.constant 7 : i32
      %get3A_136 = arith.index_cast %get3A_135 : i32 to index
      %get3A_137 = arith.index_cast %mul3A_134 : i32 to index
      %get3A_138 = tpu.vector_load %arg9[%get3A_136, %get3A_137] {strides = array<i32>} : memref<16x320xi32, #tpu.memory_space<vmem>>, vector<16xi32>,
      %add3A_139 = arith.addi %add3A_132, %get3A_138 : vector<16xi32>
      %mul3A_140 = arith.constant 16 : i32
      %mul3A_141 = arith.muli %scan3A_81, %mul3A_140 : i32
      %get3A_142 = arith.constant 8 : i32
      %get3A_143 = arith.index_cast %get3A_142 : i32 to index
      %get3A_144 = arith.index_cast %mul3A_141 : i32 to index
      %get3A_145 = tpu.vector_load %arg9[%get3A_143, %get3A_144] {strides = array<i32>} : memref<16x320xi32, #tpu.memory_space<vmem>>, vector<16xi32>,
      %add3A_146 = arith.addi %add3A_139, %get3A_145 : vector<16xi32>
      %mul3A_147 = arith.constant 16 : i32
      %mul3A_148 = arith.muli %scan3A_81, %mul3A_147 : i32
      %get3A_149 = arith.constant 9 : i32
      %get3A_150 = arith.index_cast %get3A_149 : i32 to index
      %get3A_151 = arith.index_cast %mul3A_148 : i32 to index
      %get3A_152 = tpu.vector_load %arg9[%get3A_150, %get3A_151] {strides = array<i32>} : memref<16x320xi32, #tpu.memory_space<vmem>>, vector<16xi32>,
      %add3A_153 = arith.addi %add3A_146, %get3A_152 : vector<16xi32>
      %mul3A_154 = arith.constant 16 : i32
      %mul3A_155 = arith.muli %scan3A_81, %mul3A_154 : i32
      %get3A_156 = arith.constant 10 : i32
      %get3A_157 = arith.index_cast %get3A_156 : i32 to index
      %get3A_158 = arith.index_cast %mul3A_155 : i32 to index
      %get3A_159 = tpu.vector_load %arg9[%get3A_157, %get3A_158] {strides = array<i32>} : memref<16x320xi32, #tpu.memory_space<vmem>>, vector<16xi32>,
      %add3A_160 = arith.addi %add3A_153, %get3A_159 : vector<16xi32>
      %mul3A_161 = arith.constant 16 : i32
      %mul3A_162 = arith.muli %scan3A_81, %mul3A_161 : i32
      %get3A_163 = arith.constant 11 : i32
      %get3A_164 = arith.index_cast %get3A_163 : i32 to index
      %get3A_165 = arith.index_cast %mul3A_162 : i32 to index
      %get3A_166 = tpu.vector_load %arg9[%get3A_164, %get3A_165] {strides = array<i32>} : memref<16x320xi32, #tpu.memory_space<vmem>>, vector<16xi32>,
      %add3A_167 = arith.addi %add3A_160, %get3A_166 : vector<16xi32>
      %mul3A_168 = arith.constant 16 : i32
      %mul3A_169 = arith.muli %scan3A_81, %mul3A_168 : i32
      %get3A_170 = arith.constant 12 : i32
      %get3A_171 = arith.index_cast %get3A_170 : i32 to index
      %get3A_172 = arith.index_cast %mul3A_169 : i32 to index
      %get3A_173 = tpu.vector_load %arg9[%get3A_171, %get3A_172] {strides = array<i32>} : memref<16x320xi32, #tpu.memory_space<vmem>>, vector<16xi32>,
      %add3A_174 = arith.addi %add3A_167, %get3A_173 : vector<16xi32>
      %mul3A_175 = arith.constant 16 : i32
      %mul3A_176 = arith.muli %scan3A_81, %mul3A_175 : i32
      %get3A_177 = arith.constant 13 : i32
      %get3A_178 = arith.index_cast %get3A_177 : i32 to index
      %get3A_179 = arith.index_cast %mul3A_176 : i32 to index
      %get3A_180 = tpu.vector_load %arg9[%get3A_178, %get3A_179] {strides = array<i32>} : memref<16x320xi32, #tpu.memory_space<vmem>>, vector<16xi32>,
      %add3A_181 = arith.addi %add3A_174, %get3A_180 : vector<16xi32>
      %mul3A_182 = arith.constant 16 : i32
      %mul3A_183 = arith.muli %scan3A_81, %mul3A_182 : i32
      %get3A_184 = arith.constant 14 : i32
      %get3A_185 = arith.index_cast %get3A_184 : i32 to index
      %get3A_186 = arith.index_cast %mul3A_183 : i32 to index
      %get3A_187 = tpu.vector_load %arg9[%get3A_185, %get3A_186] {strides = array<i32>} : memref<16x320xi32, #tpu.memory_space<vmem>>, vector<16xi32>,
      %add3A_188 = arith.addi %add3A_181, %get3A_187 : vector<16xi32>
      %mul3A_189 = arith.constant 16 : i32
      %mul3A_190 = arith.muli %scan3A_81, %mul3A_189 : i32
      %get3A_191 = arith.constant 15 : i32
      %get3A_192 = arith.index_cast %get3A_191 : i32 to index
      %get3A_193 = arith.index_cast %mul3A_190 : i32 to index
      %get3A_194 = tpu.vector_load %arg9[%get3A_192, %get3A_193] {strides = array<i32>} : memref<16x320xi32, #tpu.memory_space<vmem>>, vector<16xi32>,
      %add3A_195 = arith.addi %add3A_188, %get3A_194 : vector<16xi32>
      %mul3A_196 = arith.constant 16 : i32
      %mul3A_197 = arith.muli %scan3A_81, %mul3A_196 : i32
      %swap3A = arith.index_cast %mul3A_197 : i32 to index
      %swap3A_198 = tpu.vector_load %arg10[%swap3A] {strides = array<i32>} : memref<320xi32, #tpu.memory_space<vmem>>, vector<16xi32>,
      tpu.vector_store %arg10[%swap3A], %add3A_195 {strides = array<i32>} : memref<320xi32, #tpu.memory_space<vmem>>, vector<16xi32>,
      %scan3A_199 = arith.constant 0 : i32
      scf.yield %scan3A_199 : i32
    }
    %scan3A_30 = arith.constant 20 : i32
    "tpu.region"() ({
      %run_scoped3A = tpu.sem_alloc : memref<!tpu.dma_semaphore, #tpu.memory_space<semaphore_mem>>
      %dma_start3A_81 = arith.constant 0 : i32
      %dma_start3A_82 = tpu.memref_slice %arg24[%arg1, %dma_start3A_81] : memref<16x320xi32, #tpu.memory_space<vmem_shared>> -> memref<1x320xi32, #tpu.memory_space<vmem_shared>>
      %dma_start3A_83 = tpu.memref_squeeze %dma_start3A_82 : memref<1x320xi32, #tpu.memory_space<vmem_shared>> -> memref<320xi32, #tpu.memory_space<vmem_shared>>
      %dma_start3A_84 = arith.constant 0 : i32
      %dma_start3A_85 = tpu.memref_slice %arg24[%arg1, %dma_start3A_84] : memref<16x320xi32, #tpu.memory_space<vmem_shared>> -> memref<1x320xi32, #tpu.memory_space<vmem_shared>>
      %dma_start3A_86 = tpu.memref_squeeze %dma_start3A_85 : memref<1x320xi32, #tpu.memory_space<vmem_shared>> -> memref<320xi32, #tpu.memory_space<vmem_shared>>
      tpu.enqueue_dma source(%arg10 : memref<320xi32, #tpu.memory_space<vmem>>) target(%dma_start3A_86 : memref<320xi32, #tpu.memory_space<vmem_shared>>) target_semaphore(%run_scoped3A : memref<!tpu.dma_semaphore, #tpu.memory_space<semaphore_mem>>)
      %dma_wait3A_87 = arith.constant 0 : i32
      %dma_wait3A_88 = tpu.memref_slice %arg24[%arg1, %dma_wait3A_87] : memref<16x320xi32, #tpu.memory_space<vmem_shared>> -> memref<1x320xi32, #tpu.memory_space<vmem_shared>>
      %dma_wait3A_89 = tpu.memref_squeeze %dma_wait3A_88 : memref<1x320xi32, #tpu.memory_space<vmem_shared>> -> memref<320xi32, #tpu.memory_space<vmem_shared>>
      %dma_wait3A_90 = arith.constant 0 : i32
      %dma_wait3A_91 = tpu.memref_slice %arg24[%arg1, %dma_wait3A_90] : memref<16x320xi32, #tpu.memory_space<vmem_shared>> -> memref<1x320xi32, #tpu.memory_space<vmem_shared>>
      %dma_wait3A_92 = tpu.memref_squeeze %dma_wait3A_91 : memref<1x320xi32, #tpu.memory_space<vmem_shared>> -> memref<320xi32, #tpu.memory_space<vmem_shared>>
      tpu.wait_dma2 semaphore(%run_scoped3A : memref<!tpu.dma_semaphore, #tpu.memory_space<semaphore_mem>>) src(%arg10 : memref<320xi32, #tpu.memory_space<vmem>>) dst(%dma_wait3A_92 : memref<320xi32, #tpu.memory_space<vmem_shared>>)
      tpu.yield
    }) : () -> ()
    %barrier3A = arith.constant 0 : index
    tpu.barrier barrier_id(%barrier3A)
    "tpu.region"() ({
      %run_scoped3A = tpu.sem_alloc : memref<!tpu.dma_semaphore, #tpu.memory_space<semaphore_mem>>
      tpu.enqueue_dma source(%arg24 : memref<16x320xi32, #tpu.memory_space<vmem_shared>>) target(%arg12 : memref<16x320xi32, #tpu.memory_space<vmem>>) target_semaphore(%run_scoped3A : memref<!tpu.dma_semaphore, #tpu.memory_space<semaphore_mem>>)
      tpu.wait_dma2 semaphore(%run_scoped3A : memref<!tpu.dma_semaphore, #tpu.memory_space<semaphore_mem>>) src(%arg24 : memref<16x320xi32, #tpu.memory_space<vmem_shared>>) dst(%arg12 : memref<16x320xi32, #tpu.memory_space<vmem>>)
      tpu.yield
    }) : () -> ()
    %broadcast_in_dim3A = arith.constant 0 : i32
    %broadcast_in_dim3A_31 = vector.broadcast %broadcast_in_dim3A : i32 to vector<16xi32>
    %scan3A_32 = arith.constant 0 : i32
    %scan3A_33 = arith.constant 320 : i32
    %scan3A_34 = arith.addi %scan3A_32, %scan3A_33 : i32
    %scan3A_35 = arith.constant 1 : i32
    %scan3A_36 = scf.for %scan3A_81 = %scan3A_32 to %scan3A_34 step %scan3A_35 iter_args(%scan3A_82 = %broadcast_in_dim3A_31) -> (vector<16xi32>)  : i32 {
      %broadcast_in_dim3A_83 = vector.broadcast %scan3A_81 : i32 to vector<16xi32>
      %gather3A_84 = tpu.vector_load_idx %arg12[%iota3A, %broadcast_in_dim3A_83] : memref<16x320xi32, #tpu.memory_space<vmem>>[vector<16xi32>, vector<16xi32>], vector<16xi32>,
      %broadcast_in_dim3A_85 = arith.constant true
      %broadcast_in_dim3A_86 = vector.broadcast %broadcast_in_dim3A_85 : i1 to vector<16xi1>
      %masked_cumsum3A = tpu.scan <sum>, %gather3A_84 masked %broadcast_in_dim3A_86 : vector<16xi32>, vector<16xi1> -> vector<16xi32>
      %sub3A = arith.subi %masked_cumsum3A, %gather3A_84 : vector<16xi32>
      %broadcast_in_dim3A_87 = vector.broadcast %arg1 : i32 to vector<16xi32>
      %lt3A_88 = arith.constant 0 : i32
      %lt3A_89 = vector.broadcast %lt3A_88 : i32 to vector<16xi32>
      %lt3A_90 = arith.cmpi slt, %broadcast_in_dim3A_87, %lt3A_89 : vector<16xi32>
      %add3A_91 = arith.constant 16 : i32
      %add3A_92 = vector.broadcast %add3A_91 : i32 to vector<16xi32>
      %add3A_93 = arith.addi %broadcast_in_dim3A_87, %add3A_92 : vector<16xi32>
      %select_n3A_94 = arith.select %lt3A_90, %add3A_93, %broadcast_in_dim3A_87 : vector<16xi1>, vector<16xi32>
      %reshape3A_95 = vector.shape_cast %select_n3A_94 : vector<16xi32> to vector<16x1xi32>
      %gather3A_96 = vector.shape_cast %reshape3A_95 : vector<16x1xi32> to vector<16xi32>
      %gather3A_97 = tpu.dynamic_gather %sub3A[%gather3A_96] in [0] : vector<16xi32>, vector<16xi32> -> vector<16xi32>
      %add3A_98 = arith.addi %scan3A_82, %gather3A_97 : vector<16xi32>
      tpu.vector_store_idx %arg10[%broadcast_in_dim3A_83], %add3A_98 masked %eq3A_9 : memref<320xi32, #tpu.memory_space<vmem>>[vector<16xi32>], vector<16xi32>, vector<16xi1>
      tpu.vector_store_idx %arg11[%broadcast_in_dim3A_83], %scan3A_82 masked %eq3A_9 : memref<336xi32, #tpu.memory_space<vmem>>[vector<16xi32>], vector<16xi32>, vector<16xi1>
      %broadcast_in_dim3A_99 = arith.constant 15 : i32
      %broadcast_in_dim3A_100 = vector.broadcast %broadcast_in_dim3A_99 : i32 to vector<16xi32>
      %lt3A_101 = arith.constant 0 : i32
      %lt3A_102 = vector.broadcast %lt3A_101 : i32 to vector<16xi32>
      %lt3A_103 = arith.cmpi slt, %broadcast_in_dim3A_100, %lt3A_102 : vector<16xi32>
      %add3A_104 = arith.constant 16 : i32
      %add3A_105 = vector.broadcast %add3A_104 : i32 to vector<16xi32>
      %add3A_106 = arith.addi %broadcast_in_dim3A_100, %add3A_105 : vector<16xi32>
      %select_n3A_107 = arith.select %lt3A_103, %add3A_106, %broadcast_in_dim3A_100 : vector<16xi1>, vector<16xi32>
      %reshape3A_108 = vector.shape_cast %select_n3A_107 : vector<16xi32> to vector<16x1xi32>
      %gather3A_109 = vector.shape_cast %reshape3A_108 : vector<16x1xi32> to vector<16xi32>
      %gather3A_110 = tpu.dynamic_gather %masked_cumsum3A[%gather3A_109] in [0] : vector<16xi32>, vector<16xi32> -> vector<16xi32>
      tpu.vector_store_idx %arg23[%broadcast_in_dim3A_83], %gather3A_110 masked %eq3A_9 : memref<336xi32, #tpu.memory_space<vmem>>[vector<16xi32>], vector<16xi32>, vector<16xi1>
      %add3A_111 = arith.constant 127 : i32
      %add3A_112 = vector.broadcast %add3A_111 : i32 to vector<16xi32>
      %add3A_113 = arith.addi %gather3A_110, %add3A_112 : vector<16xi32>
      %and3A = arith.constant -128 : i32
      %and3A_114 = vector.broadcast %and3A : i32 to vector<16xi32>
      %and3A_115 = arith.andi %add3A_113, %and3A_114 : vector<16xi32>
      %add3A_116 = arith.addi %scan3A_82, %and3A_115 : vector<16xi32>
      scf.yield %add3A_116 : vector<16xi32>
    }
    %scan3A_37 = arith.constant 320 : i32
    %broadcast_in_dim3A_38 = arith.constant 320 : i32
    %broadcast_in_dim3A_39 = vector.broadcast %broadcast_in_dim3A_38 : i32 to vector<16xi32>
    tpu.vector_store_idx %arg11[%broadcast_in_dim3A_39], %scan3A_36 masked %eq3A_9 : memref<336xi32, #tpu.memory_space<vmem>>[vector<16xi32>], vector<16xi32>, vector<16xi1>
    %scan3A_40 = arith.constant 0 : i32
    %scan3A_41 = arith.constant 0 : i32
    %scan3A_42 = arith.constant 416 : i32
    %scan3A_43 = arith.addi %scan3A_41, %scan3A_42 : i32
    %scan3A_44 = arith.constant 1 : i32
    %scan3A_45 = scf.for %scan3A_81 = %scan3A_41 to %scan3A_43 step %scan3A_44 iter_args(%scan3A_82 = %scan3A_40) -> (i32)  : i32 {
      %mul3A_83 = arith.constant 16 : i32
      %mul3A_84 = arith.muli %scan3A_81, %mul3A_83 : i32
      %get3A = arith.index_cast %mul3A_84 : i32 to index
      %get3A_85 = tpu.vector_load %arg8[%get3A] {strides = array<i32>} : memref<6656xi32, #tpu.memory_space<vmem>>, vector<16xi32>,
      %shift_right_logical3A = arith.constant 12 : i32
      %shift_right_logical3A_86 = vector.broadcast %shift_right_logical3A : i32 to vector<16xi32>
      %shift_right_logical3A_87 = arith.shrui %get3A_85, %shift_right_logical3A_86 : vector<16xi32>
      %ge3A = vector.broadcast %select_n3A : i32 to vector<16xi32>
      %ge3A_88 = arith.cmpi sge, %shift_right_logical3A_87, %ge3A : vector<16xi32>
      %lt3A_89 = vector.broadcast %select_n3A_6 : i32 to vector<16xi32>
      %lt3A_90 = arith.cmpi slt, %shift_right_logical3A_87, %lt3A_89 : vector<16xi32>
      %and3A = arith.andi %ge3A_88, %lt3A_90 : vector<16xi1>
      %sub3A = vector.broadcast %select_n3A : i32 to vector<16xi32>
      %sub3A_91 = arith.subi %shift_right_logical3A_87, %sub3A : vector<16xi32>
      %jit3A_92 = arith.constant 524287 : i32
      %broadcast_in_dim3A_93 = vector.broadcast %jit3A_92 : i32 to vector<16xi32>
      %select_n3A_94 = arith.select %and3A, %sub3A_91, %broadcast_in_dim3A_93 : vector<16xi1>, vector<16xi32>
      %mul3A_95 = arith.constant 6656 : i32
      %mul3A_96 = arith.muli %arg1, %mul3A_95 : i32
      %mul3A_97 = arith.constant 16 : i32
      %mul3A_98 = arith.muli %scan3A_81, %mul3A_97 : i32
      %add3A_99 = arith.addi %mul3A_96, %mul3A_98 : i32
      %add3A_100 = vector.broadcast %add3A_99 : i32 to vector<16xi32>
      %add3A_101 = arith.addi %add3A_100, %iota3A : vector<16xi32>
      %and3A_102 = arith.constant 4095 : i32
      %and3A_103 = vector.broadcast %and3A_102 : i32 to vector<16xi32>
      %and3A_104 = arith.andi %add3A_101, %and3A_103 : vector<16xi32>
      %mul3A_105 = arith.constant 26 : i32
      %mul3A_106 = vector.broadcast %mul3A_105 : i32 to vector<16xi32>
      %mul3A_107 = arith.muli %and3A_104, %mul3A_106 : vector<16xi32>
      %shift_right_logical3A_108 = arith.constant 12 : i32
      %shift_right_logical3A_109 = vector.broadcast %shift_right_logical3A_108 : i32 to vector<16xi32>
      %shift_right_logical3A_110 = arith.shrui %add3A_101, %shift_right_logical3A_109 : vector<16xi32>
      %add3A_111 = arith.addi %mul3A_107, %shift_right_logical3A_110 : vector<16xi32>
      %masked_sort3A = arith.constant dense<true> : vector<16xi1>
      %masked_sort3A_112 = arith.constant -2147483648 : i32
      %masked_sort3A_113 = vector.broadcast %masked_sort3A_112 : i32 to vector<16xi32>
      %masked_sort3A_114 = arith.xori %select_n3A_94, %masked_sort3A_113 : vector<16xi32>
      %masked_sort3A_115, %masked_sort3A_116, %masked_sort3A_117 = tpu.sort %masked_sort3A_114, %iota3A masked %masked_sort3A : (vector<16xi32>, vector<16xi32>, vector<16xi1>) -> (vector<16xi1>, vector<16xi32>, vector<16xi32>)
      %masked_sort3A_118 = arith.xori %masked_sort3A_116, %masked_sort3A_113 : vector<16xi32>
      %lt3A_119 = arith.constant 0 : i32
      %lt3A_120 = vector.broadcast %lt3A_119 : i32 to vector<16xi32>
      %lt3A_121 = arith.cmpi slt, %masked_sort3A_117, %lt3A_120 : vector<16xi32>
      %add3A_122 = arith.constant 16 : i32
      %add3A_123 = vector.broadcast %add3A_122 : i32 to vector<16xi32>
      %add3A_124 = arith.addi %masked_sort3A_117, %add3A_123 : vector<16xi32>
      %select_n3A_125 = arith.select %lt3A_121, %add3A_124, %masked_sort3A_117 : vector<16xi1>, vector<16xi32>
      %reshape3A_126 = vector.shape_cast %select_n3A_125 : vector<16xi32> to vector<16x1xi32>
      %gather3A_127 = vector.shape_cast %reshape3A_126 : vector<16x1xi32> to vector<16xi32>
      %gather3A_128 = tpu.dynamic_gather %get3A_85[%gather3A_127] in [0] : vector<16xi32>, vector<16xi32> -> vector<16xi32>
      %lt3A_129 = arith.constant 0 : i32
      %lt3A_130 = vector.broadcast %lt3A_129 : i32 to vector<16xi32>
      %lt3A_131 = arith.cmpi slt, %masked_sort3A_117, %lt3A_130 : vector<16xi32>
      %add3A_132 = arith.constant 16 : i32
      %add3A_133 = vector.broadcast %add3A_132 : i32 to vector<16xi32>
      %add3A_134 = arith.addi %masked_sort3A_117, %add3A_133 : vector<16xi32>
      %select_n3A_135 = arith.select %lt3A_131, %add3A_134, %masked_sort3A_117 : vector<16xi1>, vector<16xi32>
      %reshape3A_136 = vector.shape_cast %select_n3A_135 : vector<16xi32> to vector<16x1xi32>
      %gather3A_137 = vector.shape_cast %reshape3A_136 : vector<16x1xi32> to vector<16xi32>
      %gather3A_138 = tpu.dynamic_gather %add3A_111[%gather3A_137] in [0] : vector<16xi32>, vector<16xi32> -> vector<16xi32>
      %sub3A_139 = arith.constant 1 : i32
      %sub3A_140 = vector.broadcast %sub3A_139 : i32 to vector<16xi32>
      %sub3A_141 = arith.subi %iota3A, %sub3A_140 : vector<16xi32>
      %jit3A_142 = arith.constant 0 : i32
      %jit3A_143 = arith.constant 15 : i32
      %max3A = vector.broadcast %jit3A_142 : i32 to vector<16xi32>
      %max3A_144 = arith.maxsi %max3A, %sub3A_141 : vector<16xi32>
      %min3A = vector.broadcast %jit3A_143 : i32 to vector<16xi32>
      %min3A_145 = arith.minsi %min3A, %max3A_144 : vector<16xi32>
      %lt3A_146 = arith.constant 0 : i32
      %lt3A_147 = vector.broadcast %lt3A_146 : i32 to vector<16xi32>
      %lt3A_148 = arith.cmpi slt, %min3A_145, %lt3A_147 : vector<16xi32>
      %add3A_149 = arith.constant 16 : i32
      %add3A_150 = vector.broadcast %add3A_149 : i32 to vector<16xi32>
      %add3A_151 = arith.addi %min3A_145, %add3A_150 : vector<16xi32>
      %select_n3A_152 = arith.select %lt3A_148, %add3A_151, %min3A_145 : vector<16xi1>, vector<16xi32>
      %reshape3A_153 = vector.shape_cast %select_n3A_152 : vector<16xi32> to vector<16x1xi32>
      %gather3A_154 = vector.shape_cast %reshape3A_153 : vector<16x1xi32> to vector<16xi32>
      %gather3A_155 = tpu.dynamic_gather %masked_sort3A_118[%gather3A_154] in [0] : vector<16xi32>, vector<16xi32> -> vector<16xi32>
      %eq3A_156 = arith.cmpi eq, %masked_sort3A_118, %gather3A_155 : vector<16xi32>
      %gt3A = arith.constant 0 : i32
      %gt3A_157 = vector.broadcast %gt3A : i32 to vector<16xi32>
      %gt3A_158 = arith.cmpi sgt, %iota3A, %gt3A_157 : vector<16xi32>
      %and3A_159 = arith.andi %eq3A_156, %gt3A_158 : vector<16xi1>
      %jit3A_160 = arith.constant 0 : i32
      %broadcast_in_dim3A_161 = vector.broadcast %jit3A_160 : i32 to vector<16xi32>
      %select_n3A_162 = arith.select %and3A_159, %broadcast_in_dim3A_161, %iota3A : vector<16xi1>, vector<16xi32>
      %broadcast_in_dim3A_163 = arith.constant true
      %broadcast_in_dim3A_164 = vector.broadcast %broadcast_in_dim3A_163 : i1 to vector<16xi1>
      %masked_cummax3A = arith.constant -2147483648 : i32
      %masked_cummax3A_165 = vector.broadcast %masked_cummax3A : i32 to vector<16xi32>
      %masked_cummax3A_166 = arith.xori %select_n3A_162, %masked_cummax3A_165 : vector<16xi32>
      %masked_cummax3A_167 = tpu.scan <max>, %masked_cummax3A_166 masked %broadcast_in_dim3A_164 : vector<16xi32>, vector<16xi1> -> vector<16xi32>
      %masked_cummax3A_168 = arith.xori %masked_cummax3A_167, %masked_cummax3A_165 : vector<16xi32>
      %sub3A_169 = arith.subi %iota3A, %masked_cummax3A_168 : vector<16xi32>
      %ne3A = arith.constant 524287 : i32
      %ne3A_170 = vector.broadcast %ne3A : i32 to vector<16xi32>
      %ne3A_171 = arith.cmpi ne, %masked_sort3A_118, %ne3A_170 : vector<16xi32>
      %jit3A_172 = arith.constant 0 : i32
      %jit3A_173 = arith.constant 319 : i32
      %max3A_174 = vector.broadcast %jit3A_172 : i32 to vector<16xi32>
      %max3A_175 = arith.maxsi %max3A_174, %masked_sort3A_118 : vector<16xi32>
      %min3A_176 = vector.broadcast %jit3A_173 : i32 to vector<16xi32>
      %min3A_177 = arith.minsi %min3A_176, %max3A_175 : vector<16xi32>
      %gather3A_178 = tpu.vector_load_idx %arg10[%min3A_177] : memref<320xi32, #tpu.memory_space<vmem>>[vector<16xi32>], vector<16xi32>,
      %add3A_179 = arith.addi %gather3A_178, %sub3A_169 : vector<16xi32>
      %jit3A_180 = arith.constant 148224 : i32
      %broadcast_in_dim3A_181 = vector.broadcast %jit3A_180 : i32 to vector<16xi32>
      %select_n3A_182 = arith.select %ne3A_171, %add3A_179, %broadcast_in_dim3A_181 : vector<16xi1>, vector<16xi32>
      %add3A_183 = arith.constant 1 : i32
      %add3A_184 = vector.broadcast %add3A_183 : i32 to vector<16xi32>
      %add3A_185 = arith.addi %iota3A, %add3A_184 : vector<16xi32>
      %jit3A_186 = arith.constant 0 : i32
      %jit3A_187 = arith.constant 15 : i32
      %max3A_188 = vector.broadcast %jit3A_186 : i32 to vector<16xi32>
      %max3A_189 = arith.maxsi %max3A_188, %add3A_185 : vector<16xi32>
      %min3A_190 = vector.broadcast %jit3A_187 : i32 to vector<16xi32>
      %min3A_191 = arith.minsi %min3A_190, %max3A_189 : vector<16xi32>
      %lt3A_192 = arith.constant 0 : i32
      %lt3A_193 = vector.broadcast %lt3A_192 : i32 to vector<16xi32>
      %lt3A_194 = arith.cmpi slt, %min3A_191, %lt3A_193 : vector<16xi32>
      %add3A_195 = arith.constant 16 : i32
      %add3A_196 = vector.broadcast %add3A_195 : i32 to vector<16xi32>
      %add3A_197 = arith.addi %min3A_191, %add3A_196 : vector<16xi32>
      %select_n3A_198 = arith.select %lt3A_194, %add3A_197, %min3A_191 : vector<16xi1>, vector<16xi32>
      %reshape3A_199 = vector.shape_cast %select_n3A_198 : vector<16xi32> to vector<16x1xi32>
      %gather3A_200 = vector.shape_cast %reshape3A_199 : vector<16x1xi32> to vector<16xi32>
      %gather3A_201 = tpu.dynamic_gather %masked_sort3A_118[%gather3A_200] in [0] : vector<16xi32>, vector<16xi32> -> vector<16xi32>
      %eq3A_202 = arith.constant 15 : i32
      %eq3A_203 = vector.broadcast %eq3A_202 : i32 to vector<16xi32>
      %eq3A_204 = arith.cmpi eq, %iota3A, %eq3A_203 : vector<16xi32>
      %ne3A_205 = arith.cmpi ne, %masked_sort3A_118, %gather3A_201 : vector<16xi32>
      %or3A = arith.ori %eq3A_204, %ne3A_205 : vector<16xi1>
      %and3A_206 = arith.andi %or3A, %ne3A_171 : vector<16xi1>
      %add3A_207 = arith.constant 1 : i32
      %add3A_208 = vector.broadcast %add3A_207 : i32 to vector<16xi32>
      %add3A_209 = arith.addi %sub3A_169, %add3A_208 : vector<16xi32>
      tpu.vector_store_idx %arg10[%min3A_177], %add3A_209 masked %and3A_206 {add = true} : memref<320xi32, #tpu.memory_space<vmem>>[vector<16xi32>], vector<16xi32>, vector<16xi1>
      %mul3A_210 = arith.constant 16 : i32
      %mul3A_211 = arith.muli %scan3A_81, %mul3A_210 : i32
      %swap3A = arith.index_cast %mul3A_211 : i32 to index
      %swap3A_212 = tpu.vector_load %arg13[%swap3A] {strides = array<i32>} : memref<6656xi32, #tpu.memory_space<vmem>>, vector<16xi32>,
      tpu.vector_store %arg13[%swap3A], %select_n3A_182 {strides = array<i32>} : memref<6656xi32, #tpu.memory_space<vmem>>, vector<16xi32>,
      %mul3A_213 = arith.constant 16 : i32
      %mul3A_214 = arith.muli %scan3A_81, %mul3A_213 : i32
      %swap3A_215 = arith.index_cast %mul3A_214 : i32 to index
      %swap3A_216 = tpu.vector_load %arg14[%swap3A_215] {strides = array<i32>} : memref<6656xi32, #tpu.memory_space<vmem>>, vector<16xi32>,
      tpu.vector_store %arg14[%swap3A_215], %gather3A_138 {strides = array<i32>} : memref<6656xi32, #tpu.memory_space<vmem>>, vector<16xi32>,
      %mul3A_217 = arith.constant 16 : i32
      %mul3A_218 = arith.muli %scan3A_81, %mul3A_217 : i32
      %swap3A_219 = arith.index_cast %mul3A_218 : i32 to index
      %swap3A_220 = tpu.vector_load %arg15[%swap3A_219] {strides = array<i32>} : memref<6656xi32, #tpu.memory_space<vmem>>, vector<16xi32>,
      tpu.vector_store %arg15[%swap3A_219], %gather3A_128 {strides = array<i32>} : memref<6656xi32, #tpu.memory_space<vmem>>, vector<16xi32>,
      %scan3A_221 = arith.constant 0 : i32
      scf.yield %scan3A_221 : i32
    }
    %scan3A_46 = arith.constant 416 : i32
    %dma_start3A = arith.constant 0 : i32
    %dma_start3A_47 = tpu.memref_slice %arg25[%dma_start3A] : memref<148480xi32, #tpu.memory_space<vmem_shared>> -> memref<148480xi32, #tpu.memory_space<vmem_shared>>
    tpu.enqueue_indirect_dma source(%arg14 : memref<6656xi32, #tpu.memory_space<vmem>>) target(%dma_start3A_47 : memref<148480xi32, #tpu.memory_space<vmem_shared>>) offsets(%arg13 : memref<6656xi32, #tpu.memory_space<vmem>>) semaphore(%arg27 : memref<!tpu.dma_semaphore, #tpu.memory_space<semaphore_mem>>)
    %dma_wait3A = arith.constant 0 : i32
    %dma_wait3A_48 = tpu.memref_slice %arg25[%dma_wait3A] : memref<148480xi32, #tpu.memory_space<vmem_shared>> -> memref<148480xi32, #tpu.memory_space<vmem_shared>>
    tpu.wait_indirect_dma semaphore(%arg27 : memref<!tpu.dma_semaphore, #tpu.memory_space<semaphore_mem>>) src(%arg14 : memref<6656xi32, #tpu.memory_space<vmem>>) dst(%dma_wait3A_48 : memref<148480xi32, #tpu.memory_space<vmem_shared>>)
    %dma_start3A_49 = arith.constant 0 : i32
    %dma_start3A_50 = tpu.memref_slice %arg26[%dma_start3A_49] : memref<148480xi32, #tpu.memory_space<vmem_shared>> -> memref<148480xi32, #tpu.memory_space<vmem_shared>>
    tpu.enqueue_indirect_dma source(%arg15 : memref<6656xi32, #tpu.memory_space<vmem>>) target(%dma_start3A_50 : memref<148480xi32, #tpu.memory_space<vmem_shared>>) offsets(%arg13 : memref<6656xi32, #tpu.memory_space<vmem>>) semaphore(%arg27 : memref<!tpu.dma_semaphore, #tpu.memory_space<semaphore_mem>>)
    %dma_wait3A_51 = arith.constant 0 : i32
    %dma_wait3A_52 = tpu.memref_slice %arg26[%dma_wait3A_51] : memref<148480xi32, #tpu.memory_space<vmem_shared>> -> memref<148480xi32, #tpu.memory_space<vmem_shared>>
    tpu.wait_indirect_dma semaphore(%arg27 : memref<!tpu.dma_semaphore, #tpu.memory_space<semaphore_mem>>) src(%arg15 : memref<6656xi32, #tpu.memory_space<vmem>>) dst(%dma_wait3A_52 : memref<148480xi32, #tpu.memory_space<vmem_shared>>)
    %broadcast_in_dim3A_53 = arith.constant 0 : i32
    %broadcast_in_dim3A_54 = vector.broadcast %broadcast_in_dim3A_53 : i32 to vector<16xi32>
    %lt3A = arith.constant 0 : i32
    %lt3A_55 = vector.broadcast %lt3A : i32 to vector<16xi32>
    %lt3A_56 = arith.cmpi slt, %broadcast_in_dim3A_54, %lt3A_55 : vector<16xi32>
    %add3A = arith.constant 16 : i32
    %add3A_57 = vector.broadcast %add3A : i32 to vector<16xi32>
    %add3A_58 = arith.addi %broadcast_in_dim3A_54, %add3A_57 : vector<16xi32>
    %select_n3A_59 = arith.select %lt3A_56, %add3A_58, %broadcast_in_dim3A_54 : vector<16xi1>, vector<16xi32>
    %reshape3A = vector.shape_cast %select_n3A_59 : vector<16xi32> to vector<16x1xi32>
    %gather3A = vector.shape_cast %reshape3A : vector<16x1xi32> to vector<16xi32>
    %gather3A_60 = tpu.dynamic_gather %scan3A_36[%gather3A] in [0] : vector<16xi32>, vector<16xi32> -> vector<16xi32>
    %mul3A_61 = arith.constant 148480 : i32
    %mul3A_62 = arith.muli %arg0, %mul3A_61 : i32
    %scan3A_63 = arith.constant 0 : i32
    %scan3A_64 = arith.constant 0 : i32
    %scan3A_65 = arith.constant 20 : i32
    %scan3A_66 = arith.addi %scan3A_64, %scan3A_65 : i32
    %scan3A_67 = arith.constant 1 : i32
    %scan3A_68 = scf.for %scan3A_81 = %scan3A_64 to %scan3A_66 step %scan3A_67 iter_args(%scan3A_82 = %scan3A_63) -> (i32)  : i32 {
      %mul3A_83 = arith.constant 20 : i32
      %mul3A_84 = arith.muli %arg1, %mul3A_83 : i32
      %add3A_85 = arith.addi %select_n3A, %mul3A_84 : i32
      %add3A_86 = arith.addi %add3A_85, %scan3A_81 : i32
      %lt3A_87 = arith.cmpi slt, %add3A_86, %select_n3A_6 : i32
      %convert_element_type3A_88 = arith.extui %lt3A_87 : i1 to i32
      %cond3A_89 = arith.constant 0 : i32
      %cond3A_90 = arith.cmpi ne, %convert_element_type3A_88, %cond3A_89 : i32
      scf.if %cond3A_90 {
        %sub3A = arith.subi %add3A_86, %select_n3A : i32
        %jit3A_92 = arith.constant 8 : i32
        %div3A = arith.divsi %sub3A, %jit3A_92 : i32
        %sign3A = arith.constant 0 : i32
        %sign3A_93 = arith.cmpi sgt, %sub3A, %sign3A : i32
        %sign3A_94 = arith.extui %sign3A_93 : i1 to i32
        %sign3A_95 = arith.constant 0 : i32
        %sign3A_96 = arith.cmpi slt, %sub3A, %sign3A_95 : i32
        %sign3A_97 = arith.extui %sign3A_96 : i1 to i32
        %sign3A_98 = arith.subi %sign3A_94, %sign3A_97 : i32
        %sign3A_99 = arith.constant 0 : i32
        %sign3A_100 = arith.cmpi sgt, %jit3A_92, %sign3A_99 : i32
        %sign3A_101 = arith.extui %sign3A_100 : i1 to i32
        %sign3A_102 = arith.constant 0 : i32
        %sign3A_103 = arith.cmpi slt, %jit3A_92, %sign3A_102 : i32
        %sign3A_104 = arith.extui %sign3A_103 : i1 to i32
        %sign3A_105 = arith.subi %sign3A_101, %sign3A_104 : i32
        %ne3A = arith.cmpi ne, %sign3A_98, %sign3A_105 : i32
        %rem3A = arith.remsi %sub3A, %jit3A_92 : i32
        %ne3A_106 = arith.constant 0 : i32
        %ne3A_107 = arith.cmpi ne, %rem3A, %ne3A_106 : i32
        %and3A = arith.andi %ne3A, %ne3A_107 : i1
        %sub3A_108 = arith.constant 1 : i32
        %sub3A_109 = arith.subi %div3A, %sub3A_108 : i32
        %select_n3A_110 = arith.select %and3A, %sub3A_109, %div3A : i32
        %mul3A_111 = arith.constant 8 : i32
        %mul3A_112 = arith.muli %select_n3A_110, %mul3A_111 : i32
        %multiple_of3A = tpu.assume_multiple %mul3A_112, 8 : i32
        %get3A = arith.index_cast %multiple_of3A : i32 to index
        %get3A_113 = tpu.vector_load %arg11[%get3A] {strides = array<i32>} : memref<336xi32, #tpu.memory_space<vmem>>, vector<16xi32>,
        %sub3A_114 = arith.subi %sub3A, %multiple_of3A : i32
        %broadcast_in_dim3A_115 = vector.broadcast %sub3A_114 : i32 to vector<16xi32>
        %lt3A_116 = arith.constant 0 : i32
        %lt3A_117 = vector.broadcast %lt3A_116 : i32 to vector<16xi32>
        %lt3A_118 = arith.cmpi slt, %broadcast_in_dim3A_115, %lt3A_117 : vector<16xi32>
        %add3A_119 = arith.constant 16 : i32
        %add3A_120 = vector.broadcast %add3A_119 : i32 to vector<16xi32>
        %add3A_121 = arith.addi %broadcast_in_dim3A_115, %add3A_120 : vector<16xi32>
        %select_n3A_122 = arith.select %lt3A_118, %add3A_121, %broadcast_in_dim3A_115 : vector<16xi1>, vector<16xi32>
        %reshape3A_123 = vector.shape_cast %select_n3A_122 : vector<16xi32> to vector<16x1xi32>
        %gather3A_124 = vector.shape_cast %reshape3A_123 : vector<16x1xi32> to vector<16xi32>
        %gather3A_125 = tpu.dynamic_gather %get3A_113[%gather3A_124] in [0] : vector<16xi32>, vector<16xi32> -> vector<16xi32>
        %slice3A = vector.extract_strided_slice %gather3A_125 {offsets = [0], sizes = [1], strides = [1]} : vector<16xi32> to vector<1xi32>
        %squeeze3A = vector.extract %slice3A[0] : i32 from vector<1xi32>
        %add3A_126 = arith.constant 1 : i32
        %add3A_127 = arith.addi %sub3A, %add3A_126 : i32
        %jit3A_128 = arith.constant 8 : i32
        %div3A_129 = arith.divsi %add3A_127, %jit3A_128 : i32
        %sign3A_130 = arith.constant 0 : i32
        %sign3A_131 = arith.cmpi sgt, %add3A_127, %sign3A_130 : i32
        %sign3A_132 = arith.extui %sign3A_131 : i1 to i32
        %sign3A_133 = arith.constant 0 : i32
        %sign3A_134 = arith.cmpi slt, %add3A_127, %sign3A_133 : i32
        %sign3A_135 = arith.extui %sign3A_134 : i1 to i32
        %sign3A_136 = arith.subi %sign3A_132, %sign3A_135 : i32
        %sign3A_137 = arith.constant 0 : i32
        %sign3A_138 = arith.cmpi sgt, %jit3A_128, %sign3A_137 : i32
        %sign3A_139 = arith.extui %sign3A_138 : i1 to i32
        %sign3A_140 = arith.constant 0 : i32
        %sign3A_141 = arith.cmpi slt, %jit3A_128, %sign3A_140 : i32
        %sign3A_142 = arith.extui %sign3A_141 : i1 to i32
        %sign3A_143 = arith.subi %sign3A_139, %sign3A_142 : i32
        %ne3A_144 = arith.cmpi ne, %sign3A_136, %sign3A_143 : i32
        %rem3A_145 = arith.remsi %add3A_127, %jit3A_128 : i32
        %ne3A_146 = arith.constant 0 : i32
        %ne3A_147 = arith.cmpi ne, %rem3A_145, %ne3A_146 : i32
        %and3A_148 = arith.andi %ne3A_144, %ne3A_147 : i1
        %sub3A_149 = arith.constant 1 : i32
        %sub3A_150 = arith.subi %div3A_129, %sub3A_149 : i32
        %select_n3A_151 = arith.select %and3A_148, %sub3A_150, %div3A_129 : i32
        %mul3A_152 = arith.constant 8 : i32
        %mul3A_153 = arith.muli %select_n3A_151, %mul3A_152 : i32
        %multiple_of3A_154 = tpu.assume_multiple %mul3A_153, 8 : i32
        %get3A_155 = arith.index_cast %multiple_of3A_154 : i32 to index
        %get3A_156 = tpu.vector_load %arg11[%get3A_155] {strides = array<i32>} : memref<336xi32, #tpu.memory_space<vmem>>, vector<16xi32>,
        %sub3A_157 = arith.subi %add3A_127, %multiple_of3A_154 : i32
        %broadcast_in_dim3A_158 = vector.broadcast %sub3A_157 : i32 to vector<16xi32>
        %lt3A_159 = arith.constant 0 : i32
        %lt3A_160 = vector.broadcast %lt3A_159 : i32 to vector<16xi32>
        %lt3A_161 = arith.cmpi slt, %broadcast_in_dim3A_158, %lt3A_160 : vector<16xi32>
        %add3A_162 = arith.constant 16 : i32
        %add3A_163 = vector.broadcast %add3A_162 : i32 to vector<16xi32>
        %add3A_164 = arith.addi %broadcast_in_dim3A_158, %add3A_163 : vector<16xi32>
        %select_n3A_165 = arith.select %lt3A_161, %add3A_164, %broadcast_in_dim3A_158 : vector<16xi1>, vector<16xi32>
        %reshape3A_166 = vector.shape_cast %select_n3A_165 : vector<16xi32> to vector<16x1xi32>
        %gather3A_167 = vector.shape_cast %reshape3A_166 : vector<16x1xi32> to vector<16xi32>
        %gather3A_168 = tpu.dynamic_gather %get3A_156[%gather3A_167] in [0] : vector<16xi32>, vector<16xi32> -> vector<16xi32>
        %slice3A_169 = vector.extract_strided_slice %gather3A_168 {offsets = [0], sizes = [1], strides = [1]} : vector<16xi32> to vector<1xi32>
        %squeeze3A_170 = vector.extract %slice3A_169[0] : i32 from vector<1xi32>
        %jit3A_171 = arith.constant 8 : i32
        %div3A_172 = arith.divsi %sub3A, %jit3A_171 : i32
        %sign3A_173 = arith.constant 0 : i32
        %sign3A_174 = arith.cmpi sgt, %sub3A, %sign3A_173 : i32
        %sign3A_175 = arith.extui %sign3A_174 : i1 to i32
        %sign3A_176 = arith.constant 0 : i32
        %sign3A_177 = arith.cmpi slt, %sub3A, %sign3A_176 : i32
        %sign3A_178 = arith.extui %sign3A_177 : i1 to i32
        %sign3A_179 = arith.subi %sign3A_175, %sign3A_178 : i32
        %sign3A_180 = arith.constant 0 : i32
        %sign3A_181 = arith.cmpi sgt, %jit3A_171, %sign3A_180 : i32
        %sign3A_182 = arith.extui %sign3A_181 : i1 to i32
        %sign3A_183 = arith.constant 0 : i32
        %sign3A_184 = arith.cmpi slt, %jit3A_171, %sign3A_183 : i32
        %sign3A_185 = arith.extui %sign3A_184 : i1 to i32
        %sign3A_186 = arith.subi %sign3A_182, %sign3A_185 : i32
        %ne3A_187 = arith.cmpi ne, %sign3A_179, %sign3A_186 : i32
        %rem3A_188 = arith.remsi %sub3A, %jit3A_171 : i32
        %ne3A_189 = arith.constant 0 : i32
        %ne3A_190 = arith.cmpi ne, %rem3A_188, %ne3A_189 : i32
        %and3A_191 = arith.andi %ne3A_187, %ne3A_190 : i1
        %sub3A_192 = arith.constant 1 : i32
        %sub3A_193 = arith.subi %div3A_172, %sub3A_192 : i32
        %select_n3A_194 = arith.select %and3A_191, %sub3A_193, %div3A_172 : i32
        %mul3A_195 = arith.constant 8 : i32
        %mul3A_196 = arith.muli %select_n3A_194, %mul3A_195 : i32
        %multiple_of3A_197 = tpu.assume_multiple %mul3A_196, 8 : i32
        %get3A_198 = arith.index_cast %multiple_of3A_197 : i32 to index
        %get3A_199 = tpu.vector_load %arg23[%get3A_198] {strides = array<i32>} : memref<336xi32, #tpu.memory_space<vmem>>, vector<16xi32>,
        %sub3A_200 = arith.subi %sub3A, %multiple_of3A_197 : i32
        %broadcast_in_dim3A_201 = vector.broadcast %sub3A_200 : i32 to vector<16xi32>
        %lt3A_202 = arith.constant 0 : i32
        %lt3A_203 = vector.broadcast %lt3A_202 : i32 to vector<16xi32>
        %lt3A_204 = arith.cmpi slt, %broadcast_in_dim3A_201, %lt3A_203 : vector<16xi32>
        %add3A_205 = arith.constant 16 : i32
        %add3A_206 = vector.broadcast %add3A_205 : i32 to vector<16xi32>
        %add3A_207 = arith.addi %broadcast_in_dim3A_201, %add3A_206 : vector<16xi32>
        %select_n3A_208 = arith.select %lt3A_204, %add3A_207, %broadcast_in_dim3A_201 : vector<16xi1>, vector<16xi32>
        %reshape3A_209 = vector.shape_cast %select_n3A_208 : vector<16xi32> to vector<16x1xi32>
        %gather3A_210 = vector.shape_cast %reshape3A_209 : vector<16x1xi32> to vector<16xi32>
        %gather3A_211 = tpu.dynamic_gather %get3A_199[%gather3A_210] in [0] : vector<16xi32>, vector<16xi32> -> vector<16xi32>
        %slice3A_212 = vector.extract_strided_slice %gather3A_211 {offsets = [0], sizes = [1], strides = [1]} : vector<16xi32> to vector<1xi32>
        %squeeze3A_213 = vector.extract %slice3A_212[0] : i32 from vector<1xi32>
        %add3A_214 = arith.addi %squeeze3A, %squeeze3A_213 : i32
        %add3A_215 = arith.constant 0 : i32
        %add3A_216 = arith.addi %add3A_214, %add3A_215 : i32
        %add3A_217 = vector.broadcast %add3A_216 : i32 to vector<16xi32>
        %add3A_218 = arith.addi %add3A_217, %iota3A : vector<16xi32>
        %lt3A_219 = vector.broadcast %squeeze3A_170 : i32 to vector<16xi32>
        %lt3A_220 = arith.cmpi slt, %add3A_218, %lt3A_219 : vector<16xi32>
        %add3A_221 = arith.constant 148224 : i32
        %add3A_222 = vector.broadcast %add3A_221 : i32 to vector<16xi32>
        %add3A_223 = arith.addi %add3A_222, %iota3A : vector<16xi32>
        %select_n3A_224 = arith.select %lt3A_220, %add3A_218, %add3A_223 : vector<16xi1>, vector<16xi32>
        %swap3A = arith.constant 0 : index
        %swap3A_225 = tpu.vector_load %arg22[%swap3A] {strides = array<i32>} : memref<128xi32, #tpu.memory_space<vmem>>, vector<16xi32>,
        tpu.vector_store %arg22[%swap3A], %select_n3A_224 {strides = array<i32>} : memref<128xi32, #tpu.memory_space<vmem>>, vector<16xi32>,
        %mul3A_226 = arith.constant 128 : i32
        %mul3A_227 = arith.muli %add3A_86, %mul3A_226 : i32
        %add3A_228 = arith.constant 0 : i32
        %add3A_229 = arith.addi %mul3A_227, %add3A_228 : i32
        %add3A_230 = vector.broadcast %add3A_229 : i32 to vector<16xi32>
        %add3A_231 = arith.addi %add3A_230, %iota3A : vector<16xi32>
        %and3A_232 = arith.constant 1023 : i32
        %and3A_233 = vector.broadcast %and3A_232 : i32 to vector<16xi32>
        %and3A_234 = arith.andi %add3A_231, %and3A_233 : vector<16xi32>
        %add3A_235 = arith.constant 106496 : i32
        %add3A_236 = vector.broadcast %add3A_235 : i32 to vector<16xi32>
        %add3A_237 = arith.addi %add3A_236, %and3A_234 : vector<16xi32>
        %swap3A_238 = arith.constant 0 : index
        %swap3A_239 = tpu.vector_load %arg21[%swap3A_238] {strides = array<i32>} : memref<128xi32, #tpu.memory_space<vmem>>, vector<16xi32>,
        tpu.vector_store %arg21[%swap3A_238], %add3A_237 {strides = array<i32>} : memref<128xi32, #tpu.memory_space<vmem>>, vector<16xi32>,
        %add3A_240 = arith.addi %squeeze3A, %squeeze3A_213 : i32
        %add3A_241 = arith.constant 16 : i32
        %add3A_242 = arith.addi %add3A_240, %add3A_241 : i32
        %add3A_243 = vector.broadcast %add3A_242 : i32 to vector<16xi32>
        %add3A_244 = arith.addi %add3A_243, %iota3A : vector<16xi32>
        %lt3A_245 = vector.broadcast %squeeze3A_170 : i32 to vector<16xi32>
        %lt3A_246 = arith.cmpi slt, %add3A_244, %lt3A_245 : vector<16xi32>
        %add3A_247 = arith.constant 148240 : i32
        %add3A_248 = vector.broadcast %add3A_247 : i32 to vector<16xi32>
        %add3A_249 = arith.addi %add3A_248, %iota3A : vector<16xi32>
        %select_n3A_250 = arith.select %lt3A_246, %add3A_244, %add3A_249 : vector<16xi1>, vector<16xi32>
        %swap3A_251 = arith.constant 16 : index
        %swap3A_252 = tpu.vector_load %arg22[%swap3A_251] {strides = array<i32>} : memref<128xi32, #tpu.memory_space<vmem>>, vector<16xi32>,
        tpu.vector_store %arg22[%swap3A_251], %select_n3A_250 {strides = array<i32>} : memref<128xi32, #tpu.memory_space<vmem>>, vector<16xi32>,
        %mul3A_253 = arith.constant 128 : i32
        %mul3A_254 = arith.muli %add3A_86, %mul3A_253 : i32
        %add3A_255 = arith.constant 16 : i32
        %add3A_256 = arith.addi %mul3A_254, %add3A_255 : i32
        %add3A_257 = vector.broadcast %add3A_256 : i32 to vector<16xi32>
        %add3A_258 = arith.addi %add3A_257, %iota3A : vector<16xi32>
        %and3A_259 = arith.constant 1023 : i32
        %and3A_260 = vector.broadcast %and3A_259 : i32 to vector<16xi32>
        %and3A_261 = arith.andi %add3A_258, %and3A_260 : vector<16xi32>
        %add3A_262 = arith.constant 106496 : i32
        %add3A_263 = vector.broadcast %add3A_262 : i32 to vector<16xi32>
        %add3A_264 = arith.addi %add3A_263, %and3A_261 : vector<16xi32>
        %swap3A_265 = arith.constant 16 : index
        %swap3A_266 = tpu.vector_load %arg21[%swap3A_265] {strides = array<i32>} : memref<128xi32, #tpu.memory_space<vmem>>, vector<16xi32>,
        tpu.vector_store %arg21[%swap3A_265], %add3A_264 {strides = array<i32>} : memref<128xi32, #tpu.memory_space<vmem>>, vector<16xi32>,
        %add3A_267 = arith.addi %squeeze3A, %squeeze3A_213 : i32
        %add3A_268 = arith.constant 32 : i32
        %add3A_269 = arith.addi %add3A_267, %add3A_268 : i32
        %add3A_270 = vector.broadcast %add3A_269 : i32 to vector<16xi32>
        %add3A_271 = arith.addi %add3A_270, %iota3A : vector<16xi32>
        %lt3A_272 = vector.broadcast %squeeze3A_170 : i32 to vector<16xi32>
        %lt3A_273 = arith.cmpi slt, %add3A_271, %lt3A_272 : vector<16xi32>
        %add3A_274 = arith.constant 148256 : i32
        %add3A_275 = vector.broadcast %add3A_274 : i32 to vector<16xi32>
        %add3A_276 = arith.addi %add3A_275, %iota3A : vector<16xi32>
        %select_n3A_277 = arith.select %lt3A_273, %add3A_271, %add3A_276 : vector<16xi1>, vector<16xi32>
        %swap3A_278 = arith.constant 32 : index
        %swap3A_279 = tpu.vector_load %arg22[%swap3A_278] {strides = array<i32>} : memref<128xi32, #tpu.memory_space<vmem>>, vector<16xi32>,
        tpu.vector_store %arg22[%swap3A_278], %select_n3A_277 {strides = array<i32>} : memref<128xi32, #tpu.memory_space<vmem>>, vector<16xi32>,
        %mul3A_280 = arith.constant 128 : i32
        %mul3A_281 = arith.muli %add3A_86, %mul3A_280 : i32
        %add3A_282 = arith.constant 32 : i32
        %add3A_283 = arith.addi %mul3A_281, %add3A_282 : i32
        %add3A_284 = vector.broadcast %add3A_283 : i32 to vector<16xi32>
        %add3A_285 = arith.addi %add3A_284, %iota3A : vector<16xi32>
        %and3A_286 = arith.constant 1023 : i32
        %and3A_287 = vector.broadcast %and3A_286 : i32 to vector<16xi32>
        %and3A_288 = arith.andi %add3A_285, %and3A_287 : vector<16xi32>
        %add3A_289 = arith.constant 106496 : i32
        %add3A_290 = vector.broadcast %add3A_289 : i32 to vector<16xi32>
        %add3A_291 = arith.addi %add3A_290, %and3A_288 : vector<16xi32>
        %swap3A_292 = arith.constant 32 : index
        %swap3A_293 = tpu.vector_load %arg21[%swap3A_292] {strides = array<i32>} : memref<128xi32, #tpu.memory_space<vmem>>, vector<16xi32>,
        tpu.vector_store %arg21[%swap3A_292], %add3A_291 {strides = array<i32>} : memref<128xi32, #tpu.memory_space<vmem>>, vector<16xi32>,
        %add3A_294 = arith.addi %squeeze3A, %squeeze3A_213 : i32
        %add3A_295 = arith.constant 48 : i32
        %add3A_296 = arith.addi %add3A_294, %add3A_295 : i32
        %add3A_297 = vector.broadcast %add3A_296 : i32 to vector<16xi32>
        %add3A_298 = arith.addi %add3A_297, %iota3A : vector<16xi32>
        %lt3A_299 = vector.broadcast %squeeze3A_170 : i32 to vector<16xi32>
        %lt3A_300 = arith.cmpi slt, %add3A_298, %lt3A_299 : vector<16xi32>
        %add3A_301 = arith.constant 148272 : i32
        %add3A_302 = vector.broadcast %add3A_301 : i32 to vector<16xi32>
        %add3A_303 = arith.addi %add3A_302, %iota3A : vector<16xi32>
        %select_n3A_304 = arith.select %lt3A_300, %add3A_298, %add3A_303 : vector<16xi1>, vector<16xi32>
        %swap3A_305 = arith.constant 48 : index
        %swap3A_306 = tpu.vector_load %arg22[%swap3A_305] {strides = array<i32>} : memref<128xi32, #tpu.memory_space<vmem>>, vector<16xi32>,
        tpu.vector_store %arg22[%swap3A_305], %select_n3A_304 {strides = array<i32>} : memref<128xi32, #tpu.memory_space<vmem>>, vector<16xi32>,
        %mul3A_307 = arith.constant 128 : i32
        %mul3A_308 = arith.muli %add3A_86, %mul3A_307 : i32
        %add3A_309 = arith.constant 48 : i32
        %add3A_310 = arith.addi %mul3A_308, %add3A_309 : i32
        %add3A_311 = vector.broadcast %add3A_310 : i32 to vector<16xi32>
        %add3A_312 = arith.addi %add3A_311, %iota3A : vector<16xi32>
        %and3A_313 = arith.constant 1023 : i32
        %and3A_314 = vector.broadcast %and3A_313 : i32 to vector<16xi32>
        %and3A_315 = arith.andi %add3A_312, %and3A_314 : vector<16xi32>
        %add3A_316 = arith.constant 106496 : i32
        %add3A_317 = vector.broadcast %add3A_316 : i32 to vector<16xi32>
        %add3A_318 = arith.addi %add3A_317, %and3A_315 : vector<16xi32>
        %swap3A_319 = arith.constant 48 : index
        %swap3A_320 = tpu.vector_load %arg21[%swap3A_319] {strides = array<i32>} : memref<128xi32, #tpu.memory_space<vmem>>, vector<16xi32>,
        tpu.vector_store %arg21[%swap3A_319], %add3A_318 {strides = array<i32>} : memref<128xi32, #tpu.memory_space<vmem>>, vector<16xi32>,
        %add3A_321 = arith.addi %squeeze3A, %squeeze3A_213 : i32
        %add3A_322 = arith.constant 64 : i32
        %add3A_323 = arith.addi %add3A_321, %add3A_322 : i32
        %add3A_324 = vector.broadcast %add3A_323 : i32 to vector<16xi32>
        %add3A_325 = arith.addi %add3A_324, %iota3A : vector<16xi32>
        %lt3A_326 = vector.broadcast %squeeze3A_170 : i32 to vector<16xi32>
        %lt3A_327 = arith.cmpi slt, %add3A_325, %lt3A_326 : vector<16xi32>
        %add3A_328 = arith.constant 148288 : i32
        %add3A_329 = vector.broadcast %add3A_328 : i32 to vector<16xi32>
        %add3A_330 = arith.addi %add3A_329, %iota3A : vector<16xi32>
        %select_n3A_331 = arith.select %lt3A_327, %add3A_325, %add3A_330 : vector<16xi1>, vector<16xi32>
        %swap3A_332 = arith.constant 64 : index
        %swap3A_333 = tpu.vector_load %arg22[%swap3A_332] {strides = array<i32>} : memref<128xi32, #tpu.memory_space<vmem>>, vector<16xi32>,
        tpu.vector_store %arg22[%swap3A_332], %select_n3A_331 {strides = array<i32>} : memref<128xi32, #tpu.memory_space<vmem>>, vector<16xi32>,
        %mul3A_334 = arith.constant 128 : i32
        %mul3A_335 = arith.muli %add3A_86, %mul3A_334 : i32
        %add3A_336 = arith.constant 64 : i32
        %add3A_337 = arith.addi %mul3A_335, %add3A_336 : i32
        %add3A_338 = vector.broadcast %add3A_337 : i32 to vector<16xi32>
        %add3A_339 = arith.addi %add3A_338, %iota3A : vector<16xi32>
        %and3A_340 = arith.constant 1023 : i32
        %and3A_341 = vector.broadcast %and3A_340 : i32 to vector<16xi32>
        %and3A_342 = arith.andi %add3A_339, %and3A_341 : vector<16xi32>
        %add3A_343 = arith.constant 106496 : i32
        %add3A_344 = vector.broadcast %add3A_343 : i32 to vector<16xi32>
        %add3A_345 = arith.addi %add3A_344, %and3A_342 : vector<16xi32>
        %swap3A_346 = arith.constant 64 : index
        %swap3A_347 = tpu.vector_load %arg21[%swap3A_346] {strides = array<i32>} : memref<128xi32, #tpu.memory_space<vmem>>, vector<16xi32>,
        tpu.vector_store %arg21[%swap3A_346], %add3A_345 {strides = array<i32>} : memref<128xi32, #tpu.memory_space<vmem>>, vector<16xi32>,
        %add3A_348 = arith.addi %squeeze3A, %squeeze3A_213 : i32
        %add3A_349 = arith.constant 80 : i32
        %add3A_350 = arith.addi %add3A_348, %add3A_349 : i32
        %add3A_351 = vector.broadcast %add3A_350 : i32 to vector<16xi32>
        %add3A_352 = arith.addi %add3A_351, %iota3A : vector<16xi32>
        %lt3A_353 = vector.broadcast %squeeze3A_170 : i32 to vector<16xi32>
        %lt3A_354 = arith.cmpi slt, %add3A_352, %lt3A_353 : vector<16xi32>
        %add3A_355 = arith.constant 148304 : i32
        %add3A_356 = vector.broadcast %add3A_355 : i32 to vector<16xi32>
        %add3A_357 = arith.addi %add3A_356, %iota3A : vector<16xi32>
        %select_n3A_358 = arith.select %lt3A_354, %add3A_352, %add3A_357 : vector<16xi1>, vector<16xi32>
        %swap3A_359 = arith.constant 80 : index
        %swap3A_360 = tpu.vector_load %arg22[%swap3A_359] {strides = array<i32>} : memref<128xi32, #tpu.memory_space<vmem>>, vector<16xi32>,
        tpu.vector_store %arg22[%swap3A_359], %select_n3A_358 {strides = array<i32>} : memref<128xi32, #tpu.memory_space<vmem>>, vector<16xi32>,
        %mul3A_361 = arith.constant 128 : i32
        %mul3A_362 = arith.muli %add3A_86, %mul3A_361 : i32
        %add3A_363 = arith.constant 80 : i32
        %add3A_364 = arith.addi %mul3A_362, %add3A_363 : i32
        %add3A_365 = vector.broadcast %add3A_364 : i32 to vector<16xi32>
        %add3A_366 = arith.addi %add3A_365, %iota3A : vector<16xi32>
        %and3A_367 = arith.constant 1023 : i32
        %and3A_368 = vector.broadcast %and3A_367 : i32 to vector<16xi32>
        %and3A_369 = arith.andi %add3A_366, %and3A_368 : vector<16xi32>
        %add3A_370 = arith.constant 106496 : i32
        %add3A_371 = vector.broadcast %add3A_370 : i32 to vector<16xi32>
        %add3A_372 = arith.addi %add3A_371, %and3A_369 : vector<16xi32>
        %swap3A_373 = arith.constant 80 : index
        %swap3A_374 = tpu.vector_load %arg21[%swap3A_373] {strides = array<i32>} : memref<128xi32, #tpu.memory_space<vmem>>, vector<16xi32>,
        tpu.vector_store %arg21[%swap3A_373], %add3A_372 {strides = array<i32>} : memref<128xi32, #tpu.memory_space<vmem>>, vector<16xi32>,
        %add3A_375 = arith.addi %squeeze3A, %squeeze3A_213 : i32
        %add3A_376 = arith.constant 96 : i32
        %add3A_377 = arith.addi %add3A_375, %add3A_376 : i32
        %add3A_378 = vector.broadcast %add3A_377 : i32 to vector<16xi32>
        %add3A_379 = arith.addi %add3A_378, %iota3A : vector<16xi32>
        %lt3A_380 = vector.broadcast %squeeze3A_170 : i32 to vector<16xi32>
        %lt3A_381 = arith.cmpi slt, %add3A_379, %lt3A_380 : vector<16xi32>
        %add3A_382 = arith.constant 148320 : i32
        %add3A_383 = vector.broadcast %add3A_382 : i32 to vector<16xi32>
        %add3A_384 = arith.addi %add3A_383, %iota3A : vector<16xi32>
        %select_n3A_385 = arith.select %lt3A_381, %add3A_379, %add3A_384 : vector<16xi1>, vector<16xi32>
        %swap3A_386 = arith.constant 96 : index
        %swap3A_387 = tpu.vector_load %arg22[%swap3A_386] {strides = array<i32>} : memref<128xi32, #tpu.memory_space<vmem>>, vector<16xi32>,
        tpu.vector_store %arg22[%swap3A_386], %select_n3A_385 {strides = array<i32>} : memref<128xi32, #tpu.memory_space<vmem>>, vector<16xi32>,
        %mul3A_388 = arith.constant 128 : i32
        %mul3A_389 = arith.muli %add3A_86, %mul3A_388 : i32
        %add3A_390 = arith.constant 96 : i32
        %add3A_391 = arith.addi %mul3A_389, %add3A_390 : i32
        %add3A_392 = vector.broadcast %add3A_391 : i32 to vector<16xi32>
        %add3A_393 = arith.addi %add3A_392, %iota3A : vector<16xi32>
        %and3A_394 = arith.constant 1023 : i32
        %and3A_395 = vector.broadcast %and3A_394 : i32 to vector<16xi32>
        %and3A_396 = arith.andi %add3A_393, %and3A_395 : vector<16xi32>
        %add3A_397 = arith.constant 106496 : i32
        %add3A_398 = vector.broadcast %add3A_397 : i32 to vector<16xi32>
        %add3A_399 = arith.addi %add3A_398, %and3A_396 : vector<16xi32>
        %swap3A_400 = arith.constant 96 : index
        %swap3A_401 = tpu.vector_load %arg21[%swap3A_400] {strides = array<i32>} : memref<128xi32, #tpu.memory_space<vmem>>, vector<16xi32>,
        tpu.vector_store %arg21[%swap3A_400], %add3A_399 {strides = array<i32>} : memref<128xi32, #tpu.memory_space<vmem>>, vector<16xi32>,
        %add3A_402 = arith.addi %squeeze3A, %squeeze3A_213 : i32
        %add3A_403 = arith.constant 112 : i32
        %add3A_404 = arith.addi %add3A_402, %add3A_403 : i32
        %add3A_405 = vector.broadcast %add3A_404 : i32 to vector<16xi32>
        %add3A_406 = arith.addi %add3A_405, %iota3A : vector<16xi32>
        %lt3A_407 = vector.broadcast %squeeze3A_170 : i32 to vector<16xi32>
        %lt3A_408 = arith.cmpi slt, %add3A_406, %lt3A_407 : vector<16xi32>
        %add3A_409 = arith.constant 148336 : i32
        %add3A_410 = vector.broadcast %add3A_409 : i32 to vector<16xi32>
        %add3A_411 = arith.addi %add3A_410, %iota3A : vector<16xi32>
        %select_n3A_412 = arith.select %lt3A_408, %add3A_406, %add3A_411 : vector<16xi1>, vector<16xi32>
        %swap3A_413 = arith.constant 112 : index
        %swap3A_414 = tpu.vector_load %arg22[%swap3A_413] {strides = array<i32>} : memref<128xi32, #tpu.memory_space<vmem>>, vector<16xi32>,
        tpu.vector_store %arg22[%swap3A_413], %select_n3A_412 {strides = array<i32>} : memref<128xi32, #tpu.memory_space<vmem>>, vector<16xi32>,
        %mul3A_415 = arith.constant 128 : i32
        %mul3A_416 = arith.muli %add3A_86, %mul3A_415 : i32
        %add3A_417 = arith.constant 112 : i32
        %add3A_418 = arith.addi %mul3A_416, %add3A_417 : i32
        %add3A_419 = vector.broadcast %add3A_418 : i32 to vector<16xi32>
        %add3A_420 = arith.addi %add3A_419, %iota3A : vector<16xi32>
        %and3A_421 = arith.constant 1023 : i32
        %and3A_422 = vector.broadcast %and3A_421 : i32 to vector<16xi32>
        %and3A_423 = arith.andi %add3A_420, %and3A_422 : vector<16xi32>
        %add3A_424 = arith.constant 106496 : i32
        %add3A_425 = vector.broadcast %add3A_424 : i32 to vector<16xi32>
        %add3A_426 = arith.addi %add3A_425, %and3A_423 : vector<16xi32>
        %swap3A_427 = arith.constant 112 : index
        %swap3A_428 = tpu.vector_load %arg21[%swap3A_427] {strides = array<i32>} : memref<128xi32, #tpu.memory_space<vmem>>, vector<16xi32>,
        tpu.vector_store %arg21[%swap3A_427], %add3A_426 {strides = array<i32>} : memref<128xi32, #tpu.memory_space<vmem>>, vector<16xi32>,
        %dma_start3A_429 = arith.constant 0 : i32
        %dma_start3A_430 = tpu.memref_slice %arg25[%dma_start3A_429] : memref<148480xi32, #tpu.memory_space<vmem_shared>> -> memref<148480xi32, #tpu.memory_space<vmem_shared>>
        tpu.enqueue_indirect_dma source(%arg21 : memref<128xi32, #tpu.memory_space<vmem>>) target(%dma_start3A_430 : memref<148480xi32, #tpu.memory_space<vmem_shared>>) offsets(%arg22 : memref<128xi32, #tpu.memory_space<vmem>>) semaphore(%arg27 : memref<!tpu.dma_semaphore, #tpu.memory_space<semaphore_mem>>)
        %dma_wait3A_431 = arith.constant 0 : i32
        %dma_wait3A_432 = tpu.memref_slice %arg25[%dma_wait3A_431] : memref<148480xi32, #tpu.memory_space<vmem_shared>> -> memref<148480xi32, #tpu.memory_space<vmem_shared>>
        tpu.wait_indirect_dma semaphore(%arg27 : memref<!tpu.dma_semaphore, #tpu.memory_space<semaphore_mem>>) src(%arg21 : memref<128xi32, #tpu.memory_space<vmem>>) dst(%dma_wait3A_432 : memref<148480xi32, #tpu.memory_space<vmem_shared>>)
      } else {
      }
      %scan3A_91 = arith.constant 0 : i32
      scf.yield %scan3A_91 : i32
    }
    %scan3A_69 = arith.constant 20 : i32
    %barrier3A_70 = arith.constant 0 : index
    tpu.barrier barrier_id(%barrier3A_70)
    %scan3A_71 = arith.constant 0 : i32
    %scan3A_72 = arith.constant 0 : i32
    %scan3A_73 = arith.constant 20 : i32
    %scan3A_74 = arith.addi %scan3A_72, %scan3A_73 : i32
    %scan3A_75 = arith.constant 1 : i32
    %scan3A_76 = scf.for %scan3A_81 = %scan3A_72 to %scan3A_74 step %scan3A_75 iter_args(%scan3A_82 = %scan3A_71) -> (i32)  : i32 {
      %mul3A_83 = arith.constant 20 : i32
      %mul3A_84 = arith.muli %arg1, %mul3A_83 : i32
      %add3A_85 = arith.addi %select_n3A, %mul3A_84 : i32
      %add3A_86 = arith.addi %add3A_85, %scan3A_81 : i32
      %lt3A_87 = arith.cmpi slt, %add3A_86, %select_n3A_6 : i32
      %convert_element_type3A_88 = arith.extui %lt3A_87 : i1 to i32
      %cond3A_89 = arith.constant 0 : i32
      %cond3A_90 = arith.cmpi ne, %convert_element_type3A_88, %cond3A_89 : i32
      scf.if %cond3A_90 {
        %lt3A_92 = arith.constant 634 : i32
        %lt3A_93 = arith.cmpi slt, %add3A_86, %lt3A_92 : i32
        %convert_element_type3A_94 = arith.extui %lt3A_93 : i1 to i32
        %cond3A_95 = arith.constant 0 : i32
        %cond3A_96 = arith.cmpi ne, %convert_element_type3A_94, %cond3A_95 : i32
        scf.if %cond3A_96 {
          %mul3A_196 = arith.constant 4096 : i32
          %mul3A_197 = arith.muli %add3A_86, %mul3A_196 : i32
          "tpu.region"() ({
            %run_scoped3A = tpu.sem_alloc : memref<!tpu.dma_semaphore, #tpu.memory_space<semaphore_mem>>
            %dma_start3A_198 = arith.constant 0 : i32
            %dma_start3A_199 = tpu.memref_slice %arg3[%dma_start3A_198, %mul3A_197] : memref<16x2600000xf32, #tpu.memory_space<hbm>> -> memref<16x4096xf32, #tpu.memory_space<hbm>>
            %dma_start3A_200 = arith.constant 0 : i32
            %dma_start3A_201 = tpu.memref_slice %arg3[%dma_start3A_200, %mul3A_197] : memref<16x2600000xf32, #tpu.memory_space<hbm>> -> memref<16x4096xf32, #tpu.memory_space<hbm>>
            tpu.enqueue_dma source(%dma_start3A_201 : memref<16x4096xf32, #tpu.memory_space<hbm>>) target(%arg16 : memref<16x4096xf32, #tpu.memory_space<vmem>>) target_semaphore(%run_scoped3A : memref<!tpu.dma_semaphore, #tpu.memory_space<semaphore_mem>>)
            %dma_wait3A_202 = arith.constant 0 : i32
            %dma_wait3A_203 = tpu.memref_slice %arg3[%dma_wait3A_202, %mul3A_197] : memref<16x2600000xf32, #tpu.memory_space<hbm>> -> memref<16x4096xf32, #tpu.memory_space<hbm>>
            %dma_wait3A_204 = arith.constant 0 : i32
            %dma_wait3A_205 = tpu.memref_slice %arg3[%dma_wait3A_204, %mul3A_197] : memref<16x2600000xf32, #tpu.memory_space<hbm>> -> memref<16x4096xf32, #tpu.memory_space<hbm>>
            tpu.wait_dma2 semaphore(%run_scoped3A : memref<!tpu.dma_semaphore, #tpu.memory_space<semaphore_mem>>) src(%dma_wait3A_205 : memref<16x4096xf32, #tpu.memory_space<hbm>>) dst(%arg16 : memref<16x4096xf32, #tpu.memory_space<vmem>>)
            tpu.yield
          }) : () -> ()
        } else {
        }
        %eq3A_97 = arith.constant 634 : i32
        %eq3A_98 = arith.cmpi eq, %add3A_86, %eq3A_97 : i32
        %convert_element_type3A_99 = arith.extui %eq3A_98 : i1 to i32
        %cond3A_100 = arith.constant 0 : i32
        %cond3A_101 = arith.cmpi ne, %convert_element_type3A_99, %cond3A_100 : i32
        scf.if %cond3A_101 {
          "tpu.region"() ({
            %run_scoped3A = tpu.sem_alloc : memref<!tpu.dma_semaphore, #tpu.memory_space<semaphore_mem>>
            tpu.enqueue_dma source(%arg4 : memref<16x4096xf32, #tpu.memory_space<hbm>>) target(%arg16 : memref<16x4096xf32, #tpu.memory_space<vmem>>) target_semaphore(%run_scoped3A : memref<!tpu.dma_semaphore, #tpu.memory_space<semaphore_mem>>)
            tpu.wait_dma2 semaphore(%run_scoped3A : memref<!tpu.dma_semaphore, #tpu.memory_space<semaphore_mem>>) src(%arg4 : memref<16x4096xf32, #tpu.memory_space<hbm>>) dst(%arg16 : memref<16x4096xf32, #tpu.memory_space<vmem>>)
            tpu.yield
          }) : () -> ()
        } else {
        }
        %sub3A = arith.subi %add3A_86, %select_n3A : i32
        %jit3A_102 = arith.constant 8 : i32
        %div3A = arith.divsi %sub3A, %jit3A_102 : i32
        %sign3A = arith.constant 0 : i32
        %sign3A_103 = arith.cmpi sgt, %sub3A, %sign3A : i32
        %sign3A_104 = arith.extui %sign3A_103 : i1 to i32
        %sign3A_105 = arith.constant 0 : i32
        %sign3A_106 = arith.cmpi slt, %sub3A, %sign3A_105 : i32
        %sign3A_107 = arith.extui %sign3A_106 : i1 to i32
        %sign3A_108 = arith.subi %sign3A_104, %sign3A_107 : i32
        %sign3A_109 = arith.constant 0 : i32
        %sign3A_110 = arith.cmpi sgt, %jit3A_102, %sign3A_109 : i32
        %sign3A_111 = arith.extui %sign3A_110 : i1 to i32
        %sign3A_112 = arith.constant 0 : i32
        %sign3A_113 = arith.cmpi slt, %jit3A_102, %sign3A_112 : i32
        %sign3A_114 = arith.extui %sign3A_113 : i1 to i32
        %sign3A_115 = arith.subi %sign3A_111, %sign3A_114 : i32
        %ne3A = arith.cmpi ne, %sign3A_108, %sign3A_115 : i32
        %rem3A = arith.remsi %sub3A, %jit3A_102 : i32
        %ne3A_116 = arith.constant 0 : i32
        %ne3A_117 = arith.cmpi ne, %rem3A, %ne3A_116 : i32
        %and3A = arith.andi %ne3A, %ne3A_117 : i1
        %sub3A_118 = arith.constant 1 : i32
        %sub3A_119 = arith.subi %div3A, %sub3A_118 : i32
        %select_n3A_120 = arith.select %and3A, %sub3A_119, %div3A : i32
        %mul3A_121 = arith.constant 8 : i32
        %mul3A_122 = arith.muli %select_n3A_120, %mul3A_121 : i32
        %multiple_of3A = tpu.assume_multiple %mul3A_122, 8 : i32
        %get3A = arith.index_cast %multiple_of3A : i32 to index
        %get3A_123 = tpu.vector_load %arg11[%get3A] {strides = array<i32>} : memref<336xi32, #tpu.memory_space<vmem>>, vector<16xi32>,
        %sub3A_124 = arith.subi %sub3A, %multiple_of3A : i32
        %broadcast_in_dim3A_125 = vector.broadcast %sub3A_124 : i32 to vector<16xi32>
        %lt3A_126 = arith.constant 0 : i32
        %lt3A_127 = vector.broadcast %lt3A_126 : i32 to vector<16xi32>
        %lt3A_128 = arith.cmpi slt, %broadcast_in_dim3A_125, %lt3A_127 : vector<16xi32>
        %add3A_129 = arith.constant 16 : i32
        %add3A_130 = vector.broadcast %add3A_129 : i32 to vector<16xi32>
        %add3A_131 = arith.addi %broadcast_in_dim3A_125, %add3A_130 : vector<16xi32>
        %select_n3A_132 = arith.select %lt3A_128, %add3A_131, %broadcast_in_dim3A_125 : vector<16xi1>, vector<16xi32>
        %reshape3A_133 = vector.shape_cast %select_n3A_132 : vector<16xi32> to vector<16x1xi32>
        %gather3A_134 = vector.shape_cast %reshape3A_133 : vector<16x1xi32> to vector<16xi32>
        %gather3A_135 = tpu.dynamic_gather %get3A_123[%gather3A_134] in [0] : vector<16xi32>, vector<16xi32> -> vector<16xi32>
        %slice3A = vector.extract_strided_slice %gather3A_135 {offsets = [0], sizes = [1], strides = [1]} : vector<16xi32> to vector<1xi32>
        %squeeze3A = vector.extract %slice3A[0] : i32 from vector<1xi32>
        %sub3A_136 = arith.subi %add3A_86, %select_n3A : i32
        %add3A_137 = arith.constant 1 : i32
        %add3A_138 = arith.addi %sub3A_136, %add3A_137 : i32
        %jit3A_139 = arith.constant 8 : i32
        %div3A_140 = arith.divsi %add3A_138, %jit3A_139 : i32
        %sign3A_141 = arith.constant 0 : i32
        %sign3A_142 = arith.cmpi sgt, %add3A_138, %sign3A_141 : i32
        %sign3A_143 = arith.extui %sign3A_142 : i1 to i32
        %sign3A_144 = arith.constant 0 : i32
        %sign3A_145 = arith.cmpi slt, %add3A_138, %sign3A_144 : i32
        %sign3A_146 = arith.extui %sign3A_145 : i1 to i32
        %sign3A_147 = arith.subi %sign3A_143, %sign3A_146 : i32
        %sign3A_148 = arith.constant 0 : i32
        %sign3A_149 = arith.cmpi sgt, %jit3A_139, %sign3A_148 : i32
        %sign3A_150 = arith.extui %sign3A_149 : i1 to i32
        %sign3A_151 = arith.constant 0 : i32
        %sign3A_152 = arith.cmpi slt, %jit3A_139, %sign3A_151 : i32
        %sign3A_153 = arith.extui %sign3A_152 : i1 to i32
        %sign3A_154 = arith.subi %sign3A_150, %sign3A_153 : i32
        %ne3A_155 = arith.cmpi ne, %sign3A_147, %sign3A_154 : i32
        %rem3A_156 = arith.remsi %add3A_138, %jit3A_139 : i32
        %ne3A_157 = arith.constant 0 : i32
        %ne3A_158 = arith.cmpi ne, %rem3A_156, %ne3A_157 : i32
        %and3A_159 = arith.andi %ne3A_155, %ne3A_158 : i1
        %sub3A_160 = arith.constant 1 : i32
        %sub3A_161 = arith.subi %div3A_140, %sub3A_160 : i32
        %select_n3A_162 = arith.select %and3A_159, %sub3A_161, %div3A_140 : i32
        %mul3A_163 = arith.constant 8 : i32
        %mul3A_164 = arith.muli %select_n3A_162, %mul3A_163 : i32
        %multiple_of3A_165 = tpu.assume_multiple %mul3A_164, 8 : i32
        %get3A_166 = arith.index_cast %multiple_of3A_165 : i32 to index
        %get3A_167 = tpu.vector_load %arg11[%get3A_166] {strides = array<i32>} : memref<336xi32, #tpu.memory_space<vmem>>, vector<16xi32>,
        %sub3A_168 = arith.subi %add3A_138, %multiple_of3A_165 : i32
        %broadcast_in_dim3A_169 = vector.broadcast %sub3A_168 : i32 to vector<16xi32>
        %lt3A_170 = arith.constant 0 : i32
        %lt3A_171 = vector.broadcast %lt3A_170 : i32 to vector<16xi32>
        %lt3A_172 = arith.cmpi slt, %broadcast_in_dim3A_169, %lt3A_171 : vector<16xi32>
        %add3A_173 = arith.constant 16 : i32
        %add3A_174 = vector.broadcast %add3A_173 : i32 to vector<16xi32>
        %add3A_175 = arith.addi %broadcast_in_dim3A_169, %add3A_174 : vector<16xi32>
        %select_n3A_176 = arith.select %lt3A_172, %add3A_175, %broadcast_in_dim3A_169 : vector<16xi1>, vector<16xi32>
        %reshape3A_177 = vector.shape_cast %select_n3A_176 : vector<16xi32> to vector<16x1xi32>
        %gather3A_178 = vector.shape_cast %reshape3A_177 : vector<16x1xi32> to vector<16xi32>
        %gather3A_179 = tpu.dynamic_gather %get3A_167[%gather3A_178] in [0] : vector<16xi32>, vector<16xi32> -> vector<16xi32>
        %slice3A_180 = vector.extract_strided_slice %gather3A_179 {offsets = [0], sizes = [1], strides = [1]} : vector<16xi32> to vector<1xi32>
        %squeeze3A_181 = vector.extract %slice3A_180[0] : i32 from vector<1xi32>
        %sub3A_182 = arith.subi %squeeze3A_181, %squeeze3A : i32
        %div3A_183 = arith.constant 128 : i32
        %div3A_184 = arith.divsi %sub3A_182, %div3A_183 : i32
        %while3A = arith.constant 0 : i32
        %while3A_185 = arith.constant 0 : i32
        %while3A_186 = arith.subi %div3A_184, %while3A : i32
        %while3A_187 = arith.addi %while3A, %while3A_186 : i32
        %while3A_188 = arith.constant 1 : i32
        %while3A_189 = arith.divsi %while3A_186, %while3A_188 : i32
        %while3A_190 = arith.muli %while3A_189, %while3A_188 : i32
        %while3A_191 = arith.addi %while3A, %while3A_190 : i32
        %while3A_192 = arith.constant 1 : i32
        %while3A_193 = scf.for %while3A_196 = %while3A to %while3A_191 step %while3A_192 iter_args(%while3A_197 = %while3A_185) -> (i32)  : i32 {
          %mul3A_198 = arith.constant 128 : i32
          %mul3A_199 = arith.muli %while3A_196, %mul3A_198 : i32
          %add3A_200 = arith.addi %squeeze3A, %mul3A_199 : i32
          %multiple_of3A_201 = tpu.assume_multiple %add3A_200, 128 : i32
          "tpu.region"() ({
            %run_scoped3A = tpu.sem_alloc : memref<!tpu.dma_semaphore, #tpu.memory_space<semaphore_mem>>
            %dma_start3A_1708 = tpu.memref_slice %arg25[%multiple_of3A_201] : memref<148480xi32, #tpu.memory_space<vmem_shared>> -> memref<128xi32, #tpu.memory_space<vmem_shared>>
            %dma_start3A_1709 = tpu.memref_slice %arg25[%multiple_of3A_201] : memref<148480xi32, #tpu.memory_space<vmem_shared>> -> memref<128xi32, #tpu.memory_space<vmem_shared>>
            tpu.enqueue_dma source(%dma_start3A_1709 : memref<128xi32, #tpu.memory_space<vmem_shared>>) target(%arg17 : memref<128xi32, #tpu.memory_space<vmem>>) target_semaphore(%run_scoped3A : memref<!tpu.dma_semaphore, #tpu.memory_space<semaphore_mem>>)
            %dma_wait3A_1710 = tpu.memref_slice %arg25[%multiple_of3A_201] : memref<148480xi32, #tpu.memory_space<vmem_shared>> -> memref<128xi32, #tpu.memory_space<vmem_shared>>
            %dma_wait3A_1711 = tpu.memref_slice %arg25[%multiple_of3A_201] : memref<148480xi32, #tpu.memory_space<vmem_shared>> -> memref<128xi32, #tpu.memory_space<vmem_shared>>
            tpu.wait_dma2 semaphore(%run_scoped3A : memref<!tpu.dma_semaphore, #tpu.memory_space<semaphore_mem>>) src(%dma_wait3A_1711 : memref<128xi32, #tpu.memory_space<vmem_shared>>) dst(%arg17 : memref<128xi32, #tpu.memory_space<vmem>>)
            tpu.yield
          }) : () -> ()
          "tpu.region"() ({
            %run_scoped3A = tpu.sem_alloc : memref<!tpu.dma_semaphore, #tpu.memory_space<semaphore_mem>>
            %dma_start3A_1708 = tpu.memref_slice %arg26[%multiple_of3A_201] : memref<148480xi32, #tpu.memory_space<vmem_shared>> -> memref<128xi32, #tpu.memory_space<vmem_shared>>
            %dma_start3A_1709 = tpu.memref_slice %arg26[%multiple_of3A_201] : memref<148480xi32, #tpu.memory_space<vmem_shared>> -> memref<128xi32, #tpu.memory_space<vmem_shared>>
            tpu.enqueue_dma source(%dma_start3A_1709 : memref<128xi32, #tpu.memory_space<vmem_shared>>) target(%arg18 : memref<128xi32, #tpu.memory_space<vmem>>) target_semaphore(%run_scoped3A : memref<!tpu.dma_semaphore, #tpu.memory_space<semaphore_mem>>)
            %dma_wait3A_1710 = tpu.memref_slice %arg26[%multiple_of3A_201] : memref<148480xi32, #tpu.memory_space<vmem_shared>> -> memref<128xi32, #tpu.memory_space<vmem_shared>>
            %dma_wait3A_1711 = tpu.memref_slice %arg26[%multiple_of3A_201] : memref<148480xi32, #tpu.memory_space<vmem_shared>> -> memref<128xi32, #tpu.memory_space<vmem_shared>>
            tpu.wait_dma2 semaphore(%run_scoped3A : memref<!tpu.dma_semaphore, #tpu.memory_space<semaphore_mem>>) src(%dma_wait3A_1711 : memref<128xi32, #tpu.memory_space<vmem_shared>>) dst(%arg18 : memref<128xi32, #tpu.memory_space<vmem>>)
            tpu.yield
          }) : () -> ()
          %get3A_202 = arith.constant 0 : index
          %get3A_203 = tpu.vector_load %arg18[%get3A_202] {strides = array<i32>} : memref<128xi32, #tpu.memory_space<vmem>>, vector<16xi32>,
          %mul3A_204 = arith.constant 4096 : i32
          %mul3A_205 = arith.muli %add3A_86, %mul3A_204 : i32
          %sub3A_206 = vector.broadcast %mul3A_205 : i32 to vector<16xi32>
          %sub3A_207 = arith.subi %get3A_203, %sub3A_206 : vector<16xi32>
          %jit3A_208 = arith.constant 0 : i32
          %jit3A_209 = arith.constant 4095 : i32
          %max3A = vector.broadcast %jit3A_208 : i32 to vector<16xi32>
          %max3A_210 = arith.maxsi %max3A, %sub3A_207 : vector<16xi32>
          %min3A = vector.broadcast %jit3A_209 : i32 to vector<16xi32>
          %min3A_211 = arith.minsi %min3A, %max3A_210 : vector<16xi32>
          %broadcast_in_dim3A_212 = arith.constant 0 : i32
          %broadcast_in_dim3A_213 = vector.broadcast %broadcast_in_dim3A_212 : i32 to vector<16xi32>
          %gather3A_214 = tpu.vector_load_idx %arg16[%broadcast_in_dim3A_213, %min3A_211] : memref<16x4096xf32, #tpu.memory_space<vmem>>[vector<16xi32>, vector<16xi32>], vector<16xf32>,
          %mul3A_215 = arith.constant 16 : i32
          %mul3A_216 = vector.broadcast %mul3A_215 : i32 to vector<16xi32>
          %mul3A_217 = arith.muli %iota3A, %mul3A_216 : vector<16xi32>
          %add3A_218 = arith.constant 0 : i32
          %add3A_219 = vector.broadcast %add3A_218 : i32 to vector<16xi32>
          %add3A_220 = arith.addi %mul3A_217, %add3A_219 : vector<16xi32>
          %scatter3A = arith.constant 0 : i32
          %scatter3A_221 = tpu.memref_slice %arg19[%scatter3A] : memref<2048xf32, #tpu.memory_space<vmem>> -> memref<256xf32, #tpu.memory_space<vmem>>
          tpu.vector_store_idx %scatter3A_221[%add3A_220], %gather3A_214 : memref<256xf32, #tpu.memory_space<vmem>>[vector<16xi32>], vector<16xf32>,
          %broadcast_in_dim3A_222 = arith.constant 1 : i32
          %broadcast_in_dim3A_223 = vector.broadcast %broadcast_in_dim3A_222 : i32 to vector<16xi32>
          %gather3A_224 = tpu.vector_load_idx %arg16[%broadcast_in_dim3A_223, %min3A_211] : memref<16x4096xf32, #tpu.memory_space<vmem>>[vector<16xi32>, vector<16xi32>], vector<16xf32>,
          %mul3A_225 = arith.constant 16 : i32
          %mul3A_226 = vector.broadcast %mul3A_225 : i32 to vector<16xi32>
          %mul3A_227 = arith.muli %iota3A, %mul3A_226 : vector<16xi32>
          %add3A_228 = arith.constant 1 : i32
          %add3A_229 = vector.broadcast %add3A_228 : i32 to vector<16xi32>
          %add3A_230 = arith.addi %mul3A_227, %add3A_229 : vector<16xi32>
          %scatter3A_231 = arith.constant 0 : i32
          %scatter3A_232 = tpu.memref_slice %arg19[%scatter3A_231] : memref<2048xf32, #tpu.memory_space<vmem>> -> memref<256xf32, #tpu.memory_space<vmem>>
          tpu.vector_store_idx %scatter3A_232[%add3A_230], %gather3A_224 : memref<256xf32, #tpu.memory_space<vmem>>[vector<16xi32>], vector<16xf32>,
          %broadcast_in_dim3A_233 = arith.constant 2 : i32
          %broadcast_in_dim3A_234 = vector.broadcast %broadcast_in_dim3A_233 : i32 to vector<16xi32>
          %gather3A_235 = tpu.vector_load_idx %arg16[%broadcast_in_dim3A_234, %min3A_211] : memref<16x4096xf32, #tpu.memory_space<vmem>>[vector<16xi32>, vector<16xi32>], vector<16xf32>,
          %mul3A_236 = arith.constant 16 : i32
          %mul3A_237 = vector.broadcast %mul3A_236 : i32 to vector<16xi32>
          %mul3A_238 = arith.muli %iota3A, %mul3A_237 : vector<16xi32>
          %add3A_239 = arith.constant 2 : i32
          %add3A_240 = vector.broadcast %add3A_239 : i32 to vector<16xi32>
          %add3A_241 = arith.addi %mul3A_238, %add3A_240 : vector<16xi32>
          %scatter3A_242 = arith.constant 0 : i32
          %scatter3A_243 = tpu.memref_slice %arg19[%scatter3A_242] : memref<2048xf32, #tpu.memory_space<vmem>> -> memref<256xf32, #tpu.memory_space<vmem>>
          tpu.vector_store_idx %scatter3A_243[%add3A_241], %gather3A_235 : memref<256xf32, #tpu.memory_space<vmem>>[vector<16xi32>], vector<16xf32>,
          %broadcast_in_dim3A_244 = arith.constant 3 : i32
          %broadcast_in_dim3A_245 = vector.broadcast %broadcast_in_dim3A_244 : i32 to vector<16xi32>
          %gather3A_246 = tpu.vector_load_idx %arg16[%broadcast_in_dim3A_245, %min3A_211] : memref<16x4096xf32, #tpu.memory_space<vmem>>[vector<16xi32>, vector<16xi32>], vector<16xf32>,
          %mul3A_247 = arith.constant 16 : i32
          %mul3A_248 = vector.broadcast %mul3A_247 : i32 to vector<16xi32>
          %mul3A_249 = arith.muli %iota3A, %mul3A_248 : vector<16xi32>
          %add3A_250 = arith.constant 3 : i32
          %add3A_251 = vector.broadcast %add3A_250 : i32 to vector<16xi32>
          %add3A_252 = arith.addi %mul3A_249, %add3A_251 : vector<16xi32>
          %scatter3A_253 = arith.constant 0 : i32
          %scatter3A_254 = tpu.memref_slice %arg19[%scatter3A_253] : memref<2048xf32, #tpu.memory_space<vmem>> -> memref<256xf32, #tpu.memory_space<vmem>>
          tpu.vector_store_idx %scatter3A_254[%add3A_252], %gather3A_246 : memref<256xf32, #tpu.memory_space<vmem>>[vector<16xi32>], vector<16xf32>,
          %broadcast_in_dim3A_255 = arith.constant 4 : i32
          %broadcast_in_dim3A_256 = vector.broadcast %broadcast_in_dim3A_255 : i32 to vector<16xi32>
          %gather3A_257 = tpu.vector_load_idx %arg16[%broadcast_in_dim3A_256, %min3A_211] : memref<16x4096xf32, #tpu.memory_space<vmem>>[vector<16xi32>, vector<16xi32>], vector<16xf32>,
          %mul3A_258 = arith.constant 16 : i32
          %mul3A_259 = vector.broadcast %mul3A_258 : i32 to vector<16xi32>
          %mul3A_260 = arith.muli %iota3A, %mul3A_259 : vector<16xi32>
          %add3A_261 = arith.constant 4 : i32
          %add3A_262 = vector.broadcast %add3A_261 : i32 to vector<16xi32>
          %add3A_263 = arith.addi %mul3A_260, %add3A_262 : vector<16xi32>
          %scatter3A_264 = arith.constant 0 : i32
          %scatter3A_265 = tpu.memref_slice %arg19[%scatter3A_264] : memref<2048xf32, #tpu.memory_space<vmem>> -> memref<256xf32, #tpu.memory_space<vmem>>
          tpu.vector_store_idx %scatter3A_265[%add3A_263], %gather3A_257 : memref<256xf32, #tpu.memory_space<vmem>>[vector<16xi32>], vector<16xf32>,
          %broadcast_in_dim3A_266 = arith.constant 5 : i32
          %broadcast_in_dim3A_267 = vector.broadcast %broadcast_in_dim3A_266 : i32 to vector<16xi32>
          %gather3A_268 = tpu.vector_load_idx %arg16[%broadcast_in_dim3A_267, %min3A_211] : memref<16x4096xf32, #tpu.memory_space<vmem>>[vector<16xi32>, vector<16xi32>], vector<16xf32>,
          %mul3A_269 = arith.constant 16 : i32
          %mul3A_270 = vector.broadcast %mul3A_269 : i32 to vector<16xi32>
          %mul3A_271 = arith.muli %iota3A, %mul3A_270 : vector<16xi32>
          %add3A_272 = arith.constant 5 : i32
          %add3A_273 = vector.broadcast %add3A_272 : i32 to vector<16xi32>
          %add3A_274 = arith.addi %mul3A_271, %add3A_273 : vector<16xi32>
          %scatter3A_275 = arith.constant 0 : i32
          %scatter3A_276 = tpu.memref_slice %arg19[%scatter3A_275] : memref<2048xf32, #tpu.memory_space<vmem>> -> memref<256xf32, #tpu.memory_space<vmem>>
          tpu.vector_store_idx %scatter3A_276[%add3A_274], %gather3A_268 : memref<256xf32, #tpu.memory_space<vmem>>[vector<16xi32>], vector<16xf32>,
          %broadcast_in_dim3A_277 = arith.constant 6 : i32
          %broadcast_in_dim3A_278 = vector.broadcast %broadcast_in_dim3A_277 : i32 to vector<16xi32>
          %gather3A_279 = tpu.vector_load_idx %arg16[%broadcast_in_dim3A_278, %min3A_211] : memref<16x4096xf32, #tpu.memory_space<vmem>>[vector<16xi32>, vector<16xi32>], vector<16xf32>,
          %mul3A_280 = arith.constant 16 : i32
          %mul3A_281 = vector.broadcast %mul3A_280 : i32 to vector<16xi32>
          %mul3A_282 = arith.muli %iota3A, %mul3A_281 : vector<16xi32>
          %add3A_283 = arith.constant 6 : i32
          %add3A_284 = vector.broadcast %add3A_283 : i32 to vector<16xi32>
          %add3A_285 = arith.addi %mul3A_282, %add3A_284 : vector<16xi32>
          %scatter3A_286 = arith.constant 0 : i32
          %scatter3A_287 = tpu.memref_slice %arg19[%scatter3A_286] : memref<2048xf32, #tpu.memory_space<vmem>> -> memref<256xf32, #tpu.memory_space<vmem>>
          tpu.vector_store_idx %scatter3A_287[%add3A_285], %gather3A_279 : memref<256xf32, #tpu.memory_space<vmem>>[vector<16xi32>], vector<16xf32>,
          %broadcast_in_dim3A_288 = arith.constant 7 : i32
          %broadcast_in_dim3A_289 = vector.broadcast %broadcast_in_dim3A_288 : i32 to vector<16xi32>
          %gather3A_290 = tpu.vector_load_idx %arg16[%broadcast_in_dim3A_289, %min3A_211] : memref<16x4096xf32, #tpu.memory_space<vmem>>[vector<16xi32>, vector<16xi32>], vector<16xf32>,
          %mul3A_291 = arith.constant 16 : i32
          %mul3A_292 = vector.broadcast %mul3A_291 : i32 to vector<16xi32>
          %mul3A_293 = arith.muli %iota3A, %mul3A_292 : vector<16xi32>
          %add3A_294 = arith.constant 7 : i32
          %add3A_295 = vector.broadcast %add3A_294 : i32 to vector<16xi32>
          %add3A_296 = arith.addi %mul3A_293, %add3A_295 : vector<16xi32>
          %scatter3A_297 = arith.constant 0 : i32
          %scatter3A_298 = tpu.memref_slice %arg19[%scatter3A_297] : memref<2048xf32, #tpu.memory_space<vmem>> -> memref<256xf32, #tpu.memory_space<vmem>>
          tpu.vector_store_idx %scatter3A_298[%add3A_296], %gather3A_290 : memref<256xf32, #tpu.memory_space<vmem>>[vector<16xi32>], vector<16xf32>,
          %broadcast_in_dim3A_299 = arith.constant 8 : i32
          %broadcast_in_dim3A_300 = vector.broadcast %broadcast_in_dim3A_299 : i32 to vector<16xi32>
          %gather3A_301 = tpu.vector_load_idx %arg16[%broadcast_in_dim3A_300, %min3A_211] : memref<16x4096xf32, #tpu.memory_space<vmem>>[vector<16xi32>, vector<16xi32>], vector<16xf32>,
          %mul3A_302 = arith.constant 16 : i32
          %mul3A_303 = vector.broadcast %mul3A_302 : i32 to vector<16xi32>
          %mul3A_304 = arith.muli %iota3A, %mul3A_303 : vector<16xi32>
          %add3A_305 = arith.constant 8 : i32
          %add3A_306 = vector.broadcast %add3A_305 : i32 to vector<16xi32>
          %add3A_307 = arith.addi %mul3A_304, %add3A_306 : vector<16xi32>
          %scatter3A_308 = arith.constant 0 : i32
          %scatter3A_309 = tpu.memref_slice %arg19[%scatter3A_308] : memref<2048xf32, #tpu.memory_space<vmem>> -> memref<256xf32, #tpu.memory_space<vmem>>
          tpu.vector_store_idx %scatter3A_309[%add3A_307], %gather3A_301 : memref<256xf32, #tpu.memory_space<vmem>>[vector<16xi32>], vector<16xf32>,
          %broadcast_in_dim3A_310 = arith.constant 9 : i32
          %broadcast_in_dim3A_311 = vector.broadcast %broadcast_in_dim3A_310 : i32 to vector<16xi32>
          %gather3A_312 = tpu.vector_load_idx %arg16[%broadcast_in_dim3A_311, %min3A_211] : memref<16x4096xf32, #tpu.memory_space<vmem>>[vector<16xi32>, vector<16xi32>], vector<16xf32>,
          %mul3A_313 = arith.constant 16 : i32
          %mul3A_314 = vector.broadcast %mul3A_313 : i32 to vector<16xi32>
          %mul3A_315 = arith.muli %iota3A, %mul3A_314 : vector<16xi32>
          %add3A_316 = arith.constant 9 : i32
          %add3A_317 = vector.broadcast %add3A_316 : i32 to vector<16xi32>
          %add3A_318 = arith.addi %mul3A_315, %add3A_317 : vector<16xi32>
          %scatter3A_319 = arith.constant 0 : i32
          %scatter3A_320 = tpu.memref_slice %arg19[%scatter3A_319] : memref<2048xf32, #tpu.memory_space<vmem>> -> memref<256xf32, #tpu.memory_space<vmem>>
          tpu.vector_store_idx %scatter3A_320[%add3A_318], %gather3A_312 : memref<256xf32, #tpu.memory_space<vmem>>[vector<16xi32>], vector<16xf32>,
          %broadcast_in_dim3A_321 = arith.constant 10 : i32
          %broadcast_in_dim3A_322 = vector.broadcast %broadcast_in_dim3A_321 : i32 to vector<16xi32>
          %gather3A_323 = tpu.vector_load_idx %arg16[%broadcast_in_dim3A_322, %min3A_211] : memref<16x4096xf32, #tpu.memory_space<vmem>>[vector<16xi32>, vector<16xi32>], vector<16xf32>,
          %mul3A_324 = arith.constant 16 : i32
          %mul3A_325 = vector.broadcast %mul3A_324 : i32 to vector<16xi32>
          %mul3A_326 = arith.muli %iota3A, %mul3A_325 : vector<16xi32>
          %add3A_327 = arith.constant 10 : i32
          %add3A_328 = vector.broadcast %add3A_327 : i32 to vector<16xi32>
          %add3A_329 = arith.addi %mul3A_326, %add3A_328 : vector<16xi32>
          %scatter3A_330 = arith.constant 0 : i32
          %scatter3A_331 = tpu.memref_slice %arg19[%scatter3A_330] : memref<2048xf32, #tpu.memory_space<vmem>> -> memref<256xf32, #tpu.memory_space<vmem>>
          tpu.vector_store_idx %scatter3A_331[%add3A_329], %gather3A_323 : memref<256xf32, #tpu.memory_space<vmem>>[vector<16xi32>], vector<16xf32>,
          %broadcast_in_dim3A_332 = arith.constant 11 : i32
          %broadcast_in_dim3A_333 = vector.broadcast %broadcast_in_dim3A_332 : i32 to vector<16xi32>
          %gather3A_334 = tpu.vector_load_idx %arg16[%broadcast_in_dim3A_333, %min3A_211] : memref<16x4096xf32, #tpu.memory_space<vmem>>[vector<16xi32>, vector<16xi32>], vector<16xf32>,
          %mul3A_335 = arith.constant 16 : i32
          %mul3A_336 = vector.broadcast %mul3A_335 : i32 to vector<16xi32>
          %mul3A_337 = arith.muli %iota3A, %mul3A_336 : vector<16xi32>
          %add3A_338 = arith.constant 11 : i32
          %add3A_339 = vector.broadcast %add3A_338 : i32 to vector<16xi32>
          %add3A_340 = arith.addi %mul3A_337, %add3A_339 : vector<16xi32>
          %scatter3A_341 = arith.constant 0 : i32
          %scatter3A_342 = tpu.memref_slice %arg19[%scatter3A_341] : memref<2048xf32, #tpu.memory_space<vmem>> -> memref<256xf32, #tpu.memory_space<vmem>>
          tpu.vector_store_idx %scatter3A_342[%add3A_340], %gather3A_334 : memref<256xf32, #tpu.memory_space<vmem>>[vector<16xi32>], vector<16xf32>,
          %broadcast_in_dim3A_343 = arith.constant 12 : i32
          %broadcast_in_dim3A_344 = vector.broadcast %broadcast_in_dim3A_343 : i32 to vector<16xi32>
          %gather3A_345 = tpu.vector_load_idx %arg16[%broadcast_in_dim3A_344, %min3A_211] : memref<16x4096xf32, #tpu.memory_space<vmem>>[vector<16xi32>, vector<16xi32>], vector<16xf32>,
          %mul3A_346 = arith.constant 16 : i32
          %mul3A_347 = vector.broadcast %mul3A_346 : i32 to vector<16xi32>
          %mul3A_348 = arith.muli %iota3A, %mul3A_347 : vector<16xi32>
          %add3A_349 = arith.constant 12 : i32
          %add3A_350 = vector.broadcast %add3A_349 : i32 to vector<16xi32>
          %add3A_351 = arith.addi %mul3A_348, %add3A_350 : vector<16xi32>
          %scatter3A_352 = arith.constant 0 : i32
          %scatter3A_353 = tpu.memref_slice %arg19[%scatter3A_352] : memref<2048xf32, #tpu.memory_space<vmem>> -> memref<256xf32, #tpu.memory_space<vmem>>
          tpu.vector_store_idx %scatter3A_353[%add3A_351], %gather3A_345 : memref<256xf32, #tpu.memory_space<vmem>>[vector<16xi32>], vector<16xf32>,
          %broadcast_in_dim3A_354 = arith.constant 13 : i32
          %broadcast_in_dim3A_355 = vector.broadcast %broadcast_in_dim3A_354 : i32 to vector<16xi32>
          %gather3A_356 = tpu.vector_load_idx %arg16[%broadcast_in_dim3A_355, %min3A_211] : memref<16x4096xf32, #tpu.memory_space<vmem>>[vector<16xi32>, vector<16xi32>], vector<16xf32>,
          %mul3A_357 = arith.constant 16 : i32
          %mul3A_358 = vector.broadcast %mul3A_357 : i32 to vector<16xi32>
          %mul3A_359 = arith.muli %iota3A, %mul3A_358 : vector<16xi32>
          %add3A_360 = arith.constant 13 : i32
          %add3A_361 = vector.broadcast %add3A_360 : i32 to vector<16xi32>
          %add3A_362 = arith.addi %mul3A_359, %add3A_361 : vector<16xi32>
          %scatter3A_363 = arith.constant 0 : i32
          %scatter3A_364 = tpu.memref_slice %arg19[%scatter3A_363] : memref<2048xf32, #tpu.memory_space<vmem>> -> memref<256xf32, #tpu.memory_space<vmem>>
          tpu.vector_store_idx %scatter3A_364[%add3A_362], %gather3A_356 : memref<256xf32, #tpu.memory_space<vmem>>[vector<16xi32>], vector<16xf32>,
          %broadcast_in_dim3A_365 = arith.constant 14 : i32
          %broadcast_in_dim3A_366 = vector.broadcast %broadcast_in_dim3A_365 : i32 to vector<16xi32>
          %gather3A_367 = tpu.vector_load_idx %arg16[%broadcast_in_dim3A_366, %min3A_211] : memref<16x4096xf32, #tpu.memory_space<vmem>>[vector<16xi32>, vector<16xi32>], vector<16xf32>,
          %mul3A_368 = arith.constant 16 : i32
          %mul3A_369 = vector.broadcast %mul3A_368 : i32 to vector<16xi32>
          %mul3A_370 = arith.muli %iota3A, %mul3A_369 : vector<16xi32>
          %add3A_371 = arith.constant 14 : i32
          %add3A_372 = vector.broadcast %add3A_371 : i32 to vector<16xi32>
          %add3A_373 = arith.addi %mul3A_370, %add3A_372 : vector<16xi32>
          %scatter3A_374 = arith.constant 0 : i32
          %scatter3A_375 = tpu.memref_slice %arg19[%scatter3A_374] : memref<2048xf32, #tpu.memory_space<vmem>> -> memref<256xf32, #tpu.memory_space<vmem>>
          tpu.vector_store_idx %scatter3A_375[%add3A_373], %gather3A_367 : memref<256xf32, #tpu.memory_space<vmem>>[vector<16xi32>], vector<16xf32>,
          %broadcast_in_dim3A_376 = arith.constant 15 : i32
          %broadcast_in_dim3A_377 = vector.broadcast %broadcast_in_dim3A_376 : i32 to vector<16xi32>
          %gather3A_378 = tpu.vector_load_idx %arg16[%broadcast_in_dim3A_377, %min3A_211] : memref<16x4096xf32, #tpu.memory_space<vmem>>[vector<16xi32>, vector<16xi32>], vector<16xf32>,
          %mul3A_379 = arith.constant 16 : i32
          %mul3A_380 = vector.broadcast %mul3A_379 : i32 to vector<16xi32>
          %mul3A_381 = arith.muli %iota3A, %mul3A_380 : vector<16xi32>
          %add3A_382 = arith.constant 15 : i32
          %add3A_383 = vector.broadcast %add3A_382 : i32 to vector<16xi32>
          %add3A_384 = arith.addi %mul3A_381, %add3A_383 : vector<16xi32>
          %scatter3A_385 = arith.constant 0 : i32
          %scatter3A_386 = tpu.memref_slice %arg19[%scatter3A_385] : memref<2048xf32, #tpu.memory_space<vmem>> -> memref<256xf32, #tpu.memory_space<vmem>>
          tpu.vector_store_idx %scatter3A_386[%add3A_384], %gather3A_378 : memref<256xf32, #tpu.memory_space<vmem>>[vector<16xi32>], vector<16xf32>,
          %get3A_387 = arith.constant 16 : index
          %get3A_388 = tpu.vector_load %arg18[%get3A_387] {strides = array<i32>} : memref<128xi32, #tpu.memory_space<vmem>>, vector<16xi32>,
          %mul3A_389 = arith.constant 4096 : i32
          %mul3A_390 = arith.muli %add3A_86, %mul3A_389 : i32
          %sub3A_391 = vector.broadcast %mul3A_390 : i32 to vector<16xi32>
          %sub3A_392 = arith.subi %get3A_388, %sub3A_391 : vector<16xi32>
          %jit3A_393 = arith.constant 0 : i32
          %jit3A_394 = arith.constant 4095 : i32
          %max3A_395 = vector.broadcast %jit3A_393 : i32 to vector<16xi32>
          %max3A_396 = arith.maxsi %max3A_395, %sub3A_392 : vector<16xi32>
          %min3A_397 = vector.broadcast %jit3A_394 : i32 to vector<16xi32>
          %min3A_398 = arith.minsi %min3A_397, %max3A_396 : vector<16xi32>
          %broadcast_in_dim3A_399 = arith.constant 0 : i32
          %broadcast_in_dim3A_400 = vector.broadcast %broadcast_in_dim3A_399 : i32 to vector<16xi32>
          %gather3A_401 = tpu.vector_load_idx %arg16[%broadcast_in_dim3A_400, %min3A_398] : memref<16x4096xf32, #tpu.memory_space<vmem>>[vector<16xi32>, vector<16xi32>], vector<16xf32>,
          %mul3A_402 = arith.constant 16 : i32
          %mul3A_403 = vector.broadcast %mul3A_402 : i32 to vector<16xi32>
          %mul3A_404 = arith.muli %iota3A, %mul3A_403 : vector<16xi32>
          %add3A_405 = arith.constant 0 : i32
          %add3A_406 = vector.broadcast %add3A_405 : i32 to vector<16xi32>
          %add3A_407 = arith.addi %mul3A_404, %add3A_406 : vector<16xi32>
          %scatter3A_408 = arith.constant 256 : i32
          %scatter3A_409 = tpu.memref_slice %arg19[%scatter3A_408] : memref<2048xf32, #tpu.memory_space<vmem>> -> memref<256xf32, #tpu.memory_space<vmem>>
          tpu.vector_store_idx %scatter3A_409[%add3A_407], %gather3A_401 : memref<256xf32, #tpu.memory_space<vmem>>[vector<16xi32>], vector<16xf32>,
          %broadcast_in_dim3A_410 = arith.constant 1 : i32
          %broadcast_in_dim3A_411 = vector.broadcast %broadcast_in_dim3A_410 : i32 to vector<16xi32>
          %gather3A_412 = tpu.vector_load_idx %arg16[%broadcast_in_dim3A_411, %min3A_398] : memref<16x4096xf32, #tpu.memory_space<vmem>>[vector<16xi32>, vector<16xi32>], vector<16xf32>,
          %mul3A_413 = arith.constant 16 : i32
          %mul3A_414 = vector.broadcast %mul3A_413 : i32 to vector<16xi32>
          %mul3A_415 = arith.muli %iota3A, %mul3A_414 : vector<16xi32>
          %add3A_416 = arith.constant 1 : i32
          %add3A_417 = vector.broadcast %add3A_416 : i32 to vector<16xi32>
          %add3A_418 = arith.addi %mul3A_415, %add3A_417 : vector<16xi32>
          %scatter3A_419 = arith.constant 256 : i32
          %scatter3A_420 = tpu.memref_slice %arg19[%scatter3A_419] : memref<2048xf32, #tpu.memory_space<vmem>> -> memref<256xf32, #tpu.memory_space<vmem>>
          tpu.vector_store_idx %scatter3A_420[%add3A_418], %gather3A_412 : memref<256xf32, #tpu.memory_space<vmem>>[vector<16xi32>], vector<16xf32>,
          %broadcast_in_dim3A_421 = arith.constant 2 : i32
          %broadcast_in_dim3A_422 = vector.broadcast %broadcast_in_dim3A_421 : i32 to vector<16xi32>
          %gather3A_423 = tpu.vector_load_idx %arg16[%broadcast_in_dim3A_422, %min3A_398] : memref<16x4096xf32, #tpu.memory_space<vmem>>[vector<16xi32>, vector<16xi32>], vector<16xf32>,
          %mul3A_424 = arith.constant 16 : i32
          %mul3A_425 = vector.broadcast %mul3A_424 : i32 to vector<16xi32>
          %mul3A_426 = arith.muli %iota3A, %mul3A_425 : vector<16xi32>
          %add3A_427 = arith.constant 2 : i32
          %add3A_428 = vector.broadcast %add3A_427 : i32 to vector<16xi32>
          %add3A_429 = arith.addi %mul3A_426, %add3A_428 : vector<16xi32>
          %scatter3A_430 = arith.constant 256 : i32
          %scatter3A_431 = tpu.memref_slice %arg19[%scatter3A_430] : memref<2048xf32, #tpu.memory_space<vmem>> -> memref<256xf32, #tpu.memory_space<vmem>>
          tpu.vector_store_idx %scatter3A_431[%add3A_429], %gather3A_423 : memref<256xf32, #tpu.memory_space<vmem>>[vector<16xi32>], vector<16xf32>,
          %broadcast_in_dim3A_432 = arith.constant 3 : i32
          %broadcast_in_dim3A_433 = vector.broadcast %broadcast_in_dim3A_432 : i32 to vector<16xi32>
          %gather3A_434 = tpu.vector_load_idx %arg16[%broadcast_in_dim3A_433, %min3A_398] : memref<16x4096xf32, #tpu.memory_space<vmem>>[vector<16xi32>, vector<16xi32>], vector<16xf32>,
          %mul3A_435 = arith.constant 16 : i32
          %mul3A_436 = vector.broadcast %mul3A_435 : i32 to vector<16xi32>
          %mul3A_437 = arith.muli %iota3A, %mul3A_436 : vector<16xi32>
          %add3A_438 = arith.constant 3 : i32
          %add3A_439 = vector.broadcast %add3A_438 : i32 to vector<16xi32>
          %add3A_440 = arith.addi %mul3A_437, %add3A_439 : vector<16xi32>
          %scatter3A_441 = arith.constant 256 : i32
          %scatter3A_442 = tpu.memref_slice %arg19[%scatter3A_441] : memref<2048xf32, #tpu.memory_space<vmem>> -> memref<256xf32, #tpu.memory_space<vmem>>
          tpu.vector_store_idx %scatter3A_442[%add3A_440], %gather3A_434 : memref<256xf32, #tpu.memory_space<vmem>>[vector<16xi32>], vector<16xf32>,
          %broadcast_in_dim3A_443 = arith.constant 4 : i32
          %broadcast_in_dim3A_444 = vector.broadcast %broadcast_in_dim3A_443 : i32 to vector<16xi32>
          %gather3A_445 = tpu.vector_load_idx %arg16[%broadcast_in_dim3A_444, %min3A_398] : memref<16x4096xf32, #tpu.memory_space<vmem>>[vector<16xi32>, vector<16xi32>], vector<16xf32>,
          %mul3A_446 = arith.constant 16 : i32
          %mul3A_447 = vector.broadcast %mul3A_446 : i32 to vector<16xi32>
          %mul3A_448 = arith.muli %iota3A, %mul3A_447 : vector<16xi32>
          %add3A_449 = arith.constant 4 : i32
          %add3A_450 = vector.broadcast %add3A_449 : i32 to vector<16xi32>
          %add3A_451 = arith.addi %mul3A_448, %add3A_450 : vector<16xi32>
          %scatter3A_452 = arith.constant 256 : i32
          %scatter3A_453 = tpu.memref_slice %arg19[%scatter3A_452] : memref<2048xf32, #tpu.memory_space<vmem>> -> memref<256xf32, #tpu.memory_space<vmem>>
          tpu.vector_store_idx %scatter3A_453[%add3A_451], %gather3A_445 : memref<256xf32, #tpu.memory_space<vmem>>[vector<16xi32>], vector<16xf32>,
          %broadcast_in_dim3A_454 = arith.constant 5 : i32
          %broadcast_in_dim3A_455 = vector.broadcast %broadcast_in_dim3A_454 : i32 to vector<16xi32>
          %gather3A_456 = tpu.vector_load_idx %arg16[%broadcast_in_dim3A_455, %min3A_398] : memref<16x4096xf32, #tpu.memory_space<vmem>>[vector<16xi32>, vector<16xi32>], vector<16xf32>,
          %mul3A_457 = arith.constant 16 : i32
          %mul3A_458 = vector.broadcast %mul3A_457 : i32 to vector<16xi32>
          %mul3A_459 = arith.muli %iota3A, %mul3A_458 : vector<16xi32>
          %add3A_460 = arith.constant 5 : i32
          %add3A_461 = vector.broadcast %add3A_460 : i32 to vector<16xi32>
          %add3A_462 = arith.addi %mul3A_459, %add3A_461 : vector<16xi32>
          %scatter3A_463 = arith.constant 256 : i32
          %scatter3A_464 = tpu.memref_slice %arg19[%scatter3A_463] : memref<2048xf32, #tpu.memory_space<vmem>> -> memref<256xf32, #tpu.memory_space<vmem>>
          tpu.vector_store_idx %scatter3A_464[%add3A_462], %gather3A_456 : memref<256xf32, #tpu.memory_space<vmem>>[vector<16xi32>], vector<16xf32>,
          %broadcast_in_dim3A_465 = arith.constant 6 : i32
          %broadcast_in_dim3A_466 = vector.broadcast %broadcast_in_dim3A_465 : i32 to vector<16xi32>
          %gather3A_467 = tpu.vector_load_idx %arg16[%broadcast_in_dim3A_466, %min3A_398] : memref<16x4096xf32, #tpu.memory_space<vmem>>[vector<16xi32>, vector<16xi32>], vector<16xf32>,
          %mul3A_468 = arith.constant 16 : i32
          %mul3A_469 = vector.broadcast %mul3A_468 : i32 to vector<16xi32>
          %mul3A_470 = arith.muli %iota3A, %mul3A_469 : vector<16xi32>
          %add3A_471 = arith.constant 6 : i32
          %add3A_472 = vector.broadcast %add3A_471 : i32 to vector<16xi32>
          %add3A_473 = arith.addi %mul3A_470, %add3A_472 : vector<16xi32>
          %scatter3A_474 = arith.constant 256 : i32
          %scatter3A_475 = tpu.memref_slice %arg19[%scatter3A_474] : memref<2048xf32, #tpu.memory_space<vmem>> -> memref<256xf32, #tpu.memory_space<vmem>>
          tpu.vector_store_idx %scatter3A_475[%add3A_473], %gather3A_467 : memref<256xf32, #tpu.memory_space<vmem>>[vector<16xi32>], vector<16xf32>,
          %broadcast_in_dim3A_476 = arith.constant 7 : i32
          %broadcast_in_dim3A_477 = vector.broadcast %broadcast_in_dim3A_476 : i32 to vector<16xi32>
          %gather3A_478 = tpu.vector_load_idx %arg16[%broadcast_in_dim3A_477, %min3A_398] : memref<16x4096xf32, #tpu.memory_space<vmem>>[vector<16xi32>, vector<16xi32>], vector<16xf32>,
          %mul3A_479 = arith.constant 16 : i32
          %mul3A_480 = vector.broadcast %mul3A_479 : i32 to vector<16xi32>
          %mul3A_481 = arith.muli %iota3A, %mul3A_480 : vector<16xi32>
          %add3A_482 = arith.constant 7 : i32
          %add3A_483 = vector.broadcast %add3A_482 : i32 to vector<16xi32>
          %add3A_484 = arith.addi %mul3A_481, %add3A_483 : vector<16xi32>
          %scatter3A_485 = arith.constant 256 : i32
          %scatter3A_486 = tpu.memref_slice %arg19[%scatter3A_485] : memref<2048xf32, #tpu.memory_space<vmem>> -> memref<256xf32, #tpu.memory_space<vmem>>
          tpu.vector_store_idx %scatter3A_486[%add3A_484], %gather3A_478 : memref<256xf32, #tpu.memory_space<vmem>>[vector<16xi32>], vector<16xf32>,
          %broadcast_in_dim3A_487 = arith.constant 8 : i32
          %broadcast_in_dim3A_488 = vector.broadcast %broadcast_in_dim3A_487 : i32 to vector<16xi32>
          %gather3A_489 = tpu.vector_load_idx %arg16[%broadcast_in_dim3A_488, %min3A_398] : memref<16x4096xf32, #tpu.memory_space<vmem>>[vector<16xi32>, vector<16xi32>], vector<16xf32>,
          %mul3A_490 = arith.constant 16 : i32
          %mul3A_491 = vector.broadcast %mul3A_490 : i32 to vector<16xi32>
          %mul3A_492 = arith.muli %iota3A, %mul3A_491 : vector<16xi32>
          %add3A_493 = arith.constant 8 : i32
          %add3A_494 = vector.broadcast %add3A_493 : i32 to vector<16xi32>
          %add3A_495 = arith.addi %mul3A_492, %add3A_494 : vector<16xi32>
          %scatter3A_496 = arith.constant 256 : i32
          %scatter3A_497 = tpu.memref_slice %arg19[%scatter3A_496] : memref<2048xf32, #tpu.memory_space<vmem>> -> memref<256xf32, #tpu.memory_space<vmem>>
          tpu.vector_store_idx %scatter3A_497[%add3A_495], %gather3A_489 : memref<256xf32, #tpu.memory_space<vmem>>[vector<16xi32>], vector<16xf32>,
          %broadcast_in_dim3A_498 = arith.constant 9 : i32
          %broadcast_in_dim3A_499 = vector.broadcast %broadcast_in_dim3A_498 : i32 to vector<16xi32>
          %gather3A_500 = tpu.vector_load_idx %arg16[%broadcast_in_dim3A_499, %min3A_398] : memref<16x4096xf32, #tpu.memory_space<vmem>>[vector<16xi32>, vector<16xi32>], vector<16xf32>,
          %mul3A_501 = arith.constant 16 : i32
          %mul3A_502 = vector.broadcast %mul3A_501 : i32 to vector<16xi32>
          %mul3A_503 = arith.muli %iota3A, %mul3A_502 : vector<16xi32>
          %add3A_504 = arith.constant 9 : i32
          %add3A_505 = vector.broadcast %add3A_504 : i32 to vector<16xi32>
          %add3A_506 = arith.addi %mul3A_503, %add3A_505 : vector<16xi32>
          %scatter3A_507 = arith.constant 256 : i32
          %scatter3A_508 = tpu.memref_slice %arg19[%scatter3A_507] : memref<2048xf32, #tpu.memory_space<vmem>> -> memref<256xf32, #tpu.memory_space<vmem>>
          tpu.vector_store_idx %scatter3A_508[%add3A_506], %gather3A_500 : memref<256xf32, #tpu.memory_space<vmem>>[vector<16xi32>], vector<16xf32>,
          %broadcast_in_dim3A_509 = arith.constant 10 : i32
          %broadcast_in_dim3A_510 = vector.broadcast %broadcast_in_dim3A_509 : i32 to vector<16xi32>
          %gather3A_511 = tpu.vector_load_idx %arg16[%broadcast_in_dim3A_510, %min3A_398] : memref<16x4096xf32, #tpu.memory_space<vmem>>[vector<16xi32>, vector<16xi32>], vector<16xf32>,
          %mul3A_512 = arith.constant 16 : i32
          %mul3A_513 = vector.broadcast %mul3A_512 : i32 to vector<16xi32>
          %mul3A_514 = arith.muli %iota3A, %mul3A_513 : vector<16xi32>
          %add3A_515 = arith.constant 10 : i32
          %add3A_516 = vector.broadcast %add3A_515 : i32 to vector<16xi32>
          %add3A_517 = arith.addi %mul3A_514, %add3A_516 : vector<16xi32>
          %scatter3A_518 = arith.constant 256 : i32
          %scatter3A_519 = tpu.memref_slice %arg19[%scatter3A_518] : memref<2048xf32, #tpu.memory_space<vmem>> -> memref<256xf32, #tpu.memory_space<vmem>>
          tpu.vector_store_idx %scatter3A_519[%add3A_517], %gather3A_511 : memref<256xf32, #tpu.memory_space<vmem>>[vector<16xi32>], vector<16xf32>,
          %broadcast_in_dim3A_520 = arith.constant 11 : i32
          %broadcast_in_dim3A_521 = vector.broadcast %broadcast_in_dim3A_520 : i32 to vector<16xi32>
          %gather3A_522 = tpu.vector_load_idx %arg16[%broadcast_in_dim3A_521, %min3A_398] : memref<16x4096xf32, #tpu.memory_space<vmem>>[vector<16xi32>, vector<16xi32>], vector<16xf32>,
          %mul3A_523 = arith.constant 16 : i32
          %mul3A_524 = vector.broadcast %mul3A_523 : i32 to vector<16xi32>
          %mul3A_525 = arith.muli %iota3A, %mul3A_524 : vector<16xi32>
          %add3A_526 = arith.constant 11 : i32
          %add3A_527 = vector.broadcast %add3A_526 : i32 to vector<16xi32>
          %add3A_528 = arith.addi %mul3A_525, %add3A_527 : vector<16xi32>
          %scatter3A_529 = arith.constant 256 : i32
          %scatter3A_530 = tpu.memref_slice %arg19[%scatter3A_529] : memref<2048xf32, #tpu.memory_space<vmem>> -> memref<256xf32, #tpu.memory_space<vmem>>
          tpu.vector_store_idx %scatter3A_530[%add3A_528], %gather3A_522 : memref<256xf32, #tpu.memory_space<vmem>>[vector<16xi32>], vector<16xf32>,
          %broadcast_in_dim3A_531 = arith.constant 12 : i32
          %broadcast_in_dim3A_532 = vector.broadcast %broadcast_in_dim3A_531 : i32 to vector<16xi32>
          %gather3A_533 = tpu.vector_load_idx %arg16[%broadcast_in_dim3A_532, %min3A_398] : memref<16x4096xf32, #tpu.memory_space<vmem>>[vector<16xi32>, vector<16xi32>], vector<16xf32>,
          %mul3A_534 = arith.constant 16 : i32
          %mul3A_535 = vector.broadcast %mul3A_534 : i32 to vector<16xi32>
          %mul3A_536 = arith.muli %iota3A, %mul3A_535 : vector<16xi32>
          %add3A_537 = arith.constant 12 : i32
          %add3A_538 = vector.broadcast %add3A_537 : i32 to vector<16xi32>
          %add3A_539 = arith.addi %mul3A_536, %add3A_538 : vector<16xi32>
          %scatter3A_540 = arith.constant 256 : i32
          %scatter3A_541 = tpu.memref_slice %arg19[%scatter3A_540] : memref<2048xf32, #tpu.memory_space<vmem>> -> memref<256xf32, #tpu.memory_space<vmem>>
          tpu.vector_store_idx %scatter3A_541[%add3A_539], %gather3A_533 : memref<256xf32, #tpu.memory_space<vmem>>[vector<16xi32>], vector<16xf32>,
          %broadcast_in_dim3A_542 = arith.constant 13 : i32
          %broadcast_in_dim3A_543 = vector.broadcast %broadcast_in_dim3A_542 : i32 to vector<16xi32>
          %gather3A_544 = tpu.vector_load_idx %arg16[%broadcast_in_dim3A_543, %min3A_398] : memref<16x4096xf32, #tpu.memory_space<vmem>>[vector<16xi32>, vector<16xi32>], vector<16xf32>,
          %mul3A_545 = arith.constant 16 : i32
          %mul3A_546 = vector.broadcast %mul3A_545 : i32 to vector<16xi32>
          %mul3A_547 = arith.muli %iota3A, %mul3A_546 : vector<16xi32>
          %add3A_548 = arith.constant 13 : i32
          %add3A_549 = vector.broadcast %add3A_548 : i32 to vector<16xi32>
          %add3A_550 = arith.addi %mul3A_547, %add3A_549 : vector<16xi32>
          %scatter3A_551 = arith.constant 256 : i32
          %scatter3A_552 = tpu.memref_slice %arg19[%scatter3A_551] : memref<2048xf32, #tpu.memory_space<vmem>> -> memref<256xf32, #tpu.memory_space<vmem>>
          tpu.vector_store_idx %scatter3A_552[%add3A_550], %gather3A_544 : memref<256xf32, #tpu.memory_space<vmem>>[vector<16xi32>], vector<16xf32>,
          %broadcast_in_dim3A_553 = arith.constant 14 : i32
          %broadcast_in_dim3A_554 = vector.broadcast %broadcast_in_dim3A_553 : i32 to vector<16xi32>
          %gather3A_555 = tpu.vector_load_idx %arg16[%broadcast_in_dim3A_554, %min3A_398] : memref<16x4096xf32, #tpu.memory_space<vmem>>[vector<16xi32>, vector<16xi32>], vector<16xf32>,
          %mul3A_556 = arith.constant 16 : i32
          %mul3A_557 = vector.broadcast %mul3A_556 : i32 to vector<16xi32>
          %mul3A_558 = arith.muli %iota3A, %mul3A_557 : vector<16xi32>
          %add3A_559 = arith.constant 14 : i32
          %add3A_560 = vector.broadcast %add3A_559 : i32 to vector<16xi32>
          %add3A_561 = arith.addi %mul3A_558, %add3A_560 : vector<16xi32>
          %scatter3A_562 = arith.constant 256 : i32
          %scatter3A_563 = tpu.memref_slice %arg19[%scatter3A_562] : memref<2048xf32, #tpu.memory_space<vmem>> -> memref<256xf32, #tpu.memory_space<vmem>>
          tpu.vector_store_idx %scatter3A_563[%add3A_561], %gather3A_555 : memref<256xf32, #tpu.memory_space<vmem>>[vector<16xi32>], vector<16xf32>,
          %broadcast_in_dim3A_564 = arith.constant 15 : i32
          %broadcast_in_dim3A_565 = vector.broadcast %broadcast_in_dim3A_564 : i32 to vector<16xi32>
          %gather3A_566 = tpu.vector_load_idx %arg16[%broadcast_in_dim3A_565, %min3A_398] : memref<16x4096xf32, #tpu.memory_space<vmem>>[vector<16xi32>, vector<16xi32>], vector<16xf32>,
          %mul3A_567 = arith.constant 16 : i32
          %mul3A_568 = vector.broadcast %mul3A_567 : i32 to vector<16xi32>
          %mul3A_569 = arith.muli %iota3A, %mul3A_568 : vector<16xi32>
          %add3A_570 = arith.constant 15 : i32
          %add3A_571 = vector.broadcast %add3A_570 : i32 to vector<16xi32>
          %add3A_572 = arith.addi %mul3A_569, %add3A_571 : vector<16xi32>
          %scatter3A_573 = arith.constant 256 : i32
          %scatter3A_574 = tpu.memref_slice %arg19[%scatter3A_573] : memref<2048xf32, #tpu.memory_space<vmem>> -> memref<256xf32, #tpu.memory_space<vmem>>
          tpu.vector_store_idx %scatter3A_574[%add3A_572], %gather3A_566 : memref<256xf32, #tpu.memory_space<vmem>>[vector<16xi32>], vector<16xf32>,
          %get3A_575 = arith.constant 32 : index
          %get3A_576 = tpu.vector_load %arg18[%get3A_575] {strides = array<i32>} : memref<128xi32, #tpu.memory_space<vmem>>, vector<16xi32>,
          %mul3A_577 = arith.constant 4096 : i32
          %mul3A_578 = arith.muli %add3A_86, %mul3A_577 : i32
          %sub3A_579 = vector.broadcast %mul3A_578 : i32 to vector<16xi32>
          %sub3A_580 = arith.subi %get3A_576, %sub3A_579 : vector<16xi32>
          %jit3A_581 = arith.constant 0 : i32
          %jit3A_582 = arith.constant 4095 : i32
          %max3A_583 = vector.broadcast %jit3A_581 : i32 to vector<16xi32>
          %max3A_584 = arith.maxsi %max3A_583, %sub3A_580 : vector<16xi32>
          %min3A_585 = vector.broadcast %jit3A_582 : i32 to vector<16xi32>
          %min3A_586 = arith.minsi %min3A_585, %max3A_584 : vector<16xi32>
          %broadcast_in_dim3A_587 = arith.constant 0 : i32
          %broadcast_in_dim3A_588 = vector.broadcast %broadcast_in_dim3A_587 : i32 to vector<16xi32>
          %gather3A_589 = tpu.vector_load_idx %arg16[%broadcast_in_dim3A_588, %min3A_586] : memref<16x4096xf32, #tpu.memory_space<vmem>>[vector<16xi32>, vector<16xi32>], vector<16xf32>,
          %mul3A_590 = arith.constant 16 : i32
          %mul3A_591 = vector.broadcast %mul3A_590 : i32 to vector<16xi32>
          %mul3A_592 = arith.muli %iota3A, %mul3A_591 : vector<16xi32>
          %add3A_593 = arith.constant 0 : i32
          %add3A_594 = vector.broadcast %add3A_593 : i32 to vector<16xi32>
          %add3A_595 = arith.addi %mul3A_592, %add3A_594 : vector<16xi32>
          %scatter3A_596 = arith.constant 512 : i32
          %scatter3A_597 = tpu.memref_slice %arg19[%scatter3A_596] : memref<2048xf32, #tpu.memory_space<vmem>> -> memref<256xf32, #tpu.memory_space<vmem>>
          tpu.vector_store_idx %scatter3A_597[%add3A_595], %gather3A_589 : memref<256xf32, #tpu.memory_space<vmem>>[vector<16xi32>], vector<16xf32>,
          %broadcast_in_dim3A_598 = arith.constant 1 : i32
          %broadcast_in_dim3A_599 = vector.broadcast %broadcast_in_dim3A_598 : i32 to vector<16xi32>
          %gather3A_600 = tpu.vector_load_idx %arg16[%broadcast_in_dim3A_599, %min3A_586] : memref<16x4096xf32, #tpu.memory_space<vmem>>[vector<16xi32>, vector<16xi32>], vector<16xf32>,
          %mul3A_601 = arith.constant 16 : i32
          %mul3A_602 = vector.broadcast %mul3A_601 : i32 to vector<16xi32>
          %mul3A_603 = arith.muli %iota3A, %mul3A_602 : vector<16xi32>
          %add3A_604 = arith.constant 1 : i32
          %add3A_605 = vector.broadcast %add3A_604 : i32 to vector<16xi32>
          %add3A_606 = arith.addi %mul3A_603, %add3A_605 : vector<16xi32>
          %scatter3A_607 = arith.constant 512 : i32
          %scatter3A_608 = tpu.memref_slice %arg19[%scatter3A_607] : memref<2048xf32, #tpu.memory_space<vmem>> -> memref<256xf32, #tpu.memory_space<vmem>>
          tpu.vector_store_idx %scatter3A_608[%add3A_606], %gather3A_600 : memref<256xf32, #tpu.memory_space<vmem>>[vector<16xi32>], vector<16xf32>,
          %broadcast_in_dim3A_609 = arith.constant 2 : i32
          %broadcast_in_dim3A_610 = vector.broadcast %broadcast_in_dim3A_609 : i32 to vector<16xi32>
          %gather3A_611 = tpu.vector_load_idx %arg16[%broadcast_in_dim3A_610, %min3A_586] : memref<16x4096xf32, #tpu.memory_space<vmem>>[vector<16xi32>, vector<16xi32>], vector<16xf32>,
          %mul3A_612 = arith.constant 16 : i32
          %mul3A_613 = vector.broadcast %mul3A_612 : i32 to vector<16xi32>
          %mul3A_614 = arith.muli %iota3A, %mul3A_613 : vector<16xi32>
          %add3A_615 = arith.constant 2 : i32
          %add3A_616 = vector.broadcast %add3A_615 : i32 to vector<16xi32>
          %add3A_617 = arith.addi %mul3A_614, %add3A_616 : vector<16xi32>
          %scatter3A_618 = arith.constant 512 : i32
          %scatter3A_619 = tpu.memref_slice %arg19[%scatter3A_618] : memref<2048xf32, #tpu.memory_space<vmem>> -> memref<256xf32, #tpu.memory_space<vmem>>
          tpu.vector_store_idx %scatter3A_619[%add3A_617], %gather3A_611 : memref<256xf32, #tpu.memory_space<vmem>>[vector<16xi32>], vector<16xf32>,
          %broadcast_in_dim3A_620 = arith.constant 3 : i32
          %broadcast_in_dim3A_621 = vector.broadcast %broadcast_in_dim3A_620 : i32 to vector<16xi32>
          %gather3A_622 = tpu.vector_load_idx %arg16[%broadcast_in_dim3A_621, %min3A_586] : memref<16x4096xf32, #tpu.memory_space<vmem>>[vector<16xi32>, vector<16xi32>], vector<16xf32>,
          %mul3A_623 = arith.constant 16 : i32
          %mul3A_624 = vector.broadcast %mul3A_623 : i32 to vector<16xi32>
          %mul3A_625 = arith.muli %iota3A, %mul3A_624 : vector<16xi32>
          %add3A_626 = arith.constant 3 : i32
          %add3A_627 = vector.broadcast %add3A_626 : i32 to vector<16xi32>
          %add3A_628 = arith.addi %mul3A_625, %add3A_627 : vector<16xi32>
          %scatter3A_629 = arith.constant 512 : i32
          %scatter3A_630 = tpu.memref_slice %arg19[%scatter3A_629] : memref<2048xf32, #tpu.memory_space<vmem>> -> memref<256xf32, #tpu.memory_space<vmem>>
          tpu.vector_store_idx %scatter3A_630[%add3A_628], %gather3A_622 : memref<256xf32, #tpu.memory_space<vmem>>[vector<16xi32>], vector<16xf32>,
          %broadcast_in_dim3A_631 = arith.constant 4 : i32
          %broadcast_in_dim3A_632 = vector.broadcast %broadcast_in_dim3A_631 : i32 to vector<16xi32>
          %gather3A_633 = tpu.vector_load_idx %arg16[%broadcast_in_dim3A_632, %min3A_586] : memref<16x4096xf32, #tpu.memory_space<vmem>>[vector<16xi32>, vector<16xi32>], vector<16xf32>,
          %mul3A_634 = arith.constant 16 : i32
          %mul3A_635 = vector.broadcast %mul3A_634 : i32 to vector<16xi32>
          %mul3A_636 = arith.muli %iota3A, %mul3A_635 : vector<16xi32>
          %add3A_637 = arith.constant 4 : i32
          %add3A_638 = vector.broadcast %add3A_637 : i32 to vector<16xi32>
          %add3A_639 = arith.addi %mul3A_636, %add3A_638 : vector<16xi32>
          %scatter3A_640 = arith.constant 512 : i32
          %scatter3A_641 = tpu.memref_slice %arg19[%scatter3A_640] : memref<2048xf32, #tpu.memory_space<vmem>> -> memref<256xf32, #tpu.memory_space<vmem>>
          tpu.vector_store_idx %scatter3A_641[%add3A_639], %gather3A_633 : memref<256xf32, #tpu.memory_space<vmem>>[vector<16xi32>], vector<16xf32>,
          %broadcast_in_dim3A_642 = arith.constant 5 : i32
          %broadcast_in_dim3A_643 = vector.broadcast %broadcast_in_dim3A_642 : i32 to vector<16xi32>
          %gather3A_644 = tpu.vector_load_idx %arg16[%broadcast_in_dim3A_643, %min3A_586] : memref<16x4096xf32, #tpu.memory_space<vmem>>[vector<16xi32>, vector<16xi32>], vector<16xf32>,
          %mul3A_645 = arith.constant 16 : i32
          %mul3A_646 = vector.broadcast %mul3A_645 : i32 to vector<16xi32>
          %mul3A_647 = arith.muli %iota3A, %mul3A_646 : vector<16xi32>
          %add3A_648 = arith.constant 5 : i32
          %add3A_649 = vector.broadcast %add3A_648 : i32 to vector<16xi32>
          %add3A_650 = arith.addi %mul3A_647, %add3A_649 : vector<16xi32>
          %scatter3A_651 = arith.constant 512 : i32
          %scatter3A_652 = tpu.memref_slice %arg19[%scatter3A_651] : memref<2048xf32, #tpu.memory_space<vmem>> -> memref<256xf32, #tpu.memory_space<vmem>>
          tpu.vector_store_idx %scatter3A_652[%add3A_650], %gather3A_644 : memref<256xf32, #tpu.memory_space<vmem>>[vector<16xi32>], vector<16xf32>,
          %broadcast_in_dim3A_653 = arith.constant 6 : i32
          %broadcast_in_dim3A_654 = vector.broadcast %broadcast_in_dim3A_653 : i32 to vector<16xi32>
          %gather3A_655 = tpu.vector_load_idx %arg16[%broadcast_in_dim3A_654, %min3A_586] : memref<16x4096xf32, #tpu.memory_space<vmem>>[vector<16xi32>, vector<16xi32>], vector<16xf32>,
          %mul3A_656 = arith.constant 16 : i32
          %mul3A_657 = vector.broadcast %mul3A_656 : i32 to vector<16xi32>
          %mul3A_658 = arith.muli %iota3A, %mul3A_657 : vector<16xi32>
          %add3A_659 = arith.constant 6 : i32
          %add3A_660 = vector.broadcast %add3A_659 : i32 to vector<16xi32>
          %add3A_661 = arith.addi %mul3A_658, %add3A_660 : vector<16xi32>
          %scatter3A_662 = arith.constant 512 : i32
          %scatter3A_663 = tpu.memref_slice %arg19[%scatter3A_662] : memref<2048xf32, #tpu.memory_space<vmem>> -> memref<256xf32, #tpu.memory_space<vmem>>
          tpu.vector_store_idx %scatter3A_663[%add3A_661], %gather3A_655 : memref<256xf32, #tpu.memory_space<vmem>>[vector<16xi32>], vector<16xf32>,
          %broadcast_in_dim3A_664 = arith.constant 7 : i32
          %broadcast_in_dim3A_665 = vector.broadcast %broadcast_in_dim3A_664 : i32 to vector<16xi32>
          %gather3A_666 = tpu.vector_load_idx %arg16[%broadcast_in_dim3A_665, %min3A_586] : memref<16x4096xf32, #tpu.memory_space<vmem>>[vector<16xi32>, vector<16xi32>], vector<16xf32>,
          %mul3A_667 = arith.constant 16 : i32
          %mul3A_668 = vector.broadcast %mul3A_667 : i32 to vector<16xi32>
          %mul3A_669 = arith.muli %iota3A, %mul3A_668 : vector<16xi32>
          %add3A_670 = arith.constant 7 : i32
          %add3A_671 = vector.broadcast %add3A_670 : i32 to vector<16xi32>
          %add3A_672 = arith.addi %mul3A_669, %add3A_671 : vector<16xi32>
          %scatter3A_673 = arith.constant 512 : i32
          %scatter3A_674 = tpu.memref_slice %arg19[%scatter3A_673] : memref<2048xf32, #tpu.memory_space<vmem>> -> memref<256xf32, #tpu.memory_space<vmem>>
          tpu.vector_store_idx %scatter3A_674[%add3A_672], %gather3A_666 : memref<256xf32, #tpu.memory_space<vmem>>[vector<16xi32>], vector<16xf32>,
          %broadcast_in_dim3A_675 = arith.constant 8 : i32
          %broadcast_in_dim3A_676 = vector.broadcast %broadcast_in_dim3A_675 : i32 to vector<16xi32>
          %gather3A_677 = tpu.vector_load_idx %arg16[%broadcast_in_dim3A_676, %min3A_586] : memref<16x4096xf32, #tpu.memory_space<vmem>>[vector<16xi32>, vector<16xi32>], vector<16xf32>,
          %mul3A_678 = arith.constant 16 : i32
          %mul3A_679 = vector.broadcast %mul3A_678 : i32 to vector<16xi32>
          %mul3A_680 = arith.muli %iota3A, %mul3A_679 : vector<16xi32>
          %add3A_681 = arith.constant 8 : i32
          %add3A_682 = vector.broadcast %add3A_681 : i32 to vector<16xi32>
          %add3A_683 = arith.addi %mul3A_680, %add3A_682 : vector<16xi32>
          %scatter3A_684 = arith.constant 512 : i32
          %scatter3A_685 = tpu.memref_slice %arg19[%scatter3A_684] : memref<2048xf32, #tpu.memory_space<vmem>> -> memref<256xf32, #tpu.memory_space<vmem>>
          tpu.vector_store_idx %scatter3A_685[%add3A_683], %gather3A_677 : memref<256xf32, #tpu.memory_space<vmem>>[vector<16xi32>], vector<16xf32>,
          %broadcast_in_dim3A_686 = arith.constant 9 : i32
          %broadcast_in_dim3A_687 = vector.broadcast %broadcast_in_dim3A_686 : i32 to vector<16xi32>
          %gather3A_688 = tpu.vector_load_idx %arg16[%broadcast_in_dim3A_687, %min3A_586] : memref<16x4096xf32, #tpu.memory_space<vmem>>[vector<16xi32>, vector<16xi32>], vector<16xf32>,
          %mul3A_689 = arith.constant 16 : i32
          %mul3A_690 = vector.broadcast %mul3A_689 : i32 to vector<16xi32>
          %mul3A_691 = arith.muli %iota3A, %mul3A_690 : vector<16xi32>
          %add3A_692 = arith.constant 9 : i32
          %add3A_693 = vector.broadcast %add3A_692 : i32 to vector<16xi32>
          %add3A_694 = arith.addi %mul3A_691, %add3A_693 : vector<16xi32>
          %scatter3A_695 = arith.constant 512 : i32
          %scatter3A_696 = tpu.memref_slice %arg19[%scatter3A_695] : memref<2048xf32, #tpu.memory_space<vmem>> -> memref<256xf32, #tpu.memory_space<vmem>>
          tpu.vector_store_idx %scatter3A_696[%add3A_694], %gather3A_688 : memref<256xf32, #tpu.memory_space<vmem>>[vector<16xi32>], vector<16xf32>,
          %broadcast_in_dim3A_697 = arith.constant 10 : i32
          %broadcast_in_dim3A_698 = vector.broadcast %broadcast_in_dim3A_697 : i32 to vector<16xi32>
          %gather3A_699 = tpu.vector_load_idx %arg16[%broadcast_in_dim3A_698, %min3A_586] : memref<16x4096xf32, #tpu.memory_space<vmem>>[vector<16xi32>, vector<16xi32>], vector<16xf32>,
          %mul3A_700 = arith.constant 16 : i32
          %mul3A_701 = vector.broadcast %mul3A_700 : i32 to vector<16xi32>
          %mul3A_702 = arith.muli %iota3A, %mul3A_701 : vector<16xi32>
          %add3A_703 = arith.constant 10 : i32
          %add3A_704 = vector.broadcast %add3A_703 : i32 to vector<16xi32>
          %add3A_705 = arith.addi %mul3A_702, %add3A_704 : vector<16xi32>
          %scatter3A_706 = arith.constant 512 : i32
          %scatter3A_707 = tpu.memref_slice %arg19[%scatter3A_706] : memref<2048xf32, #tpu.memory_space<vmem>> -> memref<256xf32, #tpu.memory_space<vmem>>
          tpu.vector_store_idx %scatter3A_707[%add3A_705], %gather3A_699 : memref<256xf32, #tpu.memory_space<vmem>>[vector<16xi32>], vector<16xf32>,
          %broadcast_in_dim3A_708 = arith.constant 11 : i32
          %broadcast_in_dim3A_709 = vector.broadcast %broadcast_in_dim3A_708 : i32 to vector<16xi32>
          %gather3A_710 = tpu.vector_load_idx %arg16[%broadcast_in_dim3A_709, %min3A_586] : memref<16x4096xf32, #tpu.memory_space<vmem>>[vector<16xi32>, vector<16xi32>], vector<16xf32>,
          %mul3A_711 = arith.constant 16 : i32
          %mul3A_712 = vector.broadcast %mul3A_711 : i32 to vector<16xi32>
          %mul3A_713 = arith.muli %iota3A, %mul3A_712 : vector<16xi32>
          %add3A_714 = arith.constant 11 : i32
          %add3A_715 = vector.broadcast %add3A_714 : i32 to vector<16xi32>
          %add3A_716 = arith.addi %mul3A_713, %add3A_715 : vector<16xi32>
          %scatter3A_717 = arith.constant 512 : i32
          %scatter3A_718 = tpu.memref_slice %arg19[%scatter3A_717] : memref<2048xf32, #tpu.memory_space<vmem>> -> memref<256xf32, #tpu.memory_space<vmem>>
          tpu.vector_store_idx %scatter3A_718[%add3A_716], %gather3A_710 : memref<256xf32, #tpu.memory_space<vmem>>[vector<16xi32>], vector<16xf32>,
          %broadcast_in_dim3A_719 = arith.constant 12 : i32
          %broadcast_in_dim3A_720 = vector.broadcast %broadcast_in_dim3A_719 : i32 to vector<16xi32>
          %gather3A_721 = tpu.vector_load_idx %arg16[%broadcast_in_dim3A_720, %min3A_586] : memref<16x4096xf32, #tpu.memory_space<vmem>>[vector<16xi32>, vector<16xi32>], vector<16xf32>,
          %mul3A_722 = arith.constant 16 : i32
          %mul3A_723 = vector.broadcast %mul3A_722 : i32 to vector<16xi32>
          %mul3A_724 = arith.muli %iota3A, %mul3A_723 : vector<16xi32>
          %add3A_725 = arith.constant 12 : i32
          %add3A_726 = vector.broadcast %add3A_725 : i32 to vector<16xi32>
          %add3A_727 = arith.addi %mul3A_724, %add3A_726 : vector<16xi32>
          %scatter3A_728 = arith.constant 512 : i32
          %scatter3A_729 = tpu.memref_slice %arg19[%scatter3A_728] : memref<2048xf32, #tpu.memory_space<vmem>> -> memref<256xf32, #tpu.memory_space<vmem>>
          tpu.vector_store_idx %scatter3A_729[%add3A_727], %gather3A_721 : memref<256xf32, #tpu.memory_space<vmem>>[vector<16xi32>], vector<16xf32>,
          %broadcast_in_dim3A_730 = arith.constant 13 : i32
          %broadcast_in_dim3A_731 = vector.broadcast %broadcast_in_dim3A_730 : i32 to vector<16xi32>
          %gather3A_732 = tpu.vector_load_idx %arg16[%broadcast_in_dim3A_731, %min3A_586] : memref<16x4096xf32, #tpu.memory_space<vmem>>[vector<16xi32>, vector<16xi32>], vector<16xf32>,
          %mul3A_733 = arith.constant 16 : i32
          %mul3A_734 = vector.broadcast %mul3A_733 : i32 to vector<16xi32>
          %mul3A_735 = arith.muli %iota3A, %mul3A_734 : vector<16xi32>
          %add3A_736 = arith.constant 13 : i32
          %add3A_737 = vector.broadcast %add3A_736 : i32 to vector<16xi32>
          %add3A_738 = arith.addi %mul3A_735, %add3A_737 : vector<16xi32>
          %scatter3A_739 = arith.constant 512 : i32
          %scatter3A_740 = tpu.memref_slice %arg19[%scatter3A_739] : memref<2048xf32, #tpu.memory_space<vmem>> -> memref<256xf32, #tpu.memory_space<vmem>>
          tpu.vector_store_idx %scatter3A_740[%add3A_738], %gather3A_732 : memref<256xf32, #tpu.memory_space<vmem>>[vector<16xi32>], vector<16xf32>,
          %broadcast_in_dim3A_741 = arith.constant 14 : i32
          %broadcast_in_dim3A_742 = vector.broadcast %broadcast_in_dim3A_741 : i32 to vector<16xi32>
          %gather3A_743 = tpu.vector_load_idx %arg16[%broadcast_in_dim3A_742, %min3A_586] : memref<16x4096xf32, #tpu.memory_space<vmem>>[vector<16xi32>, vector<16xi32>], vector<16xf32>,
          %mul3A_744 = arith.constant 16 : i32
          %mul3A_745 = vector.broadcast %mul3A_744 : i32 to vector<16xi32>
          %mul3A_746 = arith.muli %iota3A, %mul3A_745 : vector<16xi32>
          %add3A_747 = arith.constant 14 : i32
          %add3A_748 = vector.broadcast %add3A_747 : i32 to vector<16xi32>
          %add3A_749 = arith.addi %mul3A_746, %add3A_748 : vector<16xi32>
          %scatter3A_750 = arith.constant 512 : i32
          %scatter3A_751 = tpu.memref_slice %arg19[%scatter3A_750] : memref<2048xf32, #tpu.memory_space<vmem>> -> memref<256xf32, #tpu.memory_space<vmem>>
          tpu.vector_store_idx %scatter3A_751[%add3A_749], %gather3A_743 : memref<256xf32, #tpu.memory_space<vmem>>[vector<16xi32>], vector<16xf32>,
          %broadcast_in_dim3A_752 = arith.constant 15 : i32
          %broadcast_in_dim3A_753 = vector.broadcast %broadcast_in_dim3A_752 : i32 to vector<16xi32>
          %gather3A_754 = tpu.vector_load_idx %arg16[%broadcast_in_dim3A_753, %min3A_586] : memref<16x4096xf32, #tpu.memory_space<vmem>>[vector<16xi32>, vector<16xi32>], vector<16xf32>,
          %mul3A_755 = arith.constant 16 : i32
          %mul3A_756 = vector.broadcast %mul3A_755 : i32 to vector<16xi32>
          %mul3A_757 = arith.muli %iota3A, %mul3A_756 : vector<16xi32>
          %add3A_758 = arith.constant 15 : i32
          %add3A_759 = vector.broadcast %add3A_758 : i32 to vector<16xi32>
          %add3A_760 = arith.addi %mul3A_757, %add3A_759 : vector<16xi32>
          %scatter3A_761 = arith.constant 512 : i32
          %scatter3A_762 = tpu.memref_slice %arg19[%scatter3A_761] : memref<2048xf32, #tpu.memory_space<vmem>> -> memref<256xf32, #tpu.memory_space<vmem>>
          tpu.vector_store_idx %scatter3A_762[%add3A_760], %gather3A_754 : memref<256xf32, #tpu.memory_space<vmem>>[vector<16xi32>], vector<16xf32>,
          %get3A_763 = arith.constant 48 : index
          %get3A_764 = tpu.vector_load %arg18[%get3A_763] {strides = array<i32>} : memref<128xi32, #tpu.memory_space<vmem>>, vector<16xi32>,
          %mul3A_765 = arith.constant 4096 : i32
          %mul3A_766 = arith.muli %add3A_86, %mul3A_765 : i32
          %sub3A_767 = vector.broadcast %mul3A_766 : i32 to vector<16xi32>
          %sub3A_768 = arith.subi %get3A_764, %sub3A_767 : vector<16xi32>
          %jit3A_769 = arith.constant 0 : i32
          %jit3A_770 = arith.constant 4095 : i32
          %max3A_771 = vector.broadcast %jit3A_769 : i32 to vector<16xi32>
          %max3A_772 = arith.maxsi %max3A_771, %sub3A_768 : vector<16xi32>
          %min3A_773 = vector.broadcast %jit3A_770 : i32 to vector<16xi32>
          %min3A_774 = arith.minsi %min3A_773, %max3A_772 : vector<16xi32>
          %broadcast_in_dim3A_775 = arith.constant 0 : i32
          %broadcast_in_dim3A_776 = vector.broadcast %broadcast_in_dim3A_775 : i32 to vector<16xi32>
          %gather3A_777 = tpu.vector_load_idx %arg16[%broadcast_in_dim3A_776, %min3A_774] : memref<16x4096xf32, #tpu.memory_space<vmem>>[vector<16xi32>, vector<16xi32>], vector<16xf32>,
          %mul3A_778 = arith.constant 16 : i32
          %mul3A_779 = vector.broadcast %mul3A_778 : i32 to vector<16xi32>
          %mul3A_780 = arith.muli %iota3A, %mul3A_779 : vector<16xi32>
          %add3A_781 = arith.constant 0 : i32
          %add3A_782 = vector.broadcast %add3A_781 : i32 to vector<16xi32>
          %add3A_783 = arith.addi %mul3A_780, %add3A_782 : vector<16xi32>
          %scatter3A_784 = arith.constant 768 : i32
          %scatter3A_785 = tpu.memref_slice %arg19[%scatter3A_784] : memref<2048xf32, #tpu.memory_space<vmem>> -> memref<256xf32, #tpu.memory_space<vmem>>
          tpu.vector_store_idx %scatter3A_785[%add3A_783], %gather3A_777 : memref<256xf32, #tpu.memory_space<vmem>>[vector<16xi32>], vector<16xf32>,
          %broadcast_in_dim3A_786 = arith.constant 1 : i32
          %broadcast_in_dim3A_787 = vector.broadcast %broadcast_in_dim3A_786 : i32 to vector<16xi32>
          %gather3A_788 = tpu.vector_load_idx %arg16[%broadcast_in_dim3A_787, %min3A_774] : memref<16x4096xf32, #tpu.memory_space<vmem>>[vector<16xi32>, vector<16xi32>], vector<16xf32>,
          %mul3A_789 = arith.constant 16 : i32
          %mul3A_790 = vector.broadcast %mul3A_789 : i32 to vector<16xi32>
          %mul3A_791 = arith.muli %iota3A, %mul3A_790 : vector<16xi32>
          %add3A_792 = arith.constant 1 : i32
          %add3A_793 = vector.broadcast %add3A_792 : i32 to vector<16xi32>
          %add3A_794 = arith.addi %mul3A_791, %add3A_793 : vector<16xi32>
          %scatter3A_795 = arith.constant 768 : i32
          %scatter3A_796 = tpu.memref_slice %arg19[%scatter3A_795] : memref<2048xf32, #tpu.memory_space<vmem>> -> memref<256xf32, #tpu.memory_space<vmem>>
          tpu.vector_store_idx %scatter3A_796[%add3A_794], %gather3A_788 : memref<256xf32, #tpu.memory_space<vmem>>[vector<16xi32>], vector<16xf32>,
          %broadcast_in_dim3A_797 = arith.constant 2 : i32
          %broadcast_in_dim3A_798 = vector.broadcast %broadcast_in_dim3A_797 : i32 to vector<16xi32>
          %gather3A_799 = tpu.vector_load_idx %arg16[%broadcast_in_dim3A_798, %min3A_774] : memref<16x4096xf32, #tpu.memory_space<vmem>>[vector<16xi32>, vector<16xi32>], vector<16xf32>,
          %mul3A_800 = arith.constant 16 : i32
          %mul3A_801 = vector.broadcast %mul3A_800 : i32 to vector<16xi32>
          %mul3A_802 = arith.muli %iota3A, %mul3A_801 : vector<16xi32>
          %add3A_803 = arith.constant 2 : i32
          %add3A_804 = vector.broadcast %add3A_803 : i32 to vector<16xi32>
          %add3A_805 = arith.addi %mul3A_802, %add3A_804 : vector<16xi32>
          %scatter3A_806 = arith.constant 768 : i32
          %scatter3A_807 = tpu.memref_slice %arg19[%scatter3A_806] : memref<2048xf32, #tpu.memory_space<vmem>> -> memref<256xf32, #tpu.memory_space<vmem>>
          tpu.vector_store_idx %scatter3A_807[%add3A_805], %gather3A_799 : memref<256xf32, #tpu.memory_space<vmem>>[vector<16xi32>], vector<16xf32>,
          %broadcast_in_dim3A_808 = arith.constant 3 : i32
          %broadcast_in_dim3A_809 = vector.broadcast %broadcast_in_dim3A_808 : i32 to vector<16xi32>
          %gather3A_810 = tpu.vector_load_idx %arg16[%broadcast_in_dim3A_809, %min3A_774] : memref<16x4096xf32, #tpu.memory_space<vmem>>[vector<16xi32>, vector<16xi32>], vector<16xf32>,
          %mul3A_811 = arith.constant 16 : i32
          %mul3A_812 = vector.broadcast %mul3A_811 : i32 to vector<16xi32>
          %mul3A_813 = arith.muli %iota3A, %mul3A_812 : vector<16xi32>
          %add3A_814 = arith.constant 3 : i32
          %add3A_815 = vector.broadcast %add3A_814 : i32 to vector<16xi32>
          %add3A_816 = arith.addi %mul3A_813, %add3A_815 : vector<16xi32>
          %scatter3A_817 = arith.constant 768 : i32
          %scatter3A_818 = tpu.memref_slice %arg19[%scatter3A_817] : memref<2048xf32, #tpu.memory_space<vmem>> -> memref<256xf32, #tpu.memory_space<vmem>>
          tpu.vector_store_idx %scatter3A_818[%add3A_816], %gather3A_810 : memref<256xf32, #tpu.memory_space<vmem>>[vector<16xi32>], vector<16xf32>,
          %broadcast_in_dim3A_819 = arith.constant 4 : i32
          %broadcast_in_dim3A_820 = vector.broadcast %broadcast_in_dim3A_819 : i32 to vector<16xi32>
          %gather3A_821 = tpu.vector_load_idx %arg16[%broadcast_in_dim3A_820, %min3A_774] : memref<16x4096xf32, #tpu.memory_space<vmem>>[vector<16xi32>, vector<16xi32>], vector<16xf32>,
          %mul3A_822 = arith.constant 16 : i32
          %mul3A_823 = vector.broadcast %mul3A_822 : i32 to vector<16xi32>
          %mul3A_824 = arith.muli %iota3A, %mul3A_823 : vector<16xi32>
          %add3A_825 = arith.constant 4 : i32
          %add3A_826 = vector.broadcast %add3A_825 : i32 to vector<16xi32>
          %add3A_827 = arith.addi %mul3A_824, %add3A_826 : vector<16xi32>
          %scatter3A_828 = arith.constant 768 : i32
          %scatter3A_829 = tpu.memref_slice %arg19[%scatter3A_828] : memref<2048xf32, #tpu.memory_space<vmem>> -> memref<256xf32, #tpu.memory_space<vmem>>
          tpu.vector_store_idx %scatter3A_829[%add3A_827], %gather3A_821 : memref<256xf32, #tpu.memory_space<vmem>>[vector<16xi32>], vector<16xf32>,
          %broadcast_in_dim3A_830 = arith.constant 5 : i32
          %broadcast_in_dim3A_831 = vector.broadcast %broadcast_in_dim3A_830 : i32 to vector<16xi32>
          %gather3A_832 = tpu.vector_load_idx %arg16[%broadcast_in_dim3A_831, %min3A_774] : memref<16x4096xf32, #tpu.memory_space<vmem>>[vector<16xi32>, vector<16xi32>], vector<16xf32>,
          %mul3A_833 = arith.constant 16 : i32
          %mul3A_834 = vector.broadcast %mul3A_833 : i32 to vector<16xi32>
          %mul3A_835 = arith.muli %iota3A, %mul3A_834 : vector<16xi32>
          %add3A_836 = arith.constant 5 : i32
          %add3A_837 = vector.broadcast %add3A_836 : i32 to vector<16xi32>
          %add3A_838 = arith.addi %mul3A_835, %add3A_837 : vector<16xi32>
          %scatter3A_839 = arith.constant 768 : i32
          %scatter3A_840 = tpu.memref_slice %arg19[%scatter3A_839] : memref<2048xf32, #tpu.memory_space<vmem>> -> memref<256xf32, #tpu.memory_space<vmem>>
          tpu.vector_store_idx %scatter3A_840[%add3A_838], %gather3A_832 : memref<256xf32, #tpu.memory_space<vmem>>[vector<16xi32>], vector<16xf32>,
          %broadcast_in_dim3A_841 = arith.constant 6 : i32
          %broadcast_in_dim3A_842 = vector.broadcast %broadcast_in_dim3A_841 : i32 to vector<16xi32>
          %gather3A_843 = tpu.vector_load_idx %arg16[%broadcast_in_dim3A_842, %min3A_774] : memref<16x4096xf32, #tpu.memory_space<vmem>>[vector<16xi32>, vector<16xi32>], vector<16xf32>,
          %mul3A_844 = arith.constant 16 : i32
          %mul3A_845 = vector.broadcast %mul3A_844 : i32 to vector<16xi32>
          %mul3A_846 = arith.muli %iota3A, %mul3A_845 : vector<16xi32>
          %add3A_847 = arith.constant 6 : i32
          %add3A_848 = vector.broadcast %add3A_847 : i32 to vector<16xi32>
          %add3A_849 = arith.addi %mul3A_846, %add3A_848 : vector<16xi32>
          %scatter3A_850 = arith.constant 768 : i32
          %scatter3A_851 = tpu.memref_slice %arg19[%scatter3A_850] : memref<2048xf32, #tpu.memory_space<vmem>> -> memref<256xf32, #tpu.memory_space<vmem>>
          tpu.vector_store_idx %scatter3A_851[%add3A_849], %gather3A_843 : memref<256xf32, #tpu.memory_space<vmem>>[vector<16xi32>], vector<16xf32>,
          %broadcast_in_dim3A_852 = arith.constant 7 : i32
          %broadcast_in_dim3A_853 = vector.broadcast %broadcast_in_dim3A_852 : i32 to vector<16xi32>
          %gather3A_854 = tpu.vector_load_idx %arg16[%broadcast_in_dim3A_853, %min3A_774] : memref<16x4096xf32, #tpu.memory_space<vmem>>[vector<16xi32>, vector<16xi32>], vector<16xf32>,
          %mul3A_855 = arith.constant 16 : i32
          %mul3A_856 = vector.broadcast %mul3A_855 : i32 to vector<16xi32>
          %mul3A_857 = arith.muli %iota3A, %mul3A_856 : vector<16xi32>
          %add3A_858 = arith.constant 7 : i32
          %add3A_859 = vector.broadcast %add3A_858 : i32 to vector<16xi32>
          %add3A_860 = arith.addi %mul3A_857, %add3A_859 : vector<16xi32>
          %scatter3A_861 = arith.constant 768 : i32
          %scatter3A_862 = tpu.memref_slice %arg19[%scatter3A_861] : memref<2048xf32, #tpu.memory_space<vmem>> -> memref<256xf32, #tpu.memory_space<vmem>>
          tpu.vector_store_idx %scatter3A_862[%add3A_860], %gather3A_854 : memref<256xf32, #tpu.memory_space<vmem>>[vector<16xi32>], vector<16xf32>,
          %broadcast_in_dim3A_863 = arith.constant 8 : i32
          %broadcast_in_dim3A_864 = vector.broadcast %broadcast_in_dim3A_863 : i32 to vector<16xi32>
          %gather3A_865 = tpu.vector_load_idx %arg16[%broadcast_in_dim3A_864, %min3A_774] : memref<16x4096xf32, #tpu.memory_space<vmem>>[vector<16xi32>, vector<16xi32>], vector<16xf32>,
          %mul3A_866 = arith.constant 16 : i32
          %mul3A_867 = vector.broadcast %mul3A_866 : i32 to vector<16xi32>
          %mul3A_868 = arith.muli %iota3A, %mul3A_867 : vector<16xi32>
          %add3A_869 = arith.constant 8 : i32
          %add3A_870 = vector.broadcast %add3A_869 : i32 to vector<16xi32>
          %add3A_871 = arith.addi %mul3A_868, %add3A_870 : vector<16xi32>
          %scatter3A_872 = arith.constant 768 : i32
          %scatter3A_873 = tpu.memref_slice %arg19[%scatter3A_872] : memref<2048xf32, #tpu.memory_space<vmem>> -> memref<256xf32, #tpu.memory_space<vmem>>
          tpu.vector_store_idx %scatter3A_873[%add3A_871], %gather3A_865 : memref<256xf32, #tpu.memory_space<vmem>>[vector<16xi32>], vector<16xf32>,
          %broadcast_in_dim3A_874 = arith.constant 9 : i32
          %broadcast_in_dim3A_875 = vector.broadcast %broadcast_in_dim3A_874 : i32 to vector<16xi32>
          %gather3A_876 = tpu.vector_load_idx %arg16[%broadcast_in_dim3A_875, %min3A_774] : memref<16x4096xf32, #tpu.memory_space<vmem>>[vector<16xi32>, vector<16xi32>], vector<16xf32>,
          %mul3A_877 = arith.constant 16 : i32
          %mul3A_878 = vector.broadcast %mul3A_877 : i32 to vector<16xi32>
          %mul3A_879 = arith.muli %iota3A, %mul3A_878 : vector<16xi32>
          %add3A_880 = arith.constant 9 : i32
          %add3A_881 = vector.broadcast %add3A_880 : i32 to vector<16xi32>
          %add3A_882 = arith.addi %mul3A_879, %add3A_881 : vector<16xi32>
          %scatter3A_883 = arith.constant 768 : i32
          %scatter3A_884 = tpu.memref_slice %arg19[%scatter3A_883] : memref<2048xf32, #tpu.memory_space<vmem>> -> memref<256xf32, #tpu.memory_space<vmem>>
          tpu.vector_store_idx %scatter3A_884[%add3A_882], %gather3A_876 : memref<256xf32, #tpu.memory_space<vmem>>[vector<16xi32>], vector<16xf32>,
          %broadcast_in_dim3A_885 = arith.constant 10 : i32
          %broadcast_in_dim3A_886 = vector.broadcast %broadcast_in_dim3A_885 : i32 to vector<16xi32>
          %gather3A_887 = tpu.vector_load_idx %arg16[%broadcast_in_dim3A_886, %min3A_774] : memref<16x4096xf32, #tpu.memory_space<vmem>>[vector<16xi32>, vector<16xi32>], vector<16xf32>,
          %mul3A_888 = arith.constant 16 : i32
          %mul3A_889 = vector.broadcast %mul3A_888 : i32 to vector<16xi32>
          %mul3A_890 = arith.muli %iota3A, %mul3A_889 : vector<16xi32>
          %add3A_891 = arith.constant 10 : i32
          %add3A_892 = vector.broadcast %add3A_891 : i32 to vector<16xi32>
          %add3A_893 = arith.addi %mul3A_890, %add3A_892 : vector<16xi32>
          %scatter3A_894 = arith.constant 768 : i32
          %scatter3A_895 = tpu.memref_slice %arg19[%scatter3A_894] : memref<2048xf32, #tpu.memory_space<vmem>> -> memref<256xf32, #tpu.memory_space<vmem>>
          tpu.vector_store_idx %scatter3A_895[%add3A_893], %gather3A_887 : memref<256xf32, #tpu.memory_space<vmem>>[vector<16xi32>], vector<16xf32>,
          %broadcast_in_dim3A_896 = arith.constant 11 : i32
          %broadcast_in_dim3A_897 = vector.broadcast %broadcast_in_dim3A_896 : i32 to vector<16xi32>
          %gather3A_898 = tpu.vector_load_idx %arg16[%broadcast_in_dim3A_897, %min3A_774] : memref<16x4096xf32, #tpu.memory_space<vmem>>[vector<16xi32>, vector<16xi32>], vector<16xf32>,
          %mul3A_899 = arith.constant 16 : i32
          %mul3A_900 = vector.broadcast %mul3A_899 : i32 to vector<16xi32>
          %mul3A_901 = arith.muli %iota3A, %mul3A_900 : vector<16xi32>
          %add3A_902 = arith.constant 11 : i32
          %add3A_903 = vector.broadcast %add3A_902 : i32 to vector<16xi32>
          %add3A_904 = arith.addi %mul3A_901, %add3A_903 : vector<16xi32>
          %scatter3A_905 = arith.constant 768 : i32
          %scatter3A_906 = tpu.memref_slice %arg19[%scatter3A_905] : memref<2048xf32, #tpu.memory_space<vmem>> -> memref<256xf32, #tpu.memory_space<vmem>>
          tpu.vector_store_idx %scatter3A_906[%add3A_904], %gather3A_898 : memref<256xf32, #tpu.memory_space<vmem>>[vector<16xi32>], vector<16xf32>,
          %broadcast_in_dim3A_907 = arith.constant 12 : i32
          %broadcast_in_dim3A_908 = vector.broadcast %broadcast_in_dim3A_907 : i32 to vector<16xi32>
          %gather3A_909 = tpu.vector_load_idx %arg16[%broadcast_in_dim3A_908, %min3A_774] : memref<16x4096xf32, #tpu.memory_space<vmem>>[vector<16xi32>, vector<16xi32>], vector<16xf32>,
          %mul3A_910 = arith.constant 16 : i32
          %mul3A_911 = vector.broadcast %mul3A_910 : i32 to vector<16xi32>
          %mul3A_912 = arith.muli %iota3A, %mul3A_911 : vector<16xi32>
          %add3A_913 = arith.constant 12 : i32
          %add3A_914 = vector.broadcast %add3A_913 : i32 to vector<16xi32>
          %add3A_915 = arith.addi %mul3A_912, %add3A_914 : vector<16xi32>
          %scatter3A_916 = arith.constant 768 : i32
          %scatter3A_917 = tpu.memref_slice %arg19[%scatter3A_916] : memref<2048xf32, #tpu.memory_space<vmem>> -> memref<256xf32, #tpu.memory_space<vmem>>
          tpu.vector_store_idx %scatter3A_917[%add3A_915], %gather3A_909 : memref<256xf32, #tpu.memory_space<vmem>>[vector<16xi32>], vector<16xf32>,
          %broadcast_in_dim3A_918 = arith.constant 13 : i32
          %broadcast_in_dim3A_919 = vector.broadcast %broadcast_in_dim3A_918 : i32 to vector<16xi32>
          %gather3A_920 = tpu.vector_load_idx %arg16[%broadcast_in_dim3A_919, %min3A_774] : memref<16x4096xf32, #tpu.memory_space<vmem>>[vector<16xi32>, vector<16xi32>], vector<16xf32>,
          %mul3A_921 = arith.constant 16 : i32
          %mul3A_922 = vector.broadcast %mul3A_921 : i32 to vector<16xi32>
          %mul3A_923 = arith.muli %iota3A, %mul3A_922 : vector<16xi32>
          %add3A_924 = arith.constant 13 : i32
          %add3A_925 = vector.broadcast %add3A_924 : i32 to vector<16xi32>
          %add3A_926 = arith.addi %mul3A_923, %add3A_925 : vector<16xi32>
          %scatter3A_927 = arith.constant 768 : i32
          %scatter3A_928 = tpu.memref_slice %arg19[%scatter3A_927] : memref<2048xf32, #tpu.memory_space<vmem>> -> memref<256xf32, #tpu.memory_space<vmem>>
          tpu.vector_store_idx %scatter3A_928[%add3A_926], %gather3A_920 : memref<256xf32, #tpu.memory_space<vmem>>[vector<16xi32>], vector<16xf32>,
          %broadcast_in_dim3A_929 = arith.constant 14 : i32
          %broadcast_in_dim3A_930 = vector.broadcast %broadcast_in_dim3A_929 : i32 to vector<16xi32>
          %gather3A_931 = tpu.vector_load_idx %arg16[%broadcast_in_dim3A_930, %min3A_774] : memref<16x4096xf32, #tpu.memory_space<vmem>>[vector<16xi32>, vector<16xi32>], vector<16xf32>,
          %mul3A_932 = arith.constant 16 : i32
          %mul3A_933 = vector.broadcast %mul3A_932 : i32 to vector<16xi32>
          %mul3A_934 = arith.muli %iota3A, %mul3A_933 : vector<16xi32>
          %add3A_935 = arith.constant 14 : i32
          %add3A_936 = vector.broadcast %add3A_935 : i32 to vector<16xi32>
          %add3A_937 = arith.addi %mul3A_934, %add3A_936 : vector<16xi32>
          %scatter3A_938 = arith.constant 768 : i32
          %scatter3A_939 = tpu.memref_slice %arg19[%scatter3A_938] : memref<2048xf32, #tpu.memory_space<vmem>> -> memref<256xf32, #tpu.memory_space<vmem>>
          tpu.vector_store_idx %scatter3A_939[%add3A_937], %gather3A_931 : memref<256xf32, #tpu.memory_space<vmem>>[vector<16xi32>], vector<16xf32>,
          %broadcast_in_dim3A_940 = arith.constant 15 : i32
          %broadcast_in_dim3A_941 = vector.broadcast %broadcast_in_dim3A_940 : i32 to vector<16xi32>
          %gather3A_942 = tpu.vector_load_idx %arg16[%broadcast_in_dim3A_941, %min3A_774] : memref<16x4096xf32, #tpu.memory_space<vmem>>[vector<16xi32>, vector<16xi32>], vector<16xf32>,
          %mul3A_943 = arith.constant 16 : i32
          %mul3A_944 = vector.broadcast %mul3A_943 : i32 to vector<16xi32>
          %mul3A_945 = arith.muli %iota3A, %mul3A_944 : vector<16xi32>
          %add3A_946 = arith.constant 15 : i32
          %add3A_947 = vector.broadcast %add3A_946 : i32 to vector<16xi32>
          %add3A_948 = arith.addi %mul3A_945, %add3A_947 : vector<16xi32>
          %scatter3A_949 = arith.constant 768 : i32
          %scatter3A_950 = tpu.memref_slice %arg19[%scatter3A_949] : memref<2048xf32, #tpu.memory_space<vmem>> -> memref<256xf32, #tpu.memory_space<vmem>>
          tpu.vector_store_idx %scatter3A_950[%add3A_948], %gather3A_942 : memref<256xf32, #tpu.memory_space<vmem>>[vector<16xi32>], vector<16xf32>,
          %get3A_951 = arith.constant 64 : index
          %get3A_952 = tpu.vector_load %arg18[%get3A_951] {strides = array<i32>} : memref<128xi32, #tpu.memory_space<vmem>>, vector<16xi32>,
          %mul3A_953 = arith.constant 4096 : i32
          %mul3A_954 = arith.muli %add3A_86, %mul3A_953 : i32
          %sub3A_955 = vector.broadcast %mul3A_954 : i32 to vector<16xi32>
          %sub3A_956 = arith.subi %get3A_952, %sub3A_955 : vector<16xi32>
          %jit3A_957 = arith.constant 0 : i32
          %jit3A_958 = arith.constant 4095 : i32
          %max3A_959 = vector.broadcast %jit3A_957 : i32 to vector<16xi32>
          %max3A_960 = arith.maxsi %max3A_959, %sub3A_956 : vector<16xi32>
          %min3A_961 = vector.broadcast %jit3A_958 : i32 to vector<16xi32>
          %min3A_962 = arith.minsi %min3A_961, %max3A_960 : vector<16xi32>
          %broadcast_in_dim3A_963 = arith.constant 0 : i32
          %broadcast_in_dim3A_964 = vector.broadcast %broadcast_in_dim3A_963 : i32 to vector<16xi32>
          %gather3A_965 = tpu.vector_load_idx %arg16[%broadcast_in_dim3A_964, %min3A_962] : memref<16x4096xf32, #tpu.memory_space<vmem>>[vector<16xi32>, vector<16xi32>], vector<16xf32>,
          %mul3A_966 = arith.constant 16 : i32
          %mul3A_967 = vector.broadcast %mul3A_966 : i32 to vector<16xi32>
          %mul3A_968 = arith.muli %iota3A, %mul3A_967 : vector<16xi32>
          %add3A_969 = arith.constant 0 : i32
          %add3A_970 = vector.broadcast %add3A_969 : i32 to vector<16xi32>
          %add3A_971 = arith.addi %mul3A_968, %add3A_970 : vector<16xi32>
          %scatter3A_972 = arith.constant 1024 : i32
          %scatter3A_973 = tpu.memref_slice %arg19[%scatter3A_972] : memref<2048xf32, #tpu.memory_space<vmem>> -> memref<256xf32, #tpu.memory_space<vmem>>
          tpu.vector_store_idx %scatter3A_973[%add3A_971], %gather3A_965 : memref<256xf32, #tpu.memory_space<vmem>>[vector<16xi32>], vector<16xf32>,
          %broadcast_in_dim3A_974 = arith.constant 1 : i32
          %broadcast_in_dim3A_975 = vector.broadcast %broadcast_in_dim3A_974 : i32 to vector<16xi32>
          %gather3A_976 = tpu.vector_load_idx %arg16[%broadcast_in_dim3A_975, %min3A_962] : memref<16x4096xf32, #tpu.memory_space<vmem>>[vector<16xi32>, vector<16xi32>], vector<16xf32>,
          %mul3A_977 = arith.constant 16 : i32
          %mul3A_978 = vector.broadcast %mul3A_977 : i32 to vector<16xi32>
          %mul3A_979 = arith.muli %iota3A, %mul3A_978 : vector<16xi32>
          %add3A_980 = arith.constant 1 : i32
          %add3A_981 = vector.broadcast %add3A_980 : i32 to vector<16xi32>
          %add3A_982 = arith.addi %mul3A_979, %add3A_981 : vector<16xi32>
          %scatter3A_983 = arith.constant 1024 : i32
          %scatter3A_984 = tpu.memref_slice %arg19[%scatter3A_983] : memref<2048xf32, #tpu.memory_space<vmem>> -> memref<256xf32, #tpu.memory_space<vmem>>
          tpu.vector_store_idx %scatter3A_984[%add3A_982], %gather3A_976 : memref<256xf32, #tpu.memory_space<vmem>>[vector<16xi32>], vector<16xf32>,
          %broadcast_in_dim3A_985 = arith.constant 2 : i32
          %broadcast_in_dim3A_986 = vector.broadcast %broadcast_in_dim3A_985 : i32 to vector<16xi32>
          %gather3A_987 = tpu.vector_load_idx %arg16[%broadcast_in_dim3A_986, %min3A_962] : memref<16x4096xf32, #tpu.memory_space<vmem>>[vector<16xi32>, vector<16xi32>], vector<16xf32>,
          %mul3A_988 = arith.constant 16 : i32
          %mul3A_989 = vector.broadcast %mul3A_988 : i32 to vector<16xi32>
          %mul3A_990 = arith.muli %iota3A, %mul3A_989 : vector<16xi32>
          %add3A_991 = arith.constant 2 : i32
          %add3A_992 = vector.broadcast %add3A_991 : i32 to vector<16xi32>
          %add3A_993 = arith.addi %mul3A_990, %add3A_992 : vector<16xi32>
          %scatter3A_994 = arith.constant 1024 : i32
          %scatter3A_995 = tpu.memref_slice %arg19[%scatter3A_994] : memref<2048xf32, #tpu.memory_space<vmem>> -> memref<256xf32, #tpu.memory_space<vmem>>
          tpu.vector_store_idx %scatter3A_995[%add3A_993], %gather3A_987 : memref<256xf32, #tpu.memory_space<vmem>>[vector<16xi32>], vector<16xf32>,
          %broadcast_in_dim3A_996 = arith.constant 3 : i32
          %broadcast_in_dim3A_997 = vector.broadcast %broadcast_in_dim3A_996 : i32 to vector<16xi32>
          %gather3A_998 = tpu.vector_load_idx %arg16[%broadcast_in_dim3A_997, %min3A_962] : memref<16x4096xf32, #tpu.memory_space<vmem>>[vector<16xi32>, vector<16xi32>], vector<16xf32>,
          %mul3A_999 = arith.constant 16 : i32
          %mul3A_1000 = vector.broadcast %mul3A_999 : i32 to vector<16xi32>
          %mul3A_1001 = arith.muli %iota3A, %mul3A_1000 : vector<16xi32>
          %add3A_1002 = arith.constant 3 : i32
          %add3A_1003 = vector.broadcast %add3A_1002 : i32 to vector<16xi32>
          %add3A_1004 = arith.addi %mul3A_1001, %add3A_1003 : vector<16xi32>
          %scatter3A_1005 = arith.constant 1024 : i32
          %scatter3A_1006 = tpu.memref_slice %arg19[%scatter3A_1005] : memref<2048xf32, #tpu.memory_space<vmem>> -> memref<256xf32, #tpu.memory_space<vmem>>
          tpu.vector_store_idx %scatter3A_1006[%add3A_1004], %gather3A_998 : memref<256xf32, #tpu.memory_space<vmem>>[vector<16xi32>], vector<16xf32>,
          %broadcast_in_dim3A_1007 = arith.constant 4 : i32
          %broadcast_in_dim3A_1008 = vector.broadcast %broadcast_in_dim3A_1007 : i32 to vector<16xi32>
          %gather3A_1009 = tpu.vector_load_idx %arg16[%broadcast_in_dim3A_1008, %min3A_962] : memref<16x4096xf32, #tpu.memory_space<vmem>>[vector<16xi32>, vector<16xi32>], vector<16xf32>,
          %mul3A_1010 = arith.constant 16 : i32
          %mul3A_1011 = vector.broadcast %mul3A_1010 : i32 to vector<16xi32>
          %mul3A_1012 = arith.muli %iota3A, %mul3A_1011 : vector<16xi32>
          %add3A_1013 = arith.constant 4 : i32
          %add3A_1014 = vector.broadcast %add3A_1013 : i32 to vector<16xi32>
          %add3A_1015 = arith.addi %mul3A_1012, %add3A_1014 : vector<16xi32>
          %scatter3A_1016 = arith.constant 1024 : i32
          %scatter3A_1017 = tpu.memref_slice %arg19[%scatter3A_1016] : memref<2048xf32, #tpu.memory_space<vmem>> -> memref<256xf32, #tpu.memory_space<vmem>>
          tpu.vector_store_idx %scatter3A_1017[%add3A_1015], %gather3A_1009 : memref<256xf32, #tpu.memory_space<vmem>>[vector<16xi32>], vector<16xf32>,
          %broadcast_in_dim3A_1018 = arith.constant 5 : i32
          %broadcast_in_dim3A_1019 = vector.broadcast %broadcast_in_dim3A_1018 : i32 to vector<16xi32>
          %gather3A_1020 = tpu.vector_load_idx %arg16[%broadcast_in_dim3A_1019, %min3A_962] : memref<16x4096xf32, #tpu.memory_space<vmem>>[vector<16xi32>, vector<16xi32>], vector<16xf32>,
          %mul3A_1021 = arith.constant 16 : i32
          %mul3A_1022 = vector.broadcast %mul3A_1021 : i32 to vector<16xi32>
          %mul3A_1023 = arith.muli %iota3A, %mul3A_1022 : vector<16xi32>
          %add3A_1024 = arith.constant 5 : i32
          %add3A_1025 = vector.broadcast %add3A_1024 : i32 to vector<16xi32>
          %add3A_1026 = arith.addi %mul3A_1023, %add3A_1025 : vector<16xi32>
          %scatter3A_1027 = arith.constant 1024 : i32
          %scatter3A_1028 = tpu.memref_slice %arg19[%scatter3A_1027] : memref<2048xf32, #tpu.memory_space<vmem>> -> memref<256xf32, #tpu.memory_space<vmem>>
          tpu.vector_store_idx %scatter3A_1028[%add3A_1026], %gather3A_1020 : memref<256xf32, #tpu.memory_space<vmem>>[vector<16xi32>], vector<16xf32>,
          %broadcast_in_dim3A_1029 = arith.constant 6 : i32
          %broadcast_in_dim3A_1030 = vector.broadcast %broadcast_in_dim3A_1029 : i32 to vector<16xi32>
          %gather3A_1031 = tpu.vector_load_idx %arg16[%broadcast_in_dim3A_1030, %min3A_962] : memref<16x4096xf32, #tpu.memory_space<vmem>>[vector<16xi32>, vector<16xi32>], vector<16xf32>,
          %mul3A_1032 = arith.constant 16 : i32
          %mul3A_1033 = vector.broadcast %mul3A_1032 : i32 to vector<16xi32>
          %mul3A_1034 = arith.muli %iota3A, %mul3A_1033 : vector<16xi32>
          %add3A_1035 = arith.constant 6 : i32
          %add3A_1036 = vector.broadcast %add3A_1035 : i32 to vector<16xi32>
          %add3A_1037 = arith.addi %mul3A_1034, %add3A_1036 : vector<16xi32>
          %scatter3A_1038 = arith.constant 1024 : i32
          %scatter3A_1039 = tpu.memref_slice %arg19[%scatter3A_1038] : memref<2048xf32, #tpu.memory_space<vmem>> -> memref<256xf32, #tpu.memory_space<vmem>>
          tpu.vector_store_idx %scatter3A_1039[%add3A_1037], %gather3A_1031 : memref<256xf32, #tpu.memory_space<vmem>>[vector<16xi32>], vector<16xf32>,
          %broadcast_in_dim3A_1040 = arith.constant 7 : i32
          %broadcast_in_dim3A_1041 = vector.broadcast %broadcast_in_dim3A_1040 : i32 to vector<16xi32>
          %gather3A_1042 = tpu.vector_load_idx %arg16[%broadcast_in_dim3A_1041, %min3A_962] : memref<16x4096xf32, #tpu.memory_space<vmem>>[vector<16xi32>, vector<16xi32>], vector<16xf32>,
          %mul3A_1043 = arith.constant 16 : i32
          %mul3A_1044 = vector.broadcast %mul3A_1043 : i32 to vector<16xi32>
          %mul3A_1045 = arith.muli %iota3A, %mul3A_1044 : vector<16xi32>
          %add3A_1046 = arith.constant 7 : i32
          %add3A_1047 = vector.broadcast %add3A_1046 : i32 to vector<16xi32>
          %add3A_1048 = arith.addi %mul3A_1045, %add3A_1047 : vector<16xi32>
          %scatter3A_1049 = arith.constant 1024 : i32
          %scatter3A_1050 = tpu.memref_slice %arg19[%scatter3A_1049] : memref<2048xf32, #tpu.memory_space<vmem>> -> memref<256xf32, #tpu.memory_space<vmem>>
          tpu.vector_store_idx %scatter3A_1050[%add3A_1048], %gather3A_1042 : memref<256xf32, #tpu.memory_space<vmem>>[vector<16xi32>], vector<16xf32>,
          %broadcast_in_dim3A_1051 = arith.constant 8 : i32
          %broadcast_in_dim3A_1052 = vector.broadcast %broadcast_in_dim3A_1051 : i32 to vector<16xi32>
          %gather3A_1053 = tpu.vector_load_idx %arg16[%broadcast_in_dim3A_1052, %min3A_962] : memref<16x4096xf32, #tpu.memory_space<vmem>>[vector<16xi32>, vector<16xi32>], vector<16xf32>,
          %mul3A_1054 = arith.constant 16 : i32
          %mul3A_1055 = vector.broadcast %mul3A_1054 : i32 to vector<16xi32>
          %mul3A_1056 = arith.muli %iota3A, %mul3A_1055 : vector<16xi32>
          %add3A_1057 = arith.constant 8 : i32
          %add3A_1058 = vector.broadcast %add3A_1057 : i32 to vector<16xi32>
          %add3A_1059 = arith.addi %mul3A_1056, %add3A_1058 : vector<16xi32>
          %scatter3A_1060 = arith.constant 1024 : i32
          %scatter3A_1061 = tpu.memref_slice %arg19[%scatter3A_1060] : memref<2048xf32, #tpu.memory_space<vmem>> -> memref<256xf32, #tpu.memory_space<vmem>>
          tpu.vector_store_idx %scatter3A_1061[%add3A_1059], %gather3A_1053 : memref<256xf32, #tpu.memory_space<vmem>>[vector<16xi32>], vector<16xf32>,
          %broadcast_in_dim3A_1062 = arith.constant 9 : i32
          %broadcast_in_dim3A_1063 = vector.broadcast %broadcast_in_dim3A_1062 : i32 to vector<16xi32>
          %gather3A_1064 = tpu.vector_load_idx %arg16[%broadcast_in_dim3A_1063, %min3A_962] : memref<16x4096xf32, #tpu.memory_space<vmem>>[vector<16xi32>, vector<16xi32>], vector<16xf32>,
          %mul3A_1065 = arith.constant 16 : i32
          %mul3A_1066 = vector.broadcast %mul3A_1065 : i32 to vector<16xi32>
          %mul3A_1067 = arith.muli %iota3A, %mul3A_1066 : vector<16xi32>
          %add3A_1068 = arith.constant 9 : i32
          %add3A_1069 = vector.broadcast %add3A_1068 : i32 to vector<16xi32>
          %add3A_1070 = arith.addi %mul3A_1067, %add3A_1069 : vector<16xi32>
          %scatter3A_1071 = arith.constant 1024 : i32
          %scatter3A_1072 = tpu.memref_slice %arg19[%scatter3A_1071] : memref<2048xf32, #tpu.memory_space<vmem>> -> memref<256xf32, #tpu.memory_space<vmem>>
          tpu.vector_store_idx %scatter3A_1072[%add3A_1070], %gather3A_1064 : memref<256xf32, #tpu.memory_space<vmem>>[vector<16xi32>], vector<16xf32>,
          %broadcast_in_dim3A_1073 = arith.constant 10 : i32
          %broadcast_in_dim3A_1074 = vector.broadcast %broadcast_in_dim3A_1073 : i32 to vector<16xi32>
          %gather3A_1075 = tpu.vector_load_idx %arg16[%broadcast_in_dim3A_1074, %min3A_962] : memref<16x4096xf32, #tpu.memory_space<vmem>>[vector<16xi32>, vector<16xi32>], vector<16xf32>,
          %mul3A_1076 = arith.constant 16 : i32
          %mul3A_1077 = vector.broadcast %mul3A_1076 : i32 to vector<16xi32>
          %mul3A_1078 = arith.muli %iota3A, %mul3A_1077 : vector<16xi32>
          %add3A_1079 = arith.constant 10 : i32
          %add3A_1080 = vector.broadcast %add3A_1079 : i32 to vector<16xi32>
          %add3A_1081 = arith.addi %mul3A_1078, %add3A_1080 : vector<16xi32>
          %scatter3A_1082 = arith.constant 1024 : i32
          %scatter3A_1083 = tpu.memref_slice %arg19[%scatter3A_1082] : memref<2048xf32, #tpu.memory_space<vmem>> -> memref<256xf32, #tpu.memory_space<vmem>>
          tpu.vector_store_idx %scatter3A_1083[%add3A_1081], %gather3A_1075 : memref<256xf32, #tpu.memory_space<vmem>>[vector<16xi32>], vector<16xf32>,
          %broadcast_in_dim3A_1084 = arith.constant 11 : i32
          %broadcast_in_dim3A_1085 = vector.broadcast %broadcast_in_dim3A_1084 : i32 to vector<16xi32>
          %gather3A_1086 = tpu.vector_load_idx %arg16[%broadcast_in_dim3A_1085, %min3A_962] : memref<16x4096xf32, #tpu.memory_space<vmem>>[vector<16xi32>, vector<16xi32>], vector<16xf32>,
          %mul3A_1087 = arith.constant 16 : i32
          %mul3A_1088 = vector.broadcast %mul3A_1087 : i32 to vector<16xi32>
          %mul3A_1089 = arith.muli %iota3A, %mul3A_1088 : vector<16xi32>
          %add3A_1090 = arith.constant 11 : i32
          %add3A_1091 = vector.broadcast %add3A_1090 : i32 to vector<16xi32>
          %add3A_1092 = arith.addi %mul3A_1089, %add3A_1091 : vector<16xi32>
          %scatter3A_1093 = arith.constant 1024 : i32
          %scatter3A_1094 = tpu.memref_slice %arg19[%scatter3A_1093] : memref<2048xf32, #tpu.memory_space<vmem>> -> memref<256xf32, #tpu.memory_space<vmem>>
          tpu.vector_store_idx %scatter3A_1094[%add3A_1092], %gather3A_1086 : memref<256xf32, #tpu.memory_space<vmem>>[vector<16xi32>], vector<16xf32>,
          %broadcast_in_dim3A_1095 = arith.constant 12 : i32
          %broadcast_in_dim3A_1096 = vector.broadcast %broadcast_in_dim3A_1095 : i32 to vector<16xi32>
          %gather3A_1097 = tpu.vector_load_idx %arg16[%broadcast_in_dim3A_1096, %min3A_962] : memref<16x4096xf32, #tpu.memory_space<vmem>>[vector<16xi32>, vector<16xi32>], vector<16xf32>,
          %mul3A_1098 = arith.constant 16 : i32
          %mul3A_1099 = vector.broadcast %mul3A_1098 : i32 to vector<16xi32>
          %mul3A_1100 = arith.muli %iota3A, %mul3A_1099 : vector<16xi32>
          %add3A_1101 = arith.constant 12 : i32
          %add3A_1102 = vector.broadcast %add3A_1101 : i32 to vector<16xi32>
          %add3A_1103 = arith.addi %mul3A_1100, %add3A_1102 : vector<16xi32>
          %scatter3A_1104 = arith.constant 1024 : i32
          %scatter3A_1105 = tpu.memref_slice %arg19[%scatter3A_1104] : memref<2048xf32, #tpu.memory_space<vmem>> -> memref<256xf32, #tpu.memory_space<vmem>>
          tpu.vector_store_idx %scatter3A_1105[%add3A_1103], %gather3A_1097 : memref<256xf32, #tpu.memory_space<vmem>>[vector<16xi32>], vector<16xf32>,
          %broadcast_in_dim3A_1106 = arith.constant 13 : i32
          %broadcast_in_dim3A_1107 = vector.broadcast %broadcast_in_dim3A_1106 : i32 to vector<16xi32>
          %gather3A_1108 = tpu.vector_load_idx %arg16[%broadcast_in_dim3A_1107, %min3A_962] : memref<16x4096xf32, #tpu.memory_space<vmem>>[vector<16xi32>, vector<16xi32>], vector<16xf32>,
          %mul3A_1109 = arith.constant 16 : i32
          %mul3A_1110 = vector.broadcast %mul3A_1109 : i32 to vector<16xi32>
          %mul3A_1111 = arith.muli %iota3A, %mul3A_1110 : vector<16xi32>
          %add3A_1112 = arith.constant 13 : i32
          %add3A_1113 = vector.broadcast %add3A_1112 : i32 to vector<16xi32>
          %add3A_1114 = arith.addi %mul3A_1111, %add3A_1113 : vector<16xi32>
          %scatter3A_1115 = arith.constant 1024 : i32
          %scatter3A_1116 = tpu.memref_slice %arg19[%scatter3A_1115] : memref<2048xf32, #tpu.memory_space<vmem>> -> memref<256xf32, #tpu.memory_space<vmem>>
          tpu.vector_store_idx %scatter3A_1116[%add3A_1114], %gather3A_1108 : memref<256xf32, #tpu.memory_space<vmem>>[vector<16xi32>], vector<16xf32>,
          %broadcast_in_dim3A_1117 = arith.constant 14 : i32
          %broadcast_in_dim3A_1118 = vector.broadcast %broadcast_in_dim3A_1117 : i32 to vector<16xi32>
          %gather3A_1119 = tpu.vector_load_idx %arg16[%broadcast_in_dim3A_1118, %min3A_962] : memref<16x4096xf32, #tpu.memory_space<vmem>>[vector<16xi32>, vector<16xi32>], vector<16xf32>,
          %mul3A_1120 = arith.constant 16 : i32
          %mul3A_1121 = vector.broadcast %mul3A_1120 : i32 to vector<16xi32>
          %mul3A_1122 = arith.muli %iota3A, %mul3A_1121 : vector<16xi32>
          %add3A_1123 = arith.constant 14 : i32
          %add3A_1124 = vector.broadcast %add3A_1123 : i32 to vector<16xi32>
          %add3A_1125 = arith.addi %mul3A_1122, %add3A_1124 : vector<16xi32>
          %scatter3A_1126 = arith.constant 1024 : i32
          %scatter3A_1127 = tpu.memref_slice %arg19[%scatter3A_1126] : memref<2048xf32, #tpu.memory_space<vmem>> -> memref<256xf32, #tpu.memory_space<vmem>>
          tpu.vector_store_idx %scatter3A_1127[%add3A_1125], %gather3A_1119 : memref<256xf32, #tpu.memory_space<vmem>>[vector<16xi32>], vector<16xf32>,
          %broadcast_in_dim3A_1128 = arith.constant 15 : i32
          %broadcast_in_dim3A_1129 = vector.broadcast %broadcast_in_dim3A_1128 : i32 to vector<16xi32>
          %gather3A_1130 = tpu.vector_load_idx %arg16[%broadcast_in_dim3A_1129, %min3A_962] : memref<16x4096xf32, #tpu.memory_space<vmem>>[vector<16xi32>, vector<16xi32>], vector<16xf32>,
          %mul3A_1131 = arith.constant 16 : i32
          %mul3A_1132 = vector.broadcast %mul3A_1131 : i32 to vector<16xi32>
          %mul3A_1133 = arith.muli %iota3A, %mul3A_1132 : vector<16xi32>
          %add3A_1134 = arith.constant 15 : i32
          %add3A_1135 = vector.broadcast %add3A_1134 : i32 to vector<16xi32>
          %add3A_1136 = arith.addi %mul3A_1133, %add3A_1135 : vector<16xi32>
          %scatter3A_1137 = arith.constant 1024 : i32
          %scatter3A_1138 = tpu.memref_slice %arg19[%scatter3A_1137] : memref<2048xf32, #tpu.memory_space<vmem>> -> memref<256xf32, #tpu.memory_space<vmem>>
          tpu.vector_store_idx %scatter3A_1138[%add3A_1136], %gather3A_1130 : memref<256xf32, #tpu.memory_space<vmem>>[vector<16xi32>], vector<16xf32>,
          %get3A_1139 = arith.constant 80 : index
          %get3A_1140 = tpu.vector_load %arg18[%get3A_1139] {strides = array<i32>} : memref<128xi32, #tpu.memory_space<vmem>>, vector<16xi32>,
          %mul3A_1141 = arith.constant 4096 : i32
          %mul3A_1142 = arith.muli %add3A_86, %mul3A_1141 : i32
          %sub3A_1143 = vector.broadcast %mul3A_1142 : i32 to vector<16xi32>
          %sub3A_1144 = arith.subi %get3A_1140, %sub3A_1143 : vector<16xi32>
          %jit3A_1145 = arith.constant 0 : i32
          %jit3A_1146 = arith.constant 4095 : i32
          %max3A_1147 = vector.broadcast %jit3A_1145 : i32 to vector<16xi32>
          %max3A_1148 = arith.maxsi %max3A_1147, %sub3A_1144 : vector<16xi32>
          %min3A_1149 = vector.broadcast %jit3A_1146 : i32 to vector<16xi32>
          %min3A_1150 = arith.minsi %min3A_1149, %max3A_1148 : vector<16xi32>
          %broadcast_in_dim3A_1151 = arith.constant 0 : i32
          %broadcast_in_dim3A_1152 = vector.broadcast %broadcast_in_dim3A_1151 : i32 to vector<16xi32>
          %gather3A_1153 = tpu.vector_load_idx %arg16[%broadcast_in_dim3A_1152, %min3A_1150] : memref<16x4096xf32, #tpu.memory_space<vmem>>[vector<16xi32>, vector<16xi32>], vector<16xf32>,
          %mul3A_1154 = arith.constant 16 : i32
          %mul3A_1155 = vector.broadcast %mul3A_1154 : i32 to vector<16xi32>
          %mul3A_1156 = arith.muli %iota3A, %mul3A_1155 : vector<16xi32>
          %add3A_1157 = arith.constant 0 : i32
          %add3A_1158 = vector.broadcast %add3A_1157 : i32 to vector<16xi32>
          %add3A_1159 = arith.addi %mul3A_1156, %add3A_1158 : vector<16xi32>
          %scatter3A_1160 = arith.constant 1280 : i32
          %scatter3A_1161 = tpu.memref_slice %arg19[%scatter3A_1160] : memref<2048xf32, #tpu.memory_space<vmem>> -> memref<256xf32, #tpu.memory_space<vmem>>
          tpu.vector_store_idx %scatter3A_1161[%add3A_1159], %gather3A_1153 : memref<256xf32, #tpu.memory_space<vmem>>[vector<16xi32>], vector<16xf32>,
          %broadcast_in_dim3A_1162 = arith.constant 1 : i32
          %broadcast_in_dim3A_1163 = vector.broadcast %broadcast_in_dim3A_1162 : i32 to vector<16xi32>
          %gather3A_1164 = tpu.vector_load_idx %arg16[%broadcast_in_dim3A_1163, %min3A_1150] : memref<16x4096xf32, #tpu.memory_space<vmem>>[vector<16xi32>, vector<16xi32>], vector<16xf32>,
          %mul3A_1165 = arith.constant 16 : i32
          %mul3A_1166 = vector.broadcast %mul3A_1165 : i32 to vector<16xi32>
          %mul3A_1167 = arith.muli %iota3A, %mul3A_1166 : vector<16xi32>
          %add3A_1168 = arith.constant 1 : i32
          %add3A_1169 = vector.broadcast %add3A_1168 : i32 to vector<16xi32>
          %add3A_1170 = arith.addi %mul3A_1167, %add3A_1169 : vector<16xi32>
          %scatter3A_1171 = arith.constant 1280 : i32
          %scatter3A_1172 = tpu.memref_slice %arg19[%scatter3A_1171] : memref<2048xf32, #tpu.memory_space<vmem>> -> memref<256xf32, #tpu.memory_space<vmem>>
          tpu.vector_store_idx %scatter3A_1172[%add3A_1170], %gather3A_1164 : memref<256xf32, #tpu.memory_space<vmem>>[vector<16xi32>], vector<16xf32>,
          %broadcast_in_dim3A_1173 = arith.constant 2 : i32
          %broadcast_in_dim3A_1174 = vector.broadcast %broadcast_in_dim3A_1173 : i32 to vector<16xi32>
          %gather3A_1175 = tpu.vector_load_idx %arg16[%broadcast_in_dim3A_1174, %min3A_1150] : memref<16x4096xf32, #tpu.memory_space<vmem>>[vector<16xi32>, vector<16xi32>], vector<16xf32>,
          %mul3A_1176 = arith.constant 16 : i32
          %mul3A_1177 = vector.broadcast %mul3A_1176 : i32 to vector<16xi32>
          %mul3A_1178 = arith.muli %iota3A, %mul3A_1177 : vector<16xi32>
          %add3A_1179 = arith.constant 2 : i32
          %add3A_1180 = vector.broadcast %add3A_1179 : i32 to vector<16xi32>
          %add3A_1181 = arith.addi %mul3A_1178, %add3A_1180 : vector<16xi32>
          %scatter3A_1182 = arith.constant 1280 : i32
          %scatter3A_1183 = tpu.memref_slice %arg19[%scatter3A_1182] : memref<2048xf32, #tpu.memory_space<vmem>> -> memref<256xf32, #tpu.memory_space<vmem>>
          tpu.vector_store_idx %scatter3A_1183[%add3A_1181], %gather3A_1175 : memref<256xf32, #tpu.memory_space<vmem>>[vector<16xi32>], vector<16xf32>,
          %broadcast_in_dim3A_1184 = arith.constant 3 : i32
          %broadcast_in_dim3A_1185 = vector.broadcast %broadcast_in_dim3A_1184 : i32 to vector<16xi32>
          %gather3A_1186 = tpu.vector_load_idx %arg16[%broadcast_in_dim3A_1185, %min3A_1150] : memref<16x4096xf32, #tpu.memory_space<vmem>>[vector<16xi32>, vector<16xi32>], vector<16xf32>,
          %mul3A_1187 = arith.constant 16 : i32
          %mul3A_1188 = vector.broadcast %mul3A_1187 : i32 to vector<16xi32>
          %mul3A_1189 = arith.muli %iota3A, %mul3A_1188 : vector<16xi32>
          %add3A_1190 = arith.constant 3 : i32
          %add3A_1191 = vector.broadcast %add3A_1190 : i32 to vector<16xi32>
          %add3A_1192 = arith.addi %mul3A_1189, %add3A_1191 : vector<16xi32>
          %scatter3A_1193 = arith.constant 1280 : i32
          %scatter3A_1194 = tpu.memref_slice %arg19[%scatter3A_1193] : memref<2048xf32, #tpu.memory_space<vmem>> -> memref<256xf32, #tpu.memory_space<vmem>>
          tpu.vector_store_idx %scatter3A_1194[%add3A_1192], %gather3A_1186 : memref<256xf32, #tpu.memory_space<vmem>>[vector<16xi32>], vector<16xf32>,
          %broadcast_in_dim3A_1195 = arith.constant 4 : i32
          %broadcast_in_dim3A_1196 = vector.broadcast %broadcast_in_dim3A_1195 : i32 to vector<16xi32>
          %gather3A_1197 = tpu.vector_load_idx %arg16[%broadcast_in_dim3A_1196, %min3A_1150] : memref<16x4096xf32, #tpu.memory_space<vmem>>[vector<16xi32>, vector<16xi32>], vector<16xf32>,
          %mul3A_1198 = arith.constant 16 : i32
          %mul3A_1199 = vector.broadcast %mul3A_1198 : i32 to vector<16xi32>
          %mul3A_1200 = arith.muli %iota3A, %mul3A_1199 : vector<16xi32>
          %add3A_1201 = arith.constant 4 : i32
          %add3A_1202 = vector.broadcast %add3A_1201 : i32 to vector<16xi32>
          %add3A_1203 = arith.addi %mul3A_1200, %add3A_1202 : vector<16xi32>
          %scatter3A_1204 = arith.constant 1280 : i32
          %scatter3A_1205 = tpu.memref_slice %arg19[%scatter3A_1204] : memref<2048xf32, #tpu.memory_space<vmem>> -> memref<256xf32, #tpu.memory_space<vmem>>
          tpu.vector_store_idx %scatter3A_1205[%add3A_1203], %gather3A_1197 : memref<256xf32, #tpu.memory_space<vmem>>[vector<16xi32>], vector<16xf32>,
          %broadcast_in_dim3A_1206 = arith.constant 5 : i32
          %broadcast_in_dim3A_1207 = vector.broadcast %broadcast_in_dim3A_1206 : i32 to vector<16xi32>
          %gather3A_1208 = tpu.vector_load_idx %arg16[%broadcast_in_dim3A_1207, %min3A_1150] : memref<16x4096xf32, #tpu.memory_space<vmem>>[vector<16xi32>, vector<16xi32>], vector<16xf32>,
          %mul3A_1209 = arith.constant 16 : i32
          %mul3A_1210 = vector.broadcast %mul3A_1209 : i32 to vector<16xi32>
          %mul3A_1211 = arith.muli %iota3A, %mul3A_1210 : vector<16xi32>
          %add3A_1212 = arith.constant 5 : i32
          %add3A_1213 = vector.broadcast %add3A_1212 : i32 to vector<16xi32>
          %add3A_1214 = arith.addi %mul3A_1211, %add3A_1213 : vector<16xi32>
          %scatter3A_1215 = arith.constant 1280 : i32
          %scatter3A_1216 = tpu.memref_slice %arg19[%scatter3A_1215] : memref<2048xf32, #tpu.memory_space<vmem>> -> memref<256xf32, #tpu.memory_space<vmem>>
          tpu.vector_store_idx %scatter3A_1216[%add3A_1214], %gather3A_1208 : memref<256xf32, #tpu.memory_space<vmem>>[vector<16xi32>], vector<16xf32>,
          %broadcast_in_dim3A_1217 = arith.constant 6 : i32
          %broadcast_in_dim3A_1218 = vector.broadcast %broadcast_in_dim3A_1217 : i32 to vector<16xi32>
          %gather3A_1219 = tpu.vector_load_idx %arg16[%broadcast_in_dim3A_1218, %min3A_1150] : memref<16x4096xf32, #tpu.memory_space<vmem>>[vector<16xi32>, vector<16xi32>], vector<16xf32>,
          %mul3A_1220 = arith.constant 16 : i32
          %mul3A_1221 = vector.broadcast %mul3A_1220 : i32 to vector<16xi32>
          %mul3A_1222 = arith.muli %iota3A, %mul3A_1221 : vector<16xi32>
          %add3A_1223 = arith.constant 6 : i32
          %add3A_1224 = vector.broadcast %add3A_1223 : i32 to vector<16xi32>
          %add3A_1225 = arith.addi %mul3A_1222, %add3A_1224 : vector<16xi32>
          %scatter3A_1226 = arith.constant 1280 : i32
          %scatter3A_1227 = tpu.memref_slice %arg19[%scatter3A_1226] : memref<2048xf32, #tpu.memory_space<vmem>> -> memref<256xf32, #tpu.memory_space<vmem>>
          tpu.vector_store_idx %scatter3A_1227[%add3A_1225], %gather3A_1219 : memref<256xf32, #tpu.memory_space<vmem>>[vector<16xi32>], vector<16xf32>,
          %broadcast_in_dim3A_1228 = arith.constant 7 : i32
          %broadcast_in_dim3A_1229 = vector.broadcast %broadcast_in_dim3A_1228 : i32 to vector<16xi32>
          %gather3A_1230 = tpu.vector_load_idx %arg16[%broadcast_in_dim3A_1229, %min3A_1150] : memref<16x4096xf32, #tpu.memory_space<vmem>>[vector<16xi32>, vector<16xi32>], vector<16xf32>,
          %mul3A_1231 = arith.constant 16 : i32
          %mul3A_1232 = vector.broadcast %mul3A_1231 : i32 to vector<16xi32>
          %mul3A_1233 = arith.muli %iota3A, %mul3A_1232 : vector<16xi32>
          %add3A_1234 = arith.constant 7 : i32
          %add3A_1235 = vector.broadcast %add3A_1234 : i32 to vector<16xi32>
          %add3A_1236 = arith.addi %mul3A_1233, %add3A_1235 : vector<16xi32>
          %scatter3A_1237 = arith.constant 1280 : i32
          %scatter3A_1238 = tpu.memref_slice %arg19[%scatter3A_1237] : memref<2048xf32, #tpu.memory_space<vmem>> -> memref<256xf32, #tpu.memory_space<vmem>>
          tpu.vector_store_idx %scatter3A_1238[%add3A_1236], %gather3A_1230 : memref<256xf32, #tpu.memory_space<vmem>>[vector<16xi32>], vector<16xf32>,
          %broadcast_in_dim3A_1239 = arith.constant 8 : i32
          %broadcast_in_dim3A_1240 = vector.broadcast %broadcast_in_dim3A_1239 : i32 to vector<16xi32>
          %gather3A_1241 = tpu.vector_load_idx %arg16[%broadcast_in_dim3A_1240, %min3A_1150] : memref<16x4096xf32, #tpu.memory_space<vmem>>[vector<16xi32>, vector<16xi32>], vector<16xf32>,
          %mul3A_1242 = arith.constant 16 : i32
          %mul3A_1243 = vector.broadcast %mul3A_1242 : i32 to vector<16xi32>
          %mul3A_1244 = arith.muli %iota3A, %mul3A_1243 : vector<16xi32>
          %add3A_1245 = arith.constant 8 : i32
          %add3A_1246 = vector.broadcast %add3A_1245 : i32 to vector<16xi32>
          %add3A_1247 = arith.addi %mul3A_1244, %add3A_1246 : vector<16xi32>
          %scatter3A_1248 = arith.constant 1280 : i32
          %scatter3A_1249 = tpu.memref_slice %arg19[%scatter3A_1248] : memref<2048xf32, #tpu.memory_space<vmem>> -> memref<256xf32, #tpu.memory_space<vmem>>
          tpu.vector_store_idx %scatter3A_1249[%add3A_1247], %gather3A_1241 : memref<256xf32, #tpu.memory_space<vmem>>[vector<16xi32>], vector<16xf32>,
          %broadcast_in_dim3A_1250 = arith.constant 9 : i32
          %broadcast_in_dim3A_1251 = vector.broadcast %broadcast_in_dim3A_1250 : i32 to vector<16xi32>
          %gather3A_1252 = tpu.vector_load_idx %arg16[%broadcast_in_dim3A_1251, %min3A_1150] : memref<16x4096xf32, #tpu.memory_space<vmem>>[vector<16xi32>, vector<16xi32>], vector<16xf32>,
          %mul3A_1253 = arith.constant 16 : i32
          %mul3A_1254 = vector.broadcast %mul3A_1253 : i32 to vector<16xi32>
          %mul3A_1255 = arith.muli %iota3A, %mul3A_1254 : vector<16xi32>
          %add3A_1256 = arith.constant 9 : i32
          %add3A_1257 = vector.broadcast %add3A_1256 : i32 to vector<16xi32>
          %add3A_1258 = arith.addi %mul3A_1255, %add3A_1257 : vector<16xi32>
          %scatter3A_1259 = arith.constant 1280 : i32
          %scatter3A_1260 = tpu.memref_slice %arg19[%scatter3A_1259] : memref<2048xf32, #tpu.memory_space<vmem>> -> memref<256xf32, #tpu.memory_space<vmem>>
          tpu.vector_store_idx %scatter3A_1260[%add3A_1258], %gather3A_1252 : memref<256xf32, #tpu.memory_space<vmem>>[vector<16xi32>], vector<16xf32>,
          %broadcast_in_dim3A_1261 = arith.constant 10 : i32
          %broadcast_in_dim3A_1262 = vector.broadcast %broadcast_in_dim3A_1261 : i32 to vector<16xi32>
          %gather3A_1263 = tpu.vector_load_idx %arg16[%broadcast_in_dim3A_1262, %min3A_1150] : memref<16x4096xf32, #tpu.memory_space<vmem>>[vector<16xi32>, vector<16xi32>], vector<16xf32>,
          %mul3A_1264 = arith.constant 16 : i32
          %mul3A_1265 = vector.broadcast %mul3A_1264 : i32 to vector<16xi32>
          %mul3A_1266 = arith.muli %iota3A, %mul3A_1265 : vector<16xi32>
          %add3A_1267 = arith.constant 10 : i32
          %add3A_1268 = vector.broadcast %add3A_1267 : i32 to vector<16xi32>
          %add3A_1269 = arith.addi %mul3A_1266, %add3A_1268 : vector<16xi32>
          %scatter3A_1270 = arith.constant 1280 : i32
          %scatter3A_1271 = tpu.memref_slice %arg19[%scatter3A_1270] : memref<2048xf32, #tpu.memory_space<vmem>> -> memref<256xf32, #tpu.memory_space<vmem>>
          tpu.vector_store_idx %scatter3A_1271[%add3A_1269], %gather3A_1263 : memref<256xf32, #tpu.memory_space<vmem>>[vector<16xi32>], vector<16xf32>,
          %broadcast_in_dim3A_1272 = arith.constant 11 : i32
          %broadcast_in_dim3A_1273 = vector.broadcast %broadcast_in_dim3A_1272 : i32 to vector<16xi32>
          %gather3A_1274 = tpu.vector_load_idx %arg16[%broadcast_in_dim3A_1273, %min3A_1150] : memref<16x4096xf32, #tpu.memory_space<vmem>>[vector<16xi32>, vector<16xi32>], vector<16xf32>,
          %mul3A_1275 = arith.constant 16 : i32
          %mul3A_1276 = vector.broadcast %mul3A_1275 : i32 to vector<16xi32>
          %mul3A_1277 = arith.muli %iota3A, %mul3A_1276 : vector<16xi32>
          %add3A_1278 = arith.constant 11 : i32
          %add3A_1279 = vector.broadcast %add3A_1278 : i32 to vector<16xi32>
          %add3A_1280 = arith.addi %mul3A_1277, %add3A_1279 : vector<16xi32>
          %scatter3A_1281 = arith.constant 1280 : i32
          %scatter3A_1282 = tpu.memref_slice %arg19[%scatter3A_1281] : memref<2048xf32, #tpu.memory_space<vmem>> -> memref<256xf32, #tpu.memory_space<vmem>>
          tpu.vector_store_idx %scatter3A_1282[%add3A_1280], %gather3A_1274 : memref<256xf32, #tpu.memory_space<vmem>>[vector<16xi32>], vector<16xf32>,
          %broadcast_in_dim3A_1283 = arith.constant 12 : i32
          %broadcast_in_dim3A_1284 = vector.broadcast %broadcast_in_dim3A_1283 : i32 to vector<16xi32>
          %gather3A_1285 = tpu.vector_load_idx %arg16[%broadcast_in_dim3A_1284, %min3A_1150] : memref<16x4096xf32, #tpu.memory_space<vmem>>[vector<16xi32>, vector<16xi32>], vector<16xf32>,
          %mul3A_1286 = arith.constant 16 : i32
          %mul3A_1287 = vector.broadcast %mul3A_1286 : i32 to vector<16xi32>
          %mul3A_1288 = arith.muli %iota3A, %mul3A_1287 : vector<16xi32>
          %add3A_1289 = arith.constant 12 : i32
          %add3A_1290 = vector.broadcast %add3A_1289 : i32 to vector<16xi32>
          %add3A_1291 = arith.addi %mul3A_1288, %add3A_1290 : vector<16xi32>
          %scatter3A_1292 = arith.constant 1280 : i32
          %scatter3A_1293 = tpu.memref_slice %arg19[%scatter3A_1292] : memref<2048xf32, #tpu.memory_space<vmem>> -> memref<256xf32, #tpu.memory_space<vmem>>
          tpu.vector_store_idx %scatter3A_1293[%add3A_1291], %gather3A_1285 : memref<256xf32, #tpu.memory_space<vmem>>[vector<16xi32>], vector<16xf32>,
          %broadcast_in_dim3A_1294 = arith.constant 13 : i32
          %broadcast_in_dim3A_1295 = vector.broadcast %broadcast_in_dim3A_1294 : i32 to vector<16xi32>
          %gather3A_1296 = tpu.vector_load_idx %arg16[%broadcast_in_dim3A_1295, %min3A_1150] : memref<16x4096xf32, #tpu.memory_space<vmem>>[vector<16xi32>, vector<16xi32>], vector<16xf32>,
          %mul3A_1297 = arith.constant 16 : i32
          %mul3A_1298 = vector.broadcast %mul3A_1297 : i32 to vector<16xi32>
          %mul3A_1299 = arith.muli %iota3A, %mul3A_1298 : vector<16xi32>
          %add3A_1300 = arith.constant 13 : i32
          %add3A_1301 = vector.broadcast %add3A_1300 : i32 to vector<16xi32>
          %add3A_1302 = arith.addi %mul3A_1299, %add3A_1301 : vector<16xi32>
          %scatter3A_1303 = arith.constant 1280 : i32
          %scatter3A_1304 = tpu.memref_slice %arg19[%scatter3A_1303] : memref<2048xf32, #tpu.memory_space<vmem>> -> memref<256xf32, #tpu.memory_space<vmem>>
          tpu.vector_store_idx %scatter3A_1304[%add3A_1302], %gather3A_1296 : memref<256xf32, #tpu.memory_space<vmem>>[vector<16xi32>], vector<16xf32>,
          %broadcast_in_dim3A_1305 = arith.constant 14 : i32
          %broadcast_in_dim3A_1306 = vector.broadcast %broadcast_in_dim3A_1305 : i32 to vector<16xi32>
          %gather3A_1307 = tpu.vector_load_idx %arg16[%broadcast_in_dim3A_1306, %min3A_1150] : memref<16x4096xf32, #tpu.memory_space<vmem>>[vector<16xi32>, vector<16xi32>], vector<16xf32>,
          %mul3A_1308 = arith.constant 16 : i32
          %mul3A_1309 = vector.broadcast %mul3A_1308 : i32 to vector<16xi32>
          %mul3A_1310 = arith.muli %iota3A, %mul3A_1309 : vector<16xi32>
          %add3A_1311 = arith.constant 14 : i32
          %add3A_1312 = vector.broadcast %add3A_1311 : i32 to vector<16xi32>
          %add3A_1313 = arith.addi %mul3A_1310, %add3A_1312 : vector<16xi32>
          %scatter3A_1314 = arith.constant 1280 : i32
          %scatter3A_1315 = tpu.memref_slice %arg19[%scatter3A_1314] : memref<2048xf32, #tpu.memory_space<vmem>> -> memref<256xf32, #tpu.memory_space<vmem>>
          tpu.vector_store_idx %scatter3A_1315[%add3A_1313], %gather3A_1307 : memref<256xf32, #tpu.memory_space<vmem>>[vector<16xi32>], vector<16xf32>,
          %broadcast_in_dim3A_1316 = arith.constant 15 : i32
          %broadcast_in_dim3A_1317 = vector.broadcast %broadcast_in_dim3A_1316 : i32 to vector<16xi32>
          %gather3A_1318 = tpu.vector_load_idx %arg16[%broadcast_in_dim3A_1317, %min3A_1150] : memref<16x4096xf32, #tpu.memory_space<vmem>>[vector<16xi32>, vector<16xi32>], vector<16xf32>,
          %mul3A_1319 = arith.constant 16 : i32
          %mul3A_1320 = vector.broadcast %mul3A_1319 : i32 to vector<16xi32>
          %mul3A_1321 = arith.muli %iota3A, %mul3A_1320 : vector<16xi32>
          %add3A_1322 = arith.constant 15 : i32
          %add3A_1323 = vector.broadcast %add3A_1322 : i32 to vector<16xi32>
          %add3A_1324 = arith.addi %mul3A_1321, %add3A_1323 : vector<16xi32>
          %scatter3A_1325 = arith.constant 1280 : i32
          %scatter3A_1326 = tpu.memref_slice %arg19[%scatter3A_1325] : memref<2048xf32, #tpu.memory_space<vmem>> -> memref<256xf32, #tpu.memory_space<vmem>>
          tpu.vector_store_idx %scatter3A_1326[%add3A_1324], %gather3A_1318 : memref<256xf32, #tpu.memory_space<vmem>>[vector<16xi32>], vector<16xf32>,
          %get3A_1327 = arith.constant 96 : index
          %get3A_1328 = tpu.vector_load %arg18[%get3A_1327] {strides = array<i32>} : memref<128xi32, #tpu.memory_space<vmem>>, vector<16xi32>,
          %mul3A_1329 = arith.constant 4096 : i32
          %mul3A_1330 = arith.muli %add3A_86, %mul3A_1329 : i32
          %sub3A_1331 = vector.broadcast %mul3A_1330 : i32 to vector<16xi32>
          %sub3A_1332 = arith.subi %get3A_1328, %sub3A_1331 : vector<16xi32>
          %jit3A_1333 = arith.constant 0 : i32
          %jit3A_1334 = arith.constant 4095 : i32
          %max3A_1335 = vector.broadcast %jit3A_1333 : i32 to vector<16xi32>
          %max3A_1336 = arith.maxsi %max3A_1335, %sub3A_1332 : vector<16xi32>
          %min3A_1337 = vector.broadcast %jit3A_1334 : i32 to vector<16xi32>
          %min3A_1338 = arith.minsi %min3A_1337, %max3A_1336 : vector<16xi32>
          %broadcast_in_dim3A_1339 = arith.constant 0 : i32
          %broadcast_in_dim3A_1340 = vector.broadcast %broadcast_in_dim3A_1339 : i32 to vector<16xi32>
          %gather3A_1341 = tpu.vector_load_idx %arg16[%broadcast_in_dim3A_1340, %min3A_1338] : memref<16x4096xf32, #tpu.memory_space<vmem>>[vector<16xi32>, vector<16xi32>], vector<16xf32>,
          %mul3A_1342 = arith.constant 16 : i32
          %mul3A_1343 = vector.broadcast %mul3A_1342 : i32 to vector<16xi32>
          %mul3A_1344 = arith.muli %iota3A, %mul3A_1343 : vector<16xi32>
          %add3A_1345 = arith.constant 0 : i32
          %add3A_1346 = vector.broadcast %add3A_1345 : i32 to vector<16xi32>
          %add3A_1347 = arith.addi %mul3A_1344, %add3A_1346 : vector<16xi32>
          %scatter3A_1348 = arith.constant 1536 : i32
          %scatter3A_1349 = tpu.memref_slice %arg19[%scatter3A_1348] : memref<2048xf32, #tpu.memory_space<vmem>> -> memref<256xf32, #tpu.memory_space<vmem>>
          tpu.vector_store_idx %scatter3A_1349[%add3A_1347], %gather3A_1341 : memref<256xf32, #tpu.memory_space<vmem>>[vector<16xi32>], vector<16xf32>,
          %broadcast_in_dim3A_1350 = arith.constant 1 : i32
          %broadcast_in_dim3A_1351 = vector.broadcast %broadcast_in_dim3A_1350 : i32 to vector<16xi32>
          %gather3A_1352 = tpu.vector_load_idx %arg16[%broadcast_in_dim3A_1351, %min3A_1338] : memref<16x4096xf32, #tpu.memory_space<vmem>>[vector<16xi32>, vector<16xi32>], vector<16xf32>,
          %mul3A_1353 = arith.constant 16 : i32
          %mul3A_1354 = vector.broadcast %mul3A_1353 : i32 to vector<16xi32>
          %mul3A_1355 = arith.muli %iota3A, %mul3A_1354 : vector<16xi32>
          %add3A_1356 = arith.constant 1 : i32
          %add3A_1357 = vector.broadcast %add3A_1356 : i32 to vector<16xi32>
          %add3A_1358 = arith.addi %mul3A_1355, %add3A_1357 : vector<16xi32>
          %scatter3A_1359 = arith.constant 1536 : i32
          %scatter3A_1360 = tpu.memref_slice %arg19[%scatter3A_1359] : memref<2048xf32, #tpu.memory_space<vmem>> -> memref<256xf32, #tpu.memory_space<vmem>>
          tpu.vector_store_idx %scatter3A_1360[%add3A_1358], %gather3A_1352 : memref<256xf32, #tpu.memory_space<vmem>>[vector<16xi32>], vector<16xf32>,
          %broadcast_in_dim3A_1361 = arith.constant 2 : i32
          %broadcast_in_dim3A_1362 = vector.broadcast %broadcast_in_dim3A_1361 : i32 to vector<16xi32>
          %gather3A_1363 = tpu.vector_load_idx %arg16[%broadcast_in_dim3A_1362, %min3A_1338] : memref<16x4096xf32, #tpu.memory_space<vmem>>[vector<16xi32>, vector<16xi32>], vector<16xf32>,
          %mul3A_1364 = arith.constant 16 : i32
          %mul3A_1365 = vector.broadcast %mul3A_1364 : i32 to vector<16xi32>
          %mul3A_1366 = arith.muli %iota3A, %mul3A_1365 : vector<16xi32>
          %add3A_1367 = arith.constant 2 : i32
          %add3A_1368 = vector.broadcast %add3A_1367 : i32 to vector<16xi32>
          %add3A_1369 = arith.addi %mul3A_1366, %add3A_1368 : vector<16xi32>
          %scatter3A_1370 = arith.constant 1536 : i32
          %scatter3A_1371 = tpu.memref_slice %arg19[%scatter3A_1370] : memref<2048xf32, #tpu.memory_space<vmem>> -> memref<256xf32, #tpu.memory_space<vmem>>
          tpu.vector_store_idx %scatter3A_1371[%add3A_1369], %gather3A_1363 : memref<256xf32, #tpu.memory_space<vmem>>[vector<16xi32>], vector<16xf32>,
          %broadcast_in_dim3A_1372 = arith.constant 3 : i32
          %broadcast_in_dim3A_1373 = vector.broadcast %broadcast_in_dim3A_1372 : i32 to vector<16xi32>
          %gather3A_1374 = tpu.vector_load_idx %arg16[%broadcast_in_dim3A_1373, %min3A_1338] : memref<16x4096xf32, #tpu.memory_space<vmem>>[vector<16xi32>, vector<16xi32>], vector<16xf32>,
          %mul3A_1375 = arith.constant 16 : i32
          %mul3A_1376 = vector.broadcast %mul3A_1375 : i32 to vector<16xi32>
          %mul3A_1377 = arith.muli %iota3A, %mul3A_1376 : vector<16xi32>
          %add3A_1378 = arith.constant 3 : i32
          %add3A_1379 = vector.broadcast %add3A_1378 : i32 to vector<16xi32>
          %add3A_1380 = arith.addi %mul3A_1377, %add3A_1379 : vector<16xi32>
          %scatter3A_1381 = arith.constant 1536 : i32
          %scatter3A_1382 = tpu.memref_slice %arg19[%scatter3A_1381] : memref<2048xf32, #tpu.memory_space<vmem>> -> memref<256xf32, #tpu.memory_space<vmem>>
          tpu.vector_store_idx %scatter3A_1382[%add3A_1380], %gather3A_1374 : memref<256xf32, #tpu.memory_space<vmem>>[vector<16xi32>], vector<16xf32>,
          %broadcast_in_dim3A_1383 = arith.constant 4 : i32
          %broadcast_in_dim3A_1384 = vector.broadcast %broadcast_in_dim3A_1383 : i32 to vector<16xi32>
          %gather3A_1385 = tpu.vector_load_idx %arg16[%broadcast_in_dim3A_1384, %min3A_1338] : memref<16x4096xf32, #tpu.memory_space<vmem>>[vector<16xi32>, vector<16xi32>], vector<16xf32>,
          %mul3A_1386 = arith.constant 16 : i32
          %mul3A_1387 = vector.broadcast %mul3A_1386 : i32 to vector<16xi32>
          %mul3A_1388 = arith.muli %iota3A, %mul3A_1387 : vector<16xi32>
          %add3A_1389 = arith.constant 4 : i32
          %add3A_1390 = vector.broadcast %add3A_1389 : i32 to vector<16xi32>
          %add3A_1391 = arith.addi %mul3A_1388, %add3A_1390 : vector<16xi32>
          %scatter3A_1392 = arith.constant 1536 : i32
          %scatter3A_1393 = tpu.memref_slice %arg19[%scatter3A_1392] : memref<2048xf32, #tpu.memory_space<vmem>> -> memref<256xf32, #tpu.memory_space<vmem>>
          tpu.vector_store_idx %scatter3A_1393[%add3A_1391], %gather3A_1385 : memref<256xf32, #tpu.memory_space<vmem>>[vector<16xi32>], vector<16xf32>,
          %broadcast_in_dim3A_1394 = arith.constant 5 : i32
          %broadcast_in_dim3A_1395 = vector.broadcast %broadcast_in_dim3A_1394 : i32 to vector<16xi32>
          %gather3A_1396 = tpu.vector_load_idx %arg16[%broadcast_in_dim3A_1395, %min3A_1338] : memref<16x4096xf32, #tpu.memory_space<vmem>>[vector<16xi32>, vector<16xi32>], vector<16xf32>,
          %mul3A_1397 = arith.constant 16 : i32
          %mul3A_1398 = vector.broadcast %mul3A_1397 : i32 to vector<16xi32>
          %mul3A_1399 = arith.muli %iota3A, %mul3A_1398 : vector<16xi32>
          %add3A_1400 = arith.constant 5 : i32
          %add3A_1401 = vector.broadcast %add3A_1400 : i32 to vector<16xi32>
          %add3A_1402 = arith.addi %mul3A_1399, %add3A_1401 : vector<16xi32>
          %scatter3A_1403 = arith.constant 1536 : i32
          %scatter3A_1404 = tpu.memref_slice %arg19[%scatter3A_1403] : memref<2048xf32, #tpu.memory_space<vmem>> -> memref<256xf32, #tpu.memory_space<vmem>>
          tpu.vector_store_idx %scatter3A_1404[%add3A_1402], %gather3A_1396 : memref<256xf32, #tpu.memory_space<vmem>>[vector<16xi32>], vector<16xf32>,
          %broadcast_in_dim3A_1405 = arith.constant 6 : i32
          %broadcast_in_dim3A_1406 = vector.broadcast %broadcast_in_dim3A_1405 : i32 to vector<16xi32>
          %gather3A_1407 = tpu.vector_load_idx %arg16[%broadcast_in_dim3A_1406, %min3A_1338] : memref<16x4096xf32, #tpu.memory_space<vmem>>[vector<16xi32>, vector<16xi32>], vector<16xf32>,
          %mul3A_1408 = arith.constant 16 : i32
          %mul3A_1409 = vector.broadcast %mul3A_1408 : i32 to vector<16xi32>
          %mul3A_1410 = arith.muli %iota3A, %mul3A_1409 : vector<16xi32>
          %add3A_1411 = arith.constant 6 : i32
          %add3A_1412 = vector.broadcast %add3A_1411 : i32 to vector<16xi32>
          %add3A_1413 = arith.addi %mul3A_1410, %add3A_1412 : vector<16xi32>
          %scatter3A_1414 = arith.constant 1536 : i32
          %scatter3A_1415 = tpu.memref_slice %arg19[%scatter3A_1414] : memref<2048xf32, #tpu.memory_space<vmem>> -> memref<256xf32, #tpu.memory_space<vmem>>
          tpu.vector_store_idx %scatter3A_1415[%add3A_1413], %gather3A_1407 : memref<256xf32, #tpu.memory_space<vmem>>[vector<16xi32>], vector<16xf32>,
          %broadcast_in_dim3A_1416 = arith.constant 7 : i32
          %broadcast_in_dim3A_1417 = vector.broadcast %broadcast_in_dim3A_1416 : i32 to vector<16xi32>
          %gather3A_1418 = tpu.vector_load_idx %arg16[%broadcast_in_dim3A_1417, %min3A_1338] : memref<16x4096xf32, #tpu.memory_space<vmem>>[vector<16xi32>, vector<16xi32>], vector<16xf32>,
          %mul3A_1419 = arith.constant 16 : i32
          %mul3A_1420 = vector.broadcast %mul3A_1419 : i32 to vector<16xi32>
          %mul3A_1421 = arith.muli %iota3A, %mul3A_1420 : vector<16xi32>
          %add3A_1422 = arith.constant 7 : i32
          %add3A_1423 = vector.broadcast %add3A_1422 : i32 to vector<16xi32>
          %add3A_1424 = arith.addi %mul3A_1421, %add3A_1423 : vector<16xi32>
          %scatter3A_1425 = arith.constant 1536 : i32
          %scatter3A_1426 = tpu.memref_slice %arg19[%scatter3A_1425] : memref<2048xf32, #tpu.memory_space<vmem>> -> memref<256xf32, #tpu.memory_space<vmem>>
          tpu.vector_store_idx %scatter3A_1426[%add3A_1424], %gather3A_1418 : memref<256xf32, #tpu.memory_space<vmem>>[vector<16xi32>], vector<16xf32>,
          %broadcast_in_dim3A_1427 = arith.constant 8 : i32
          %broadcast_in_dim3A_1428 = vector.broadcast %broadcast_in_dim3A_1427 : i32 to vector<16xi32>
          %gather3A_1429 = tpu.vector_load_idx %arg16[%broadcast_in_dim3A_1428, %min3A_1338] : memref<16x4096xf32, #tpu.memory_space<vmem>>[vector<16xi32>, vector<16xi32>], vector<16xf32>,
          %mul3A_1430 = arith.constant 16 : i32
          %mul3A_1431 = vector.broadcast %mul3A_1430 : i32 to vector<16xi32>
          %mul3A_1432 = arith.muli %iota3A, %mul3A_1431 : vector<16xi32>
          %add3A_1433 = arith.constant 8 : i32
          %add3A_1434 = vector.broadcast %add3A_1433 : i32 to vector<16xi32>
          %add3A_1435 = arith.addi %mul3A_1432, %add3A_1434 : vector<16xi32>
          %scatter3A_1436 = arith.constant 1536 : i32
          %scatter3A_1437 = tpu.memref_slice %arg19[%scatter3A_1436] : memref<2048xf32, #tpu.memory_space<vmem>> -> memref<256xf32, #tpu.memory_space<vmem>>
          tpu.vector_store_idx %scatter3A_1437[%add3A_1435], %gather3A_1429 : memref<256xf32, #tpu.memory_space<vmem>>[vector<16xi32>], vector<16xf32>,
          %broadcast_in_dim3A_1438 = arith.constant 9 : i32
          %broadcast_in_dim3A_1439 = vector.broadcast %broadcast_in_dim3A_1438 : i32 to vector<16xi32>
          %gather3A_1440 = tpu.vector_load_idx %arg16[%broadcast_in_dim3A_1439, %min3A_1338] : memref<16x4096xf32, #tpu.memory_space<vmem>>[vector<16xi32>, vector<16xi32>], vector<16xf32>,
          %mul3A_1441 = arith.constant 16 : i32
          %mul3A_1442 = vector.broadcast %mul3A_1441 : i32 to vector<16xi32>
          %mul3A_1443 = arith.muli %iota3A, %mul3A_1442 : vector<16xi32>
          %add3A_1444 = arith.constant 9 : i32
          %add3A_1445 = vector.broadcast %add3A_1444 : i32 to vector<16xi32>
          %add3A_1446 = arith.addi %mul3A_1443, %add3A_1445 : vector<16xi32>
          %scatter3A_1447 = arith.constant 1536 : i32
          %scatter3A_1448 = tpu.memref_slice %arg19[%scatter3A_1447] : memref<2048xf32, #tpu.memory_space<vmem>> -> memref<256xf32, #tpu.memory_space<vmem>>
          tpu.vector_store_idx %scatter3A_1448[%add3A_1446], %gather3A_1440 : memref<256xf32, #tpu.memory_space<vmem>>[vector<16xi32>], vector<16xf32>,
          %broadcast_in_dim3A_1449 = arith.constant 10 : i32
          %broadcast_in_dim3A_1450 = vector.broadcast %broadcast_in_dim3A_1449 : i32 to vector<16xi32>
          %gather3A_1451 = tpu.vector_load_idx %arg16[%broadcast_in_dim3A_1450, %min3A_1338] : memref<16x4096xf32, #tpu.memory_space<vmem>>[vector<16xi32>, vector<16xi32>], vector<16xf32>,
          %mul3A_1452 = arith.constant 16 : i32
          %mul3A_1453 = vector.broadcast %mul3A_1452 : i32 to vector<16xi32>
          %mul3A_1454 = arith.muli %iota3A, %mul3A_1453 : vector<16xi32>
          %add3A_1455 = arith.constant 10 : i32
          %add3A_1456 = vector.broadcast %add3A_1455 : i32 to vector<16xi32>
          %add3A_1457 = arith.addi %mul3A_1454, %add3A_1456 : vector<16xi32>
          %scatter3A_1458 = arith.constant 1536 : i32
          %scatter3A_1459 = tpu.memref_slice %arg19[%scatter3A_1458] : memref<2048xf32, #tpu.memory_space<vmem>> -> memref<256xf32, #tpu.memory_space<vmem>>
          tpu.vector_store_idx %scatter3A_1459[%add3A_1457], %gather3A_1451 : memref<256xf32, #tpu.memory_space<vmem>>[vector<16xi32>], vector<16xf32>,
          %broadcast_in_dim3A_1460 = arith.constant 11 : i32
          %broadcast_in_dim3A_1461 = vector.broadcast %broadcast_in_dim3A_1460 : i32 to vector<16xi32>
          %gather3A_1462 = tpu.vector_load_idx %arg16[%broadcast_in_dim3A_1461, %min3A_1338] : memref<16x4096xf32, #tpu.memory_space<vmem>>[vector<16xi32>, vector<16xi32>], vector<16xf32>,
          %mul3A_1463 = arith.constant 16 : i32
          %mul3A_1464 = vector.broadcast %mul3A_1463 : i32 to vector<16xi32>
          %mul3A_1465 = arith.muli %iota3A, %mul3A_1464 : vector<16xi32>
          %add3A_1466 = arith.constant 11 : i32
          %add3A_1467 = vector.broadcast %add3A_1466 : i32 to vector<16xi32>
          %add3A_1468 = arith.addi %mul3A_1465, %add3A_1467 : vector<16xi32>
          %scatter3A_1469 = arith.constant 1536 : i32
          %scatter3A_1470 = tpu.memref_slice %arg19[%scatter3A_1469] : memref<2048xf32, #tpu.memory_space<vmem>> -> memref<256xf32, #tpu.memory_space<vmem>>
          tpu.vector_store_idx %scatter3A_1470[%add3A_1468], %gather3A_1462 : memref<256xf32, #tpu.memory_space<vmem>>[vector<16xi32>], vector<16xf32>,
          %broadcast_in_dim3A_1471 = arith.constant 12 : i32
          %broadcast_in_dim3A_1472 = vector.broadcast %broadcast_in_dim3A_1471 : i32 to vector<16xi32>
          %gather3A_1473 = tpu.vector_load_idx %arg16[%broadcast_in_dim3A_1472, %min3A_1338] : memref<16x4096xf32, #tpu.memory_space<vmem>>[vector<16xi32>, vector<16xi32>], vector<16xf32>,
          %mul3A_1474 = arith.constant 16 : i32
          %mul3A_1475 = vector.broadcast %mul3A_1474 : i32 to vector<16xi32>
          %mul3A_1476 = arith.muli %iota3A, %mul3A_1475 : vector<16xi32>
          %add3A_1477 = arith.constant 12 : i32
          %add3A_1478 = vector.broadcast %add3A_1477 : i32 to vector<16xi32>
          %add3A_1479 = arith.addi %mul3A_1476, %add3A_1478 : vector<16xi32>
          %scatter3A_1480 = arith.constant 1536 : i32
          %scatter3A_1481 = tpu.memref_slice %arg19[%scatter3A_1480] : memref<2048xf32, #tpu.memory_space<vmem>> -> memref<256xf32, #tpu.memory_space<vmem>>
          tpu.vector_store_idx %scatter3A_1481[%add3A_1479], %gather3A_1473 : memref<256xf32, #tpu.memory_space<vmem>>[vector<16xi32>], vector<16xf32>,
          %broadcast_in_dim3A_1482 = arith.constant 13 : i32
          %broadcast_in_dim3A_1483 = vector.broadcast %broadcast_in_dim3A_1482 : i32 to vector<16xi32>
          %gather3A_1484 = tpu.vector_load_idx %arg16[%broadcast_in_dim3A_1483, %min3A_1338] : memref<16x4096xf32, #tpu.memory_space<vmem>>[vector<16xi32>, vector<16xi32>], vector<16xf32>,
          %mul3A_1485 = arith.constant 16 : i32
          %mul3A_1486 = vector.broadcast %mul3A_1485 : i32 to vector<16xi32>
          %mul3A_1487 = arith.muli %iota3A, %mul3A_1486 : vector<16xi32>
          %add3A_1488 = arith.constant 13 : i32
          %add3A_1489 = vector.broadcast %add3A_1488 : i32 to vector<16xi32>
          %add3A_1490 = arith.addi %mul3A_1487, %add3A_1489 : vector<16xi32>
          %scatter3A_1491 = arith.constant 1536 : i32
          %scatter3A_1492 = tpu.memref_slice %arg19[%scatter3A_1491] : memref<2048xf32, #tpu.memory_space<vmem>> -> memref<256xf32, #tpu.memory_space<vmem>>
          tpu.vector_store_idx %scatter3A_1492[%add3A_1490], %gather3A_1484 : memref<256xf32, #tpu.memory_space<vmem>>[vector<16xi32>], vector<16xf32>,
          %broadcast_in_dim3A_1493 = arith.constant 14 : i32
          %broadcast_in_dim3A_1494 = vector.broadcast %broadcast_in_dim3A_1493 : i32 to vector<16xi32>
          %gather3A_1495 = tpu.vector_load_idx %arg16[%broadcast_in_dim3A_1494, %min3A_1338] : memref<16x4096xf32, #tpu.memory_space<vmem>>[vector<16xi32>, vector<16xi32>], vector<16xf32>,
          %mul3A_1496 = arith.constant 16 : i32
          %mul3A_1497 = vector.broadcast %mul3A_1496 : i32 to vector<16xi32>
          %mul3A_1498 = arith.muli %iota3A, %mul3A_1497 : vector<16xi32>
          %add3A_1499 = arith.constant 14 : i32
          %add3A_1500 = vector.broadcast %add3A_1499 : i32 to vector<16xi32>
          %add3A_1501 = arith.addi %mul3A_1498, %add3A_1500 : vector<16xi32>
          %scatter3A_1502 = arith.constant 1536 : i32
          %scatter3A_1503 = tpu.memref_slice %arg19[%scatter3A_1502] : memref<2048xf32, #tpu.memory_space<vmem>> -> memref<256xf32, #tpu.memory_space<vmem>>
          tpu.vector_store_idx %scatter3A_1503[%add3A_1501], %gather3A_1495 : memref<256xf32, #tpu.memory_space<vmem>>[vector<16xi32>], vector<16xf32>,
          %broadcast_in_dim3A_1504 = arith.constant 15 : i32
          %broadcast_in_dim3A_1505 = vector.broadcast %broadcast_in_dim3A_1504 : i32 to vector<16xi32>
          %gather3A_1506 = tpu.vector_load_idx %arg16[%broadcast_in_dim3A_1505, %min3A_1338] : memref<16x4096xf32, #tpu.memory_space<vmem>>[vector<16xi32>, vector<16xi32>], vector<16xf32>,
          %mul3A_1507 = arith.constant 16 : i32
          %mul3A_1508 = vector.broadcast %mul3A_1507 : i32 to vector<16xi32>
          %mul3A_1509 = arith.muli %iota3A, %mul3A_1508 : vector<16xi32>
          %add3A_1510 = arith.constant 15 : i32
          %add3A_1511 = vector.broadcast %add3A_1510 : i32 to vector<16xi32>
          %add3A_1512 = arith.addi %mul3A_1509, %add3A_1511 : vector<16xi32>
          %scatter3A_1513 = arith.constant 1536 : i32
          %scatter3A_1514 = tpu.memref_slice %arg19[%scatter3A_1513] : memref<2048xf32, #tpu.memory_space<vmem>> -> memref<256xf32, #tpu.memory_space<vmem>>
          tpu.vector_store_idx %scatter3A_1514[%add3A_1512], %gather3A_1506 : memref<256xf32, #tpu.memory_space<vmem>>[vector<16xi32>], vector<16xf32>,
          %get3A_1515 = arith.constant 112 : index
          %get3A_1516 = tpu.vector_load %arg18[%get3A_1515] {strides = array<i32>} : memref<128xi32, #tpu.memory_space<vmem>>, vector<16xi32>,
          %mul3A_1517 = arith.constant 4096 : i32
          %mul3A_1518 = arith.muli %add3A_86, %mul3A_1517 : i32
          %sub3A_1519 = vector.broadcast %mul3A_1518 : i32 to vector<16xi32>
          %sub3A_1520 = arith.subi %get3A_1516, %sub3A_1519 : vector<16xi32>
          %jit3A_1521 = arith.constant 0 : i32
          %jit3A_1522 = arith.constant 4095 : i32
          %max3A_1523 = vector.broadcast %jit3A_1521 : i32 to vector<16xi32>
          %max3A_1524 = arith.maxsi %max3A_1523, %sub3A_1520 : vector<16xi32>
          %min3A_1525 = vector.broadcast %jit3A_1522 : i32 to vector<16xi32>
          %min3A_1526 = arith.minsi %min3A_1525, %max3A_1524 : vector<16xi32>
          %broadcast_in_dim3A_1527 = arith.constant 0 : i32
          %broadcast_in_dim3A_1528 = vector.broadcast %broadcast_in_dim3A_1527 : i32 to vector<16xi32>
          %gather3A_1529 = tpu.vector_load_idx %arg16[%broadcast_in_dim3A_1528, %min3A_1526] : memref<16x4096xf32, #tpu.memory_space<vmem>>[vector<16xi32>, vector<16xi32>], vector<16xf32>,
          %mul3A_1530 = arith.constant 16 : i32
          %mul3A_1531 = vector.broadcast %mul3A_1530 : i32 to vector<16xi32>
          %mul3A_1532 = arith.muli %iota3A, %mul3A_1531 : vector<16xi32>
          %add3A_1533 = arith.constant 0 : i32
          %add3A_1534 = vector.broadcast %add3A_1533 : i32 to vector<16xi32>
          %add3A_1535 = arith.addi %mul3A_1532, %add3A_1534 : vector<16xi32>
          %scatter3A_1536 = arith.constant 1792 : i32
          %scatter3A_1537 = tpu.memref_slice %arg19[%scatter3A_1536] : memref<2048xf32, #tpu.memory_space<vmem>> -> memref<256xf32, #tpu.memory_space<vmem>>
          tpu.vector_store_idx %scatter3A_1537[%add3A_1535], %gather3A_1529 : memref<256xf32, #tpu.memory_space<vmem>>[vector<16xi32>], vector<16xf32>,
          %broadcast_in_dim3A_1538 = arith.constant 1 : i32
          %broadcast_in_dim3A_1539 = vector.broadcast %broadcast_in_dim3A_1538 : i32 to vector<16xi32>
          %gather3A_1540 = tpu.vector_load_idx %arg16[%broadcast_in_dim3A_1539, %min3A_1526] : memref<16x4096xf32, #tpu.memory_space<vmem>>[vector<16xi32>, vector<16xi32>], vector<16xf32>,
          %mul3A_1541 = arith.constant 16 : i32
          %mul3A_1542 = vector.broadcast %mul3A_1541 : i32 to vector<16xi32>
          %mul3A_1543 = arith.muli %iota3A, %mul3A_1542 : vector<16xi32>
          %add3A_1544 = arith.constant 1 : i32
          %add3A_1545 = vector.broadcast %add3A_1544 : i32 to vector<16xi32>
          %add3A_1546 = arith.addi %mul3A_1543, %add3A_1545 : vector<16xi32>
          %scatter3A_1547 = arith.constant 1792 : i32
          %scatter3A_1548 = tpu.memref_slice %arg19[%scatter3A_1547] : memref<2048xf32, #tpu.memory_space<vmem>> -> memref<256xf32, #tpu.memory_space<vmem>>
          tpu.vector_store_idx %scatter3A_1548[%add3A_1546], %gather3A_1540 : memref<256xf32, #tpu.memory_space<vmem>>[vector<16xi32>], vector<16xf32>,
          %broadcast_in_dim3A_1549 = arith.constant 2 : i32
          %broadcast_in_dim3A_1550 = vector.broadcast %broadcast_in_dim3A_1549 : i32 to vector<16xi32>
          %gather3A_1551 = tpu.vector_load_idx %arg16[%broadcast_in_dim3A_1550, %min3A_1526] : memref<16x4096xf32, #tpu.memory_space<vmem>>[vector<16xi32>, vector<16xi32>], vector<16xf32>,
          %mul3A_1552 = arith.constant 16 : i32
          %mul3A_1553 = vector.broadcast %mul3A_1552 : i32 to vector<16xi32>
          %mul3A_1554 = arith.muli %iota3A, %mul3A_1553 : vector<16xi32>
          %add3A_1555 = arith.constant 2 : i32
          %add3A_1556 = vector.broadcast %add3A_1555 : i32 to vector<16xi32>
          %add3A_1557 = arith.addi %mul3A_1554, %add3A_1556 : vector<16xi32>
          %scatter3A_1558 = arith.constant 1792 : i32
          %scatter3A_1559 = tpu.memref_slice %arg19[%scatter3A_1558] : memref<2048xf32, #tpu.memory_space<vmem>> -> memref<256xf32, #tpu.memory_space<vmem>>
          tpu.vector_store_idx %scatter3A_1559[%add3A_1557], %gather3A_1551 : memref<256xf32, #tpu.memory_space<vmem>>[vector<16xi32>], vector<16xf32>,
          %broadcast_in_dim3A_1560 = arith.constant 3 : i32
          %broadcast_in_dim3A_1561 = vector.broadcast %broadcast_in_dim3A_1560 : i32 to vector<16xi32>
          %gather3A_1562 = tpu.vector_load_idx %arg16[%broadcast_in_dim3A_1561, %min3A_1526] : memref<16x4096xf32, #tpu.memory_space<vmem>>[vector<16xi32>, vector<16xi32>], vector<16xf32>,
          %mul3A_1563 = arith.constant 16 : i32
          %mul3A_1564 = vector.broadcast %mul3A_1563 : i32 to vector<16xi32>
          %mul3A_1565 = arith.muli %iota3A, %mul3A_1564 : vector<16xi32>
          %add3A_1566 = arith.constant 3 : i32
          %add3A_1567 = vector.broadcast %add3A_1566 : i32 to vector<16xi32>
          %add3A_1568 = arith.addi %mul3A_1565, %add3A_1567 : vector<16xi32>
          %scatter3A_1569 = arith.constant 1792 : i32
          %scatter3A_1570 = tpu.memref_slice %arg19[%scatter3A_1569] : memref<2048xf32, #tpu.memory_space<vmem>> -> memref<256xf32, #tpu.memory_space<vmem>>
          tpu.vector_store_idx %scatter3A_1570[%add3A_1568], %gather3A_1562 : memref<256xf32, #tpu.memory_space<vmem>>[vector<16xi32>], vector<16xf32>,
          %broadcast_in_dim3A_1571 = arith.constant 4 : i32
          %broadcast_in_dim3A_1572 = vector.broadcast %broadcast_in_dim3A_1571 : i32 to vector<16xi32>
          %gather3A_1573 = tpu.vector_load_idx %arg16[%broadcast_in_dim3A_1572, %min3A_1526] : memref<16x4096xf32, #tpu.memory_space<vmem>>[vector<16xi32>, vector<16xi32>], vector<16xf32>,
          %mul3A_1574 = arith.constant 16 : i32
          %mul3A_1575 = vector.broadcast %mul3A_1574 : i32 to vector<16xi32>
          %mul3A_1576 = arith.muli %iota3A, %mul3A_1575 : vector<16xi32>
          %add3A_1577 = arith.constant 4 : i32
          %add3A_1578 = vector.broadcast %add3A_1577 : i32 to vector<16xi32>
          %add3A_1579 = arith.addi %mul3A_1576, %add3A_1578 : vector<16xi32>
          %scatter3A_1580 = arith.constant 1792 : i32
          %scatter3A_1581 = tpu.memref_slice %arg19[%scatter3A_1580] : memref<2048xf32, #tpu.memory_space<vmem>> -> memref<256xf32, #tpu.memory_space<vmem>>
          tpu.vector_store_idx %scatter3A_1581[%add3A_1579], %gather3A_1573 : memref<256xf32, #tpu.memory_space<vmem>>[vector<16xi32>], vector<16xf32>,
          %broadcast_in_dim3A_1582 = arith.constant 5 : i32
          %broadcast_in_dim3A_1583 = vector.broadcast %broadcast_in_dim3A_1582 : i32 to vector<16xi32>
          %gather3A_1584 = tpu.vector_load_idx %arg16[%broadcast_in_dim3A_1583, %min3A_1526] : memref<16x4096xf32, #tpu.memory_space<vmem>>[vector<16xi32>, vector<16xi32>], vector<16xf32>,
          %mul3A_1585 = arith.constant 16 : i32
          %mul3A_1586 = vector.broadcast %mul3A_1585 : i32 to vector<16xi32>
          %mul3A_1587 = arith.muli %iota3A, %mul3A_1586 : vector<16xi32>
          %add3A_1588 = arith.constant 5 : i32
          %add3A_1589 = vector.broadcast %add3A_1588 : i32 to vector<16xi32>
          %add3A_1590 = arith.addi %mul3A_1587, %add3A_1589 : vector<16xi32>
          %scatter3A_1591 = arith.constant 1792 : i32
          %scatter3A_1592 = tpu.memref_slice %arg19[%scatter3A_1591] : memref<2048xf32, #tpu.memory_space<vmem>> -> memref<256xf32, #tpu.memory_space<vmem>>
          tpu.vector_store_idx %scatter3A_1592[%add3A_1590], %gather3A_1584 : memref<256xf32, #tpu.memory_space<vmem>>[vector<16xi32>], vector<16xf32>,
          %broadcast_in_dim3A_1593 = arith.constant 6 : i32
          %broadcast_in_dim3A_1594 = vector.broadcast %broadcast_in_dim3A_1593 : i32 to vector<16xi32>
          %gather3A_1595 = tpu.vector_load_idx %arg16[%broadcast_in_dim3A_1594, %min3A_1526] : memref<16x4096xf32, #tpu.memory_space<vmem>>[vector<16xi32>, vector<16xi32>], vector<16xf32>,
          %mul3A_1596 = arith.constant 16 : i32
          %mul3A_1597 = vector.broadcast %mul3A_1596 : i32 to vector<16xi32>
          %mul3A_1598 = arith.muli %iota3A, %mul3A_1597 : vector<16xi32>
          %add3A_1599 = arith.constant 6 : i32
          %add3A_1600 = vector.broadcast %add3A_1599 : i32 to vector<16xi32>
          %add3A_1601 = arith.addi %mul3A_1598, %add3A_1600 : vector<16xi32>
          %scatter3A_1602 = arith.constant 1792 : i32
          %scatter3A_1603 = tpu.memref_slice %arg19[%scatter3A_1602] : memref<2048xf32, #tpu.memory_space<vmem>> -> memref<256xf32, #tpu.memory_space<vmem>>
          tpu.vector_store_idx %scatter3A_1603[%add3A_1601], %gather3A_1595 : memref<256xf32, #tpu.memory_space<vmem>>[vector<16xi32>], vector<16xf32>,
          %broadcast_in_dim3A_1604 = arith.constant 7 : i32
          %broadcast_in_dim3A_1605 = vector.broadcast %broadcast_in_dim3A_1604 : i32 to vector<16xi32>
          %gather3A_1606 = tpu.vector_load_idx %arg16[%broadcast_in_dim3A_1605, %min3A_1526] : memref<16x4096xf32, #tpu.memory_space<vmem>>[vector<16xi32>, vector<16xi32>], vector<16xf32>,
          %mul3A_1607 = arith.constant 16 : i32
          %mul3A_1608 = vector.broadcast %mul3A_1607 : i32 to vector<16xi32>
          %mul3A_1609 = arith.muli %iota3A, %mul3A_1608 : vector<16xi32>
          %add3A_1610 = arith.constant 7 : i32
          %add3A_1611 = vector.broadcast %add3A_1610 : i32 to vector<16xi32>
          %add3A_1612 = arith.addi %mul3A_1609, %add3A_1611 : vector<16xi32>
          %scatter3A_1613 = arith.constant 1792 : i32
          %scatter3A_1614 = tpu.memref_slice %arg19[%scatter3A_1613] : memref<2048xf32, #tpu.memory_space<vmem>> -> memref<256xf32, #tpu.memory_space<vmem>>
          tpu.vector_store_idx %scatter3A_1614[%add3A_1612], %gather3A_1606 : memref<256xf32, #tpu.memory_space<vmem>>[vector<16xi32>], vector<16xf32>,
          %broadcast_in_dim3A_1615 = arith.constant 8 : i32
          %broadcast_in_dim3A_1616 = vector.broadcast %broadcast_in_dim3A_1615 : i32 to vector<16xi32>
          %gather3A_1617 = tpu.vector_load_idx %arg16[%broadcast_in_dim3A_1616, %min3A_1526] : memref<16x4096xf32, #tpu.memory_space<vmem>>[vector<16xi32>, vector<16xi32>], vector<16xf32>,
          %mul3A_1618 = arith.constant 16 : i32
          %mul3A_1619 = vector.broadcast %mul3A_1618 : i32 to vector<16xi32>
          %mul3A_1620 = arith.muli %iota3A, %mul3A_1619 : vector<16xi32>
          %add3A_1621 = arith.constant 8 : i32
          %add3A_1622 = vector.broadcast %add3A_1621 : i32 to vector<16xi32>
          %add3A_1623 = arith.addi %mul3A_1620, %add3A_1622 : vector<16xi32>
          %scatter3A_1624 = arith.constant 1792 : i32
          %scatter3A_1625 = tpu.memref_slice %arg19[%scatter3A_1624] : memref<2048xf32, #tpu.memory_space<vmem>> -> memref<256xf32, #tpu.memory_space<vmem>>
          tpu.vector_store_idx %scatter3A_1625[%add3A_1623], %gather3A_1617 : memref<256xf32, #tpu.memory_space<vmem>>[vector<16xi32>], vector<16xf32>,
          %broadcast_in_dim3A_1626 = arith.constant 9 : i32
          %broadcast_in_dim3A_1627 = vector.broadcast %broadcast_in_dim3A_1626 : i32 to vector<16xi32>
          %gather3A_1628 = tpu.vector_load_idx %arg16[%broadcast_in_dim3A_1627, %min3A_1526] : memref<16x4096xf32, #tpu.memory_space<vmem>>[vector<16xi32>, vector<16xi32>], vector<16xf32>,
          %mul3A_1629 = arith.constant 16 : i32
          %mul3A_1630 = vector.broadcast %mul3A_1629 : i32 to vector<16xi32>
          %mul3A_1631 = arith.muli %iota3A, %mul3A_1630 : vector<16xi32>
          %add3A_1632 = arith.constant 9 : i32
          %add3A_1633 = vector.broadcast %add3A_1632 : i32 to vector<16xi32>
          %add3A_1634 = arith.addi %mul3A_1631, %add3A_1633 : vector<16xi32>
          %scatter3A_1635 = arith.constant 1792 : i32
          %scatter3A_1636 = tpu.memref_slice %arg19[%scatter3A_1635] : memref<2048xf32, #tpu.memory_space<vmem>> -> memref<256xf32, #tpu.memory_space<vmem>>
          tpu.vector_store_idx %scatter3A_1636[%add3A_1634], %gather3A_1628 : memref<256xf32, #tpu.memory_space<vmem>>[vector<16xi32>], vector<16xf32>,
          %broadcast_in_dim3A_1637 = arith.constant 10 : i32
          %broadcast_in_dim3A_1638 = vector.broadcast %broadcast_in_dim3A_1637 : i32 to vector<16xi32>
          %gather3A_1639 = tpu.vector_load_idx %arg16[%broadcast_in_dim3A_1638, %min3A_1526] : memref<16x4096xf32, #tpu.memory_space<vmem>>[vector<16xi32>, vector<16xi32>], vector<16xf32>,
          %mul3A_1640 = arith.constant 16 : i32
          %mul3A_1641 = vector.broadcast %mul3A_1640 : i32 to vector<16xi32>
          %mul3A_1642 = arith.muli %iota3A, %mul3A_1641 : vector<16xi32>
          %add3A_1643 = arith.constant 10 : i32
          %add3A_1644 = vector.broadcast %add3A_1643 : i32 to vector<16xi32>
          %add3A_1645 = arith.addi %mul3A_1642, %add3A_1644 : vector<16xi32>
          %scatter3A_1646 = arith.constant 1792 : i32
          %scatter3A_1647 = tpu.memref_slice %arg19[%scatter3A_1646] : memref<2048xf32, #tpu.memory_space<vmem>> -> memref<256xf32, #tpu.memory_space<vmem>>
          tpu.vector_store_idx %scatter3A_1647[%add3A_1645], %gather3A_1639 : memref<256xf32, #tpu.memory_space<vmem>>[vector<16xi32>], vector<16xf32>,
          %broadcast_in_dim3A_1648 = arith.constant 11 : i32
          %broadcast_in_dim3A_1649 = vector.broadcast %broadcast_in_dim3A_1648 : i32 to vector<16xi32>
          %gather3A_1650 = tpu.vector_load_idx %arg16[%broadcast_in_dim3A_1649, %min3A_1526] : memref<16x4096xf32, #tpu.memory_space<vmem>>[vector<16xi32>, vector<16xi32>], vector<16xf32>,
          %mul3A_1651 = arith.constant 16 : i32
          %mul3A_1652 = vector.broadcast %mul3A_1651 : i32 to vector<16xi32>
          %mul3A_1653 = arith.muli %iota3A, %mul3A_1652 : vector<16xi32>
          %add3A_1654 = arith.constant 11 : i32
          %add3A_1655 = vector.broadcast %add3A_1654 : i32 to vector<16xi32>
          %add3A_1656 = arith.addi %mul3A_1653, %add3A_1655 : vector<16xi32>
          %scatter3A_1657 = arith.constant 1792 : i32
          %scatter3A_1658 = tpu.memref_slice %arg19[%scatter3A_1657] : memref<2048xf32, #tpu.memory_space<vmem>> -> memref<256xf32, #tpu.memory_space<vmem>>
          tpu.vector_store_idx %scatter3A_1658[%add3A_1656], %gather3A_1650 : memref<256xf32, #tpu.memory_space<vmem>>[vector<16xi32>], vector<16xf32>,
          %broadcast_in_dim3A_1659 = arith.constant 12 : i32
          %broadcast_in_dim3A_1660 = vector.broadcast %broadcast_in_dim3A_1659 : i32 to vector<16xi32>
          %gather3A_1661 = tpu.vector_load_idx %arg16[%broadcast_in_dim3A_1660, %min3A_1526] : memref<16x4096xf32, #tpu.memory_space<vmem>>[vector<16xi32>, vector<16xi32>], vector<16xf32>,
          %mul3A_1662 = arith.constant 16 : i32
          %mul3A_1663 = vector.broadcast %mul3A_1662 : i32 to vector<16xi32>
          %mul3A_1664 = arith.muli %iota3A, %mul3A_1663 : vector<16xi32>
          %add3A_1665 = arith.constant 12 : i32
          %add3A_1666 = vector.broadcast %add3A_1665 : i32 to vector<16xi32>
          %add3A_1667 = arith.addi %mul3A_1664, %add3A_1666 : vector<16xi32>
          %scatter3A_1668 = arith.constant 1792 : i32
          %scatter3A_1669 = tpu.memref_slice %arg19[%scatter3A_1668] : memref<2048xf32, #tpu.memory_space<vmem>> -> memref<256xf32, #tpu.memory_space<vmem>>
          tpu.vector_store_idx %scatter3A_1669[%add3A_1667], %gather3A_1661 : memref<256xf32, #tpu.memory_space<vmem>>[vector<16xi32>], vector<16xf32>,
          %broadcast_in_dim3A_1670 = arith.constant 13 : i32
          %broadcast_in_dim3A_1671 = vector.broadcast %broadcast_in_dim3A_1670 : i32 to vector<16xi32>
          %gather3A_1672 = tpu.vector_load_idx %arg16[%broadcast_in_dim3A_1671, %min3A_1526] : memref<16x4096xf32, #tpu.memory_space<vmem>>[vector<16xi32>, vector<16xi32>], vector<16xf32>,
          %mul3A_1673 = arith.constant 16 : i32
          %mul3A_1674 = vector.broadcast %mul3A_1673 : i32 to vector<16xi32>
          %mul3A_1675 = arith.muli %iota3A, %mul3A_1674 : vector<16xi32>
          %add3A_1676 = arith.constant 13 : i32
          %add3A_1677 = vector.broadcast %add3A_1676 : i32 to vector<16xi32>
          %add3A_1678 = arith.addi %mul3A_1675, %add3A_1677 : vector<16xi32>
          %scatter3A_1679 = arith.constant 1792 : i32
          %scatter3A_1680 = tpu.memref_slice %arg19[%scatter3A_1679] : memref<2048xf32, #tpu.memory_space<vmem>> -> memref<256xf32, #tpu.memory_space<vmem>>
          tpu.vector_store_idx %scatter3A_1680[%add3A_1678], %gather3A_1672 : memref<256xf32, #tpu.memory_space<vmem>>[vector<16xi32>], vector<16xf32>,
          %broadcast_in_dim3A_1681 = arith.constant 14 : i32
          %broadcast_in_dim3A_1682 = vector.broadcast %broadcast_in_dim3A_1681 : i32 to vector<16xi32>
          %gather3A_1683 = tpu.vector_load_idx %arg16[%broadcast_in_dim3A_1682, %min3A_1526] : memref<16x4096xf32, #tpu.memory_space<vmem>>[vector<16xi32>, vector<16xi32>], vector<16xf32>,
          %mul3A_1684 = arith.constant 16 : i32
          %mul3A_1685 = vector.broadcast %mul3A_1684 : i32 to vector<16xi32>
          %mul3A_1686 = arith.muli %iota3A, %mul3A_1685 : vector<16xi32>
          %add3A_1687 = arith.constant 14 : i32
          %add3A_1688 = vector.broadcast %add3A_1687 : i32 to vector<16xi32>
          %add3A_1689 = arith.addi %mul3A_1686, %add3A_1688 : vector<16xi32>
          %scatter3A_1690 = arith.constant 1792 : i32
          %scatter3A_1691 = tpu.memref_slice %arg19[%scatter3A_1690] : memref<2048xf32, #tpu.memory_space<vmem>> -> memref<256xf32, #tpu.memory_space<vmem>>
          tpu.vector_store_idx %scatter3A_1691[%add3A_1689], %gather3A_1683 : memref<256xf32, #tpu.memory_space<vmem>>[vector<16xi32>], vector<16xf32>,
          %broadcast_in_dim3A_1692 = arith.constant 15 : i32
          %broadcast_in_dim3A_1693 = vector.broadcast %broadcast_in_dim3A_1692 : i32 to vector<16xi32>
          %gather3A_1694 = tpu.vector_load_idx %arg16[%broadcast_in_dim3A_1693, %min3A_1526] : memref<16x4096xf32, #tpu.memory_space<vmem>>[vector<16xi32>, vector<16xi32>], vector<16xf32>,
          %mul3A_1695 = arith.constant 16 : i32
          %mul3A_1696 = vector.broadcast %mul3A_1695 : i32 to vector<16xi32>
          %mul3A_1697 = arith.muli %iota3A, %mul3A_1696 : vector<16xi32>
          %add3A_1698 = arith.constant 15 : i32
          %add3A_1699 = vector.broadcast %add3A_1698 : i32 to vector<16xi32>
          %add3A_1700 = arith.addi %mul3A_1697, %add3A_1699 : vector<16xi32>
          %scatter3A_1701 = arith.constant 1792 : i32
          %scatter3A_1702 = tpu.memref_slice %arg19[%scatter3A_1701] : memref<2048xf32, #tpu.memory_space<vmem>> -> memref<256xf32, #tpu.memory_space<vmem>>
          tpu.vector_store_idx %scatter3A_1702[%add3A_1700], %gather3A_1694 : memref<256xf32, #tpu.memory_space<vmem>>[vector<16xi32>], vector<16xf32>,
          %add3A_1703 = arith.addi %mul3A_62, %multiple_of3A_201 : i32
          %mul3A_1704 = arith.constant 16 : i32
          %mul3A_1705 = arith.muli %add3A_1703, %mul3A_1704 : i32
          "tpu.region"() ({
            %run_scoped3A = tpu.sem_alloc : memref<!tpu.dma_semaphore, #tpu.memory_space<semaphore_mem>>
            %dma_start3A_1708 = tpu.memref_slice %arg5[%mul3A_1705] : memref<4751360xf32, #tpu.memory_space<hbm>> -> memref<2048xf32, #tpu.memory_space<hbm>>
            %dma_start3A_1709 = tpu.memref_slice %arg5[%mul3A_1705] : memref<4751360xf32, #tpu.memory_space<hbm>> -> memref<2048xf32, #tpu.memory_space<hbm>>
            tpu.enqueue_dma source(%arg19 : memref<2048xf32, #tpu.memory_space<vmem>>) target(%dma_start3A_1709 : memref<2048xf32, #tpu.memory_space<hbm>>) target_semaphore(%run_scoped3A : memref<!tpu.dma_semaphore, #tpu.memory_space<semaphore_mem>>)
            %dma_wait3A_1710 = tpu.memref_slice %arg5[%mul3A_1705] : memref<4751360xf32, #tpu.memory_space<hbm>> -> memref<2048xf32, #tpu.memory_space<hbm>>
            %dma_wait3A_1711 = tpu.memref_slice %arg5[%mul3A_1705] : memref<4751360xf32, #tpu.memory_space<hbm>> -> memref<2048xf32, #tpu.memory_space<hbm>>
            tpu.wait_dma2 semaphore(%run_scoped3A : memref<!tpu.dma_semaphore, #tpu.memory_space<semaphore_mem>>) src(%arg19 : memref<2048xf32, #tpu.memory_space<vmem>>) dst(%dma_wait3A_1711 : memref<2048xf32, #tpu.memory_space<hbm>>)
            tpu.yield
          }) : () -> ()
          %add3A_1706 = arith.addi %mul3A_62, %multiple_of3A_201 : i32
          "tpu.region"() ({
            %run_scoped3A = tpu.sem_alloc : memref<!tpu.dma_semaphore, #tpu.memory_space<semaphore_mem>>
            %dma_start3A_1708 = tpu.memref_slice %arg6[%add3A_1706] : memref<296960xi32, #tpu.memory_space<hbm>> -> memref<128xi32, #tpu.memory_space<hbm>>
            %dma_start3A_1709 = tpu.memref_slice %arg6[%add3A_1706] : memref<296960xi32, #tpu.memory_space<hbm>> -> memref<128xi32, #tpu.memory_space<hbm>>
            tpu.enqueue_dma source(%arg17 : memref<128xi32, #tpu.memory_space<vmem>>) target(%dma_start3A_1709 : memref<128xi32, #tpu.memory_space<hbm>>) target_semaphore(%run_scoped3A : memref<!tpu.dma_semaphore, #tpu.memory_space<semaphore_mem>>)
            %dma_wait3A_1710 = tpu.memref_slice %arg6[%add3A_1706] : memref<296960xi32, #tpu.memory_space<hbm>> -> memref<128xi32, #tpu.memory_space<hbm>>
            %dma_wait3A_1711 = tpu.memref_slice %arg6[%add3A_1706] : memref<296960xi32, #tpu.memory_space<hbm>> -> memref<128xi32, #tpu.memory_space<hbm>>
            tpu.wait_dma2 semaphore(%run_scoped3A : memref<!tpu.dma_semaphore, #tpu.memory_space<semaphore_mem>>) src(%arg17 : memref<128xi32, #tpu.memory_space<vmem>>) dst(%dma_wait3A_1711 : memref<128xi32, #tpu.memory_space<hbm>>)
            tpu.yield
          }) : () -> ()
          %while3A_1707 = arith.constant 0 : i32
          scf.yield %while3A_1707 : i32
        }
        %while3A_194 = arith.constant 1 : i32
        %while3A_195 = scf.for %while3A_196 = %while3A_191 to %while3A_187 step %while3A_194 iter_args(%while3A_197 = %while3A_193) -> (i32)  : i32 {
          %mul3A_198 = arith.constant 128 : i32
          %mul3A_199 = arith.muli %while3A_196, %mul3A_198 : i32
          %add3A_200 = arith.addi %squeeze3A, %mul3A_199 : i32
          %multiple_of3A_201 = tpu.assume_multiple %add3A_200, 128 : i32
          "tpu.region"() ({
            %run_scoped3A = tpu.sem_alloc : memref<!tpu.dma_semaphore, #tpu.memory_space<semaphore_mem>>
            %dma_start3A_1708 = tpu.memref_slice %arg25[%multiple_of3A_201] : memref<148480xi32, #tpu.memory_space<vmem_shared>> -> memref<128xi32, #tpu.memory_space<vmem_shared>>
            %dma_start3A_1709 = tpu.memref_slice %arg25[%multiple_of3A_201] : memref<148480xi32, #tpu.memory_space<vmem_shared>> -> memref<128xi32, #tpu.memory_space<vmem_shared>>
            tpu.enqueue_dma source(%dma_start3A_1709 : memref<128xi32, #tpu.memory_space<vmem_shared>>) target(%arg17 : memref<128xi32, #tpu.memory_space<vmem>>) target_semaphore(%run_scoped3A : memref<!tpu.dma_semaphore, #tpu.memory_space<semaphore_mem>>)
            %dma_wait3A_1710 = tpu.memref_slice %arg25[%multiple_of3A_201] : memref<148480xi32, #tpu.memory_space<vmem_shared>> -> memref<128xi32, #tpu.memory_space<vmem_shared>>
            %dma_wait3A_1711 = tpu.memref_slice %arg25[%multiple_of3A_201] : memref<148480xi32, #tpu.memory_space<vmem_shared>> -> memref<128xi32, #tpu.memory_space<vmem_shared>>
            tpu.wait_dma2 semaphore(%run_scoped3A : memref<!tpu.dma_semaphore, #tpu.memory_space<semaphore_mem>>) src(%dma_wait3A_1711 : memref<128xi32, #tpu.memory_space<vmem_shared>>) dst(%arg17 : memref<128xi32, #tpu.memory_space<vmem>>)
            tpu.yield
          }) : () -> ()
          "tpu.region"() ({
            %run_scoped3A = tpu.sem_alloc : memref<!tpu.dma_semaphore, #tpu.memory_space<semaphore_mem>>
            %dma_start3A_1708 = tpu.memref_slice %arg26[%multiple_of3A_201] : memref<148480xi32, #tpu.memory_space<vmem_shared>> -> memref<128xi32, #tpu.memory_space<vmem_shared>>
            %dma_start3A_1709 = tpu.memref_slice %arg26[%multiple_of3A_201] : memref<148480xi32, #tpu.memory_space<vmem_shared>> -> memref<128xi32, #tpu.memory_space<vmem_shared>>
            tpu.enqueue_dma source(%dma_start3A_1709 : memref<128xi32, #tpu.memory_space<vmem_shared>>) target(%arg18 : memref<128xi32, #tpu.memory_space<vmem>>) target_semaphore(%run_scoped3A : memref<!tpu.dma_semaphore, #tpu.memory_space<semaphore_mem>>)
            %dma_wait3A_1710 = tpu.memref_slice %arg26[%multiple_of3A_201] : memref<148480xi32, #tpu.memory_space<vmem_shared>> -> memref<128xi32, #tpu.memory_space<vmem_shared>>
            %dma_wait3A_1711 = tpu.memref_slice %arg26[%multiple_of3A_201] : memref<148480xi32, #tpu.memory_space<vmem_shared>> -> memref<128xi32, #tpu.memory_space<vmem_shared>>
            tpu.wait_dma2 semaphore(%run_scoped3A : memref<!tpu.dma_semaphore, #tpu.memory_space<semaphore_mem>>) src(%dma_wait3A_1711 : memref<128xi32, #tpu.memory_space<vmem_shared>>) dst(%arg18 : memref<128xi32, #tpu.memory_space<vmem>>)
            tpu.yield
          }) : () -> ()
          %get3A_202 = arith.constant 0 : index
          %get3A_203 = tpu.vector_load %arg18[%get3A_202] {strides = array<i32>} : memref<128xi32, #tpu.memory_space<vmem>>, vector<16xi32>,
          %mul3A_204 = arith.constant 4096 : i32
          %mul3A_205 = arith.muli %add3A_86, %mul3A_204 : i32
          %sub3A_206 = vector.broadcast %mul3A_205 : i32 to vector<16xi32>
          %sub3A_207 = arith.subi %get3A_203, %sub3A_206 : vector<16xi32>
          %jit3A_208 = arith.constant 0 : i32
          %jit3A_209 = arith.constant 4095 : i32
          %max3A = vector.broadcast %jit3A_208 : i32 to vector<16xi32>
          %max3A_210 = arith.maxsi %max3A, %sub3A_207 : vector<16xi32>
          %min3A = vector.broadcast %jit3A_209 : i32 to vector<16xi32>
          %min3A_211 = arith.minsi %min3A, %max3A_210 : vector<16xi32>
          %broadcast_in_dim3A_212 = arith.constant 0 : i32
          %broadcast_in_dim3A_213 = vector.broadcast %broadcast_in_dim3A_212 : i32 to vector<16xi32>
          %gather3A_214 = tpu.vector_load_idx %arg16[%broadcast_in_dim3A_213, %min3A_211] : memref<16x4096xf32, #tpu.memory_space<vmem>>[vector<16xi32>, vector<16xi32>], vector<16xf32>,
          %mul3A_215 = arith.constant 16 : i32
          %mul3A_216 = vector.broadcast %mul3A_215 : i32 to vector<16xi32>
          %mul3A_217 = arith.muli %iota3A, %mul3A_216 : vector<16xi32>
          %add3A_218 = arith.constant 0 : i32
          %add3A_219 = vector.broadcast %add3A_218 : i32 to vector<16xi32>
          %add3A_220 = arith.addi %mul3A_217, %add3A_219 : vector<16xi32>
          %scatter3A = arith.constant 0 : i32
          %scatter3A_221 = tpu.memref_slice %arg19[%scatter3A] : memref<2048xf32, #tpu.memory_space<vmem>> -> memref<256xf32, #tpu.memory_space<vmem>>
          tpu.vector_store_idx %scatter3A_221[%add3A_220], %gather3A_214 : memref<256xf32, #tpu.memory_space<vmem>>[vector<16xi32>], vector<16xf32>,
          %broadcast_in_dim3A_222 = arith.constant 1 : i32
          %broadcast_in_dim3A_223 = vector.broadcast %broadcast_in_dim3A_222 : i32 to vector<16xi32>
          %gather3A_224 = tpu.vector_load_idx %arg16[%broadcast_in_dim3A_223, %min3A_211] : memref<16x4096xf32, #tpu.memory_space<vmem>>[vector<16xi32>, vector<16xi32>], vector<16xf32>,
          %mul3A_225 = arith.constant 16 : i32
          %mul3A_226 = vector.broadcast %mul3A_225 : i32 to vector<16xi32>
          %mul3A_227 = arith.muli %iota3A, %mul3A_226 : vector<16xi32>
          %add3A_228 = arith.constant 1 : i32
          %add3A_229 = vector.broadcast %add3A_228 : i32 to vector<16xi32>
          %add3A_230 = arith.addi %mul3A_227, %add3A_229 : vector<16xi32>
          %scatter3A_231 = arith.constant 0 : i32
          %scatter3A_232 = tpu.memref_slice %arg19[%scatter3A_231] : memref<2048xf32, #tpu.memory_space<vmem>> -> memref<256xf32, #tpu.memory_space<vmem>>
          tpu.vector_store_idx %scatter3A_232[%add3A_230], %gather3A_224 : memref<256xf32, #tpu.memory_space<vmem>>[vector<16xi32>], vector<16xf32>,
          %broadcast_in_dim3A_233 = arith.constant 2 : i32
          %broadcast_in_dim3A_234 = vector.broadcast %broadcast_in_dim3A_233 : i32 to vector<16xi32>
          %gather3A_235 = tpu.vector_load_idx %arg16[%broadcast_in_dim3A_234, %min3A_211] : memref<16x4096xf32, #tpu.memory_space<vmem>>[vector<16xi32>, vector<16xi32>], vector<16xf32>,
          %mul3A_236 = arith.constant 16 : i32
          %mul3A_237 = vector.broadcast %mul3A_236 : i32 to vector<16xi32>
          %mul3A_238 = arith.muli %iota3A, %mul3A_237 : vector<16xi32>
          %add3A_239 = arith.constant 2 : i32
          %add3A_240 = vector.broadcast %add3A_239 : i32 to vector<16xi32>
          %add3A_241 = arith.addi %mul3A_238, %add3A_240 : vector<16xi32>
          %scatter3A_242 = arith.constant 0 : i32
          %scatter3A_243 = tpu.memref_slice %arg19[%scatter3A_242] : memref<2048xf32, #tpu.memory_space<vmem>> -> memref<256xf32, #tpu.memory_space<vmem>>
          tpu.vector_store_idx %scatter3A_243[%add3A_241], %gather3A_235 : memref<256xf32, #tpu.memory_space<vmem>>[vector<16xi32>], vector<16xf32>,
          %broadcast_in_dim3A_244 = arith.constant 3 : i32
          %broadcast_in_dim3A_245 = vector.broadcast %broadcast_in_dim3A_244 : i32 to vector<16xi32>
          %gather3A_246 = tpu.vector_load_idx %arg16[%broadcast_in_dim3A_245, %min3A_211] : memref<16x4096xf32, #tpu.memory_space<vmem>>[vector<16xi32>, vector<16xi32>], vector<16xf32>,
          %mul3A_247 = arith.constant 16 : i32
          %mul3A_248 = vector.broadcast %mul3A_247 : i32 to vector<16xi32>
          %mul3A_249 = arith.muli %iota3A, %mul3A_248 : vector<16xi32>
          %add3A_250 = arith.constant 3 : i32
          %add3A_251 = vector.broadcast %add3A_250 : i32 to vector<16xi32>
          %add3A_252 = arith.addi %mul3A_249, %add3A_251 : vector<16xi32>
          %scatter3A_253 = arith.constant 0 : i32
          %scatter3A_254 = tpu.memref_slice %arg19[%scatter3A_253] : memref<2048xf32, #tpu.memory_space<vmem>> -> memref<256xf32, #tpu.memory_space<vmem>>
          tpu.vector_store_idx %scatter3A_254[%add3A_252], %gather3A_246 : memref<256xf32, #tpu.memory_space<vmem>>[vector<16xi32>], vector<16xf32>,
          %broadcast_in_dim3A_255 = arith.constant 4 : i32
          %broadcast_in_dim3A_256 = vector.broadcast %broadcast_in_dim3A_255 : i32 to vector<16xi32>
          %gather3A_257 = tpu.vector_load_idx %arg16[%broadcast_in_dim3A_256, %min3A_211] : memref<16x4096xf32, #tpu.memory_space<vmem>>[vector<16xi32>, vector<16xi32>], vector<16xf32>,
          %mul3A_258 = arith.constant 16 : i32
          %mul3A_259 = vector.broadcast %mul3A_258 : i32 to vector<16xi32>
          %mul3A_260 = arith.muli %iota3A, %mul3A_259 : vector<16xi32>
          %add3A_261 = arith.constant 4 : i32
          %add3A_262 = vector.broadcast %add3A_261 : i32 to vector<16xi32>
          %add3A_263 = arith.addi %mul3A_260, %add3A_262 : vector<16xi32>
          %scatter3A_264 = arith.constant 0 : i32
          %scatter3A_265 = tpu.memref_slice %arg19[%scatter3A_264] : memref<2048xf32, #tpu.memory_space<vmem>> -> memref<256xf32, #tpu.memory_space<vmem>>
          tpu.vector_store_idx %scatter3A_265[%add3A_263], %gather3A_257 : memref<256xf32, #tpu.memory_space<vmem>>[vector<16xi32>], vector<16xf32>,
          %broadcast_in_dim3A_266 = arith.constant 5 : i32
          %broadcast_in_dim3A_267 = vector.broadcast %broadcast_in_dim3A_266 : i32 to vector<16xi32>
          %gather3A_268 = tpu.vector_load_idx %arg16[%broadcast_in_dim3A_267, %min3A_211] : memref<16x4096xf32, #tpu.memory_space<vmem>>[vector<16xi32>, vector<16xi32>], vector<16xf32>,
          %mul3A_269 = arith.constant 16 : i32
          %mul3A_270 = vector.broadcast %mul3A_269 : i32 to vector<16xi32>
          %mul3A_271 = arith.muli %iota3A, %mul3A_270 : vector<16xi32>
          %add3A_272 = arith.constant 5 : i32
          %add3A_273 = vector.broadcast %add3A_272 : i32 to vector<16xi32>
          %add3A_274 = arith.addi %mul3A_271, %add3A_273 : vector<16xi32>
          %scatter3A_275 = arith.constant 0 : i32
          %scatter3A_276 = tpu.memref_slice %arg19[%scatter3A_275] : memref<2048xf32, #tpu.memory_space<vmem>> -> memref<256xf32, #tpu.memory_space<vmem>>
          tpu.vector_store_idx %scatter3A_276[%add3A_274], %gather3A_268 : memref<256xf32, #tpu.memory_space<vmem>>[vector<16xi32>], vector<16xf32>,
          %broadcast_in_dim3A_277 = arith.constant 6 : i32
          %broadcast_in_dim3A_278 = vector.broadcast %broadcast_in_dim3A_277 : i32 to vector<16xi32>
          %gather3A_279 = tpu.vector_load_idx %arg16[%broadcast_in_dim3A_278, %min3A_211] : memref<16x4096xf32, #tpu.memory_space<vmem>>[vector<16xi32>, vector<16xi32>], vector<16xf32>,
          %mul3A_280 = arith.constant 16 : i32
          %mul3A_281 = vector.broadcast %mul3A_280 : i32 to vector<16xi32>
          %mul3A_282 = arith.muli %iota3A, %mul3A_281 : vector<16xi32>
          %add3A_283 = arith.constant 6 : i32
          %add3A_284 = vector.broadcast %add3A_283 : i32 to vector<16xi32>
          %add3A_285 = arith.addi %mul3A_282, %add3A_284 : vector<16xi32>
          %scatter3A_286 = arith.constant 0 : i32
          %scatter3A_287 = tpu.memref_slice %arg19[%scatter3A_286] : memref<2048xf32, #tpu.memory_space<vmem>> -> memref<256xf32, #tpu.memory_space<vmem>>
          tpu.vector_store_idx %scatter3A_287[%add3A_285], %gather3A_279 : memref<256xf32, #tpu.memory_space<vmem>>[vector<16xi32>], vector<16xf32>,
          %broadcast_in_dim3A_288 = arith.constant 7 : i32
          %broadcast_in_dim3A_289 = vector.broadcast %broadcast_in_dim3A_288 : i32 to vector<16xi32>
          %gather3A_290 = tpu.vector_load_idx %arg16[%broadcast_in_dim3A_289, %min3A_211] : memref<16x4096xf32, #tpu.memory_space<vmem>>[vector<16xi32>, vector<16xi32>], vector<16xf32>,
          %mul3A_291 = arith.constant 16 : i32
          %mul3A_292 = vector.broadcast %mul3A_291 : i32 to vector<16xi32>
          %mul3A_293 = arith.muli %iota3A, %mul3A_292 : vector<16xi32>
          %add3A_294 = arith.constant 7 : i32
          %add3A_295 = vector.broadcast %add3A_294 : i32 to vector<16xi32>
          %add3A_296 = arith.addi %mul3A_293, %add3A_295 : vector<16xi32>
          %scatter3A_297 = arith.constant 0 : i32
          %scatter3A_298 = tpu.memref_slice %arg19[%scatter3A_297] : memref<2048xf32, #tpu.memory_space<vmem>> -> memref<256xf32, #tpu.memory_space<vmem>>
          tpu.vector_store_idx %scatter3A_298[%add3A_296], %gather3A_290 : memref<256xf32, #tpu.memory_space<vmem>>[vector<16xi32>], vector<16xf32>,
          %broadcast_in_dim3A_299 = arith.constant 8 : i32
          %broadcast_in_dim3A_300 = vector.broadcast %broadcast_in_dim3A_299 : i32 to vector<16xi32>
          %gather3A_301 = tpu.vector_load_idx %arg16[%broadcast_in_dim3A_300, %min3A_211] : memref<16x4096xf32, #tpu.memory_space<vmem>>[vector<16xi32>, vector<16xi32>], vector<16xf32>,
          %mul3A_302 = arith.constant 16 : i32
          %mul3A_303 = vector.broadcast %mul3A_302 : i32 to vector<16xi32>
          %mul3A_304 = arith.muli %iota3A, %mul3A_303 : vector<16xi32>
          %add3A_305 = arith.constant 8 : i32
          %add3A_306 = vector.broadcast %add3A_305 : i32 to vector<16xi32>
          %add3A_307 = arith.addi %mul3A_304, %add3A_306 : vector<16xi32>
          %scatter3A_308 = arith.constant 0 : i32
          %scatter3A_309 = tpu.memref_slice %arg19[%scatter3A_308] : memref<2048xf32, #tpu.memory_space<vmem>> -> memref<256xf32, #tpu.memory_space<vmem>>
          tpu.vector_store_idx %scatter3A_309[%add3A_307], %gather3A_301 : memref<256xf32, #tpu.memory_space<vmem>>[vector<16xi32>], vector<16xf32>,
          %broadcast_in_dim3A_310 = arith.constant 9 : i32
          %broadcast_in_dim3A_311 = vector.broadcast %broadcast_in_dim3A_310 : i32 to vector<16xi32>
          %gather3A_312 = tpu.vector_load_idx %arg16[%broadcast_in_dim3A_311, %min3A_211] : memref<16x4096xf32, #tpu.memory_space<vmem>>[vector<16xi32>, vector<16xi32>], vector<16xf32>,
          %mul3A_313 = arith.constant 16 : i32
          %mul3A_314 = vector.broadcast %mul3A_313 : i32 to vector<16xi32>
          %mul3A_315 = arith.muli %iota3A, %mul3A_314 : vector<16xi32>
          %add3A_316 = arith.constant 9 : i32
          %add3A_317 = vector.broadcast %add3A_316 : i32 to vector<16xi32>
          %add3A_318 = arith.addi %mul3A_315, %add3A_317 : vector<16xi32>
          %scatter3A_319 = arith.constant 0 : i32
          %scatter3A_320 = tpu.memref_slice %arg19[%scatter3A_319] : memref<2048xf32, #tpu.memory_space<vmem>> -> memref<256xf32, #tpu.memory_space<vmem>>
          tpu.vector_store_idx %scatter3A_320[%add3A_318], %gather3A_312 : memref<256xf32, #tpu.memory_space<vmem>>[vector<16xi32>], vector<16xf32>,
          %broadcast_in_dim3A_321 = arith.constant 10 : i32
          %broadcast_in_dim3A_322 = vector.broadcast %broadcast_in_dim3A_321 : i32 to vector<16xi32>
          %gather3A_323 = tpu.vector_load_idx %arg16[%broadcast_in_dim3A_322, %min3A_211] : memref<16x4096xf32, #tpu.memory_space<vmem>>[vector<16xi32>, vector<16xi32>], vector<16xf32>,
          %mul3A_324 = arith.constant 16 : i32
          %mul3A_325 = vector.broadcast %mul3A_324 : i32 to vector<16xi32>
          %mul3A_326 = arith.muli %iota3A, %mul3A_325 : vector<16xi32>
          %add3A_327 = arith.constant 10 : i32
          %add3A_328 = vector.broadcast %add3A_327 : i32 to vector<16xi32>
          %add3A_329 = arith.addi %mul3A_326, %add3A_328 : vector<16xi32>
          %scatter3A_330 = arith.constant 0 : i32
          %scatter3A_331 = tpu.memref_slice %arg19[%scatter3A_330] : memref<2048xf32, #tpu.memory_space<vmem>> -> memref<256xf32, #tpu.memory_space<vmem>>
          tpu.vector_store_idx %scatter3A_331[%add3A_329], %gather3A_323 : memref<256xf32, #tpu.memory_space<vmem>>[vector<16xi32>], vector<16xf32>,
          %broadcast_in_dim3A_332 = arith.constant 11 : i32
          %broadcast_in_dim3A_333 = vector.broadcast %broadcast_in_dim3A_332 : i32 to vector<16xi32>
          %gather3A_334 = tpu.vector_load_idx %arg16[%broadcast_in_dim3A_333, %min3A_211] : memref<16x4096xf32, #tpu.memory_space<vmem>>[vector<16xi32>, vector<16xi32>], vector<16xf32>,
          %mul3A_335 = arith.constant 16 : i32
          %mul3A_336 = vector.broadcast %mul3A_335 : i32 to vector<16xi32>
          %mul3A_337 = arith.muli %iota3A, %mul3A_336 : vector<16xi32>
          %add3A_338 = arith.constant 11 : i32
          %add3A_339 = vector.broadcast %add3A_338 : i32 to vector<16xi32>
          %add3A_340 = arith.addi %mul3A_337, %add3A_339 : vector<16xi32>
          %scatter3A_341 = arith.constant 0 : i32
          %scatter3A_342 = tpu.memref_slice %arg19[%scatter3A_341] : memref<2048xf32, #tpu.memory_space<vmem>> -> memref<256xf32, #tpu.memory_space<vmem>>
          tpu.vector_store_idx %scatter3A_342[%add3A_340], %gather3A_334 : memref<256xf32, #tpu.memory_space<vmem>>[vector<16xi32>], vector<16xf32>,
          %broadcast_in_dim3A_343 = arith.constant 12 : i32
          %broadcast_in_dim3A_344 = vector.broadcast %broadcast_in_dim3A_343 : i32 to vector<16xi32>
          %gather3A_345 = tpu.vector_load_idx %arg16[%broadcast_in_dim3A_344, %min3A_211] : memref<16x4096xf32, #tpu.memory_space<vmem>>[vector<16xi32>, vector<16xi32>], vector<16xf32>,
          %mul3A_346 = arith.constant 16 : i32
          %mul3A_347 = vector.broadcast %mul3A_346 : i32 to vector<16xi32>
          %mul3A_348 = arith.muli %iota3A, %mul3A_347 : vector<16xi32>
          %add3A_349 = arith.constant 12 : i32
          %add3A_350 = vector.broadcast %add3A_349 : i32 to vector<16xi32>
          %add3A_351 = arith.addi %mul3A_348, %add3A_350 : vector<16xi32>
          %scatter3A_352 = arith.constant 0 : i32
          %scatter3A_353 = tpu.memref_slice %arg19[%scatter3A_352] : memref<2048xf32, #tpu.memory_space<vmem>> -> memref<256xf32, #tpu.memory_space<vmem>>
          tpu.vector_store_idx %scatter3A_353[%add3A_351], %gather3A_345 : memref<256xf32, #tpu.memory_space<vmem>>[vector<16xi32>], vector<16xf32>,
          %broadcast_in_dim3A_354 = arith.constant 13 : i32
          %broadcast_in_dim3A_355 = vector.broadcast %broadcast_in_dim3A_354 : i32 to vector<16xi32>
          %gather3A_356 = tpu.vector_load_idx %arg16[%broadcast_in_dim3A_355, %min3A_211] : memref<16x4096xf32, #tpu.memory_space<vmem>>[vector<16xi32>, vector<16xi32>], vector<16xf32>,
          %mul3A_357 = arith.constant 16 : i32
          %mul3A_358 = vector.broadcast %mul3A_357 : i32 to vector<16xi32>
          %mul3A_359 = arith.muli %iota3A, %mul3A_358 : vector<16xi32>
          %add3A_360 = arith.constant 13 : i32
          %add3A_361 = vector.broadcast %add3A_360 : i32 to vector<16xi32>
          %add3A_362 = arith.addi %mul3A_359, %add3A_361 : vector<16xi32>
          %scatter3A_363 = arith.constant 0 : i32
          %scatter3A_364 = tpu.memref_slice %arg19[%scatter3A_363] : memref<2048xf32, #tpu.memory_space<vmem>> -> memref<256xf32, #tpu.memory_space<vmem>>
          tpu.vector_store_idx %scatter3A_364[%add3A_362], %gather3A_356 : memref<256xf32, #tpu.memory_space<vmem>>[vector<16xi32>], vector<16xf32>,
          %broadcast_in_dim3A_365 = arith.constant 14 : i32
          %broadcast_in_dim3A_366 = vector.broadcast %broadcast_in_dim3A_365 : i32 to vector<16xi32>
          %gather3A_367 = tpu.vector_load_idx %arg16[%broadcast_in_dim3A_366, %min3A_211] : memref<16x4096xf32, #tpu.memory_space<vmem>>[vector<16xi32>, vector<16xi32>], vector<16xf32>,
          %mul3A_368 = arith.constant 16 : i32
          %mul3A_369 = vector.broadcast %mul3A_368 : i32 to vector<16xi32>
          %mul3A_370 = arith.muli %iota3A, %mul3A_369 : vector<16xi32>
          %add3A_371 = arith.constant 14 : i32
          %add3A_372 = vector.broadcast %add3A_371 : i32 to vector<16xi32>
          %add3A_373 = arith.addi %mul3A_370, %add3A_372 : vector<16xi32>
          %scatter3A_374 = arith.constant 0 : i32
          %scatter3A_375 = tpu.memref_slice %arg19[%scatter3A_374] : memref<2048xf32, #tpu.memory_space<vmem>> -> memref<256xf32, #tpu.memory_space<vmem>>
          tpu.vector_store_idx %scatter3A_375[%add3A_373], %gather3A_367 : memref<256xf32, #tpu.memory_space<vmem>>[vector<16xi32>], vector<16xf32>,
          %broadcast_in_dim3A_376 = arith.constant 15 : i32
          %broadcast_in_dim3A_377 = vector.broadcast %broadcast_in_dim3A_376 : i32 to vector<16xi32>
          %gather3A_378 = tpu.vector_load_idx %arg16[%broadcast_in_dim3A_377, %min3A_211] : memref<16x4096xf32, #tpu.memory_space<vmem>>[vector<16xi32>, vector<16xi32>], vector<16xf32>,
          %mul3A_379 = arith.constant 16 : i32
          %mul3A_380 = vector.broadcast %mul3A_379 : i32 to vector<16xi32>
          %mul3A_381 = arith.muli %iota3A, %mul3A_380 : vector<16xi32>
          %add3A_382 = arith.constant 15 : i32
          %add3A_383 = vector.broadcast %add3A_382 : i32 to vector<16xi32>
          %add3A_384 = arith.addi %mul3A_381, %add3A_383 : vector<16xi32>
          %scatter3A_385 = arith.constant 0 : i32
          %scatter3A_386 = tpu.memref_slice %arg19[%scatter3A_385] : memref<2048xf32, #tpu.memory_space<vmem>> -> memref<256xf32, #tpu.memory_space<vmem>>
          tpu.vector_store_idx %scatter3A_386[%add3A_384], %gather3A_378 : memref<256xf32, #tpu.memory_space<vmem>>[vector<16xi32>], vector<16xf32>,
          %get3A_387 = arith.constant 16 : index
          %get3A_388 = tpu.vector_load %arg18[%get3A_387] {strides = array<i32>} : memref<128xi32, #tpu.memory_space<vmem>>, vector<16xi32>,
          %mul3A_389 = arith.constant 4096 : i32
          %mul3A_390 = arith.muli %add3A_86, %mul3A_389 : i32
          %sub3A_391 = vector.broadcast %mul3A_390 : i32 to vector<16xi32>
          %sub3A_392 = arith.subi %get3A_388, %sub3A_391 : vector<16xi32>
          %jit3A_393 = arith.constant 0 : i32
          %jit3A_394 = arith.constant 4095 : i32
          %max3A_395 = vector.broadcast %jit3A_393 : i32 to vector<16xi32>
          %max3A_396 = arith.maxsi %max3A_395, %sub3A_392 : vector<16xi32>
          %min3A_397 = vector.broadcast %jit3A_394 : i32 to vector<16xi32>
          %min3A_398 = arith.minsi %min3A_397, %max3A_396 : vector<16xi32>
          %broadcast_in_dim3A_399 = arith.constant 0 : i32
          %broadcast_in_dim3A_400 = vector.broadcast %broadcast_in_dim3A_399 : i32 to vector<16xi32>
          %gather3A_401 = tpu.vector_load_idx %arg16[%broadcast_in_dim3A_400, %min3A_398] : memref<16x4096xf32, #tpu.memory_space<vmem>>[vector<16xi32>, vector<16xi32>], vector<16xf32>,
          %mul3A_402 = arith.constant 16 : i32
          %mul3A_403 = vector.broadcast %mul3A_402 : i32 to vector<16xi32>
          %mul3A_404 = arith.muli %iota3A, %mul3A_403 : vector<16xi32>
          %add3A_405 = arith.constant 0 : i32
          %add3A_406 = vector.broadcast %add3A_405 : i32 to vector<16xi32>
          %add3A_407 = arith.addi %mul3A_404, %add3A_406 : vector<16xi32>
          %scatter3A_408 = arith.constant 256 : i32
          %scatter3A_409 = tpu.memref_slice %arg19[%scatter3A_408] : memref<2048xf32, #tpu.memory_space<vmem>> -> memref<256xf32, #tpu.memory_space<vmem>>
          tpu.vector_store_idx %scatter3A_409[%add3A_407], %gather3A_401 : memref<256xf32, #tpu.memory_space<vmem>>[vector<16xi32>], vector<16xf32>,
          %broadcast_in_dim3A_410 = arith.constant 1 : i32
          %broadcast_in_dim3A_411 = vector.broadcast %broadcast_in_dim3A_410 : i32 to vector<16xi32>
          %gather3A_412 = tpu.vector_load_idx %arg16[%broadcast_in_dim3A_411, %min3A_398] : memref<16x4096xf32, #tpu.memory_space<vmem>>[vector<16xi32>, vector<16xi32>], vector<16xf32>,
          %mul3A_413 = arith.constant 16 : i32
          %mul3A_414 = vector.broadcast %mul3A_413 : i32 to vector<16xi32>
          %mul3A_415 = arith.muli %iota3A, %mul3A_414 : vector<16xi32>
          %add3A_416 = arith.constant 1 : i32
          %add3A_417 = vector.broadcast %add3A_416 : i32 to vector<16xi32>
          %add3A_418 = arith.addi %mul3A_415, %add3A_417 : vector<16xi32>
          %scatter3A_419 = arith.constant 256 : i32
          %scatter3A_420 = tpu.memref_slice %arg19[%scatter3A_419] : memref<2048xf32, #tpu.memory_space<vmem>> -> memref<256xf32, #tpu.memory_space<vmem>>
          tpu.vector_store_idx %scatter3A_420[%add3A_418], %gather3A_412 : memref<256xf32, #tpu.memory_space<vmem>>[vector<16xi32>], vector<16xf32>,
          %broadcast_in_dim3A_421 = arith.constant 2 : i32
          %broadcast_in_dim3A_422 = vector.broadcast %broadcast_in_dim3A_421 : i32 to vector<16xi32>
          %gather3A_423 = tpu.vector_load_idx %arg16[%broadcast_in_dim3A_422, %min3A_398] : memref<16x4096xf32, #tpu.memory_space<vmem>>[vector<16xi32>, vector<16xi32>], vector<16xf32>,
          %mul3A_424 = arith.constant 16 : i32
          %mul3A_425 = vector.broadcast %mul3A_424 : i32 to vector<16xi32>
          %mul3A_426 = arith.muli %iota3A, %mul3A_425 : vector<16xi32>
          %add3A_427 = arith.constant 2 : i32
          %add3A_428 = vector.broadcast %add3A_427 : i32 to vector<16xi32>
          %add3A_429 = arith.addi %mul3A_426, %add3A_428 : vector<16xi32>
          %scatter3A_430 = arith.constant 256 : i32
          %scatter3A_431 = tpu.memref_slice %arg19[%scatter3A_430] : memref<2048xf32, #tpu.memory_space<vmem>> -> memref<256xf32, #tpu.memory_space<vmem>>
          tpu.vector_store_idx %scatter3A_431[%add3A_429], %gather3A_423 : memref<256xf32, #tpu.memory_space<vmem>>[vector<16xi32>], vector<16xf32>,
          %broadcast_in_dim3A_432 = arith.constant 3 : i32
          %broadcast_in_dim3A_433 = vector.broadcast %broadcast_in_dim3A_432 : i32 to vector<16xi32>
          %gather3A_434 = tpu.vector_load_idx %arg16[%broadcast_in_dim3A_433, %min3A_398] : memref<16x4096xf32, #tpu.memory_space<vmem>>[vector<16xi32>, vector<16xi32>], vector<16xf32>,
          %mul3A_435 = arith.constant 16 : i32
          %mul3A_436 = vector.broadcast %mul3A_435 : i32 to vector<16xi32>
          %mul3A_437 = arith.muli %iota3A, %mul3A_436 : vector<16xi32>
          %add3A_438 = arith.constant 3 : i32
          %add3A_439 = vector.broadcast %add3A_438 : i32 to vector<16xi32>
          %add3A_440 = arith.addi %mul3A_437, %add3A_439 : vector<16xi32>
          %scatter3A_441 = arith.constant 256 : i32
          %scatter3A_442 = tpu.memref_slice %arg19[%scatter3A_441] : memref<2048xf32, #tpu.memory_space<vmem>> -> memref<256xf32, #tpu.memory_space<vmem>>
          tpu.vector_store_idx %scatter3A_442[%add3A_440], %gather3A_434 : memref<256xf32, #tpu.memory_space<vmem>>[vector<16xi32>], vector<16xf32>,
          %broadcast_in_dim3A_443 = arith.constant 4 : i32
          %broadcast_in_dim3A_444 = vector.broadcast %broadcast_in_dim3A_443 : i32 to vector<16xi32>
          %gather3A_445 = tpu.vector_load_idx %arg16[%broadcast_in_dim3A_444, %min3A_398] : memref<16x4096xf32, #tpu.memory_space<vmem>>[vector<16xi32>, vector<16xi32>], vector<16xf32>,
          %mul3A_446 = arith.constant 16 : i32
          %mul3A_447 = vector.broadcast %mul3A_446 : i32 to vector<16xi32>
          %mul3A_448 = arith.muli %iota3A, %mul3A_447 : vector<16xi32>
          %add3A_449 = arith.constant 4 : i32
          %add3A_450 = vector.broadcast %add3A_449 : i32 to vector<16xi32>
          %add3A_451 = arith.addi %mul3A_448, %add3A_450 : vector<16xi32>
          %scatter3A_452 = arith.constant 256 : i32
          %scatter3A_453 = tpu.memref_slice %arg19[%scatter3A_452] : memref<2048xf32, #tpu.memory_space<vmem>> -> memref<256xf32, #tpu.memory_space<vmem>>
          tpu.vector_store_idx %scatter3A_453[%add3A_451], %gather3A_445 : memref<256xf32, #tpu.memory_space<vmem>>[vector<16xi32>], vector<16xf32>,
          %broadcast_in_dim3A_454 = arith.constant 5 : i32
          %broadcast_in_dim3A_455 = vector.broadcast %broadcast_in_dim3A_454 : i32 to vector<16xi32>
          %gather3A_456 = tpu.vector_load_idx %arg16[%broadcast_in_dim3A_455, %min3A_398] : memref<16x4096xf32, #tpu.memory_space<vmem>>[vector<16xi32>, vector<16xi32>], vector<16xf32>,
          %mul3A_457 = arith.constant 16 : i32
          %mul3A_458 = vector.broadcast %mul3A_457 : i32 to vector<16xi32>
          %mul3A_459 = arith.muli %iota3A, %mul3A_458 : vector<16xi32>
          %add3A_460 = arith.constant 5 : i32
          %add3A_461 = vector.broadcast %add3A_460 : i32 to vector<16xi32>
          %add3A_462 = arith.addi %mul3A_459, %add3A_461 : vector<16xi32>
          %scatter3A_463 = arith.constant 256 : i32
          %scatter3A_464 = tpu.memref_slice %arg19[%scatter3A_463] : memref<2048xf32, #tpu.memory_space<vmem>> -> memref<256xf32, #tpu.memory_space<vmem>>
          tpu.vector_store_idx %scatter3A_464[%add3A_462], %gather3A_456 : memref<256xf32, #tpu.memory_space<vmem>>[vector<16xi32>], vector<16xf32>,
          %broadcast_in_dim3A_465 = arith.constant 6 : i32
          %broadcast_in_dim3A_466 = vector.broadcast %broadcast_in_dim3A_465 : i32 to vector<16xi32>
          %gather3A_467 = tpu.vector_load_idx %arg16[%broadcast_in_dim3A_466, %min3A_398] : memref<16x4096xf32, #tpu.memory_space<vmem>>[vector<16xi32>, vector<16xi32>], vector<16xf32>,
          %mul3A_468 = arith.constant 16 : i32
          %mul3A_469 = vector.broadcast %mul3A_468 : i32 to vector<16xi32>
          %mul3A_470 = arith.muli %iota3A, %mul3A_469 : vector<16xi32>
          %add3A_471 = arith.constant 6 : i32
          %add3A_472 = vector.broadcast %add3A_471 : i32 to vector<16xi32>
          %add3A_473 = arith.addi %mul3A_470, %add3A_472 : vector<16xi32>
          %scatter3A_474 = arith.constant 256 : i32
          %scatter3A_475 = tpu.memref_slice %arg19[%scatter3A_474] : memref<2048xf32, #tpu.memory_space<vmem>> -> memref<256xf32, #tpu.memory_space<vmem>>
          tpu.vector_store_idx %scatter3A_475[%add3A_473], %gather3A_467 : memref<256xf32, #tpu.memory_space<vmem>>[vector<16xi32>], vector<16xf32>,
          %broadcast_in_dim3A_476 = arith.constant 7 : i32
          %broadcast_in_dim3A_477 = vector.broadcast %broadcast_in_dim3A_476 : i32 to vector<16xi32>
          %gather3A_478 = tpu.vector_load_idx %arg16[%broadcast_in_dim3A_477, %min3A_398] : memref<16x4096xf32, #tpu.memory_space<vmem>>[vector<16xi32>, vector<16xi32>], vector<16xf32>,
          %mul3A_479 = arith.constant 16 : i32
          %mul3A_480 = vector.broadcast %mul3A_479 : i32 to vector<16xi32>
          %mul3A_481 = arith.muli %iota3A, %mul3A_480 : vector<16xi32>
          %add3A_482 = arith.constant 7 : i32
          %add3A_483 = vector.broadcast %add3A_482 : i32 to vector<16xi32>
          %add3A_484 = arith.addi %mul3A_481, %add3A_483 : vector<16xi32>
          %scatter3A_485 = arith.constant 256 : i32
          %scatter3A_486 = tpu.memref_slice %arg19[%scatter3A_485] : memref<2048xf32, #tpu.memory_space<vmem>> -> memref<256xf32, #tpu.memory_space<vmem>>
          tpu.vector_store_idx %scatter3A_486[%add3A_484], %gather3A_478 : memref<256xf32, #tpu.memory_space<vmem>>[vector<16xi32>], vector<16xf32>,
          %broadcast_in_dim3A_487 = arith.constant 8 : i32
          %broadcast_in_dim3A_488 = vector.broadcast %broadcast_in_dim3A_487 : i32 to vector<16xi32>
          %gather3A_489 = tpu.vector_load_idx %arg16[%broadcast_in_dim3A_488, %min3A_398] : memref<16x4096xf32, #tpu.memory_space<vmem>>[vector<16xi32>, vector<16xi32>], vector<16xf32>,
          %mul3A_490 = arith.constant 16 : i32
          %mul3A_491 = vector.broadcast %mul3A_490 : i32 to vector<16xi32>
          %mul3A_492 = arith.muli %iota3A, %mul3A_491 : vector<16xi32>
          %add3A_493 = arith.constant 8 : i32
          %add3A_494 = vector.broadcast %add3A_493 : i32 to vector<16xi32>
          %add3A_495 = arith.addi %mul3A_492, %add3A_494 : vector<16xi32>
          %scatter3A_496 = arith.constant 256 : i32
          %scatter3A_497 = tpu.memref_slice %arg19[%scatter3A_496] : memref<2048xf32, #tpu.memory_space<vmem>> -> memref<256xf32, #tpu.memory_space<vmem>>
          tpu.vector_store_idx %scatter3A_497[%add3A_495], %gather3A_489 : memref<256xf32, #tpu.memory_space<vmem>>[vector<16xi32>], vector<16xf32>,
          %broadcast_in_dim3A_498 = arith.constant 9 : i32
          %broadcast_in_dim3A_499 = vector.broadcast %broadcast_in_dim3A_498 : i32 to vector<16xi32>
          %gather3A_500 = tpu.vector_load_idx %arg16[%broadcast_in_dim3A_499, %min3A_398] : memref<16x4096xf32, #tpu.memory_space<vmem>>[vector<16xi32>, vector<16xi32>], vector<16xf32>,
          %mul3A_501 = arith.constant 16 : i32
          %mul3A_502 = vector.broadcast %mul3A_501 : i32 to vector<16xi32>
          %mul3A_503 = arith.muli %iota3A, %mul3A_502 : vector<16xi32>
          %add3A_504 = arith.constant 9 : i32
          %add3A_505 = vector.broadcast %add3A_504 : i32 to vector<16xi32>
          %add3A_506 = arith.addi %mul3A_503, %add3A_505 : vector<16xi32>
          %scatter3A_507 = arith.constant 256 : i32
          %scatter3A_508 = tpu.memref_slice %arg19[%scatter3A_507] : memref<2048xf32, #tpu.memory_space<vmem>> -> memref<256xf32, #tpu.memory_space<vmem>>
          tpu.vector_store_idx %scatter3A_508[%add3A_506], %gather3A_500 : memref<256xf32, #tpu.memory_space<vmem>>[vector<16xi32>], vector<16xf32>,
          %broadcast_in_dim3A_509 = arith.constant 10 : i32
          %broadcast_in_dim3A_510 = vector.broadcast %broadcast_in_dim3A_509 : i32 to vector<16xi32>
          %gather3A_511 = tpu.vector_load_idx %arg16[%broadcast_in_dim3A_510, %min3A_398] : memref<16x4096xf32, #tpu.memory_space<vmem>>[vector<16xi32>, vector<16xi32>], vector<16xf32>,
          %mul3A_512 = arith.constant 16 : i32
          %mul3A_513 = vector.broadcast %mul3A_512 : i32 to vector<16xi32>
          %mul3A_514 = arith.muli %iota3A, %mul3A_513 : vector<16xi32>
          %add3A_515 = arith.constant 10 : i32
          %add3A_516 = vector.broadcast %add3A_515 : i32 to vector<16xi32>
          %add3A_517 = arith.addi %mul3A_514, %add3A_516 : vector<16xi32>
          %scatter3A_518 = arith.constant 256 : i32
          %scatter3A_519 = tpu.memref_slice %arg19[%scatter3A_518] : memref<2048xf32, #tpu.memory_space<vmem>> -> memref<256xf32, #tpu.memory_space<vmem>>
          tpu.vector_store_idx %scatter3A_519[%add3A_517], %gather3A_511 : memref<256xf32, #tpu.memory_space<vmem>>[vector<16xi32>], vector<16xf32>,
          %broadcast_in_dim3A_520 = arith.constant 11 : i32
          %broadcast_in_dim3A_521 = vector.broadcast %broadcast_in_dim3A_520 : i32 to vector<16xi32>
          %gather3A_522 = tpu.vector_load_idx %arg16[%broadcast_in_dim3A_521, %min3A_398] : memref<16x4096xf32, #tpu.memory_space<vmem>>[vector<16xi32>, vector<16xi32>], vector<16xf32>,
          %mul3A_523 = arith.constant 16 : i32
          %mul3A_524 = vector.broadcast %mul3A_523 : i32 to vector<16xi32>
          %mul3A_525 = arith.muli %iota3A, %mul3A_524 : vector<16xi32>
          %add3A_526 = arith.constant 11 : i32
          %add3A_527 = vector.broadcast %add3A_526 : i32 to vector<16xi32>
          %add3A_528 = arith.addi %mul3A_525, %add3A_527 : vector<16xi32>
          %scatter3A_529 = arith.constant 256 : i32
          %scatter3A_530 = tpu.memref_slice %arg19[%scatter3A_529] : memref<2048xf32, #tpu.memory_space<vmem>> -> memref<256xf32, #tpu.memory_space<vmem>>
          tpu.vector_store_idx %scatter3A_530[%add3A_528], %gather3A_522 : memref<256xf32, #tpu.memory_space<vmem>>[vector<16xi32>], vector<16xf32>,
          %broadcast_in_dim3A_531 = arith.constant 12 : i32
          %broadcast_in_dim3A_532 = vector.broadcast %broadcast_in_dim3A_531 : i32 to vector<16xi32>
          %gather3A_533 = tpu.vector_load_idx %arg16[%broadcast_in_dim3A_532, %min3A_398] : memref<16x4096xf32, #tpu.memory_space<vmem>>[vector<16xi32>, vector<16xi32>], vector<16xf32>,
          %mul3A_534 = arith.constant 16 : i32
          %mul3A_535 = vector.broadcast %mul3A_534 : i32 to vector<16xi32>
          %mul3A_536 = arith.muli %iota3A, %mul3A_535 : vector<16xi32>
          %add3A_537 = arith.constant 12 : i32
          %add3A_538 = vector.broadcast %add3A_537 : i32 to vector<16xi32>
          %add3A_539 = arith.addi %mul3A_536, %add3A_538 : vector<16xi32>
          %scatter3A_540 = arith.constant 256 : i32
          %scatter3A_541 = tpu.memref_slice %arg19[%scatter3A_540] : memref<2048xf32, #tpu.memory_space<vmem>> -> memref<256xf32, #tpu.memory_space<vmem>>
          tpu.vector_store_idx %scatter3A_541[%add3A_539], %gather3A_533 : memref<256xf32, #tpu.memory_space<vmem>>[vector<16xi32>], vector<16xf32>,
          %broadcast_in_dim3A_542 = arith.constant 13 : i32
          %broadcast_in_dim3A_543 = vector.broadcast %broadcast_in_dim3A_542 : i32 to vector<16xi32>
          %gather3A_544 = tpu.vector_load_idx %arg16[%broadcast_in_dim3A_543, %min3A_398] : memref<16x4096xf32, #tpu.memory_space<vmem>>[vector<16xi32>, vector<16xi32>], vector<16xf32>,
          %mul3A_545 = arith.constant 16 : i32
          %mul3A_546 = vector.broadcast %mul3A_545 : i32 to vector<16xi32>
          %mul3A_547 = arith.muli %iota3A, %mul3A_546 : vector<16xi32>
          %add3A_548 = arith.constant 13 : i32
          %add3A_549 = vector.broadcast %add3A_548 : i32 to vector<16xi32>
          %add3A_550 = arith.addi %mul3A_547, %add3A_549 : vector<16xi32>
          %scatter3A_551 = arith.constant 256 : i32
          %scatter3A_552 = tpu.memref_slice %arg19[%scatter3A_551] : memref<2048xf32, #tpu.memory_space<vmem>> -> memref<256xf32, #tpu.memory_space<vmem>>
          tpu.vector_store_idx %scatter3A_552[%add3A_550], %gather3A_544 : memref<256xf32, #tpu.memory_space<vmem>>[vector<16xi32>], vector<16xf32>,
          %broadcast_in_dim3A_553 = arith.constant 14 : i32
          %broadcast_in_dim3A_554 = vector.broadcast %broadcast_in_dim3A_553 : i32 to vector<16xi32>
          %gather3A_555 = tpu.vector_load_idx %arg16[%broadcast_in_dim3A_554, %min3A_398] : memref<16x4096xf32, #tpu.memory_space<vmem>>[vector<16xi32>, vector<16xi32>], vector<16xf32>,
          %mul3A_556 = arith.constant 16 : i32
          %mul3A_557 = vector.broadcast %mul3A_556 : i32 to vector<16xi32>
          %mul3A_558 = arith.muli %iota3A, %mul3A_557 : vector<16xi32>
          %add3A_559 = arith.constant 14 : i32
          %add3A_560 = vector.broadcast %add3A_559 : i32 to vector<16xi32>
          %add3A_561 = arith.addi %mul3A_558, %add3A_560 : vector<16xi32>
          %scatter3A_562 = arith.constant 256 : i32
          %scatter3A_563 = tpu.memref_slice %arg19[%scatter3A_562] : memref<2048xf32, #tpu.memory_space<vmem>> -> memref<256xf32, #tpu.memory_space<vmem>>
          tpu.vector_store_idx %scatter3A_563[%add3A_561], %gather3A_555 : memref<256xf32, #tpu.memory_space<vmem>>[vector<16xi32>], vector<16xf32>,
          %broadcast_in_dim3A_564 = arith.constant 15 : i32
          %broadcast_in_dim3A_565 = vector.broadcast %broadcast_in_dim3A_564 : i32 to vector<16xi32>
          %gather3A_566 = tpu.vector_load_idx %arg16[%broadcast_in_dim3A_565, %min3A_398] : memref<16x4096xf32, #tpu.memory_space<vmem>>[vector<16xi32>, vector<16xi32>], vector<16xf32>,
          %mul3A_567 = arith.constant 16 : i32
          %mul3A_568 = vector.broadcast %mul3A_567 : i32 to vector<16xi32>
          %mul3A_569 = arith.muli %iota3A, %mul3A_568 : vector<16xi32>
          %add3A_570 = arith.constant 15 : i32
          %add3A_571 = vector.broadcast %add3A_570 : i32 to vector<16xi32>
          %add3A_572 = arith.addi %mul3A_569, %add3A_571 : vector<16xi32>
          %scatter3A_573 = arith.constant 256 : i32
          %scatter3A_574 = tpu.memref_slice %arg19[%scatter3A_573] : memref<2048xf32, #tpu.memory_space<vmem>> -> memref<256xf32, #tpu.memory_space<vmem>>
          tpu.vector_store_idx %scatter3A_574[%add3A_572], %gather3A_566 : memref<256xf32, #tpu.memory_space<vmem>>[vector<16xi32>], vector<16xf32>,
          %get3A_575 = arith.constant 32 : index
          %get3A_576 = tpu.vector_load %arg18[%get3A_575] {strides = array<i32>} : memref<128xi32, #tpu.memory_space<vmem>>, vector<16xi32>,
          %mul3A_577 = arith.constant 4096 : i32
          %mul3A_578 = arith.muli %add3A_86, %mul3A_577 : i32
          %sub3A_579 = vector.broadcast %mul3A_578 : i32 to vector<16xi32>
          %sub3A_580 = arith.subi %get3A_576, %sub3A_579 : vector<16xi32>
          %jit3A_581 = arith.constant 0 : i32
          %jit3A_582 = arith.constant 4095 : i32
          %max3A_583 = vector.broadcast %jit3A_581 : i32 to vector<16xi32>
          %max3A_584 = arith.maxsi %max3A_583, %sub3A_580 : vector<16xi32>
          %min3A_585 = vector.broadcast %jit3A_582 : i32 to vector<16xi32>
          %min3A_586 = arith.minsi %min3A_585, %max3A_584 : vector<16xi32>
          %broadcast_in_dim3A_587 = arith.constant 0 : i32
          %broadcast_in_dim3A_588 = vector.broadcast %broadcast_in_dim3A_587 : i32 to vector<16xi32>
          %gather3A_589 = tpu.vector_load_idx %arg16[%broadcast_in_dim3A_588, %min3A_586] : memref<16x4096xf32, #tpu.memory_space<vmem>>[vector<16xi32>, vector<16xi32>], vector<16xf32>,
          %mul3A_590 = arith.constant 16 : i32
          %mul3A_591 = vector.broadcast %mul3A_590 : i32 to vector<16xi32>
          %mul3A_592 = arith.muli %iota3A, %mul3A_591 : vector<16xi32>
          %add3A_593 = arith.constant 0 : i32
          %add3A_594 = vector.broadcast %add3A_593 : i32 to vector<16xi32>
          %add3A_595 = arith.addi %mul3A_592, %add3A_594 : vector<16xi32>
          %scatter3A_596 = arith.constant 512 : i32
          %scatter3A_597 = tpu.memref_slice %arg19[%scatter3A_596] : memref<2048xf32, #tpu.memory_space<vmem>> -> memref<256xf32, #tpu.memory_space<vmem>>
          tpu.vector_store_idx %scatter3A_597[%add3A_595], %gather3A_589 : memref<256xf32, #tpu.memory_space<vmem>>[vector<16xi32>], vector<16xf32>,
          %broadcast_in_dim3A_598 = arith.constant 1 : i32
          %broadcast_in_dim3A_599 = vector.broadcast %broadcast_in_dim3A_598 : i32 to vector<16xi32>
          %gather3A_600 = tpu.vector_load_idx %arg16[%broadcast_in_dim3A_599, %min3A_586] : memref<16x4096xf32, #tpu.memory_space<vmem>>[vector<16xi32>, vector<16xi32>], vector<16xf32>,
          %mul3A_601 = arith.constant 16 : i32
          %mul3A_602 = vector.broadcast %mul3A_601 : i32 to vector<16xi32>
          %mul3A_603 = arith.muli %iota3A, %mul3A_602 : vector<16xi32>
          %add3A_604 = arith.constant 1 : i32
          %add3A_605 = vector.broadcast %add3A_604 : i32 to vector<16xi32>
          %add3A_606 = arith.addi %mul3A_603, %add3A_605 : vector<16xi32>
          %scatter3A_607 = arith.constant 512 : i32
          %scatter3A_608 = tpu.memref_slice %arg19[%scatter3A_607] : memref<2048xf32, #tpu.memory_space<vmem>> -> memref<256xf32, #tpu.memory_space<vmem>>
          tpu.vector_store_idx %scatter3A_608[%add3A_606], %gather3A_600 : memref<256xf32, #tpu.memory_space<vmem>>[vector<16xi32>], vector<16xf32>,
          %broadcast_in_dim3A_609 = arith.constant 2 : i32
          %broadcast_in_dim3A_610 = vector.broadcast %broadcast_in_dim3A_609 : i32 to vector<16xi32>
          %gather3A_611 = tpu.vector_load_idx %arg16[%broadcast_in_dim3A_610, %min3A_586] : memref<16x4096xf32, #tpu.memory_space<vmem>>[vector<16xi32>, vector<16xi32>], vector<16xf32>,
          %mul3A_612 = arith.constant 16 : i32
          %mul3A_613 = vector.broadcast %mul3A_612 : i32 to vector<16xi32>
          %mul3A_614 = arith.muli %iota3A, %mul3A_613 : vector<16xi32>
          %add3A_615 = arith.constant 2 : i32
          %add3A_616 = vector.broadcast %add3A_615 : i32 to vector<16xi32>
          %add3A_617 = arith.addi %mul3A_614, %add3A_616 : vector<16xi32>
          %scatter3A_618 = arith.constant 512 : i32
          %scatter3A_619 = tpu.memref_slice %arg19[%scatter3A_618] : memref<2048xf32, #tpu.memory_space<vmem>> -> memref<256xf32, #tpu.memory_space<vmem>>
          tpu.vector_store_idx %scatter3A_619[%add3A_617], %gather3A_611 : memref<256xf32, #tpu.memory_space<vmem>>[vector<16xi32>], vector<16xf32>,
          %broadcast_in_dim3A_620 = arith.constant 3 : i32
          %broadcast_in_dim3A_621 = vector.broadcast %broadcast_in_dim3A_620 : i32 to vector<16xi32>
          %gather3A_622 = tpu.vector_load_idx %arg16[%broadcast_in_dim3A_621, %min3A_586] : memref<16x4096xf32, #tpu.memory_space<vmem>>[vector<16xi32>, vector<16xi32>], vector<16xf32>,
          %mul3A_623 = arith.constant 16 : i32
          %mul3A_624 = vector.broadcast %mul3A_623 : i32 to vector<16xi32>
          %mul3A_625 = arith.muli %iota3A, %mul3A_624 : vector<16xi32>
          %add3A_626 = arith.constant 3 : i32
          %add3A_627 = vector.broadcast %add3A_626 : i32 to vector<16xi32>
          %add3A_628 = arith.addi %mul3A_625, %add3A_627 : vector<16xi32>
          %scatter3A_629 = arith.constant 512 : i32
          %scatter3A_630 = tpu.memref_slice %arg19[%scatter3A_629] : memref<2048xf32, #tpu.memory_space<vmem>> -> memref<256xf32, #tpu.memory_space<vmem>>
          tpu.vector_store_idx %scatter3A_630[%add3A_628], %gather3A_622 : memref<256xf32, #tpu.memory_space<vmem>>[vector<16xi32>], vector<16xf32>,
          %broadcast_in_dim3A_631 = arith.constant 4 : i32
          %broadcast_in_dim3A_632 = vector.broadcast %broadcast_in_dim3A_631 : i32 to vector<16xi32>
          %gather3A_633 = tpu.vector_load_idx %arg16[%broadcast_in_dim3A_632, %min3A_586] : memref<16x4096xf32, #tpu.memory_space<vmem>>[vector<16xi32>, vector<16xi32>], vector<16xf32>,
          %mul3A_634 = arith.constant 16 : i32
          %mul3A_635 = vector.broadcast %mul3A_634 : i32 to vector<16xi32>
          %mul3A_636 = arith.muli %iota3A, %mul3A_635 : vector<16xi32>
          %add3A_637 = arith.constant 4 : i32
          %add3A_638 = vector.broadcast %add3A_637 : i32 to vector<16xi32>
          %add3A_639 = arith.addi %mul3A_636, %add3A_638 : vector<16xi32>
          %scatter3A_640 = arith.constant 512 : i32
          %scatter3A_641 = tpu.memref_slice %arg19[%scatter3A_640] : memref<2048xf32, #tpu.memory_space<vmem>> -> memref<256xf32, #tpu.memory_space<vmem>>
          tpu.vector_store_idx %scatter3A_641[%add3A_639], %gather3A_633 : memref<256xf32, #tpu.memory_space<vmem>>[vector<16xi32>], vector<16xf32>,
          %broadcast_in_dim3A_642 = arith.constant 5 : i32
          %broadcast_in_dim3A_643 = vector.broadcast %broadcast_in_dim3A_642 : i32 to vector<16xi32>
          %gather3A_644 = tpu.vector_load_idx %arg16[%broadcast_in_dim3A_643, %min3A_586] : memref<16x4096xf32, #tpu.memory_space<vmem>>[vector<16xi32>, vector<16xi32>], vector<16xf32>,
          %mul3A_645 = arith.constant 16 : i32
          %mul3A_646 = vector.broadcast %mul3A_645 : i32 to vector<16xi32>
          %mul3A_647 = arith.muli %iota3A, %mul3A_646 : vector<16xi32>
          %add3A_648 = arith.constant 5 : i32
          %add3A_649 = vector.broadcast %add3A_648 : i32 to vector<16xi32>
          %add3A_650 = arith.addi %mul3A_647, %add3A_649 : vector<16xi32>
          %scatter3A_651 = arith.constant 512 : i32
          %scatter3A_652 = tpu.memref_slice %arg19[%scatter3A_651] : memref<2048xf32, #tpu.memory_space<vmem>> -> memref<256xf32, #tpu.memory_space<vmem>>
          tpu.vector_store_idx %scatter3A_652[%add3A_650], %gather3A_644 : memref<256xf32, #tpu.memory_space<vmem>>[vector<16xi32>], vector<16xf32>,
          %broadcast_in_dim3A_653 = arith.constant 6 : i32
          %broadcast_in_dim3A_654 = vector.broadcast %broadcast_in_dim3A_653 : i32 to vector<16xi32>
          %gather3A_655 = tpu.vector_load_idx %arg16[%broadcast_in_dim3A_654, %min3A_586] : memref<16x4096xf32, #tpu.memory_space<vmem>>[vector<16xi32>, vector<16xi32>], vector<16xf32>,
          %mul3A_656 = arith.constant 16 : i32
          %mul3A_657 = vector.broadcast %mul3A_656 : i32 to vector<16xi32>
          %mul3A_658 = arith.muli %iota3A, %mul3A_657 : vector<16xi32>
          %add3A_659 = arith.constant 6 : i32
          %add3A_660 = vector.broadcast %add3A_659 : i32 to vector<16xi32>
          %add3A_661 = arith.addi %mul3A_658, %add3A_660 : vector<16xi32>
          %scatter3A_662 = arith.constant 512 : i32
          %scatter3A_663 = tpu.memref_slice %arg19[%scatter3A_662] : memref<2048xf32, #tpu.memory_space<vmem>> -> memref<256xf32, #tpu.memory_space<vmem>>
          tpu.vector_store_idx %scatter3A_663[%add3A_661], %gather3A_655 : memref<256xf32, #tpu.memory_space<vmem>>[vector<16xi32>], vector<16xf32>,
          %broadcast_in_dim3A_664 = arith.constant 7 : i32
          %broadcast_in_dim3A_665 = vector.broadcast %broadcast_in_dim3A_664 : i32 to vector<16xi32>
          %gather3A_666 = tpu.vector_load_idx %arg16[%broadcast_in_dim3A_665, %min3A_586] : memref<16x4096xf32, #tpu.memory_space<vmem>>[vector<16xi32>, vector<16xi32>], vector<16xf32>,
          %mul3A_667 = arith.constant 16 : i32
          %mul3A_668 = vector.broadcast %mul3A_667 : i32 to vector<16xi32>
          %mul3A_669 = arith.muli %iota3A, %mul3A_668 : vector<16xi32>
          %add3A_670 = arith.constant 7 : i32
          %add3A_671 = vector.broadcast %add3A_670 : i32 to vector<16xi32>
          %add3A_672 = arith.addi %mul3A_669, %add3A_671 : vector<16xi32>
          %scatter3A_673 = arith.constant 512 : i32
          %scatter3A_674 = tpu.memref_slice %arg19[%scatter3A_673] : memref<2048xf32, #tpu.memory_space<vmem>> -> memref<256xf32, #tpu.memory_space<vmem>>
          tpu.vector_store_idx %scatter3A_674[%add3A_672], %gather3A_666 : memref<256xf32, #tpu.memory_space<vmem>>[vector<16xi32>], vector<16xf32>,
          %broadcast_in_dim3A_675 = arith.constant 8 : i32
          %broadcast_in_dim3A_676 = vector.broadcast %broadcast_in_dim3A_675 : i32 to vector<16xi32>
          %gather3A_677 = tpu.vector_load_idx %arg16[%broadcast_in_dim3A_676, %min3A_586] : memref<16x4096xf32, #tpu.memory_space<vmem>>[vector<16xi32>, vector<16xi32>], vector<16xf32>,
          %mul3A_678 = arith.constant 16 : i32
          %mul3A_679 = vector.broadcast %mul3A_678 : i32 to vector<16xi32>
          %mul3A_680 = arith.muli %iota3A, %mul3A_679 : vector<16xi32>
          %add3A_681 = arith.constant 8 : i32
          %add3A_682 = vector.broadcast %add3A_681 : i32 to vector<16xi32>
          %add3A_683 = arith.addi %mul3A_680, %add3A_682 : vector<16xi32>
          %scatter3A_684 = arith.constant 512 : i32
          %scatter3A_685 = tpu.memref_slice %arg19[%scatter3A_684] : memref<2048xf32, #tpu.memory_space<vmem>> -> memref<256xf32, #tpu.memory_space<vmem>>
          tpu.vector_store_idx %scatter3A_685[%add3A_683], %gather3A_677 : memref<256xf32, #tpu.memory_space<vmem>>[vector<16xi32>], vector<16xf32>,
          %broadcast_in_dim3A_686 = arith.constant 9 : i32
          %broadcast_in_dim3A_687 = vector.broadcast %broadcast_in_dim3A_686 : i32 to vector<16xi32>
          %gather3A_688 = tpu.vector_load_idx %arg16[%broadcast_in_dim3A_687, %min3A_586] : memref<16x4096xf32, #tpu.memory_space<vmem>>[vector<16xi32>, vector<16xi32>], vector<16xf32>,
          %mul3A_689 = arith.constant 16 : i32
          %mul3A_690 = vector.broadcast %mul3A_689 : i32 to vector<16xi32>
          %mul3A_691 = arith.muli %iota3A, %mul3A_690 : vector<16xi32>
          %add3A_692 = arith.constant 9 : i32
          %add3A_693 = vector.broadcast %add3A_692 : i32 to vector<16xi32>
          %add3A_694 = arith.addi %mul3A_691, %add3A_693 : vector<16xi32>
          %scatter3A_695 = arith.constant 512 : i32
          %scatter3A_696 = tpu.memref_slice %arg19[%scatter3A_695] : memref<2048xf32, #tpu.memory_space<vmem>> -> memref<256xf32, #tpu.memory_space<vmem>>
          tpu.vector_store_idx %scatter3A_696[%add3A_694], %gather3A_688 : memref<256xf32, #tpu.memory_space<vmem>>[vector<16xi32>], vector<16xf32>,
          %broadcast_in_dim3A_697 = arith.constant 10 : i32
          %broadcast_in_dim3A_698 = vector.broadcast %broadcast_in_dim3A_697 : i32 to vector<16xi32>
          %gather3A_699 = tpu.vector_load_idx %arg16[%broadcast_in_dim3A_698, %min3A_586] : memref<16x4096xf32, #tpu.memory_space<vmem>>[vector<16xi32>, vector<16xi32>], vector<16xf32>,
          %mul3A_700 = arith.constant 16 : i32
          %mul3A_701 = vector.broadcast %mul3A_700 : i32 to vector<16xi32>
          %mul3A_702 = arith.muli %iota3A, %mul3A_701 : vector<16xi32>
          %add3A_703 = arith.constant 10 : i32
          %add3A_704 = vector.broadcast %add3A_703 : i32 to vector<16xi32>
          %add3A_705 = arith.addi %mul3A_702, %add3A_704 : vector<16xi32>
          %scatter3A_706 = arith.constant 512 : i32
          %scatter3A_707 = tpu.memref_slice %arg19[%scatter3A_706] : memref<2048xf32, #tpu.memory_space<vmem>> -> memref<256xf32, #tpu.memory_space<vmem>>
          tpu.vector_store_idx %scatter3A_707[%add3A_705], %gather3A_699 : memref<256xf32, #tpu.memory_space<vmem>>[vector<16xi32>], vector<16xf32>,
          %broadcast_in_dim3A_708 = arith.constant 11 : i32
          %broadcast_in_dim3A_709 = vector.broadcast %broadcast_in_dim3A_708 : i32 to vector<16xi32>
          %gather3A_710 = tpu.vector_load_idx %arg16[%broadcast_in_dim3A_709, %min3A_586] : memref<16x4096xf32, #tpu.memory_space<vmem>>[vector<16xi32>, vector<16xi32>], vector<16xf32>,
          %mul3A_711 = arith.constant 16 : i32
          %mul3A_712 = vector.broadcast %mul3A_711 : i32 to vector<16xi32>
          %mul3A_713 = arith.muli %iota3A, %mul3A_712 : vector<16xi32>
          %add3A_714 = arith.constant 11 : i32
          %add3A_715 = vector.broadcast %add3A_714 : i32 to vector<16xi32>
          %add3A_716 = arith.addi %mul3A_713, %add3A_715 : vector<16xi32>
          %scatter3A_717 = arith.constant 512 : i32
          %scatter3A_718 = tpu.memref_slice %arg19[%scatter3A_717] : memref<2048xf32, #tpu.memory_space<vmem>> -> memref<256xf32, #tpu.memory_space<vmem>>
          tpu.vector_store_idx %scatter3A_718[%add3A_716], %gather3A_710 : memref<256xf32, #tpu.memory_space<vmem>>[vector<16xi32>], vector<16xf32>,
          %broadcast_in_dim3A_719 = arith.constant 12 : i32
          %broadcast_in_dim3A_720 = vector.broadcast %broadcast_in_dim3A_719 : i32 to vector<16xi32>
          %gather3A_721 = tpu.vector_load_idx %arg16[%broadcast_in_dim3A_720, %min3A_586] : memref<16x4096xf32, #tpu.memory_space<vmem>>[vector<16xi32>, vector<16xi32>], vector<16xf32>,
          %mul3A_722 = arith.constant 16 : i32
          %mul3A_723 = vector.broadcast %mul3A_722 : i32 to vector<16xi32>
          %mul3A_724 = arith.muli %iota3A, %mul3A_723 : vector<16xi32>
          %add3A_725 = arith.constant 12 : i32
          %add3A_726 = vector.broadcast %add3A_725 : i32 to vector<16xi32>
          %add3A_727 = arith.addi %mul3A_724, %add3A_726 : vector<16xi32>
          %scatter3A_728 = arith.constant 512 : i32
          %scatter3A_729 = tpu.memref_slice %arg19[%scatter3A_728] : memref<2048xf32, #tpu.memory_space<vmem>> -> memref<256xf32, #tpu.memory_space<vmem>>
          tpu.vector_store_idx %scatter3A_729[%add3A_727], %gather3A_721 : memref<256xf32, #tpu.memory_space<vmem>>[vector<16xi32>], vector<16xf32>,
          %broadcast_in_dim3A_730 = arith.constant 13 : i32
          %broadcast_in_dim3A_731 = vector.broadcast %broadcast_in_dim3A_730 : i32 to vector<16xi32>
          %gather3A_732 = tpu.vector_load_idx %arg16[%broadcast_in_dim3A_731, %min3A_586] : memref<16x4096xf32, #tpu.memory_space<vmem>>[vector<16xi32>, vector<16xi32>], vector<16xf32>,
          %mul3A_733 = arith.constant 16 : i32
          %mul3A_734 = vector.broadcast %mul3A_733 : i32 to vector<16xi32>
          %mul3A_735 = arith.muli %iota3A, %mul3A_734 : vector<16xi32>
          %add3A_736 = arith.constant 13 : i32
          %add3A_737 = vector.broadcast %add3A_736 : i32 to vector<16xi32>
          %add3A_738 = arith.addi %mul3A_735, %add3A_737 : vector<16xi32>
          %scatter3A_739 = arith.constant 512 : i32
          %scatter3A_740 = tpu.memref_slice %arg19[%scatter3A_739] : memref<2048xf32, #tpu.memory_space<vmem>> -> memref<256xf32, #tpu.memory_space<vmem>>
          tpu.vector_store_idx %scatter3A_740[%add3A_738], %gather3A_732 : memref<256xf32, #tpu.memory_space<vmem>>[vector<16xi32>], vector<16xf32>,
          %broadcast_in_dim3A_741 = arith.constant 14 : i32
          %broadcast_in_dim3A_742 = vector.broadcast %broadcast_in_dim3A_741 : i32 to vector<16xi32>
          %gather3A_743 = tpu.vector_load_idx %arg16[%broadcast_in_dim3A_742, %min3A_586] : memref<16x4096xf32, #tpu.memory_space<vmem>>[vector<16xi32>, vector<16xi32>], vector<16xf32>,
          %mul3A_744 = arith.constant 16 : i32
          %mul3A_745 = vector.broadcast %mul3A_744 : i32 to vector<16xi32>
          %mul3A_746 = arith.muli %iota3A, %mul3A_745 : vector<16xi32>
          %add3A_747 = arith.constant 14 : i32
          %add3A_748 = vector.broadcast %add3A_747 : i32 to vector<16xi32>
          %add3A_749 = arith.addi %mul3A_746, %add3A_748 : vector<16xi32>
          %scatter3A_750 = arith.constant 512 : i32
          %scatter3A_751 = tpu.memref_slice %arg19[%scatter3A_750] : memref<2048xf32, #tpu.memory_space<vmem>> -> memref<256xf32, #tpu.memory_space<vmem>>
          tpu.vector_store_idx %scatter3A_751[%add3A_749], %gather3A_743 : memref<256xf32, #tpu.memory_space<vmem>>[vector<16xi32>], vector<16xf32>,
          %broadcast_in_dim3A_752 = arith.constant 15 : i32
          %broadcast_in_dim3A_753 = vector.broadcast %broadcast_in_dim3A_752 : i32 to vector<16xi32>
          %gather3A_754 = tpu.vector_load_idx %arg16[%broadcast_in_dim3A_753, %min3A_586] : memref<16x4096xf32, #tpu.memory_space<vmem>>[vector<16xi32>, vector<16xi32>], vector<16xf32>,
          %mul3A_755 = arith.constant 16 : i32
          %mul3A_756 = vector.broadcast %mul3A_755 : i32 to vector<16xi32>
          %mul3A_757 = arith.muli %iota3A, %mul3A_756 : vector<16xi32>
          %add3A_758 = arith.constant 15 : i32
          %add3A_759 = vector.broadcast %add3A_758 : i32 to vector<16xi32>
          %add3A_760 = arith.addi %mul3A_757, %add3A_759 : vector<16xi32>
          %scatter3A_761 = arith.constant 512 : i32
          %scatter3A_762 = tpu.memref_slice %arg19[%scatter3A_761] : memref<2048xf32, #tpu.memory_space<vmem>> -> memref<256xf32, #tpu.memory_space<vmem>>
          tpu.vector_store_idx %scatter3A_762[%add3A_760], %gather3A_754 : memref<256xf32, #tpu.memory_space<vmem>>[vector<16xi32>], vector<16xf32>,
          %get3A_763 = arith.constant 48 : index
          %get3A_764 = tpu.vector_load %arg18[%get3A_763] {strides = array<i32>} : memref<128xi32, #tpu.memory_space<vmem>>, vector<16xi32>,
          %mul3A_765 = arith.constant 4096 : i32
          %mul3A_766 = arith.muli %add3A_86, %mul3A_765 : i32
          %sub3A_767 = vector.broadcast %mul3A_766 : i32 to vector<16xi32>
          %sub3A_768 = arith.subi %get3A_764, %sub3A_767 : vector<16xi32>
          %jit3A_769 = arith.constant 0 : i32
          %jit3A_770 = arith.constant 4095 : i32
          %max3A_771 = vector.broadcast %jit3A_769 : i32 to vector<16xi32>
          %max3A_772 = arith.maxsi %max3A_771, %sub3A_768 : vector<16xi32>
          %min3A_773 = vector.broadcast %jit3A_770 : i32 to vector<16xi32>
          %min3A_774 = arith.minsi %min3A_773, %max3A_772 : vector<16xi32>
          %broadcast_in_dim3A_775 = arith.constant 0 : i32
          %broadcast_in_dim3A_776 = vector.broadcast %broadcast_in_dim3A_775 : i32 to vector<16xi32>
          %gather3A_777 = tpu.vector_load_idx %arg16[%broadcast_in_dim3A_776, %min3A_774] : memref<16x4096xf32, #tpu.memory_space<vmem>>[vector<16xi32>, vector<16xi32>], vector<16xf32>,
          %mul3A_778 = arith.constant 16 : i32
          %mul3A_779 = vector.broadcast %mul3A_778 : i32 to vector<16xi32>
          %mul3A_780 = arith.muli %iota3A, %mul3A_779 : vector<16xi32>
          %add3A_781 = arith.constant 0 : i32
          %add3A_782 = vector.broadcast %add3A_781 : i32 to vector<16xi32>
          %add3A_783 = arith.addi %mul3A_780, %add3A_782 : vector<16xi32>
          %scatter3A_784 = arith.constant 768 : i32
          %scatter3A_785 = tpu.memref_slice %arg19[%scatter3A_784] : memref<2048xf32, #tpu.memory_space<vmem>> -> memref<256xf32, #tpu.memory_space<vmem>>
          tpu.vector_store_idx %scatter3A_785[%add3A_783], %gather3A_777 : memref<256xf32, #tpu.memory_space<vmem>>[vector<16xi32>], vector<16xf32>,
          %broadcast_in_dim3A_786 = arith.constant 1 : i32
          %broadcast_in_dim3A_787 = vector.broadcast %broadcast_in_dim3A_786 : i32 to vector<16xi32>
          %gather3A_788 = tpu.vector_load_idx %arg16[%broadcast_in_dim3A_787, %min3A_774] : memref<16x4096xf32, #tpu.memory_space<vmem>>[vector<16xi32>, vector<16xi32>], vector<16xf32>,
          %mul3A_789 = arith.constant 16 : i32
          %mul3A_790 = vector.broadcast %mul3A_789 : i32 to vector<16xi32>
          %mul3A_791 = arith.muli %iota3A, %mul3A_790 : vector<16xi32>
          %add3A_792 = arith.constant 1 : i32
          %add3A_793 = vector.broadcast %add3A_792 : i32 to vector<16xi32>
          %add3A_794 = arith.addi %mul3A_791, %add3A_793 : vector<16xi32>
          %scatter3A_795 = arith.constant 768 : i32
          %scatter3A_796 = tpu.memref_slice %arg19[%scatter3A_795] : memref<2048xf32, #tpu.memory_space<vmem>> -> memref<256xf32, #tpu.memory_space<vmem>>
          tpu.vector_store_idx %scatter3A_796[%add3A_794], %gather3A_788 : memref<256xf32, #tpu.memory_space<vmem>>[vector<16xi32>], vector<16xf32>,
          %broadcast_in_dim3A_797 = arith.constant 2 : i32
          %broadcast_in_dim3A_798 = vector.broadcast %broadcast_in_dim3A_797 : i32 to vector<16xi32>
          %gather3A_799 = tpu.vector_load_idx %arg16[%broadcast_in_dim3A_798, %min3A_774] : memref<16x4096xf32, #tpu.memory_space<vmem>>[vector<16xi32>, vector<16xi32>], vector<16xf32>,
          %mul3A_800 = arith.constant 16 : i32
          %mul3A_801 = vector.broadcast %mul3A_800 : i32 to vector<16xi32>
          %mul3A_802 = arith.muli %iota3A, %mul3A_801 : vector<16xi32>
          %add3A_803 = arith.constant 2 : i32
          %add3A_804 = vector.broadcast %add3A_803 : i32 to vector<16xi32>
          %add3A_805 = arith.addi %mul3A_802, %add3A_804 : vector<16xi32>
          %scatter3A_806 = arith.constant 768 : i32
          %scatter3A_807 = tpu.memref_slice %arg19[%scatter3A_806] : memref<2048xf32, #tpu.memory_space<vmem>> -> memref<256xf32, #tpu.memory_space<vmem>>
          tpu.vector_store_idx %scatter3A_807[%add3A_805], %gather3A_799 : memref<256xf32, #tpu.memory_space<vmem>>[vector<16xi32>], vector<16xf32>,
          %broadcast_in_dim3A_808 = arith.constant 3 : i32
          %broadcast_in_dim3A_809 = vector.broadcast %broadcast_in_dim3A_808 : i32 to vector<16xi32>
          %gather3A_810 = tpu.vector_load_idx %arg16[%broadcast_in_dim3A_809, %min3A_774] : memref<16x4096xf32, #tpu.memory_space<vmem>>[vector<16xi32>, vector<16xi32>], vector<16xf32>,
          %mul3A_811 = arith.constant 16 : i32
          %mul3A_812 = vector.broadcast %mul3A_811 : i32 to vector<16xi32>
          %mul3A_813 = arith.muli %iota3A, %mul3A_812 : vector<16xi32>
          %add3A_814 = arith.constant 3 : i32
          %add3A_815 = vector.broadcast %add3A_814 : i32 to vector<16xi32>
          %add3A_816 = arith.addi %mul3A_813, %add3A_815 : vector<16xi32>
          %scatter3A_817 = arith.constant 768 : i32
          %scatter3A_818 = tpu.memref_slice %arg19[%scatter3A_817] : memref<2048xf32, #tpu.memory_space<vmem>> -> memref<256xf32, #tpu.memory_space<vmem>>
          tpu.vector_store_idx %scatter3A_818[%add3A_816], %gather3A_810 : memref<256xf32, #tpu.memory_space<vmem>>[vector<16xi32>], vector<16xf32>,
          %broadcast_in_dim3A_819 = arith.constant 4 : i32
          %broadcast_in_dim3A_820 = vector.broadcast %broadcast_in_dim3A_819 : i32 to vector<16xi32>
          %gather3A_821 = tpu.vector_load_idx %arg16[%broadcast_in_dim3A_820, %min3A_774] : memref<16x4096xf32, #tpu.memory_space<vmem>>[vector<16xi32>, vector<16xi32>], vector<16xf32>,
          %mul3A_822 = arith.constant 16 : i32
          %mul3A_823 = vector.broadcast %mul3A_822 : i32 to vector<16xi32>
          %mul3A_824 = arith.muli %iota3A, %mul3A_823 : vector<16xi32>
          %add3A_825 = arith.constant 4 : i32
          %add3A_826 = vector.broadcast %add3A_825 : i32 to vector<16xi32>
          %add3A_827 = arith.addi %mul3A_824, %add3A_826 : vector<16xi32>
          %scatter3A_828 = arith.constant 768 : i32
          %scatter3A_829 = tpu.memref_slice %arg19[%scatter3A_828] : memref<2048xf32, #tpu.memory_space<vmem>> -> memref<256xf32, #tpu.memory_space<vmem>>
          tpu.vector_store_idx %scatter3A_829[%add3A_827], %gather3A_821 : memref<256xf32, #tpu.memory_space<vmem>>[vector<16xi32>], vector<16xf32>,
          %broadcast_in_dim3A_830 = arith.constant 5 : i32
          %broadcast_in_dim3A_831 = vector.broadcast %broadcast_in_dim3A_830 : i32 to vector<16xi32>
          %gather3A_832 = tpu.vector_load_idx %arg16[%broadcast_in_dim3A_831, %min3A_774] : memref<16x4096xf32, #tpu.memory_space<vmem>>[vector<16xi32>, vector<16xi32>], vector<16xf32>,
          %mul3A_833 = arith.constant 16 : i32
          %mul3A_834 = vector.broadcast %mul3A_833 : i32 to vector<16xi32>
          %mul3A_835 = arith.muli %iota3A, %mul3A_834 : vector<16xi32>
          %add3A_836 = arith.constant 5 : i32
          %add3A_837 = vector.broadcast %add3A_836 : i32 to vector<16xi32>
          %add3A_838 = arith.addi %mul3A_835, %add3A_837 : vector<16xi32>
          %scatter3A_839 = arith.constant 768 : i32
          %scatter3A_840 = tpu.memref_slice %arg19[%scatter3A_839] : memref<2048xf32, #tpu.memory_space<vmem>> -> memref<256xf32, #tpu.memory_space<vmem>>
          tpu.vector_store_idx %scatter3A_840[%add3A_838], %gather3A_832 : memref<256xf32, #tpu.memory_space<vmem>>[vector<16xi32>], vector<16xf32>,
          %broadcast_in_dim3A_841 = arith.constant 6 : i32
          %broadcast_in_dim3A_842 = vector.broadcast %broadcast_in_dim3A_841 : i32 to vector<16xi32>
          %gather3A_843 = tpu.vector_load_idx %arg16[%broadcast_in_dim3A_842, %min3A_774] : memref<16x4096xf32, #tpu.memory_space<vmem>>[vector<16xi32>, vector<16xi32>], vector<16xf32>,
          %mul3A_844 = arith.constant 16 : i32
          %mul3A_845 = vector.broadcast %mul3A_844 : i32 to vector<16xi32>
          %mul3A_846 = arith.muli %iota3A, %mul3A_845 : vector<16xi32>
          %add3A_847 = arith.constant 6 : i32
          %add3A_848 = vector.broadcast %add3A_847 : i32 to vector<16xi32>
          %add3A_849 = arith.addi %mul3A_846, %add3A_848 : vector<16xi32>
          %scatter3A_850 = arith.constant 768 : i32
          %scatter3A_851 = tpu.memref_slice %arg19[%scatter3A_850] : memref<2048xf32, #tpu.memory_space<vmem>> -> memref<256xf32, #tpu.memory_space<vmem>>
          tpu.vector_store_idx %scatter3A_851[%add3A_849], %gather3A_843 : memref<256xf32, #tpu.memory_space<vmem>>[vector<16xi32>], vector<16xf32>,
          %broadcast_in_dim3A_852 = arith.constant 7 : i32
          %broadcast_in_dim3A_853 = vector.broadcast %broadcast_in_dim3A_852 : i32 to vector<16xi32>
          %gather3A_854 = tpu.vector_load_idx %arg16[%broadcast_in_dim3A_853, %min3A_774] : memref<16x4096xf32, #tpu.memory_space<vmem>>[vector<16xi32>, vector<16xi32>], vector<16xf32>,
          %mul3A_855 = arith.constant 16 : i32
          %mul3A_856 = vector.broadcast %mul3A_855 : i32 to vector<16xi32>
          %mul3A_857 = arith.muli %iota3A, %mul3A_856 : vector<16xi32>
          %add3A_858 = arith.constant 7 : i32
          %add3A_859 = vector.broadcast %add3A_858 : i32 to vector<16xi32>
          %add3A_860 = arith.addi %mul3A_857, %add3A_859 : vector<16xi32>
          %scatter3A_861 = arith.constant 768 : i32
          %scatter3A_862 = tpu.memref_slice %arg19[%scatter3A_861] : memref<2048xf32, #tpu.memory_space<vmem>> -> memref<256xf32, #tpu.memory_space<vmem>>
          tpu.vector_store_idx %scatter3A_862[%add3A_860], %gather3A_854 : memref<256xf32, #tpu.memory_space<vmem>>[vector<16xi32>], vector<16xf32>,
          %broadcast_in_dim3A_863 = arith.constant 8 : i32
          %broadcast_in_dim3A_864 = vector.broadcast %broadcast_in_dim3A_863 : i32 to vector<16xi32>
          %gather3A_865 = tpu.vector_load_idx %arg16[%broadcast_in_dim3A_864, %min3A_774] : memref<16x4096xf32, #tpu.memory_space<vmem>>[vector<16xi32>, vector<16xi32>], vector<16xf32>,
          %mul3A_866 = arith.constant 16 : i32
          %mul3A_867 = vector.broadcast %mul3A_866 : i32 to vector<16xi32>
          %mul3A_868 = arith.muli %iota3A, %mul3A_867 : vector<16xi32>
          %add3A_869 = arith.constant 8 : i32
          %add3A_870 = vector.broadcast %add3A_869 : i32 to vector<16xi32>
          %add3A_871 = arith.addi %mul3A_868, %add3A_870 : vector<16xi32>
          %scatter3A_872 = arith.constant 768 : i32
          %scatter3A_873 = tpu.memref_slice %arg19[%scatter3A_872] : memref<2048xf32, #tpu.memory_space<vmem>> -> memref<256xf32, #tpu.memory_space<vmem>>
          tpu.vector_store_idx %scatter3A_873[%add3A_871], %gather3A_865 : memref<256xf32, #tpu.memory_space<vmem>>[vector<16xi32>], vector<16xf32>,
          %broadcast_in_dim3A_874 = arith.constant 9 : i32
          %broadcast_in_dim3A_875 = vector.broadcast %broadcast_in_dim3A_874 : i32 to vector<16xi32>
          %gather3A_876 = tpu.vector_load_idx %arg16[%broadcast_in_dim3A_875, %min3A_774] : memref<16x4096xf32, #tpu.memory_space<vmem>>[vector<16xi32>, vector<16xi32>], vector<16xf32>,
          %mul3A_877 = arith.constant 16 : i32
          %mul3A_878 = vector.broadcast %mul3A_877 : i32 to vector<16xi32>
          %mul3A_879 = arith.muli %iota3A, %mul3A_878 : vector<16xi32>
          %add3A_880 = arith.constant 9 : i32
          %add3A_881 = vector.broadcast %add3A_880 : i32 to vector<16xi32>
          %add3A_882 = arith.addi %mul3A_879, %add3A_881 : vector<16xi32>
          %scatter3A_883 = arith.constant 768 : i32
          %scatter3A_884 = tpu.memref_slice %arg19[%scatter3A_883] : memref<2048xf32, #tpu.memory_space<vmem>> -> memref<256xf32, #tpu.memory_space<vmem>>
          tpu.vector_store_idx %scatter3A_884[%add3A_882], %gather3A_876 : memref<256xf32, #tpu.memory_space<vmem>>[vector<16xi32>], vector<16xf32>,
          %broadcast_in_dim3A_885 = arith.constant 10 : i32
          %broadcast_in_dim3A_886 = vector.broadcast %broadcast_in_dim3A_885 : i32 to vector<16xi32>
          %gather3A_887 = tpu.vector_load_idx %arg16[%broadcast_in_dim3A_886, %min3A_774] : memref<16x4096xf32, #tpu.memory_space<vmem>>[vector<16xi32>, vector<16xi32>], vector<16xf32>,
          %mul3A_888 = arith.constant 16 : i32
          %mul3A_889 = vector.broadcast %mul3A_888 : i32 to vector<16xi32>
          %mul3A_890 = arith.muli %iota3A, %mul3A_889 : vector<16xi32>
          %add3A_891 = arith.constant 10 : i32
          %add3A_892 = vector.broadcast %add3A_891 : i32 to vector<16xi32>
          %add3A_893 = arith.addi %mul3A_890, %add3A_892 : vector<16xi32>
          %scatter3A_894 = arith.constant 768 : i32
          %scatter3A_895 = tpu.memref_slice %arg19[%scatter3A_894] : memref<2048xf32, #tpu.memory_space<vmem>> -> memref<256xf32, #tpu.memory_space<vmem>>
          tpu.vector_store_idx %scatter3A_895[%add3A_893], %gather3A_887 : memref<256xf32, #tpu.memory_space<vmem>>[vector<16xi32>], vector<16xf32>,
          %broadcast_in_dim3A_896 = arith.constant 11 : i32
          %broadcast_in_dim3A_897 = vector.broadcast %broadcast_in_dim3A_896 : i32 to vector<16xi32>
          %gather3A_898 = tpu.vector_load_idx %arg16[%broadcast_in_dim3A_897, %min3A_774] : memref<16x4096xf32, #tpu.memory_space<vmem>>[vector<16xi32>, vector<16xi32>], vector<16xf32>,
          %mul3A_899 = arith.constant 16 : i32
          %mul3A_900 = vector.broadcast %mul3A_899 : i32 to vector<16xi32>
          %mul3A_901 = arith.muli %iota3A, %mul3A_900 : vector<16xi32>
          %add3A_902 = arith.constant 11 : i32
          %add3A_903 = vector.broadcast %add3A_902 : i32 to vector<16xi32>
          %add3A_904 = arith.addi %mul3A_901, %add3A_903 : vector<16xi32>
          %scatter3A_905 = arith.constant 768 : i32
          %scatter3A_906 = tpu.memref_slice %arg19[%scatter3A_905] : memref<2048xf32, #tpu.memory_space<vmem>> -> memref<256xf32, #tpu.memory_space<vmem>>
          tpu.vector_store_idx %scatter3A_906[%add3A_904], %gather3A_898 : memref<256xf32, #tpu.memory_space<vmem>>[vector<16xi32>], vector<16xf32>,
          %broadcast_in_dim3A_907 = arith.constant 12 : i32
          %broadcast_in_dim3A_908 = vector.broadcast %broadcast_in_dim3A_907 : i32 to vector<16xi32>
          %gather3A_909 = tpu.vector_load_idx %arg16[%broadcast_in_dim3A_908, %min3A_774] : memref<16x4096xf32, #tpu.memory_space<vmem>>[vector<16xi32>, vector<16xi32>], vector<16xf32>,
          %mul3A_910 = arith.constant 16 : i32
          %mul3A_911 = vector.broadcast %mul3A_910 : i32 to vector<16xi32>
          %mul3A_912 = arith.muli %iota3A, %mul3A_911 : vector<16xi32>
          %add3A_913 = arith.constant 12 : i32
          %add3A_914 = vector.broadcast %add3A_913 : i32 to vector<16xi32>
          %add3A_915 = arith.addi %mul3A_912, %add3A_914 : vector<16xi32>
          %scatter3A_916 = arith.constant 768 : i32
          %scatter3A_917 = tpu.memref_slice %arg19[%scatter3A_916] : memref<2048xf32, #tpu.memory_space<vmem>> -> memref<256xf32, #tpu.memory_space<vmem>>
          tpu.vector_store_idx %scatter3A_917[%add3A_915], %gather3A_909 : memref<256xf32, #tpu.memory_space<vmem>>[vector<16xi32>], vector<16xf32>,
          %broadcast_in_dim3A_918 = arith.constant 13 : i32
          %broadcast_in_dim3A_919 = vector.broadcast %broadcast_in_dim3A_918 : i32 to vector<16xi32>
          %gather3A_920 = tpu.vector_load_idx %arg16[%broadcast_in_dim3A_919, %min3A_774] : memref<16x4096xf32, #tpu.memory_space<vmem>>[vector<16xi32>, vector<16xi32>], vector<16xf32>,
          %mul3A_921 = arith.constant 16 : i32
          %mul3A_922 = vector.broadcast %mul3A_921 : i32 to vector<16xi32>
          %mul3A_923 = arith.muli %iota3A, %mul3A_922 : vector<16xi32>
          %add3A_924 = arith.constant 13 : i32
          %add3A_925 = vector.broadcast %add3A_924 : i32 to vector<16xi32>
          %add3A_926 = arith.addi %mul3A_923, %add3A_925 : vector<16xi32>
          %scatter3A_927 = arith.constant 768 : i32
          %scatter3A_928 = tpu.memref_slice %arg19[%scatter3A_927] : memref<2048xf32, #tpu.memory_space<vmem>> -> memref<256xf32, #tpu.memory_space<vmem>>
          tpu.vector_store_idx %scatter3A_928[%add3A_926], %gather3A_920 : memref<256xf32, #tpu.memory_space<vmem>>[vector<16xi32>], vector<16xf32>,
          %broadcast_in_dim3A_929 = arith.constant 14 : i32
          %broadcast_in_dim3A_930 = vector.broadcast %broadcast_in_dim3A_929 : i32 to vector<16xi32>
          %gather3A_931 = tpu.vector_load_idx %arg16[%broadcast_in_dim3A_930, %min3A_774] : memref<16x4096xf32, #tpu.memory_space<vmem>>[vector<16xi32>, vector<16xi32>], vector<16xf32>,
          %mul3A_932 = arith.constant 16 : i32
          %mul3A_933 = vector.broadcast %mul3A_932 : i32 to vector<16xi32>
          %mul3A_934 = arith.muli %iota3A, %mul3A_933 : vector<16xi32>
          %add3A_935 = arith.constant 14 : i32
          %add3A_936 = vector.broadcast %add3A_935 : i32 to vector<16xi32>
          %add3A_937 = arith.addi %mul3A_934, %add3A_936 : vector<16xi32>
          %scatter3A_938 = arith.constant 768 : i32
          %scatter3A_939 = tpu.memref_slice %arg19[%scatter3A_938] : memref<2048xf32, #tpu.memory_space<vmem>> -> memref<256xf32, #tpu.memory_space<vmem>>
          tpu.vector_store_idx %scatter3A_939[%add3A_937], %gather3A_931 : memref<256xf32, #tpu.memory_space<vmem>>[vector<16xi32>], vector<16xf32>,
          %broadcast_in_dim3A_940 = arith.constant 15 : i32
          %broadcast_in_dim3A_941 = vector.broadcast %broadcast_in_dim3A_940 : i32 to vector<16xi32>
          %gather3A_942 = tpu.vector_load_idx %arg16[%broadcast_in_dim3A_941, %min3A_774] : memref<16x4096xf32, #tpu.memory_space<vmem>>[vector<16xi32>, vector<16xi32>], vector<16xf32>,
          %mul3A_943 = arith.constant 16 : i32
          %mul3A_944 = vector.broadcast %mul3A_943 : i32 to vector<16xi32>
          %mul3A_945 = arith.muli %iota3A, %mul3A_944 : vector<16xi32>
          %add3A_946 = arith.constant 15 : i32
          %add3A_947 = vector.broadcast %add3A_946 : i32 to vector<16xi32>
          %add3A_948 = arith.addi %mul3A_945, %add3A_947 : vector<16xi32>
          %scatter3A_949 = arith.constant 768 : i32
          %scatter3A_950 = tpu.memref_slice %arg19[%scatter3A_949] : memref<2048xf32, #tpu.memory_space<vmem>> -> memref<256xf32, #tpu.memory_space<vmem>>
          tpu.vector_store_idx %scatter3A_950[%add3A_948], %gather3A_942 : memref<256xf32, #tpu.memory_space<vmem>>[vector<16xi32>], vector<16xf32>,
          %get3A_951 = arith.constant 64 : index
          %get3A_952 = tpu.vector_load %arg18[%get3A_951] {strides = array<i32>} : memref<128xi32, #tpu.memory_space<vmem>>, vector<16xi32>,
          %mul3A_953 = arith.constant 4096 : i32
          %mul3A_954 = arith.muli %add3A_86, %mul3A_953 : i32
          %sub3A_955 = vector.broadcast %mul3A_954 : i32 to vector<16xi32>
          %sub3A_956 = arith.subi %get3A_952, %sub3A_955 : vector<16xi32>
          %jit3A_957 = arith.constant 0 : i32
          %jit3A_958 = arith.constant 4095 : i32
          %max3A_959 = vector.broadcast %jit3A_957 : i32 to vector<16xi32>
          %max3A_960 = arith.maxsi %max3A_959, %sub3A_956 : vector<16xi32>
          %min3A_961 = vector.broadcast %jit3A_958 : i32 to vector<16xi32>
          %min3A_962 = arith.minsi %min3A_961, %max3A_960 : vector<16xi32>
          %broadcast_in_dim3A_963 = arith.constant 0 : i32
          %broadcast_in_dim3A_964 = vector.broadcast %broadcast_in_dim3A_963 : i32 to vector<16xi32>
          %gather3A_965 = tpu.vector_load_idx %arg16[%broadcast_in_dim3A_964, %min3A_962] : memref<16x4096xf32, #tpu.memory_space<vmem>>[vector<16xi32>, vector<16xi32>], vector<16xf32>,
          %mul3A_966 = arith.constant 16 : i32
          %mul3A_967 = vector.broadcast %mul3A_966 : i32 to vector<16xi32>
          %mul3A_968 = arith.muli %iota3A, %mul3A_967 : vector<16xi32>
          %add3A_969 = arith.constant 0 : i32
          %add3A_970 = vector.broadcast %add3A_969 : i32 to vector<16xi32>
          %add3A_971 = arith.addi %mul3A_968, %add3A_970 : vector<16xi32>
          %scatter3A_972 = arith.constant 1024 : i32
          %scatter3A_973 = tpu.memref_slice %arg19[%scatter3A_972] : memref<2048xf32, #tpu.memory_space<vmem>> -> memref<256xf32, #tpu.memory_space<vmem>>
          tpu.vector_store_idx %scatter3A_973[%add3A_971], %gather3A_965 : memref<256xf32, #tpu.memory_space<vmem>>[vector<16xi32>], vector<16xf32>,
          %broadcast_in_dim3A_974 = arith.constant 1 : i32
          %broadcast_in_dim3A_975 = vector.broadcast %broadcast_in_dim3A_974 : i32 to vector<16xi32>
          %gather3A_976 = tpu.vector_load_idx %arg16[%broadcast_in_dim3A_975, %min3A_962] : memref<16x4096xf32, #tpu.memory_space<vmem>>[vector<16xi32>, vector<16xi32>], vector<16xf32>,
          %mul3A_977 = arith.constant 16 : i32
          %mul3A_978 = vector.broadcast %mul3A_977 : i32 to vector<16xi32>
          %mul3A_979 = arith.muli %iota3A, %mul3A_978 : vector<16xi32>
          %add3A_980 = arith.constant 1 : i32
          %add3A_981 = vector.broadcast %add3A_980 : i32 to vector<16xi32>
          %add3A_982 = arith.addi %mul3A_979, %add3A_981 : vector<16xi32>
          %scatter3A_983 = arith.constant 1024 : i32
          %scatter3A_984 = tpu.memref_slice %arg19[%scatter3A_983] : memref<2048xf32, #tpu.memory_space<vmem>> -> memref<256xf32, #tpu.memory_space<vmem>>
          tpu.vector_store_idx %scatter3A_984[%add3A_982], %gather3A_976 : memref<256xf32, #tpu.memory_space<vmem>>[vector<16xi32>], vector<16xf32>,
          %broadcast_in_dim3A_985 = arith.constant 2 : i32
          %broadcast_in_dim3A_986 = vector.broadcast %broadcast_in_dim3A_985 : i32 to vector<16xi32>
          %gather3A_987 = tpu.vector_load_idx %arg16[%broadcast_in_dim3A_986, %min3A_962] : memref<16x4096xf32, #tpu.memory_space<vmem>>[vector<16xi32>, vector<16xi32>], vector<16xf32>,
          %mul3A_988 = arith.constant 16 : i32
          %mul3A_989 = vector.broadcast %mul3A_988 : i32 to vector<16xi32>
          %mul3A_990 = arith.muli %iota3A, %mul3A_989 : vector<16xi32>
          %add3A_991 = arith.constant 2 : i32
          %add3A_992 = vector.broadcast %add3A_991 : i32 to vector<16xi32>
          %add3A_993 = arith.addi %mul3A_990, %add3A_992 : vector<16xi32>
          %scatter3A_994 = arith.constant 1024 : i32
          %scatter3A_995 = tpu.memref_slice %arg19[%scatter3A_994] : memref<2048xf32, #tpu.memory_space<vmem>> -> memref<256xf32, #tpu.memory_space<vmem>>
          tpu.vector_store_idx %scatter3A_995[%add3A_993], %gather3A_987 : memref<256xf32, #tpu.memory_space<vmem>>[vector<16xi32>], vector<16xf32>,
          %broadcast_in_dim3A_996 = arith.constant 3 : i32
          %broadcast_in_dim3A_997 = vector.broadcast %broadcast_in_dim3A_996 : i32 to vector<16xi32>
          %gather3A_998 = tpu.vector_load_idx %arg16[%broadcast_in_dim3A_997, %min3A_962] : memref<16x4096xf32, #tpu.memory_space<vmem>>[vector<16xi32>, vector<16xi32>], vector<16xf32>,
          %mul3A_999 = arith.constant 16 : i32
          %mul3A_1000 = vector.broadcast %mul3A_999 : i32 to vector<16xi32>
          %mul3A_1001 = arith.muli %iota3A, %mul3A_1000 : vector<16xi32>
          %add3A_1002 = arith.constant 3 : i32
          %add3A_1003 = vector.broadcast %add3A_1002 : i32 to vector<16xi32>
          %add3A_1004 = arith.addi %mul3A_1001, %add3A_1003 : vector<16xi32>
          %scatter3A_1005 = arith.constant 1024 : i32
          %scatter3A_1006 = tpu.memref_slice %arg19[%scatter3A_1005] : memref<2048xf32, #tpu.memory_space<vmem>> -> memref<256xf32, #tpu.memory_space<vmem>>
          tpu.vector_store_idx %scatter3A_1006[%add3A_1004], %gather3A_998 : memref<256xf32, #tpu.memory_space<vmem>>[vector<16xi32>], vector<16xf32>,
          %broadcast_in_dim3A_1007 = arith.constant 4 : i32
          %broadcast_in_dim3A_1008 = vector.broadcast %broadcast_in_dim3A_1007 : i32 to vector<16xi32>
          %gather3A_1009 = tpu.vector_load_idx %arg16[%broadcast_in_dim3A_1008, %min3A_962] : memref<16x4096xf32, #tpu.memory_space<vmem>>[vector<16xi32>, vector<16xi32>], vector<16xf32>,
          %mul3A_1010 = arith.constant 16 : i32
          %mul3A_1011 = vector.broadcast %mul3A_1010 : i32 to vector<16xi32>
          %mul3A_1012 = arith.muli %iota3A, %mul3A_1011 : vector<16xi32>
          %add3A_1013 = arith.constant 4 : i32
          %add3A_1014 = vector.broadcast %add3A_1013 : i32 to vector<16xi32>
          %add3A_1015 = arith.addi %mul3A_1012, %add3A_1014 : vector<16xi32>
          %scatter3A_1016 = arith.constant 1024 : i32
          %scatter3A_1017 = tpu.memref_slice %arg19[%scatter3A_1016] : memref<2048xf32, #tpu.memory_space<vmem>> -> memref<256xf32, #tpu.memory_space<vmem>>
          tpu.vector_store_idx %scatter3A_1017[%add3A_1015], %gather3A_1009 : memref<256xf32, #tpu.memory_space<vmem>>[vector<16xi32>], vector<16xf32>,
          %broadcast_in_dim3A_1018 = arith.constant 5 : i32
          %broadcast_in_dim3A_1019 = vector.broadcast %broadcast_in_dim3A_1018 : i32 to vector<16xi32>
          %gather3A_1020 = tpu.vector_load_idx %arg16[%broadcast_in_dim3A_1019, %min3A_962] : memref<16x4096xf32, #tpu.memory_space<vmem>>[vector<16xi32>, vector<16xi32>], vector<16xf32>,
          %mul3A_1021 = arith.constant 16 : i32
          %mul3A_1022 = vector.broadcast %mul3A_1021 : i32 to vector<16xi32>
          %mul3A_1023 = arith.muli %iota3A, %mul3A_1022 : vector<16xi32>
          %add3A_1024 = arith.constant 5 : i32
          %add3A_1025 = vector.broadcast %add3A_1024 : i32 to vector<16xi32>
          %add3A_1026 = arith.addi %mul3A_1023, %add3A_1025 : vector<16xi32>
          %scatter3A_1027 = arith.constant 1024 : i32
          %scatter3A_1028 = tpu.memref_slice %arg19[%scatter3A_1027] : memref<2048xf32, #tpu.memory_space<vmem>> -> memref<256xf32, #tpu.memory_space<vmem>>
          tpu.vector_store_idx %scatter3A_1028[%add3A_1026], %gather3A_1020 : memref<256xf32, #tpu.memory_space<vmem>>[vector<16xi32>], vector<16xf32>,
          %broadcast_in_dim3A_1029 = arith.constant 6 : i32
          %broadcast_in_dim3A_1030 = vector.broadcast %broadcast_in_dim3A_1029 : i32 to vector<16xi32>
          %gather3A_1031 = tpu.vector_load_idx %arg16[%broadcast_in_dim3A_1030, %min3A_962] : memref<16x4096xf32, #tpu.memory_space<vmem>>[vector<16xi32>, vector<16xi32>], vector<16xf32>,
          %mul3A_1032 = arith.constant 16 : i32
          %mul3A_1033 = vector.broadcast %mul3A_1032 : i32 to vector<16xi32>
          %mul3A_1034 = arith.muli %iota3A, %mul3A_1033 : vector<16xi32>
          %add3A_1035 = arith.constant 6 : i32
          %add3A_1036 = vector.broadcast %add3A_1035 : i32 to vector<16xi32>
          %add3A_1037 = arith.addi %mul3A_1034, %add3A_1036 : vector<16xi32>
          %scatter3A_1038 = arith.constant 1024 : i32
          %scatter3A_1039 = tpu.memref_slice %arg19[%scatter3A_1038] : memref<2048xf32, #tpu.memory_space<vmem>> -> memref<256xf32, #tpu.memory_space<vmem>>
          tpu.vector_store_idx %scatter3A_1039[%add3A_1037], %gather3A_1031 : memref<256xf32, #tpu.memory_space<vmem>>[vector<16xi32>], vector<16xf32>,
          %broadcast_in_dim3A_1040 = arith.constant 7 : i32
          %broadcast_in_dim3A_1041 = vector.broadcast %broadcast_in_dim3A_1040 : i32 to vector<16xi32>
          %gather3A_1042 = tpu.vector_load_idx %arg16[%broadcast_in_dim3A_1041, %min3A_962] : memref<16x4096xf32, #tpu.memory_space<vmem>>[vector<16xi32>, vector<16xi32>], vector<16xf32>,
          %mul3A_1043 = arith.constant 16 : i32
          %mul3A_1044 = vector.broadcast %mul3A_1043 : i32 to vector<16xi32>
          %mul3A_1045 = arith.muli %iota3A, %mul3A_1044 : vector<16xi32>
          %add3A_1046 = arith.constant 7 : i32
          %add3A_1047 = vector.broadcast %add3A_1046 : i32 to vector<16xi32>
          %add3A_1048 = arith.addi %mul3A_1045, %add3A_1047 : vector<16xi32>
          %scatter3A_1049 = arith.constant 1024 : i32
          %scatter3A_1050 = tpu.memref_slice %arg19[%scatter3A_1049] : memref<2048xf32, #tpu.memory_space<vmem>> -> memref<256xf32, #tpu.memory_space<vmem>>
          tpu.vector_store_idx %scatter3A_1050[%add3A_1048], %gather3A_1042 : memref<256xf32, #tpu.memory_space<vmem>>[vector<16xi32>], vector<16xf32>,
          %broadcast_in_dim3A_1051 = arith.constant 8 : i32
          %broadcast_in_dim3A_1052 = vector.broadcast %broadcast_in_dim3A_1051 : i32 to vector<16xi32>
          %gather3A_1053 = tpu.vector_load_idx %arg16[%broadcast_in_dim3A_1052, %min3A_962] : memref<16x4096xf32, #tpu.memory_space<vmem>>[vector<16xi32>, vector<16xi32>], vector<16xf32>,
          %mul3A_1054 = arith.constant 16 : i32
          %mul3A_1055 = vector.broadcast %mul3A_1054 : i32 to vector<16xi32>
          %mul3A_1056 = arith.muli %iota3A, %mul3A_1055 : vector<16xi32>
          %add3A_1057 = arith.constant 8 : i32
          %add3A_1058 = vector.broadcast %add3A_1057 : i32 to vector<16xi32>
          %add3A_1059 = arith.addi %mul3A_1056, %add3A_1058 : vector<16xi32>
          %scatter3A_1060 = arith.constant 1024 : i32
          %scatter3A_1061 = tpu.memref_slice %arg19[%scatter3A_1060] : memref<2048xf32, #tpu.memory_space<vmem>> -> memref<256xf32, #tpu.memory_space<vmem>>
          tpu.vector_store_idx %scatter3A_1061[%add3A_1059], %gather3A_1053 : memref<256xf32, #tpu.memory_space<vmem>>[vector<16xi32>], vector<16xf32>,
          %broadcast_in_dim3A_1062 = arith.constant 9 : i32
          %broadcast_in_dim3A_1063 = vector.broadcast %broadcast_in_dim3A_1062 : i32 to vector<16xi32>
          %gather3A_1064 = tpu.vector_load_idx %arg16[%broadcast_in_dim3A_1063, %min3A_962] : memref<16x4096xf32, #tpu.memory_space<vmem>>[vector<16xi32>, vector<16xi32>], vector<16xf32>,
          %mul3A_1065 = arith.constant 16 : i32
          %mul3A_1066 = vector.broadcast %mul3A_1065 : i32 to vector<16xi32>
          %mul3A_1067 = arith.muli %iota3A, %mul3A_1066 : vector<16xi32>
          %add3A_1068 = arith.constant 9 : i32
          %add3A_1069 = vector.broadcast %add3A_1068 : i32 to vector<16xi32>
          %add3A_1070 = arith.addi %mul3A_1067, %add3A_1069 : vector<16xi32>
          %scatter3A_1071 = arith.constant 1024 : i32
          %scatter3A_1072 = tpu.memref_slice %arg19[%scatter3A_1071] : memref<2048xf32, #tpu.memory_space<vmem>> -> memref<256xf32, #tpu.memory_space<vmem>>
          tpu.vector_store_idx %scatter3A_1072[%add3A_1070], %gather3A_1064 : memref<256xf32, #tpu.memory_space<vmem>>[vector<16xi32>], vector<16xf32>,
          %broadcast_in_dim3A_1073 = arith.constant 10 : i32
          %broadcast_in_dim3A_1074 = vector.broadcast %broadcast_in_dim3A_1073 : i32 to vector<16xi32>
          %gather3A_1075 = tpu.vector_load_idx %arg16[%broadcast_in_dim3A_1074, %min3A_962] : memref<16x4096xf32, #tpu.memory_space<vmem>>[vector<16xi32>, vector<16xi32>], vector<16xf32>,
          %mul3A_1076 = arith.constant 16 : i32
          %mul3A_1077 = vector.broadcast %mul3A_1076 : i32 to vector<16xi32>
          %mul3A_1078 = arith.muli %iota3A, %mul3A_1077 : vector<16xi32>
          %add3A_1079 = arith.constant 10 : i32
          %add3A_1080 = vector.broadcast %add3A_1079 : i32 to vector<16xi32>
          %add3A_1081 = arith.addi %mul3A_1078, %add3A_1080 : vector<16xi32>
          %scatter3A_1082 = arith.constant 1024 : i32
          %scatter3A_1083 = tpu.memref_slice %arg19[%scatter3A_1082] : memref<2048xf32, #tpu.memory_space<vmem>> -> memref<256xf32, #tpu.memory_space<vmem>>
          tpu.vector_store_idx %scatter3A_1083[%add3A_1081], %gather3A_1075 : memref<256xf32, #tpu.memory_space<vmem>>[vector<16xi32>], vector<16xf32>,
          %broadcast_in_dim3A_1084 = arith.constant 11 : i32
          %broadcast_in_dim3A_1085 = vector.broadcast %broadcast_in_dim3A_1084 : i32 to vector<16xi32>
          %gather3A_1086 = tpu.vector_load_idx %arg16[%broadcast_in_dim3A_1085, %min3A_962] : memref<16x4096xf32, #tpu.memory_space<vmem>>[vector<16xi32>, vector<16xi32>], vector<16xf32>,
          %mul3A_1087 = arith.constant 16 : i32
          %mul3A_1088 = vector.broadcast %mul3A_1087 : i32 to vector<16xi32>
          %mul3A_1089 = arith.muli %iota3A, %mul3A_1088 : vector<16xi32>
          %add3A_1090 = arith.constant 11 : i32
          %add3A_1091 = vector.broadcast %add3A_1090 : i32 to vector<16xi32>
          %add3A_1092 = arith.addi %mul3A_1089, %add3A_1091 : vector<16xi32>
          %scatter3A_1093 = arith.constant 1024 : i32
          %scatter3A_1094 = tpu.memref_slice %arg19[%scatter3A_1093] : memref<2048xf32, #tpu.memory_space<vmem>> -> memref<256xf32, #tpu.memory_space<vmem>>
          tpu.vector_store_idx %scatter3A_1094[%add3A_1092], %gather3A_1086 : memref<256xf32, #tpu.memory_space<vmem>>[vector<16xi32>], vector<16xf32>,
          %broadcast_in_dim3A_1095 = arith.constant 12 : i32
          %broadcast_in_dim3A_1096 = vector.broadcast %broadcast_in_dim3A_1095 : i32 to vector<16xi32>
          %gather3A_1097 = tpu.vector_load_idx %arg16[%broadcast_in_dim3A_1096, %min3A_962] : memref<16x4096xf32, #tpu.memory_space<vmem>>[vector<16xi32>, vector<16xi32>], vector<16xf32>,
          %mul3A_1098 = arith.constant 16 : i32
          %mul3A_1099 = vector.broadcast %mul3A_1098 : i32 to vector<16xi32>
          %mul3A_1100 = arith.muli %iota3A, %mul3A_1099 : vector<16xi32>
          %add3A_1101 = arith.constant 12 : i32
          %add3A_1102 = vector.broadcast %add3A_1101 : i32 to vector<16xi32>
          %add3A_1103 = arith.addi %mul3A_1100, %add3A_1102 : vector<16xi32>
          %scatter3A_1104 = arith.constant 1024 : i32
          %scatter3A_1105 = tpu.memref_slice %arg19[%scatter3A_1104] : memref<2048xf32, #tpu.memory_space<vmem>> -> memref<256xf32, #tpu.memory_space<vmem>>
          tpu.vector_store_idx %scatter3A_1105[%add3A_1103], %gather3A_1097 : memref<256xf32, #tpu.memory_space<vmem>>[vector<16xi32>], vector<16xf32>,
          %broadcast_in_dim3A_1106 = arith.constant 13 : i32
          %broadcast_in_dim3A_1107 = vector.broadcast %broadcast_in_dim3A_1106 : i32 to vector<16xi32>
          %gather3A_1108 = tpu.vector_load_idx %arg16[%broadcast_in_dim3A_1107, %min3A_962] : memref<16x4096xf32, #tpu.memory_space<vmem>>[vector<16xi32>, vector<16xi32>], vector<16xf32>,
          %mul3A_1109 = arith.constant 16 : i32
          %mul3A_1110 = vector.broadcast %mul3A_1109 : i32 to vector<16xi32>
          %mul3A_1111 = arith.muli %iota3A, %mul3A_1110 : vector<16xi32>
          %add3A_1112 = arith.constant 13 : i32
          %add3A_1113 = vector.broadcast %add3A_1112 : i32 to vector<16xi32>
          %add3A_1114 = arith.addi %mul3A_1111, %add3A_1113 : vector<16xi32>
          %scatter3A_1115 = arith.constant 1024 : i32
          %scatter3A_1116 = tpu.memref_slice %arg19[%scatter3A_1115] : memref<2048xf32, #tpu.memory_space<vmem>> -> memref<256xf32, #tpu.memory_space<vmem>>
          tpu.vector_store_idx %scatter3A_1116[%add3A_1114], %gather3A_1108 : memref<256xf32, #tpu.memory_space<vmem>>[vector<16xi32>], vector<16xf32>,
          %broadcast_in_dim3A_1117 = arith.constant 14 : i32
          %broadcast_in_dim3A_1118 = vector.broadcast %broadcast_in_dim3A_1117 : i32 to vector<16xi32>
          %gather3A_1119 = tpu.vector_load_idx %arg16[%broadcast_in_dim3A_1118, %min3A_962] : memref<16x4096xf32, #tpu.memory_space<vmem>>[vector<16xi32>, vector<16xi32>], vector<16xf32>,
          %mul3A_1120 = arith.constant 16 : i32
          %mul3A_1121 = vector.broadcast %mul3A_1120 : i32 to vector<16xi32>
          %mul3A_1122 = arith.muli %iota3A, %mul3A_1121 : vector<16xi32>
          %add3A_1123 = arith.constant 14 : i32
          %add3A_1124 = vector.broadcast %add3A_1123 : i32 to vector<16xi32>
          %add3A_1125 = arith.addi %mul3A_1122, %add3A_1124 : vector<16xi32>
          %scatter3A_1126 = arith.constant 1024 : i32
          %scatter3A_1127 = tpu.memref_slice %arg19[%scatter3A_1126] : memref<2048xf32, #tpu.memory_space<vmem>> -> memref<256xf32, #tpu.memory_space<vmem>>
          tpu.vector_store_idx %scatter3A_1127[%add3A_1125], %gather3A_1119 : memref<256xf32, #tpu.memory_space<vmem>>[vector<16xi32>], vector<16xf32>,
          %broadcast_in_dim3A_1128 = arith.constant 15 : i32
          %broadcast_in_dim3A_1129 = vector.broadcast %broadcast_in_dim3A_1128 : i32 to vector<16xi32>
          %gather3A_1130 = tpu.vector_load_idx %arg16[%broadcast_in_dim3A_1129, %min3A_962] : memref<16x4096xf32, #tpu.memory_space<vmem>>[vector<16xi32>, vector<16xi32>], vector<16xf32>,
          %mul3A_1131 = arith.constant 16 : i32
          %mul3A_1132 = vector.broadcast %mul3A_1131 : i32 to vector<16xi32>
          %mul3A_1133 = arith.muli %iota3A, %mul3A_1132 : vector<16xi32>
          %add3A_1134 = arith.constant 15 : i32
          %add3A_1135 = vector.broadcast %add3A_1134 : i32 to vector<16xi32>
          %add3A_1136 = arith.addi %mul3A_1133, %add3A_1135 : vector<16xi32>
          %scatter3A_1137 = arith.constant 1024 : i32
          %scatter3A_1138 = tpu.memref_slice %arg19[%scatter3A_1137] : memref<2048xf32, #tpu.memory_space<vmem>> -> memref<256xf32, #tpu.memory_space<vmem>>
          tpu.vector_store_idx %scatter3A_1138[%add3A_1136], %gather3A_1130 : memref<256xf32, #tpu.memory_space<vmem>>[vector<16xi32>], vector<16xf32>,
          %get3A_1139 = arith.constant 80 : index
          %get3A_1140 = tpu.vector_load %arg18[%get3A_1139] {strides = array<i32>} : memref<128xi32, #tpu.memory_space<vmem>>, vector<16xi32>,
          %mul3A_1141 = arith.constant 4096 : i32
          %mul3A_1142 = arith.muli %add3A_86, %mul3A_1141 : i32
          %sub3A_1143 = vector.broadcast %mul3A_1142 : i32 to vector<16xi32>
          %sub3A_1144 = arith.subi %get3A_1140, %sub3A_1143 : vector<16xi32>
          %jit3A_1145 = arith.constant 0 : i32
          %jit3A_1146 = arith.constant 4095 : i32
          %max3A_1147 = vector.broadcast %jit3A_1145 : i32 to vector<16xi32>
          %max3A_1148 = arith.maxsi %max3A_1147, %sub3A_1144 : vector<16xi32>
          %min3A_1149 = vector.broadcast %jit3A_1146 : i32 to vector<16xi32>
          %min3A_1150 = arith.minsi %min3A_1149, %max3A_1148 : vector<16xi32>
          %broadcast_in_dim3A_1151 = arith.constant 0 : i32
          %broadcast_in_dim3A_1152 = vector.broadcast %broadcast_in_dim3A_1151 : i32 to vector<16xi32>
          %gather3A_1153 = tpu.vector_load_idx %arg16[%broadcast_in_dim3A_1152, %min3A_1150] : memref<16x4096xf32, #tpu.memory_space<vmem>>[vector<16xi32>, vector<16xi32>], vector<16xf32>,
          %mul3A_1154 = arith.constant 16 : i32
          %mul3A_1155 = vector.broadcast %mul3A_1154 : i32 to vector<16xi32>
          %mul3A_1156 = arith.muli %iota3A, %mul3A_1155 : vector<16xi32>
          %add3A_1157 = arith.constant 0 : i32
          %add3A_1158 = vector.broadcast %add3A_1157 : i32 to vector<16xi32>
          %add3A_1159 = arith.addi %mul3A_1156, %add3A_1158 : vector<16xi32>
          %scatter3A_1160 = arith.constant 1280 : i32
          %scatter3A_1161 = tpu.memref_slice %arg19[%scatter3A_1160] : memref<2048xf32, #tpu.memory_space<vmem>> -> memref<256xf32, #tpu.memory_space<vmem>>
          tpu.vector_store_idx %scatter3A_1161[%add3A_1159], %gather3A_1153 : memref<256xf32, #tpu.memory_space<vmem>>[vector<16xi32>], vector<16xf32>,
          %broadcast_in_dim3A_1162 = arith.constant 1 : i32
          %broadcast_in_dim3A_1163 = vector.broadcast %broadcast_in_dim3A_1162 : i32 to vector<16xi32>
          %gather3A_1164 = tpu.vector_load_idx %arg16[%broadcast_in_dim3A_1163, %min3A_1150] : memref<16x4096xf32, #tpu.memory_space<vmem>>[vector<16xi32>, vector<16xi32>], vector<16xf32>,
          %mul3A_1165 = arith.constant 16 : i32
          %mul3A_1166 = vector.broadcast %mul3A_1165 : i32 to vector<16xi32>
          %mul3A_1167 = arith.muli %iota3A, %mul3A_1166 : vector<16xi32>
          %add3A_1168 = arith.constant 1 : i32
          %add3A_1169 = vector.broadcast %add3A_1168 : i32 to vector<16xi32>
          %add3A_1170 = arith.addi %mul3A_1167, %add3A_1169 : vector<16xi32>
          %scatter3A_1171 = arith.constant 1280 : i32
          %scatter3A_1172 = tpu.memref_slice %arg19[%scatter3A_1171] : memref<2048xf32, #tpu.memory_space<vmem>> -> memref<256xf32, #tpu.memory_space<vmem>>
          tpu.vector_store_idx %scatter3A_1172[%add3A_1170], %gather3A_1164 : memref<256xf32, #tpu.memory_space<vmem>>[vector<16xi32>], vector<16xf32>,
          %broadcast_in_dim3A_1173 = arith.constant 2 : i32
          %broadcast_in_dim3A_1174 = vector.broadcast %broadcast_in_dim3A_1173 : i32 to vector<16xi32>
          %gather3A_1175 = tpu.vector_load_idx %arg16[%broadcast_in_dim3A_1174, %min3A_1150] : memref<16x4096xf32, #tpu.memory_space<vmem>>[vector<16xi32>, vector<16xi32>], vector<16xf32>,
          %mul3A_1176 = arith.constant 16 : i32
          %mul3A_1177 = vector.broadcast %mul3A_1176 : i32 to vector<16xi32>
          %mul3A_1178 = arith.muli %iota3A, %mul3A_1177 : vector<16xi32>
          %add3A_1179 = arith.constant 2 : i32
          %add3A_1180 = vector.broadcast %add3A_1179 : i32 to vector<16xi32>
          %add3A_1181 = arith.addi %mul3A_1178, %add3A_1180 : vector<16xi32>
          %scatter3A_1182 = arith.constant 1280 : i32
          %scatter3A_1183 = tpu.memref_slice %arg19[%scatter3A_1182] : memref<2048xf32, #tpu.memory_space<vmem>> -> memref<256xf32, #tpu.memory_space<vmem>>
          tpu.vector_store_idx %scatter3A_1183[%add3A_1181], %gather3A_1175 : memref<256xf32, #tpu.memory_space<vmem>>[vector<16xi32>], vector<16xf32>,
          %broadcast_in_dim3A_1184 = arith.constant 3 : i32
          %broadcast_in_dim3A_1185 = vector.broadcast %broadcast_in_dim3A_1184 : i32 to vector<16xi32>
          %gather3A_1186 = tpu.vector_load_idx %arg16[%broadcast_in_dim3A_1185, %min3A_1150] : memref<16x4096xf32, #tpu.memory_space<vmem>>[vector<16xi32>, vector<16xi32>], vector<16xf32>,
          %mul3A_1187 = arith.constant 16 : i32
          %mul3A_1188 = vector.broadcast %mul3A_1187 : i32 to vector<16xi32>
          %mul3A_1189 = arith.muli %iota3A, %mul3A_1188 : vector<16xi32>
          %add3A_1190 = arith.constant 3 : i32
          %add3A_1191 = vector.broadcast %add3A_1190 : i32 to vector<16xi32>
          %add3A_1192 = arith.addi %mul3A_1189, %add3A_1191 : vector<16xi32>
          %scatter3A_1193 = arith.constant 1280 : i32
          %scatter3A_1194 = tpu.memref_slice %arg19[%scatter3A_1193] : memref<2048xf32, #tpu.memory_space<vmem>> -> memref<256xf32, #tpu.memory_space<vmem>>
          tpu.vector_store_idx %scatter3A_1194[%add3A_1192], %gather3A_1186 : memref<256xf32, #tpu.memory_space<vmem>>[vector<16xi32>], vector<16xf32>,
          %broadcast_in_dim3A_1195 = arith.constant 4 : i32
          %broadcast_in_dim3A_1196 = vector.broadcast %broadcast_in_dim3A_1195 : i32 to vector<16xi32>
          %gather3A_1197 = tpu.vector_load_idx %arg16[%broadcast_in_dim3A_1196, %min3A_1150] : memref<16x4096xf32, #tpu.memory_space<vmem>>[vector<16xi32>, vector<16xi32>], vector<16xf32>,
          %mul3A_1198 = arith.constant 16 : i32
          %mul3A_1199 = vector.broadcast %mul3A_1198 : i32 to vector<16xi32>
          %mul3A_1200 = arith.muli %iota3A, %mul3A_1199 : vector<16xi32>
          %add3A_1201 = arith.constant 4 : i32
          %add3A_1202 = vector.broadcast %add3A_1201 : i32 to vector<16xi32>
          %add3A_1203 = arith.addi %mul3A_1200, %add3A_1202 : vector<16xi32>
          %scatter3A_1204 = arith.constant 1280 : i32
          %scatter3A_1205 = tpu.memref_slice %arg19[%scatter3A_1204] : memref<2048xf32, #tpu.memory_space<vmem>> -> memref<256xf32, #tpu.memory_space<vmem>>
          tpu.vector_store_idx %scatter3A_1205[%add3A_1203], %gather3A_1197 : memref<256xf32, #tpu.memory_space<vmem>>[vector<16xi32>], vector<16xf32>,
          %broadcast_in_dim3A_1206 = arith.constant 5 : i32
          %broadcast_in_dim3A_1207 = vector.broadcast %broadcast_in_dim3A_1206 : i32 to vector<16xi32>
          %gather3A_1208 = tpu.vector_load_idx %arg16[%broadcast_in_dim3A_1207, %min3A_1150] : memref<16x4096xf32, #tpu.memory_space<vmem>>[vector<16xi32>, vector<16xi32>], vector<16xf32>,
          %mul3A_1209 = arith.constant 16 : i32
          %mul3A_1210 = vector.broadcast %mul3A_1209 : i32 to vector<16xi32>
          %mul3A_1211 = arith.muli %iota3A, %mul3A_1210 : vector<16xi32>
          %add3A_1212 = arith.constant 5 : i32
          %add3A_1213 = vector.broadcast %add3A_1212 : i32 to vector<16xi32>
          %add3A_1214 = arith.addi %mul3A_1211, %add3A_1213 : vector<16xi32>
          %scatter3A_1215 = arith.constant 1280 : i32
          %scatter3A_1216 = tpu.memref_slice %arg19[%scatter3A_1215] : memref<2048xf32, #tpu.memory_space<vmem>> -> memref<256xf32, #tpu.memory_space<vmem>>
          tpu.vector_store_idx %scatter3A_1216[%add3A_1214], %gather3A_1208 : memref<256xf32, #tpu.memory_space<vmem>>[vector<16xi32>], vector<16xf32>,
          %broadcast_in_dim3A_1217 = arith.constant 6 : i32
          %broadcast_in_dim3A_1218 = vector.broadcast %broadcast_in_dim3A_1217 : i32 to vector<16xi32>
          %gather3A_1219 = tpu.vector_load_idx %arg16[%broadcast_in_dim3A_1218, %min3A_1150] : memref<16x4096xf32, #tpu.memory_space<vmem>>[vector<16xi32>, vector<16xi32>], vector<16xf32>,
          %mul3A_1220 = arith.constant 16 : i32
          %mul3A_1221 = vector.broadcast %mul3A_1220 : i32 to vector<16xi32>
          %mul3A_1222 = arith.muli %iota3A, %mul3A_1221 : vector<16xi32>
          %add3A_1223 = arith.constant 6 : i32
          %add3A_1224 = vector.broadcast %add3A_1223 : i32 to vector<16xi32>
          %add3A_1225 = arith.addi %mul3A_1222, %add3A_1224 : vector<16xi32>
          %scatter3A_1226 = arith.constant 1280 : i32
          %scatter3A_1227 = tpu.memref_slice %arg19[%scatter3A_1226] : memref<2048xf32, #tpu.memory_space<vmem>> -> memref<256xf32, #tpu.memory_space<vmem>>
          tpu.vector_store_idx %scatter3A_1227[%add3A_1225], %gather3A_1219 : memref<256xf32, #tpu.memory_space<vmem>>[vector<16xi32>], vector<16xf32>,
          %broadcast_in_dim3A_1228 = arith.constant 7 : i32
          %broadcast_in_dim3A_1229 = vector.broadcast %broadcast_in_dim3A_1228 : i32 to vector<16xi32>
          %gather3A_1230 = tpu.vector_load_idx %arg16[%broadcast_in_dim3A_1229, %min3A_1150] : memref<16x4096xf32, #tpu.memory_space<vmem>>[vector<16xi32>, vector<16xi32>], vector<16xf32>,
          %mul3A_1231 = arith.constant 16 : i32
          %mul3A_1232 = vector.broadcast %mul3A_1231 : i32 to vector<16xi32>
          %mul3A_1233 = arith.muli %iota3A, %mul3A_1232 : vector<16xi32>
          %add3A_1234 = arith.constant 7 : i32
          %add3A_1235 = vector.broadcast %add3A_1234 : i32 to vector<16xi32>
          %add3A_1236 = arith.addi %mul3A_1233, %add3A_1235 : vector<16xi32>
          %scatter3A_1237 = arith.constant 1280 : i32
          %scatter3A_1238 = tpu.memref_slice %arg19[%scatter3A_1237] : memref<2048xf32, #tpu.memory_space<vmem>> -> memref<256xf32, #tpu.memory_space<vmem>>
          tpu.vector_store_idx %scatter3A_1238[%add3A_1236], %gather3A_1230 : memref<256xf32, #tpu.memory_space<vmem>>[vector<16xi32>], vector<16xf32>,
          %broadcast_in_dim3A_1239 = arith.constant 8 : i32
          %broadcast_in_dim3A_1240 = vector.broadcast %broadcast_in_dim3A_1239 : i32 to vector<16xi32>
          %gather3A_1241 = tpu.vector_load_idx %arg16[%broadcast_in_dim3A_1240, %min3A_1150] : memref<16x4096xf32, #tpu.memory_space<vmem>>[vector<16xi32>, vector<16xi32>], vector<16xf32>,
          %mul3A_1242 = arith.constant 16 : i32
          %mul3A_1243 = vector.broadcast %mul3A_1242 : i32 to vector<16xi32>
          %mul3A_1244 = arith.muli %iota3A, %mul3A_1243 : vector<16xi32>
          %add3A_1245 = arith.constant 8 : i32
          %add3A_1246 = vector.broadcast %add3A_1245 : i32 to vector<16xi32>
          %add3A_1247 = arith.addi %mul3A_1244, %add3A_1246 : vector<16xi32>
          %scatter3A_1248 = arith.constant 1280 : i32
          %scatter3A_1249 = tpu.memref_slice %arg19[%scatter3A_1248] : memref<2048xf32, #tpu.memory_space<vmem>> -> memref<256xf32, #tpu.memory_space<vmem>>
          tpu.vector_store_idx %scatter3A_1249[%add3A_1247], %gather3A_1241 : memref<256xf32, #tpu.memory_space<vmem>>[vector<16xi32>], vector<16xf32>,
          %broadcast_in_dim3A_1250 = arith.constant 9 : i32
          %broadcast_in_dim3A_1251 = vector.broadcast %broadcast_in_dim3A_1250 : i32 to vector<16xi32>
          %gather3A_1252 = tpu.vector_load_idx %arg16[%broadcast_in_dim3A_1251, %min3A_1150] : memref<16x4096xf32, #tpu.memory_space<vmem>>[vector<16xi32>, vector<16xi32>], vector<16xf32>,
          %mul3A_1253 = arith.constant 16 : i32
          %mul3A_1254 = vector.broadcast %mul3A_1253 : i32 to vector<16xi32>
          %mul3A_1255 = arith.muli %iota3A, %mul3A_1254 : vector<16xi32>
          %add3A_1256 = arith.constant 9 : i32
          %add3A_1257 = vector.broadcast %add3A_1256 : i32 to vector<16xi32>
          %add3A_1258 = arith.addi %mul3A_1255, %add3A_1257 : vector<16xi32>
          %scatter3A_1259 = arith.constant 1280 : i32
          %scatter3A_1260 = tpu.memref_slice %arg19[%scatter3A_1259] : memref<2048xf32, #tpu.memory_space<vmem>> -> memref<256xf32, #tpu.memory_space<vmem>>
          tpu.vector_store_idx %scatter3A_1260[%add3A_1258], %gather3A_1252 : memref<256xf32, #tpu.memory_space<vmem>>[vector<16xi32>], vector<16xf32>,
          %broadcast_in_dim3A_1261 = arith.constant 10 : i32
          %broadcast_in_dim3A_1262 = vector.broadcast %broadcast_in_dim3A_1261 : i32 to vector<16xi32>
          %gather3A_1263 = tpu.vector_load_idx %arg16[%broadcast_in_dim3A_1262, %min3A_1150] : memref<16x4096xf32, #tpu.memory_space<vmem>>[vector<16xi32>, vector<16xi32>], vector<16xf32>,
          %mul3A_1264 = arith.constant 16 : i32
          %mul3A_1265 = vector.broadcast %mul3A_1264 : i32 to vector<16xi32>
          %mul3A_1266 = arith.muli %iota3A, %mul3A_1265 : vector<16xi32>
          %add3A_1267 = arith.constant 10 : i32
          %add3A_1268 = vector.broadcast %add3A_1267 : i32 to vector<16xi32>
          %add3A_1269 = arith.addi %mul3A_1266, %add3A_1268 : vector<16xi32>
          %scatter3A_1270 = arith.constant 1280 : i32
          %scatter3A_1271 = tpu.memref_slice %arg19[%scatter3A_1270] : memref<2048xf32, #tpu.memory_space<vmem>> -> memref<256xf32, #tpu.memory_space<vmem>>
          tpu.vector_store_idx %scatter3A_1271[%add3A_1269], %gather3A_1263 : memref<256xf32, #tpu.memory_space<vmem>>[vector<16xi32>], vector<16xf32>,
          %broadcast_in_dim3A_1272 = arith.constant 11 : i32
          %broadcast_in_dim3A_1273 = vector.broadcast %broadcast_in_dim3A_1272 : i32 to vector<16xi32>
          %gather3A_1274 = tpu.vector_load_idx %arg16[%broadcast_in_dim3A_1273, %min3A_1150] : memref<16x4096xf32, #tpu.memory_space<vmem>>[vector<16xi32>, vector<16xi32>], vector<16xf32>,
          %mul3A_1275 = arith.constant 16 : i32
          %mul3A_1276 = vector.broadcast %mul3A_1275 : i32 to vector<16xi32>
          %mul3A_1277 = arith.muli %iota3A, %mul3A_1276 : vector<16xi32>
          %add3A_1278 = arith.constant 11 : i32
          %add3A_1279 = vector.broadcast %add3A_1278 : i32 to vector<16xi32>
          %add3A_1280 = arith.addi %mul3A_1277, %add3A_1279 : vector<16xi32>
          %scatter3A_1281 = arith.constant 1280 : i32
          %scatter3A_1282 = tpu.memref_slice %arg19[%scatter3A_1281] : memref<2048xf32, #tpu.memory_space<vmem>> -> memref<256xf32, #tpu.memory_space<vmem>>
          tpu.vector_store_idx %scatter3A_1282[%add3A_1280], %gather3A_1274 : memref<256xf32, #tpu.memory_space<vmem>>[vector<16xi32>], vector<16xf32>,
          %broadcast_in_dim3A_1283 = arith.constant 12 : i32
          %broadcast_in_dim3A_1284 = vector.broadcast %broadcast_in_dim3A_1283 : i32 to vector<16xi32>
          %gather3A_1285 = tpu.vector_load_idx %arg16[%broadcast_in_dim3A_1284, %min3A_1150] : memref<16x4096xf32, #tpu.memory_space<vmem>>[vector<16xi32>, vector<16xi32>], vector<16xf32>,
          %mul3A_1286 = arith.constant 16 : i32
          %mul3A_1287 = vector.broadcast %mul3A_1286 : i32 to vector<16xi32>
          %mul3A_1288 = arith.muli %iota3A, %mul3A_1287 : vector<16xi32>
          %add3A_1289 = arith.constant 12 : i32
          %add3A_1290 = vector.broadcast %add3A_1289 : i32 to vector<16xi32>
          %add3A_1291 = arith.addi %mul3A_1288, %add3A_1290 : vector<16xi32>
          %scatter3A_1292 = arith.constant 1280 : i32
          %scatter3A_1293 = tpu.memref_slice %arg19[%scatter3A_1292] : memref<2048xf32, #tpu.memory_space<vmem>> -> memref<256xf32, #tpu.memory_space<vmem>>
          tpu.vector_store_idx %scatter3A_1293[%add3A_1291], %gather3A_1285 : memref<256xf32, #tpu.memory_space<vmem>>[vector<16xi32>], vector<16xf32>,
          %broadcast_in_dim3A_1294 = arith.constant 13 : i32
          %broadcast_in_dim3A_1295 = vector.broadcast %broadcast_in_dim3A_1294 : i32 to vector<16xi32>
          %gather3A_1296 = tpu.vector_load_idx %arg16[%broadcast_in_dim3A_1295, %min3A_1150] : memref<16x4096xf32, #tpu.memory_space<vmem>>[vector<16xi32>, vector<16xi32>], vector<16xf32>,
          %mul3A_1297 = arith.constant 16 : i32
          %mul3A_1298 = vector.broadcast %mul3A_1297 : i32 to vector<16xi32>
          %mul3A_1299 = arith.muli %iota3A, %mul3A_1298 : vector<16xi32>
          %add3A_1300 = arith.constant 13 : i32
          %add3A_1301 = vector.broadcast %add3A_1300 : i32 to vector<16xi32>
          %add3A_1302 = arith.addi %mul3A_1299, %add3A_1301 : vector<16xi32>
          %scatter3A_1303 = arith.constant 1280 : i32
          %scatter3A_1304 = tpu.memref_slice %arg19[%scatter3A_1303] : memref<2048xf32, #tpu.memory_space<vmem>> -> memref<256xf32, #tpu.memory_space<vmem>>
          tpu.vector_store_idx %scatter3A_1304[%add3A_1302], %gather3A_1296 : memref<256xf32, #tpu.memory_space<vmem>>[vector<16xi32>], vector<16xf32>,
          %broadcast_in_dim3A_1305 = arith.constant 14 : i32
          %broadcast_in_dim3A_1306 = vector.broadcast %broadcast_in_dim3A_1305 : i32 to vector<16xi32>
          %gather3A_1307 = tpu.vector_load_idx %arg16[%broadcast_in_dim3A_1306, %min3A_1150] : memref<16x4096xf32, #tpu.memory_space<vmem>>[vector<16xi32>, vector<16xi32>], vector<16xf32>,
          %mul3A_1308 = arith.constant 16 : i32
          %mul3A_1309 = vector.broadcast %mul3A_1308 : i32 to vector<16xi32>
          %mul3A_1310 = arith.muli %iota3A, %mul3A_1309 : vector<16xi32>
          %add3A_1311 = arith.constant 14 : i32
          %add3A_1312 = vector.broadcast %add3A_1311 : i32 to vector<16xi32>
          %add3A_1313 = arith.addi %mul3A_1310, %add3A_1312 : vector<16xi32>
          %scatter3A_1314 = arith.constant 1280 : i32
          %scatter3A_1315 = tpu.memref_slice %arg19[%scatter3A_1314] : memref<2048xf32, #tpu.memory_space<vmem>> -> memref<256xf32, #tpu.memory_space<vmem>>
          tpu.vector_store_idx %scatter3A_1315[%add3A_1313], %gather3A_1307 : memref<256xf32, #tpu.memory_space<vmem>>[vector<16xi32>], vector<16xf32>,
          %broadcast_in_dim3A_1316 = arith.constant 15 : i32
          %broadcast_in_dim3A_1317 = vector.broadcast %broadcast_in_dim3A_1316 : i32 to vector<16xi32>
          %gather3A_1318 = tpu.vector_load_idx %arg16[%broadcast_in_dim3A_1317, %min3A_1150] : memref<16x4096xf32, #tpu.memory_space<vmem>>[vector<16xi32>, vector<16xi32>], vector<16xf32>,
          %mul3A_1319 = arith.constant 16 : i32
          %mul3A_1320 = vector.broadcast %mul3A_1319 : i32 to vector<16xi32>
          %mul3A_1321 = arith.muli %iota3A, %mul3A_1320 : vector<16xi32>
          %add3A_1322 = arith.constant 15 : i32
          %add3A_1323 = vector.broadcast %add3A_1322 : i32 to vector<16xi32>
          %add3A_1324 = arith.addi %mul3A_1321, %add3A_1323 : vector<16xi32>
          %scatter3A_1325 = arith.constant 1280 : i32
          %scatter3A_1326 = tpu.memref_slice %arg19[%scatter3A_1325] : memref<2048xf32, #tpu.memory_space<vmem>> -> memref<256xf32, #tpu.memory_space<vmem>>
          tpu.vector_store_idx %scatter3A_1326[%add3A_1324], %gather3A_1318 : memref<256xf32, #tpu.memory_space<vmem>>[vector<16xi32>], vector<16xf32>,
          %get3A_1327 = arith.constant 96 : index
          %get3A_1328 = tpu.vector_load %arg18[%get3A_1327] {strides = array<i32>} : memref<128xi32, #tpu.memory_space<vmem>>, vector<16xi32>,
          %mul3A_1329 = arith.constant 4096 : i32
          %mul3A_1330 = arith.muli %add3A_86, %mul3A_1329 : i32
          %sub3A_1331 = vector.broadcast %mul3A_1330 : i32 to vector<16xi32>
          %sub3A_1332 = arith.subi %get3A_1328, %sub3A_1331 : vector<16xi32>
          %jit3A_1333 = arith.constant 0 : i32
          %jit3A_1334 = arith.constant 4095 : i32
          %max3A_1335 = vector.broadcast %jit3A_1333 : i32 to vector<16xi32>
          %max3A_1336 = arith.maxsi %max3A_1335, %sub3A_1332 : vector<16xi32>
          %min3A_1337 = vector.broadcast %jit3A_1334 : i32 to vector<16xi32>
          %min3A_1338 = arith.minsi %min3A_1337, %max3A_1336 : vector<16xi32>
          %broadcast_in_dim3A_1339 = arith.constant 0 : i32
          %broadcast_in_dim3A_1340 = vector.broadcast %broadcast_in_dim3A_1339 : i32 to vector<16xi32>
          %gather3A_1341 = tpu.vector_load_idx %arg16[%broadcast_in_dim3A_1340, %min3A_1338] : memref<16x4096xf32, #tpu.memory_space<vmem>>[vector<16xi32>, vector<16xi32>], vector<16xf32>,
          %mul3A_1342 = arith.constant 16 : i32
          %mul3A_1343 = vector.broadcast %mul3A_1342 : i32 to vector<16xi32>
          %mul3A_1344 = arith.muli %iota3A, %mul3A_1343 : vector<16xi32>
          %add3A_1345 = arith.constant 0 : i32
          %add3A_1346 = vector.broadcast %add3A_1345 : i32 to vector<16xi32>
          %add3A_1347 = arith.addi %mul3A_1344, %add3A_1346 : vector<16xi32>
          %scatter3A_1348 = arith.constant 1536 : i32
          %scatter3A_1349 = tpu.memref_slice %arg19[%scatter3A_1348] : memref<2048xf32, #tpu.memory_space<vmem>> -> memref<256xf32, #tpu.memory_space<vmem>>
          tpu.vector_store_idx %scatter3A_1349[%add3A_1347], %gather3A_1341 : memref<256xf32, #tpu.memory_space<vmem>>[vector<16xi32>], vector<16xf32>,
          %broadcast_in_dim3A_1350 = arith.constant 1 : i32
          %broadcast_in_dim3A_1351 = vector.broadcast %broadcast_in_dim3A_1350 : i32 to vector<16xi32>
          %gather3A_1352 = tpu.vector_load_idx %arg16[%broadcast_in_dim3A_1351, %min3A_1338] : memref<16x4096xf32, #tpu.memory_space<vmem>>[vector<16xi32>, vector<16xi32>], vector<16xf32>,
          %mul3A_1353 = arith.constant 16 : i32
          %mul3A_1354 = vector.broadcast %mul3A_1353 : i32 to vector<16xi32>
          %mul3A_1355 = arith.muli %iota3A, %mul3A_1354 : vector<16xi32>
          %add3A_1356 = arith.constant 1 : i32
          %add3A_1357 = vector.broadcast %add3A_1356 : i32 to vector<16xi32>
          %add3A_1358 = arith.addi %mul3A_1355, %add3A_1357 : vector<16xi32>
          %scatter3A_1359 = arith.constant 1536 : i32
          %scatter3A_1360 = tpu.memref_slice %arg19[%scatter3A_1359] : memref<2048xf32, #tpu.memory_space<vmem>> -> memref<256xf32, #tpu.memory_space<vmem>>
          tpu.vector_store_idx %scatter3A_1360[%add3A_1358], %gather3A_1352 : memref<256xf32, #tpu.memory_space<vmem>>[vector<16xi32>], vector<16xf32>,
          %broadcast_in_dim3A_1361 = arith.constant 2 : i32
          %broadcast_in_dim3A_1362 = vector.broadcast %broadcast_in_dim3A_1361 : i32 to vector<16xi32>
          %gather3A_1363 = tpu.vector_load_idx %arg16[%broadcast_in_dim3A_1362, %min3A_1338] : memref<16x4096xf32, #tpu.memory_space<vmem>>[vector<16xi32>, vector<16xi32>], vector<16xf32>,
          %mul3A_1364 = arith.constant 16 : i32
          %mul3A_1365 = vector.broadcast %mul3A_1364 : i32 to vector<16xi32>
          %mul3A_1366 = arith.muli %iota3A, %mul3A_1365 : vector<16xi32>
          %add3A_1367 = arith.constant 2 : i32
          %add3A_1368 = vector.broadcast %add3A_1367 : i32 to vector<16xi32>
          %add3A_1369 = arith.addi %mul3A_1366, %add3A_1368 : vector<16xi32>
          %scatter3A_1370 = arith.constant 1536 : i32
          %scatter3A_1371 = tpu.memref_slice %arg19[%scatter3A_1370] : memref<2048xf32, #tpu.memory_space<vmem>> -> memref<256xf32, #tpu.memory_space<vmem>>
          tpu.vector_store_idx %scatter3A_1371[%add3A_1369], %gather3A_1363 : memref<256xf32, #tpu.memory_space<vmem>>[vector<16xi32>], vector<16xf32>,
          %broadcast_in_dim3A_1372 = arith.constant 3 : i32
          %broadcast_in_dim3A_1373 = vector.broadcast %broadcast_in_dim3A_1372 : i32 to vector<16xi32>
          %gather3A_1374 = tpu.vector_load_idx %arg16[%broadcast_in_dim3A_1373, %min3A_1338] : memref<16x4096xf32, #tpu.memory_space<vmem>>[vector<16xi32>, vector<16xi32>], vector<16xf32>,
          %mul3A_1375 = arith.constant 16 : i32
          %mul3A_1376 = vector.broadcast %mul3A_1375 : i32 to vector<16xi32>
          %mul3A_1377 = arith.muli %iota3A, %mul3A_1376 : vector<16xi32>
          %add3A_1378 = arith.constant 3 : i32
          %add3A_1379 = vector.broadcast %add3A_1378 : i32 to vector<16xi32>
          %add3A_1380 = arith.addi %mul3A_1377, %add3A_1379 : vector<16xi32>
          %scatter3A_1381 = arith.constant 1536 : i32
          %scatter3A_1382 = tpu.memref_slice %arg19[%scatter3A_1381] : memref<2048xf32, #tpu.memory_space<vmem>> -> memref<256xf32, #tpu.memory_space<vmem>>
          tpu.vector_store_idx %scatter3A_1382[%add3A_1380], %gather3A_1374 : memref<256xf32, #tpu.memory_space<vmem>>[vector<16xi32>], vector<16xf32>,
          %broadcast_in_dim3A_1383 = arith.constant 4 : i32
          %broadcast_in_dim3A_1384 = vector.broadcast %broadcast_in_dim3A_1383 : i32 to vector<16xi32>
          %gather3A_1385 = tpu.vector_load_idx %arg16[%broadcast_in_dim3A_1384, %min3A_1338] : memref<16x4096xf32, #tpu.memory_space<vmem>>[vector<16xi32>, vector<16xi32>], vector<16xf32>,
          %mul3A_1386 = arith.constant 16 : i32
          %mul3A_1387 = vector.broadcast %mul3A_1386 : i32 to vector<16xi32>
          %mul3A_1388 = arith.muli %iota3A, %mul3A_1387 : vector<16xi32>
          %add3A_1389 = arith.constant 4 : i32
          %add3A_1390 = vector.broadcast %add3A_1389 : i32 to vector<16xi32>
          %add3A_1391 = arith.addi %mul3A_1388, %add3A_1390 : vector<16xi32>
          %scatter3A_1392 = arith.constant 1536 : i32
          %scatter3A_1393 = tpu.memref_slice %arg19[%scatter3A_1392] : memref<2048xf32, #tpu.memory_space<vmem>> -> memref<256xf32, #tpu.memory_space<vmem>>
          tpu.vector_store_idx %scatter3A_1393[%add3A_1391], %gather3A_1385 : memref<256xf32, #tpu.memory_space<vmem>>[vector<16xi32>], vector<16xf32>,
          %broadcast_in_dim3A_1394 = arith.constant 5 : i32
          %broadcast_in_dim3A_1395 = vector.broadcast %broadcast_in_dim3A_1394 : i32 to vector<16xi32>
          %gather3A_1396 = tpu.vector_load_idx %arg16[%broadcast_in_dim3A_1395, %min3A_1338] : memref<16x4096xf32, #tpu.memory_space<vmem>>[vector<16xi32>, vector<16xi32>], vector<16xf32>,
          %mul3A_1397 = arith.constant 16 : i32
          %mul3A_1398 = vector.broadcast %mul3A_1397 : i32 to vector<16xi32>
          %mul3A_1399 = arith.muli %iota3A, %mul3A_1398 : vector<16xi32>
          %add3A_1400 = arith.constant 5 : i32
          %add3A_1401 = vector.broadcast %add3A_1400 : i32 to vector<16xi32>
          %add3A_1402 = arith.addi %mul3A_1399, %add3A_1401 : vector<16xi32>
          %scatter3A_1403 = arith.constant 1536 : i32
          %scatter3A_1404 = tpu.memref_slice %arg19[%scatter3A_1403] : memref<2048xf32, #tpu.memory_space<vmem>> -> memref<256xf32, #tpu.memory_space<vmem>>
          tpu.vector_store_idx %scatter3A_1404[%add3A_1402], %gather3A_1396 : memref<256xf32, #tpu.memory_space<vmem>>[vector<16xi32>], vector<16xf32>,
          %broadcast_in_dim3A_1405 = arith.constant 6 : i32
          %broadcast_in_dim3A_1406 = vector.broadcast %broadcast_in_dim3A_1405 : i32 to vector<16xi32>
          %gather3A_1407 = tpu.vector_load_idx %arg16[%broadcast_in_dim3A_1406, %min3A_1338] : memref<16x4096xf32, #tpu.memory_space<vmem>>[vector<16xi32>, vector<16xi32>], vector<16xf32>,
          %mul3A_1408 = arith.constant 16 : i32
          %mul3A_1409 = vector.broadcast %mul3A_1408 : i32 to vector<16xi32>
          %mul3A_1410 = arith.muli %iota3A, %mul3A_1409 : vector<16xi32>
          %add3A_1411 = arith.constant 6 : i32
          %add3A_1412 = vector.broadcast %add3A_1411 : i32 to vector<16xi32>
          %add3A_1413 = arith.addi %mul3A_1410, %add3A_1412 : vector<16xi32>
          %scatter3A_1414 = arith.constant 1536 : i32
          %scatter3A_1415 = tpu.memref_slice %arg19[%scatter3A_1414] : memref<2048xf32, #tpu.memory_space<vmem>> -> memref<256xf32, #tpu.memory_space<vmem>>
          tpu.vector_store_idx %scatter3A_1415[%add3A_1413], %gather3A_1407 : memref<256xf32, #tpu.memory_space<vmem>>[vector<16xi32>], vector<16xf32>,
          %broadcast_in_dim3A_1416 = arith.constant 7 : i32
          %broadcast_in_dim3A_1417 = vector.broadcast %broadcast_in_dim3A_1416 : i32 to vector<16xi32>
          %gather3A_1418 = tpu.vector_load_idx %arg16[%broadcast_in_dim3A_1417, %min3A_1338] : memref<16x4096xf32, #tpu.memory_space<vmem>>[vector<16xi32>, vector<16xi32>], vector<16xf32>,
          %mul3A_1419 = arith.constant 16 : i32
          %mul3A_1420 = vector.broadcast %mul3A_1419 : i32 to vector<16xi32>
          %mul3A_1421 = arith.muli %iota3A, %mul3A_1420 : vector<16xi32>
          %add3A_1422 = arith.constant 7 : i32
          %add3A_1423 = vector.broadcast %add3A_1422 : i32 to vector<16xi32>
          %add3A_1424 = arith.addi %mul3A_1421, %add3A_1423 : vector<16xi32>
          %scatter3A_1425 = arith.constant 1536 : i32
          %scatter3A_1426 = tpu.memref_slice %arg19[%scatter3A_1425] : memref<2048xf32, #tpu.memory_space<vmem>> -> memref<256xf32, #tpu.memory_space<vmem>>
          tpu.vector_store_idx %scatter3A_1426[%add3A_1424], %gather3A_1418 : memref<256xf32, #tpu.memory_space<vmem>>[vector<16xi32>], vector<16xf32>,
          %broadcast_in_dim3A_1427 = arith.constant 8 : i32
          %broadcast_in_dim3A_1428 = vector.broadcast %broadcast_in_dim3A_1427 : i32 to vector<16xi32>
          %gather3A_1429 = tpu.vector_load_idx %arg16[%broadcast_in_dim3A_1428, %min3A_1338] : memref<16x4096xf32, #tpu.memory_space<vmem>>[vector<16xi32>, vector<16xi32>], vector<16xf32>,
          %mul3A_1430 = arith.constant 16 : i32
          %mul3A_1431 = vector.broadcast %mul3A_1430 : i32 to vector<16xi32>
          %mul3A_1432 = arith.muli %iota3A, %mul3A_1431 : vector<16xi32>
          %add3A_1433 = arith.constant 8 : i32
          %add3A_1434 = vector.broadcast %add3A_1433 : i32 to vector<16xi32>
          %add3A_1435 = arith.addi %mul3A_1432, %add3A_1434 : vector<16xi32>
          %scatter3A_1436 = arith.constant 1536 : i32
          %scatter3A_1437 = tpu.memref_slice %arg19[%scatter3A_1436] : memref<2048xf32, #tpu.memory_space<vmem>> -> memref<256xf32, #tpu.memory_space<vmem>>
          tpu.vector_store_idx %scatter3A_1437[%add3A_1435], %gather3A_1429 : memref<256xf32, #tpu.memory_space<vmem>>[vector<16xi32>], vector<16xf32>,
          %broadcast_in_dim3A_1438 = arith.constant 9 : i32
          %broadcast_in_dim3A_1439 = vector.broadcast %broadcast_in_dim3A_1438 : i32 to vector<16xi32>
          %gather3A_1440 = tpu.vector_load_idx %arg16[%broadcast_in_dim3A_1439, %min3A_1338] : memref<16x4096xf32, #tpu.memory_space<vmem>>[vector<16xi32>, vector<16xi32>], vector<16xf32>,
          %mul3A_1441 = arith.constant 16 : i32
          %mul3A_1442 = vector.broadcast %mul3A_1441 : i32 to vector<16xi32>
          %mul3A_1443 = arith.muli %iota3A, %mul3A_1442 : vector<16xi32>
          %add3A_1444 = arith.constant 9 : i32
          %add3A_1445 = vector.broadcast %add3A_1444 : i32 to vector<16xi32>
          %add3A_1446 = arith.addi %mul3A_1443, %add3A_1445 : vector<16xi32>
          %scatter3A_1447 = arith.constant 1536 : i32
          %scatter3A_1448 = tpu.memref_slice %arg19[%scatter3A_1447] : memref<2048xf32, #tpu.memory_space<vmem>> -> memref<256xf32, #tpu.memory_space<vmem>>
          tpu.vector_store_idx %scatter3A_1448[%add3A_1446], %gather3A_1440 : memref<256xf32, #tpu.memory_space<vmem>>[vector<16xi32>], vector<16xf32>,
          %broadcast_in_dim3A_1449 = arith.constant 10 : i32
          %broadcast_in_dim3A_1450 = vector.broadcast %broadcast_in_dim3A_1449 : i32 to vector<16xi32>
          %gather3A_1451 = tpu.vector_load_idx %arg16[%broadcast_in_dim3A_1450, %min3A_1338] : memref<16x4096xf32, #tpu.memory_space<vmem>>[vector<16xi32>, vector<16xi32>], vector<16xf32>,
          %mul3A_1452 = arith.constant 16 : i32
          %mul3A_1453 = vector.broadcast %mul3A_1452 : i32 to vector<16xi32>
          %mul3A_1454 = arith.muli %iota3A, %mul3A_1453 : vector<16xi32>
          %add3A_1455 = arith.constant 10 : i32
          %add3A_1456 = vector.broadcast %add3A_1455 : i32 to vector<16xi32>
          %add3A_1457 = arith.addi %mul3A_1454, %add3A_1456 : vector<16xi32>
          %scatter3A_1458 = arith.constant 1536 : i32
          %scatter3A_1459 = tpu.memref_slice %arg19[%scatter3A_1458] : memref<2048xf32, #tpu.memory_space<vmem>> -> memref<256xf32, #tpu.memory_space<vmem>>
          tpu.vector_store_idx %scatter3A_1459[%add3A_1457], %gather3A_1451 : memref<256xf32, #tpu.memory_space<vmem>>[vector<16xi32>], vector<16xf32>,
          %broadcast_in_dim3A_1460 = arith.constant 11 : i32
          %broadcast_in_dim3A_1461 = vector.broadcast %broadcast_in_dim3A_1460 : i32 to vector<16xi32>
          %gather3A_1462 = tpu.vector_load_idx %arg16[%broadcast_in_dim3A_1461, %min3A_1338] : memref<16x4096xf32, #tpu.memory_space<vmem>>[vector<16xi32>, vector<16xi32>], vector<16xf32>,
          %mul3A_1463 = arith.constant 16 : i32
          %mul3A_1464 = vector.broadcast %mul3A_1463 : i32 to vector<16xi32>
          %mul3A_1465 = arith.muli %iota3A, %mul3A_1464 : vector<16xi32>
          %add3A_1466 = arith.constant 11 : i32
          %add3A_1467 = vector.broadcast %add3A_1466 : i32 to vector<16xi32>
          %add3A_1468 = arith.addi %mul3A_1465, %add3A_1467 : vector<16xi32>
          %scatter3A_1469 = arith.constant 1536 : i32
          %scatter3A_1470 = tpu.memref_slice %arg19[%scatter3A_1469] : memref<2048xf32, #tpu.memory_space<vmem>> -> memref<256xf32, #tpu.memory_space<vmem>>
          tpu.vector_store_idx %scatter3A_1470[%add3A_1468], %gather3A_1462 : memref<256xf32, #tpu.memory_space<vmem>>[vector<16xi32>], vector<16xf32>,
          %broadcast_in_dim3A_1471 = arith.constant 12 : i32
          %broadcast_in_dim3A_1472 = vector.broadcast %broadcast_in_dim3A_1471 : i32 to vector<16xi32>
          %gather3A_1473 = tpu.vector_load_idx %arg16[%broadcast_in_dim3A_1472, %min3A_1338] : memref<16x4096xf32, #tpu.memory_space<vmem>>[vector<16xi32>, vector<16xi32>], vector<16xf32>,
          %mul3A_1474 = arith.constant 16 : i32
          %mul3A_1475 = vector.broadcast %mul3A_1474 : i32 to vector<16xi32>
          %mul3A_1476 = arith.muli %iota3A, %mul3A_1475 : vector<16xi32>
          %add3A_1477 = arith.constant 12 : i32
          %add3A_1478 = vector.broadcast %add3A_1477 : i32 to vector<16xi32>
          %add3A_1479 = arith.addi %mul3A_1476, %add3A_1478 : vector<16xi32>
          %scatter3A_1480 = arith.constant 1536 : i32
          %scatter3A_1481 = tpu.memref_slice %arg19[%scatter3A_1480] : memref<2048xf32, #tpu.memory_space<vmem>> -> memref<256xf32, #tpu.memory_space<vmem>>
          tpu.vector_store_idx %scatter3A_1481[%add3A_1479], %gather3A_1473 : memref<256xf32, #tpu.memory_space<vmem>>[vector<16xi32>], vector<16xf32>,
          %broadcast_in_dim3A_1482 = arith.constant 13 : i32
          %broadcast_in_dim3A_1483 = vector.broadcast %broadcast_in_dim3A_1482 : i32 to vector<16xi32>
          %gather3A_1484 = tpu.vector_load_idx %arg16[%broadcast_in_dim3A_1483, %min3A_1338] : memref<16x4096xf32, #tpu.memory_space<vmem>>[vector<16xi32>, vector<16xi32>], vector<16xf32>,
          %mul3A_1485 = arith.constant 16 : i32
          %mul3A_1486 = vector.broadcast %mul3A_1485 : i32 to vector<16xi32>
          %mul3A_1487 = arith.muli %iota3A, %mul3A_1486 : vector<16xi32>
          %add3A_1488 = arith.constant 13 : i32
          %add3A_1489 = vector.broadcast %add3A_1488 : i32 to vector<16xi32>
          %add3A_1490 = arith.addi %mul3A_1487, %add3A_1489 : vector<16xi32>
          %scatter3A_1491 = arith.constant 1536 : i32
          %scatter3A_1492 = tpu.memref_slice %arg19[%scatter3A_1491] : memref<2048xf32, #tpu.memory_space<vmem>> -> memref<256xf32, #tpu.memory_space<vmem>>
          tpu.vector_store_idx %scatter3A_1492[%add3A_1490], %gather3A_1484 : memref<256xf32, #tpu.memory_space<vmem>>[vector<16xi32>], vector<16xf32>,
          %broadcast_in_dim3A_1493 = arith.constant 14 : i32
          %broadcast_in_dim3A_1494 = vector.broadcast %broadcast_in_dim3A_1493 : i32 to vector<16xi32>
          %gather3A_1495 = tpu.vector_load_idx %arg16[%broadcast_in_dim3A_1494, %min3A_1338] : memref<16x4096xf32, #tpu.memory_space<vmem>>[vector<16xi32>, vector<16xi32>], vector<16xf32>,
          %mul3A_1496 = arith.constant 16 : i32
          %mul3A_1497 = vector.broadcast %mul3A_1496 : i32 to vector<16xi32>
          %mul3A_1498 = arith.muli %iota3A, %mul3A_1497 : vector<16xi32>
          %add3A_1499 = arith.constant 14 : i32
          %add3A_1500 = vector.broadcast %add3A_1499 : i32 to vector<16xi32>
          %add3A_1501 = arith.addi %mul3A_1498, %add3A_1500 : vector<16xi32>
          %scatter3A_1502 = arith.constant 1536 : i32
          %scatter3A_1503 = tpu.memref_slice %arg19[%scatter3A_1502] : memref<2048xf32, #tpu.memory_space<vmem>> -> memref<256xf32, #tpu.memory_space<vmem>>
          tpu.vector_store_idx %scatter3A_1503[%add3A_1501], %gather3A_1495 : memref<256xf32, #tpu.memory_space<vmem>>[vector<16xi32>], vector<16xf32>,
          %broadcast_in_dim3A_1504 = arith.constant 15 : i32
          %broadcast_in_dim3A_1505 = vector.broadcast %broadcast_in_dim3A_1504 : i32 to vector<16xi32>
          %gather3A_1506 = tpu.vector_load_idx %arg16[%broadcast_in_dim3A_1505, %min3A_1338] : memref<16x4096xf32, #tpu.memory_space<vmem>>[vector<16xi32>, vector<16xi32>], vector<16xf32>,
          %mul3A_1507 = arith.constant 16 : i32
          %mul3A_1508 = vector.broadcast %mul3A_1507 : i32 to vector<16xi32>
          %mul3A_1509 = arith.muli %iota3A, %mul3A_1508 : vector<16xi32>
          %add3A_1510 = arith.constant 15 : i32
          %add3A_1511 = vector.broadcast %add3A_1510 : i32 to vector<16xi32>
          %add3A_1512 = arith.addi %mul3A_1509, %add3A_1511 : vector<16xi32>
          %scatter3A_1513 = arith.constant 1536 : i32
          %scatter3A_1514 = tpu.memref_slice %arg19[%scatter3A_1513] : memref<2048xf32, #tpu.memory_space<vmem>> -> memref<256xf32, #tpu.memory_space<vmem>>
          tpu.vector_store_idx %scatter3A_1514[%add3A_1512], %gather3A_1506 : memref<256xf32, #tpu.memory_space<vmem>>[vector<16xi32>], vector<16xf32>,
          %get3A_1515 = arith.constant 112 : index
          %get3A_1516 = tpu.vector_load %arg18[%get3A_1515] {strides = array<i32>} : memref<128xi32, #tpu.memory_space<vmem>>, vector<16xi32>,
          %mul3A_1517 = arith.constant 4096 : i32
          %mul3A_1518 = arith.muli %add3A_86, %mul3A_1517 : i32
          %sub3A_1519 = vector.broadcast %mul3A_1518 : i32 to vector<16xi32>
          %sub3A_1520 = arith.subi %get3A_1516, %sub3A_1519 : vector<16xi32>
          %jit3A_1521 = arith.constant 0 : i32
          %jit3A_1522 = arith.constant 4095 : i32
          %max3A_1523 = vector.broadcast %jit3A_1521 : i32 to vector<16xi32>
          %max3A_1524 = arith.maxsi %max3A_1523, %sub3A_1520 : vector<16xi32>
          %min3A_1525 = vector.broadcast %jit3A_1522 : i32 to vector<16xi32>
          %min3A_1526 = arith.minsi %min3A_1525, %max3A_1524 : vector<16xi32>
          %broadcast_in_dim3A_1527 = arith.constant 0 : i32
          %broadcast_in_dim3A_1528 = vector.broadcast %broadcast_in_dim3A_1527 : i32 to vector<16xi32>
          %gather3A_1529 = tpu.vector_load_idx %arg16[%broadcast_in_dim3A_1528, %min3A_1526] : memref<16x4096xf32, #tpu.memory_space<vmem>>[vector<16xi32>, vector<16xi32>], vector<16xf32>,
          %mul3A_1530 = arith.constant 16 : i32
          %mul3A_1531 = vector.broadcast %mul3A_1530 : i32 to vector<16xi32>
          %mul3A_1532 = arith.muli %iota3A, %mul3A_1531 : vector<16xi32>
          %add3A_1533 = arith.constant 0 : i32
          %add3A_1534 = vector.broadcast %add3A_1533 : i32 to vector<16xi32>
          %add3A_1535 = arith.addi %mul3A_1532, %add3A_1534 : vector<16xi32>
          %scatter3A_1536 = arith.constant 1792 : i32
          %scatter3A_1537 = tpu.memref_slice %arg19[%scatter3A_1536] : memref<2048xf32, #tpu.memory_space<vmem>> -> memref<256xf32, #tpu.memory_space<vmem>>
          tpu.vector_store_idx %scatter3A_1537[%add3A_1535], %gather3A_1529 : memref<256xf32, #tpu.memory_space<vmem>>[vector<16xi32>], vector<16xf32>,
          %broadcast_in_dim3A_1538 = arith.constant 1 : i32
          %broadcast_in_dim3A_1539 = vector.broadcast %broadcast_in_dim3A_1538 : i32 to vector<16xi32>
          %gather3A_1540 = tpu.vector_load_idx %arg16[%broadcast_in_dim3A_1539, %min3A_1526] : memref<16x4096xf32, #tpu.memory_space<vmem>>[vector<16xi32>, vector<16xi32>], vector<16xf32>,
          %mul3A_1541 = arith.constant 16 : i32
          %mul3A_1542 = vector.broadcast %mul3A_1541 : i32 to vector<16xi32>
          %mul3A_1543 = arith.muli %iota3A, %mul3A_1542 : vector<16xi32>
          %add3A_1544 = arith.constant 1 : i32
          %add3A_1545 = vector.broadcast %add3A_1544 : i32 to vector<16xi32>
          %add3A_1546 = arith.addi %mul3A_1543, %add3A_1545 : vector<16xi32>
          %scatter3A_1547 = arith.constant 1792 : i32
          %scatter3A_1548 = tpu.memref_slice %arg19[%scatter3A_1547] : memref<2048xf32, #tpu.memory_space<vmem>> -> memref<256xf32, #tpu.memory_space<vmem>>
          tpu.vector_store_idx %scatter3A_1548[%add3A_1546], %gather3A_1540 : memref<256xf32, #tpu.memory_space<vmem>>[vector<16xi32>], vector<16xf32>,
          %broadcast_in_dim3A_1549 = arith.constant 2 : i32
          %broadcast_in_dim3A_1550 = vector.broadcast %broadcast_in_dim3A_1549 : i32 to vector<16xi32>
          %gather3A_1551 = tpu.vector_load_idx %arg16[%broadcast_in_dim3A_1550, %min3A_1526] : memref<16x4096xf32, #tpu.memory_space<vmem>>[vector<16xi32>, vector<16xi32>], vector<16xf32>,
          %mul3A_1552 = arith.constant 16 : i32
          %mul3A_1553 = vector.broadcast %mul3A_1552 : i32 to vector<16xi32>
          %mul3A_1554 = arith.muli %iota3A, %mul3A_1553 : vector<16xi32>
          %add3A_1555 = arith.constant 2 : i32
          %add3A_1556 = vector.broadcast %add3A_1555 : i32 to vector<16xi32>
          %add3A_1557 = arith.addi %mul3A_1554, %add3A_1556 : vector<16xi32>
          %scatter3A_1558 = arith.constant 1792 : i32
          %scatter3A_1559 = tpu.memref_slice %arg19[%scatter3A_1558] : memref<2048xf32, #tpu.memory_space<vmem>> -> memref<256xf32, #tpu.memory_space<vmem>>
          tpu.vector_store_idx %scatter3A_1559[%add3A_1557], %gather3A_1551 : memref<256xf32, #tpu.memory_space<vmem>>[vector<16xi32>], vector<16xf32>,
          %broadcast_in_dim3A_1560 = arith.constant 3 : i32
          %broadcast_in_dim3A_1561 = vector.broadcast %broadcast_in_dim3A_1560 : i32 to vector<16xi32>
          %gather3A_1562 = tpu.vector_load_idx %arg16[%broadcast_in_dim3A_1561, %min3A_1526] : memref<16x4096xf32, #tpu.memory_space<vmem>>[vector<16xi32>, vector<16xi32>], vector<16xf32>,
          %mul3A_1563 = arith.constant 16 : i32
          %mul3A_1564 = vector.broadcast %mul3A_1563 : i32 to vector<16xi32>
          %mul3A_1565 = arith.muli %iota3A, %mul3A_1564 : vector<16xi32>
          %add3A_1566 = arith.constant 3 : i32
          %add3A_1567 = vector.broadcast %add3A_1566 : i32 to vector<16xi32>
          %add3A_1568 = arith.addi %mul3A_1565, %add3A_1567 : vector<16xi32>
          %scatter3A_1569 = arith.constant 1792 : i32
          %scatter3A_1570 = tpu.memref_slice %arg19[%scatter3A_1569] : memref<2048xf32, #tpu.memory_space<vmem>> -> memref<256xf32, #tpu.memory_space<vmem>>
          tpu.vector_store_idx %scatter3A_1570[%add3A_1568], %gather3A_1562 : memref<256xf32, #tpu.memory_space<vmem>>[vector<16xi32>], vector<16xf32>,
          %broadcast_in_dim3A_1571 = arith.constant 4 : i32
          %broadcast_in_dim3A_1572 = vector.broadcast %broadcast_in_dim3A_1571 : i32 to vector<16xi32>
          %gather3A_1573 = tpu.vector_load_idx %arg16[%broadcast_in_dim3A_1572, %min3A_1526] : memref<16x4096xf32, #tpu.memory_space<vmem>>[vector<16xi32>, vector<16xi32>], vector<16xf32>,
          %mul3A_1574 = arith.constant 16 : i32
          %mul3A_1575 = vector.broadcast %mul3A_1574 : i32 to vector<16xi32>
          %mul3A_1576 = arith.muli %iota3A, %mul3A_1575 : vector<16xi32>
          %add3A_1577 = arith.constant 4 : i32
          %add3A_1578 = vector.broadcast %add3A_1577 : i32 to vector<16xi32>
          %add3A_1579 = arith.addi %mul3A_1576, %add3A_1578 : vector<16xi32>
          %scatter3A_1580 = arith.constant 1792 : i32
          %scatter3A_1581 = tpu.memref_slice %arg19[%scatter3A_1580] : memref<2048xf32, #tpu.memory_space<vmem>> -> memref<256xf32, #tpu.memory_space<vmem>>
          tpu.vector_store_idx %scatter3A_1581[%add3A_1579], %gather3A_1573 : memref<256xf32, #tpu.memory_space<vmem>>[vector<16xi32>], vector<16xf32>,
          %broadcast_in_dim3A_1582 = arith.constant 5 : i32
          %broadcast_in_dim3A_1583 = vector.broadcast %broadcast_in_dim3A_1582 : i32 to vector<16xi32>
          %gather3A_1584 = tpu.vector_load_idx %arg16[%broadcast_in_dim3A_1583, %min3A_1526] : memref<16x4096xf32, #tpu.memory_space<vmem>>[vector<16xi32>, vector<16xi32>], vector<16xf32>,
          %mul3A_1585 = arith.constant 16 : i32
          %mul3A_1586 = vector.broadcast %mul3A_1585 : i32 to vector<16xi32>
          %mul3A_1587 = arith.muli %iota3A, %mul3A_1586 : vector<16xi32>
          %add3A_1588 = arith.constant 5 : i32
          %add3A_1589 = vector.broadcast %add3A_1588 : i32 to vector<16xi32>
          %add3A_1590 = arith.addi %mul3A_1587, %add3A_1589 : vector<16xi32>
          %scatter3A_1591 = arith.constant 1792 : i32
          %scatter3A_1592 = tpu.memref_slice %arg19[%scatter3A_1591] : memref<2048xf32, #tpu.memory_space<vmem>> -> memref<256xf32, #tpu.memory_space<vmem>>
          tpu.vector_store_idx %scatter3A_1592[%add3A_1590], %gather3A_1584 : memref<256xf32, #tpu.memory_space<vmem>>[vector<16xi32>], vector<16xf32>,
          %broadcast_in_dim3A_1593 = arith.constant 6 : i32
          %broadcast_in_dim3A_1594 = vector.broadcast %broadcast_in_dim3A_1593 : i32 to vector<16xi32>
          %gather3A_1595 = tpu.vector_load_idx %arg16[%broadcast_in_dim3A_1594, %min3A_1526] : memref<16x4096xf32, #tpu.memory_space<vmem>>[vector<16xi32>, vector<16xi32>], vector<16xf32>,
          %mul3A_1596 = arith.constant 16 : i32
          %mul3A_1597 = vector.broadcast %mul3A_1596 : i32 to vector<16xi32>
          %mul3A_1598 = arith.muli %iota3A, %mul3A_1597 : vector<16xi32>
          %add3A_1599 = arith.constant 6 : i32
          %add3A_1600 = vector.broadcast %add3A_1599 : i32 to vector<16xi32>
          %add3A_1601 = arith.addi %mul3A_1598, %add3A_1600 : vector<16xi32>
          %scatter3A_1602 = arith.constant 1792 : i32
          %scatter3A_1603 = tpu.memref_slice %arg19[%scatter3A_1602] : memref<2048xf32, #tpu.memory_space<vmem>> -> memref<256xf32, #tpu.memory_space<vmem>>
          tpu.vector_store_idx %scatter3A_1603[%add3A_1601], %gather3A_1595 : memref<256xf32, #tpu.memory_space<vmem>>[vector<16xi32>], vector<16xf32>,
          %broadcast_in_dim3A_1604 = arith.constant 7 : i32
          %broadcast_in_dim3A_1605 = vector.broadcast %broadcast_in_dim3A_1604 : i32 to vector<16xi32>
          %gather3A_1606 = tpu.vector_load_idx %arg16[%broadcast_in_dim3A_1605, %min3A_1526] : memref<16x4096xf32, #tpu.memory_space<vmem>>[vector<16xi32>, vector<16xi32>], vector<16xf32>,
          %mul3A_1607 = arith.constant 16 : i32
          %mul3A_1608 = vector.broadcast %mul3A_1607 : i32 to vector<16xi32>
          %mul3A_1609 = arith.muli %iota3A, %mul3A_1608 : vector<16xi32>
          %add3A_1610 = arith.constant 7 : i32
          %add3A_1611 = vector.broadcast %add3A_1610 : i32 to vector<16xi32>
          %add3A_1612 = arith.addi %mul3A_1609, %add3A_1611 : vector<16xi32>
          %scatter3A_1613 = arith.constant 1792 : i32
          %scatter3A_1614 = tpu.memref_slice %arg19[%scatter3A_1613] : memref<2048xf32, #tpu.memory_space<vmem>> -> memref<256xf32, #tpu.memory_space<vmem>>
          tpu.vector_store_idx %scatter3A_1614[%add3A_1612], %gather3A_1606 : memref<256xf32, #tpu.memory_space<vmem>>[vector<16xi32>], vector<16xf32>,
          %broadcast_in_dim3A_1615 = arith.constant 8 : i32
          %broadcast_in_dim3A_1616 = vector.broadcast %broadcast_in_dim3A_1615 : i32 to vector<16xi32>
          %gather3A_1617 = tpu.vector_load_idx %arg16[%broadcast_in_dim3A_1616, %min3A_1526] : memref<16x4096xf32, #tpu.memory_space<vmem>>[vector<16xi32>, vector<16xi32>], vector<16xf32>,
          %mul3A_1618 = arith.constant 16 : i32
          %mul3A_1619 = vector.broadcast %mul3A_1618 : i32 to vector<16xi32>
          %mul3A_1620 = arith.muli %iota3A, %mul3A_1619 : vector<16xi32>
          %add3A_1621 = arith.constant 8 : i32
          %add3A_1622 = vector.broadcast %add3A_1621 : i32 to vector<16xi32>
          %add3A_1623 = arith.addi %mul3A_1620, %add3A_1622 : vector<16xi32>
          %scatter3A_1624 = arith.constant 1792 : i32
          %scatter3A_1625 = tpu.memref_slice %arg19[%scatter3A_1624] : memref<2048xf32, #tpu.memory_space<vmem>> -> memref<256xf32, #tpu.memory_space<vmem>>
          tpu.vector_store_idx %scatter3A_1625[%add3A_1623], %gather3A_1617 : memref<256xf32, #tpu.memory_space<vmem>>[vector<16xi32>], vector<16xf32>,
          %broadcast_in_dim3A_1626 = arith.constant 9 : i32
          %broadcast_in_dim3A_1627 = vector.broadcast %broadcast_in_dim3A_1626 : i32 to vector<16xi32>
          %gather3A_1628 = tpu.vector_load_idx %arg16[%broadcast_in_dim3A_1627, %min3A_1526] : memref<16x4096xf32, #tpu.memory_space<vmem>>[vector<16xi32>, vector<16xi32>], vector<16xf32>,
          %mul3A_1629 = arith.constant 16 : i32
          %mul3A_1630 = vector.broadcast %mul3A_1629 : i32 to vector<16xi32>
          %mul3A_1631 = arith.muli %iota3A, %mul3A_1630 : vector<16xi32>
          %add3A_1632 = arith.constant 9 : i32
          %add3A_1633 = vector.broadcast %add3A_1632 : i32 to vector<16xi32>
          %add3A_1634 = arith.addi %mul3A_1631, %add3A_1633 : vector<16xi32>
          %scatter3A_1635 = arith.constant 1792 : i32
          %scatter3A_1636 = tpu.memref_slice %arg19[%scatter3A_1635] : memref<2048xf32, #tpu.memory_space<vmem>> -> memref<256xf32, #tpu.memory_space<vmem>>
          tpu.vector_store_idx %scatter3A_1636[%add3A_1634], %gather3A_1628 : memref<256xf32, #tpu.memory_space<vmem>>[vector<16xi32>], vector<16xf32>,
          %broadcast_in_dim3A_1637 = arith.constant 10 : i32
          %broadcast_in_dim3A_1638 = vector.broadcast %broadcast_in_dim3A_1637 : i32 to vector<16xi32>
          %gather3A_1639 = tpu.vector_load_idx %arg16[%broadcast_in_dim3A_1638, %min3A_1526] : memref<16x4096xf32, #tpu.memory_space<vmem>>[vector<16xi32>, vector<16xi32>], vector<16xf32>,
          %mul3A_1640 = arith.constant 16 : i32
          %mul3A_1641 = vector.broadcast %mul3A_1640 : i32 to vector<16xi32>
          %mul3A_1642 = arith.muli %iota3A, %mul3A_1641 : vector<16xi32>
          %add3A_1643 = arith.constant 10 : i32
          %add3A_1644 = vector.broadcast %add3A_1643 : i32 to vector<16xi32>
          %add3A_1645 = arith.addi %mul3A_1642, %add3A_1644 : vector<16xi32>
          %scatter3A_1646 = arith.constant 1792 : i32
          %scatter3A_1647 = tpu.memref_slice %arg19[%scatter3A_1646] : memref<2048xf32, #tpu.memory_space<vmem>> -> memref<256xf32, #tpu.memory_space<vmem>>
          tpu.vector_store_idx %scatter3A_1647[%add3A_1645], %gather3A_1639 : memref<256xf32, #tpu.memory_space<vmem>>[vector<16xi32>], vector<16xf32>,
          %broadcast_in_dim3A_1648 = arith.constant 11 : i32
          %broadcast_in_dim3A_1649 = vector.broadcast %broadcast_in_dim3A_1648 : i32 to vector<16xi32>
          %gather3A_1650 = tpu.vector_load_idx %arg16[%broadcast_in_dim3A_1649, %min3A_1526] : memref<16x4096xf32, #tpu.memory_space<vmem>>[vector<16xi32>, vector<16xi32>], vector<16xf32>,
          %mul3A_1651 = arith.constant 16 : i32
          %mul3A_1652 = vector.broadcast %mul3A_1651 : i32 to vector<16xi32>
          %mul3A_1653 = arith.muli %iota3A, %mul3A_1652 : vector<16xi32>
          %add3A_1654 = arith.constant 11 : i32
          %add3A_1655 = vector.broadcast %add3A_1654 : i32 to vector<16xi32>
          %add3A_1656 = arith.addi %mul3A_1653, %add3A_1655 : vector<16xi32>
          %scatter3A_1657 = arith.constant 1792 : i32
          %scatter3A_1658 = tpu.memref_slice %arg19[%scatter3A_1657] : memref<2048xf32, #tpu.memory_space<vmem>> -> memref<256xf32, #tpu.memory_space<vmem>>
          tpu.vector_store_idx %scatter3A_1658[%add3A_1656], %gather3A_1650 : memref<256xf32, #tpu.memory_space<vmem>>[vector<16xi32>], vector<16xf32>,
          %broadcast_in_dim3A_1659 = arith.constant 12 : i32
          %broadcast_in_dim3A_1660 = vector.broadcast %broadcast_in_dim3A_1659 : i32 to vector<16xi32>
          %gather3A_1661 = tpu.vector_load_idx %arg16[%broadcast_in_dim3A_1660, %min3A_1526] : memref<16x4096xf32, #tpu.memory_space<vmem>>[vector<16xi32>, vector<16xi32>], vector<16xf32>,
          %mul3A_1662 = arith.constant 16 : i32
          %mul3A_1663 = vector.broadcast %mul3A_1662 : i32 to vector<16xi32>
          %mul3A_1664 = arith.muli %iota3A, %mul3A_1663 : vector<16xi32>
          %add3A_1665 = arith.constant 12 : i32
          %add3A_1666 = vector.broadcast %add3A_1665 : i32 to vector<16xi32>
          %add3A_1667 = arith.addi %mul3A_1664, %add3A_1666 : vector<16xi32>
          %scatter3A_1668 = arith.constant 1792 : i32
          %scatter3A_1669 = tpu.memref_slice %arg19[%scatter3A_1668] : memref<2048xf32, #tpu.memory_space<vmem>> -> memref<256xf32, #tpu.memory_space<vmem>>
          tpu.vector_store_idx %scatter3A_1669[%add3A_1667], %gather3A_1661 : memref<256xf32, #tpu.memory_space<vmem>>[vector<16xi32>], vector<16xf32>,
          %broadcast_in_dim3A_1670 = arith.constant 13 : i32
          %broadcast_in_dim3A_1671 = vector.broadcast %broadcast_in_dim3A_1670 : i32 to vector<16xi32>
          %gather3A_1672 = tpu.vector_load_idx %arg16[%broadcast_in_dim3A_1671, %min3A_1526] : memref<16x4096xf32, #tpu.memory_space<vmem>>[vector<16xi32>, vector<16xi32>], vector<16xf32>,
          %mul3A_1673 = arith.constant 16 : i32
          %mul3A_1674 = vector.broadcast %mul3A_1673 : i32 to vector<16xi32>
          %mul3A_1675 = arith.muli %iota3A, %mul3A_1674 : vector<16xi32>
          %add3A_1676 = arith.constant 13 : i32
          %add3A_1677 = vector.broadcast %add3A_1676 : i32 to vector<16xi32>
          %add3A_1678 = arith.addi %mul3A_1675, %add3A_1677 : vector<16xi32>
          %scatter3A_1679 = arith.constant 1792 : i32
          %scatter3A_1680 = tpu.memref_slice %arg19[%scatter3A_1679] : memref<2048xf32, #tpu.memory_space<vmem>> -> memref<256xf32, #tpu.memory_space<vmem>>
          tpu.vector_store_idx %scatter3A_1680[%add3A_1678], %gather3A_1672 : memref<256xf32, #tpu.memory_space<vmem>>[vector<16xi32>], vector<16xf32>,
          %broadcast_in_dim3A_1681 = arith.constant 14 : i32
          %broadcast_in_dim3A_1682 = vector.broadcast %broadcast_in_dim3A_1681 : i32 to vector<16xi32>
          %gather3A_1683 = tpu.vector_load_idx %arg16[%broadcast_in_dim3A_1682, %min3A_1526] : memref<16x4096xf32, #tpu.memory_space<vmem>>[vector<16xi32>, vector<16xi32>], vector<16xf32>,
          %mul3A_1684 = arith.constant 16 : i32
          %mul3A_1685 = vector.broadcast %mul3A_1684 : i32 to vector<16xi32>
          %mul3A_1686 = arith.muli %iota3A, %mul3A_1685 : vector<16xi32>
          %add3A_1687 = arith.constant 14 : i32
          %add3A_1688 = vector.broadcast %add3A_1687 : i32 to vector<16xi32>
          %add3A_1689 = arith.addi %mul3A_1686, %add3A_1688 : vector<16xi32>
          %scatter3A_1690 = arith.constant 1792 : i32
          %scatter3A_1691 = tpu.memref_slice %arg19[%scatter3A_1690] : memref<2048xf32, #tpu.memory_space<vmem>> -> memref<256xf32, #tpu.memory_space<vmem>>
          tpu.vector_store_idx %scatter3A_1691[%add3A_1689], %gather3A_1683 : memref<256xf32, #tpu.memory_space<vmem>>[vector<16xi32>], vector<16xf32>,
          %broadcast_in_dim3A_1692 = arith.constant 15 : i32
          %broadcast_in_dim3A_1693 = vector.broadcast %broadcast_in_dim3A_1692 : i32 to vector<16xi32>
          %gather3A_1694 = tpu.vector_load_idx %arg16[%broadcast_in_dim3A_1693, %min3A_1526] : memref<16x4096xf32, #tpu.memory_space<vmem>>[vector<16xi32>, vector<16xi32>], vector<16xf32>,
          %mul3A_1695 = arith.constant 16 : i32
          %mul3A_1696 = vector.broadcast %mul3A_1695 : i32 to vector<16xi32>
          %mul3A_1697 = arith.muli %iota3A, %mul3A_1696 : vector<16xi32>
          %add3A_1698 = arith.constant 15 : i32
          %add3A_1699 = vector.broadcast %add3A_1698 : i32 to vector<16xi32>
          %add3A_1700 = arith.addi %mul3A_1697, %add3A_1699 : vector<16xi32>
          %scatter3A_1701 = arith.constant 1792 : i32
          %scatter3A_1702 = tpu.memref_slice %arg19[%scatter3A_1701] : memref<2048xf32, #tpu.memory_space<vmem>> -> memref<256xf32, #tpu.memory_space<vmem>>
          tpu.vector_store_idx %scatter3A_1702[%add3A_1700], %gather3A_1694 : memref<256xf32, #tpu.memory_space<vmem>>[vector<16xi32>], vector<16xf32>,
          %add3A_1703 = arith.addi %mul3A_62, %multiple_of3A_201 : i32
          %mul3A_1704 = arith.constant 16 : i32
          %mul3A_1705 = arith.muli %add3A_1703, %mul3A_1704 : i32
          "tpu.region"() ({
            %run_scoped3A = tpu.sem_alloc : memref<!tpu.dma_semaphore, #tpu.memory_space<semaphore_mem>>
            %dma_start3A_1708 = tpu.memref_slice %arg5[%mul3A_1705] : memref<4751360xf32, #tpu.memory_space<hbm>> -> memref<2048xf32, #tpu.memory_space<hbm>>
            %dma_start3A_1709 = tpu.memref_slice %arg5[%mul3A_1705] : memref<4751360xf32, #tpu.memory_space<hbm>> -> memref<2048xf32, #tpu.memory_space<hbm>>
            tpu.enqueue_dma source(%arg19 : memref<2048xf32, #tpu.memory_space<vmem>>) target(%dma_start3A_1709 : memref<2048xf32, #tpu.memory_space<hbm>>) target_semaphore(%run_scoped3A : memref<!tpu.dma_semaphore, #tpu.memory_space<semaphore_mem>>)
            %dma_wait3A_1710 = tpu.memref_slice %arg5[%mul3A_1705] : memref<4751360xf32, #tpu.memory_space<hbm>> -> memref<2048xf32, #tpu.memory_space<hbm>>
            %dma_wait3A_1711 = tpu.memref_slice %arg5[%mul3A_1705] : memref<4751360xf32, #tpu.memory_space<hbm>> -> memref<2048xf32, #tpu.memory_space<hbm>>
            tpu.wait_dma2 semaphore(%run_scoped3A : memref<!tpu.dma_semaphore, #tpu.memory_space<semaphore_mem>>) src(%arg19 : memref<2048xf32, #tpu.memory_space<vmem>>) dst(%dma_wait3A_1711 : memref<2048xf32, #tpu.memory_space<hbm>>)
            tpu.yield
          }) : () -> ()
          %add3A_1706 = arith.addi %mul3A_62, %multiple_of3A_201 : i32
          "tpu.region"() ({
            %run_scoped3A = tpu.sem_alloc : memref<!tpu.dma_semaphore, #tpu.memory_space<semaphore_mem>>
            %dma_start3A_1708 = tpu.memref_slice %arg6[%add3A_1706] : memref<296960xi32, #tpu.memory_space<hbm>> -> memref<128xi32, #tpu.memory_space<hbm>>
            %dma_start3A_1709 = tpu.memref_slice %arg6[%add3A_1706] : memref<296960xi32, #tpu.memory_space<hbm>> -> memref<128xi32, #tpu.memory_space<hbm>>
            tpu.enqueue_dma source(%arg17 : memref<128xi32, #tpu.memory_space<vmem>>) target(%dma_start3A_1709 : memref<128xi32, #tpu.memory_space<hbm>>) target_semaphore(%run_scoped3A : memref<!tpu.dma_semaphore, #tpu.memory_space<semaphore_mem>>)
            %dma_wait3A_1710 = tpu.memref_slice %arg6[%add3A_1706] : memref<296960xi32, #tpu.memory_space<hbm>> -> memref<128xi32, #tpu.memory_space<hbm>>
            %dma_wait3A_1711 = tpu.memref_slice %arg6[%add3A_1706] : memref<296960xi32, #tpu.memory_space<hbm>> -> memref<128xi32, #tpu.memory_space<hbm>>
            tpu.wait_dma2 semaphore(%run_scoped3A : memref<!tpu.dma_semaphore, #tpu.memory_space<semaphore_mem>>) src(%arg17 : memref<128xi32, #tpu.memory_space<vmem>>) dst(%dma_wait3A_1711 : memref<128xi32, #tpu.memory_space<hbm>>)
            tpu.yield
          }) : () -> ()
          %while3A_1707 = arith.constant 0 : i32
          scf.yield %while3A_1707 : i32
        }
      } else {
      }
      %scan3A_91 = arith.constant 0 : i32
      scf.yield %scan3A_91 : i32
    }
    %scan3A_77 = arith.constant 20 : i32
    %eq3A_78 = arith.constant 0 : i32
    %eq3A_79 = arith.cmpi eq, %arg1, %eq3A_78 : i32
    %convert_element_type3A = arith.extui %eq3A_79 : i1 to i32
    %cond3A = arith.constant 0 : i32
    %cond3A_80 = arith.cmpi ne, %convert_element_type3A, %cond3A : i32
    scf.if %cond3A_80 {
      %swap3A = arith.constant 0 : index
      %swap3A_81 = tpu.vector_load %arg20[%swap3A] {strides = array<i32>} : memref<16xi32, #tpu.memory_space<vmem>>, vector<16xi32>,
      tpu.vector_store %arg20[%swap3A], %gather3A_60 {strides = array<i32>} : memref<16xi32, #tpu.memory_space<vmem>>, vector<16xi32>,
      %mul3A_82 = arith.constant 8 : i32
      %mul3A_83 = arith.muli %arg0, %mul3A_82 : i32
      "tpu.region"() ({
        %run_scoped3A = tpu.sem_alloc : memref<!tpu.dma_semaphore, #tpu.memory_space<semaphore_mem>>
        %dma_start3A_84 = arith.constant 0 : i32
        %dma_start3A_85 = tpu.memref_slice %arg20[%dma_start3A_84] : memref<16xi32, #tpu.memory_space<vmem>> -> memref<8xi32, #tpu.memory_space<vmem>>
        %dma_start3A_86 = tpu.memref_slice %arg7[%mul3A_83] : memref<16xi32, #tpu.memory_space<hbm>> -> memref<8xi32, #tpu.memory_space<hbm>>
        %dma_start3A_87 = tpu.memref_slice %arg7[%mul3A_83] : memref<16xi32, #tpu.memory_space<hbm>> -> memref<8xi32, #tpu.memory_space<hbm>>
        %dma_start3A_88 = arith.constant 0 : i32
        %dma_start3A_89 = tpu.memref_slice %arg20[%dma_start3A_88] : memref<16xi32, #tpu.memory_space<vmem>> -> memref<8xi32, #tpu.memory_space<vmem>>
        tpu.enqueue_dma source(%dma_start3A_89 : memref<8xi32, #tpu.memory_space<vmem>>) target(%dma_start3A_87 : memref<8xi32, #tpu.memory_space<hbm>>) target_semaphore(%run_scoped3A : memref<!tpu.dma_semaphore, #tpu.memory_space<semaphore_mem>>)
        %dma_wait3A_90 = arith.constant 0 : i32
        %dma_wait3A_91 = tpu.memref_slice %arg20[%dma_wait3A_90] : memref<16xi32, #tpu.memory_space<vmem>> -> memref<8xi32, #tpu.memory_space<vmem>>
        %dma_wait3A_92 = tpu.memref_slice %arg7[%mul3A_83] : memref<16xi32, #tpu.memory_space<hbm>> -> memref<8xi32, #tpu.memory_space<hbm>>
        %dma_wait3A_93 = tpu.memref_slice %arg7[%mul3A_83] : memref<16xi32, #tpu.memory_space<hbm>> -> memref<8xi32, #tpu.memory_space<hbm>>
        %dma_wait3A_94 = arith.constant 0 : i32
        %dma_wait3A_95 = tpu.memref_slice %arg20[%dma_wait3A_94] : memref<16xi32, #tpu.memory_space<vmem>> -> memref<8xi32, #tpu.memory_space<vmem>>
        tpu.wait_dma2 semaphore(%run_scoped3A : memref<!tpu.dma_semaphore, #tpu.memory_space<semaphore_mem>>) src(%dma_wait3A_95 : memref<8xi32, #tpu.memory_space<vmem>>) dst(%dma_wait3A_93 : memref<8xi32, #tpu.memory_space<hbm>>)
        tpu.yield
      }) : () -> ()
    } else {
    }
    return
  }
}

#map = affine_map<(d0, d1) -> (0, 0)>
#map1 = affine_map<(d0, d1) -> (0)>
module attributes {stable_mosaic.version = 14 : i64} {
  func.func @k2(%arg0: i32, %arg1: i32, %arg2: memref<296960x16xf32, #tpu.memory_space<hbm>>, %arg3: memref<296960xi32, #tpu.memory_space<hbm>>, %arg4: memref<16xi32, #tpu.memory_space<hbm>>, %arg5: memref<107520x16xf32, #tpu.memory_space<hbm>>, %arg6: memref<16xi32, #tpu.memory_space<vmem>>, %arg7: memref<128xi32, #tpu.memory_space<vmem>>, %arg8: memref<128x16xf32, #tpu.memory_space<vmem>>, %arg9: memref<!tpu.dma_semaphore, #tpu.memory_space<semaphore_mem>>) attributes {dimension_semantics = [#tpu.dimension_semantics<core_parallel>, #tpu.dimension_semantics<subcore_parallel>], iteration_bounds = array<i64: 2, 16>, scalar_prefetch = 0 : i64, scratch_operands = 4 : i64, tpu.core_type = #tpu.core_type<sc_vector_subcore>, window_params = [{transform_indices = #map}, {transform_indices = #map1}, {transform_indices = #map1}, {transform_indices = #map}]} {
    %mul3A = arith.constant 2 : i32
    %mul3A_0 = arith.muli %arg1, %mul3A : i32
    %add3A = arith.addi %mul3A_0, %arg0 : i32
    "tpu.region"() ({
      %run_scoped3A = tpu.sem_alloc : memref<!tpu.dma_semaphore, #tpu.memory_space<semaphore_mem>>
      %dma_start3A = arith.constant 0 : i32
      %dma_start3A_10 = tpu.memref_slice %arg6[%dma_start3A] : memref<16xi32, #tpu.memory_space<vmem>> -> memref<8xi32, #tpu.memory_space<vmem>>
      %dma_start3A_11 = arith.constant 0 : i32
      %dma_start3A_12 = tpu.memref_slice %arg4[%dma_start3A_11] : memref<16xi32, #tpu.memory_space<hbm>> -> memref<8xi32, #tpu.memory_space<hbm>>
      %dma_start3A_13 = arith.constant 0 : i32
      %dma_start3A_14 = tpu.memref_slice %arg6[%dma_start3A_13] : memref<16xi32, #tpu.memory_space<vmem>> -> memref<8xi32, #tpu.memory_space<vmem>>
      %dma_start3A_15 = arith.constant 0 : i32
      %dma_start3A_16 = tpu.memref_slice %arg4[%dma_start3A_15] : memref<16xi32, #tpu.memory_space<hbm>> -> memref<8xi32, #tpu.memory_space<hbm>>
      tpu.enqueue_dma source(%dma_start3A_16 : memref<8xi32, #tpu.memory_space<hbm>>) target(%dma_start3A_14 : memref<8xi32, #tpu.memory_space<vmem>>) target_semaphore(%run_scoped3A : memref<!tpu.dma_semaphore, #tpu.memory_space<semaphore_mem>>)
      %dma_wait3A = arith.constant 0 : i32
      %dma_wait3A_17 = tpu.memref_slice %arg6[%dma_wait3A] : memref<16xi32, #tpu.memory_space<vmem>> -> memref<8xi32, #tpu.memory_space<vmem>>
      %dma_wait3A_18 = arith.constant 0 : i32
      %dma_wait3A_19 = tpu.memref_slice %arg4[%dma_wait3A_18] : memref<16xi32, #tpu.memory_space<hbm>> -> memref<8xi32, #tpu.memory_space<hbm>>
      %dma_wait3A_20 = arith.constant 0 : i32
      %dma_wait3A_21 = tpu.memref_slice %arg6[%dma_wait3A_20] : memref<16xi32, #tpu.memory_space<vmem>> -> memref<8xi32, #tpu.memory_space<vmem>>
      %dma_wait3A_22 = arith.constant 0 : i32
      %dma_wait3A_23 = tpu.memref_slice %arg4[%dma_wait3A_22] : memref<16xi32, #tpu.memory_space<hbm>> -> memref<8xi32, #tpu.memory_space<hbm>>
      tpu.wait_dma2 semaphore(%run_scoped3A : memref<!tpu.dma_semaphore, #tpu.memory_space<semaphore_mem>>) src(%dma_wait3A_23 : memref<8xi32, #tpu.memory_space<hbm>>) dst(%dma_wait3A_21 : memref<8xi32, #tpu.memory_space<vmem>>)
      tpu.yield
    }) : () -> ()
    %get3A = arith.constant 0 : index
    %get3A_1 = tpu.vector_load %arg6[%get3A] {strides = array<i32>} : memref<16xi32, #tpu.memory_space<vmem>>, vector<16xi32>,
    %slice3A = vector.extract_strided_slice %get3A_1 {offsets = [0], sizes = [1], strides = [1]} : vector<16xi32> to vector<1xi32>
    %squeeze3A = vector.extract %slice3A[0] : i32 from vector<1xi32>
    %div3A = arith.constant 128 : i32
    %div3A_2 = arith.divsi %squeeze3A, %div3A : i32
    %while3A = scf.while (%while3A_10 = %add3A) : (i32) -> i32 {
      %lt3A = arith.cmpi slt, %while3A_10, %div3A_2 : i32
      scf.condition(%lt3A) %while3A_10 : i32
    } do {
    ^bb0(%while3A_10: i32):
      %mul3A_11 = arith.constant 128 : i32
      %mul3A_12 = arith.muli %while3A_10, %mul3A_11 : i32
      %add3A_13 = arith.constant 0 : i32
      %add3A_14 = arith.addi %add3A_13, %mul3A_12 : i32
      %multiple_of3A = tpu.assume_multiple %add3A_14, 128 : i32
      "tpu.region"() ({
        %run_scoped3A = tpu.sem_alloc : memref<!tpu.dma_semaphore, #tpu.memory_space<semaphore_mem>>
        %dma_start3A_21 = tpu.memref_slice %arg3[%multiple_of3A] : memref<296960xi32, #tpu.memory_space<hbm>> -> memref<128xi32, #tpu.memory_space<hbm>>
        %dma_start3A_22 = tpu.memref_slice %arg3[%multiple_of3A] : memref<296960xi32, #tpu.memory_space<hbm>> -> memref<128xi32, #tpu.memory_space<hbm>>
        tpu.enqueue_dma source(%dma_start3A_22 : memref<128xi32, #tpu.memory_space<hbm>>) target(%arg7 : memref<128xi32, #tpu.memory_space<vmem>>) target_semaphore(%run_scoped3A : memref<!tpu.dma_semaphore, #tpu.memory_space<semaphore_mem>>)
        %dma_wait3A_23 = tpu.memref_slice %arg3[%multiple_of3A] : memref<296960xi32, #tpu.memory_space<hbm>> -> memref<128xi32, #tpu.memory_space<hbm>>
        %dma_wait3A_24 = tpu.memref_slice %arg3[%multiple_of3A] : memref<296960xi32, #tpu.memory_space<hbm>> -> memref<128xi32, #tpu.memory_space<hbm>>
        tpu.wait_dma2 semaphore(%run_scoped3A : memref<!tpu.dma_semaphore, #tpu.memory_space<semaphore_mem>>) src(%dma_wait3A_24 : memref<128xi32, #tpu.memory_space<hbm>>) dst(%arg7 : memref<128xi32, #tpu.memory_space<vmem>>)
        tpu.yield
      }) : () -> ()
      "tpu.region"() ({
        %run_scoped3A = tpu.sem_alloc : memref<!tpu.dma_semaphore, #tpu.memory_space<semaphore_mem>>
        %dma_start3A_21 = arith.constant 0 : i32
        %dma_start3A_22 = tpu.memref_slice %arg2[%multiple_of3A, %dma_start3A_21] : memref<296960x16xf32, #tpu.memory_space<hbm>> -> memref<128x16xf32, #tpu.memory_space<hbm>>
        %dma_start3A_23 = arith.constant 0 : i32
        %dma_start3A_24 = tpu.memref_slice %arg2[%multiple_of3A, %dma_start3A_23] : memref<296960x16xf32, #tpu.memory_space<hbm>> -> memref<128x16xf32, #tpu.memory_space<hbm>>
        tpu.enqueue_dma source(%dma_start3A_24 : memref<128x16xf32, #tpu.memory_space<hbm>>) target(%arg8 : memref<128x16xf32, #tpu.memory_space<vmem>>) target_semaphore(%run_scoped3A : memref<!tpu.dma_semaphore, #tpu.memory_space<semaphore_mem>>)
        %dma_wait3A_25 = arith.constant 0 : i32
        %dma_wait3A_26 = tpu.memref_slice %arg2[%multiple_of3A, %dma_wait3A_25] : memref<296960x16xf32, #tpu.memory_space<hbm>> -> memref<128x16xf32, #tpu.memory_space<hbm>>
        %dma_wait3A_27 = arith.constant 0 : i32
        %dma_wait3A_28 = tpu.memref_slice %arg2[%multiple_of3A, %dma_wait3A_27] : memref<296960x16xf32, #tpu.memory_space<hbm>> -> memref<128x16xf32, #tpu.memory_space<hbm>>
        tpu.wait_dma2 semaphore(%run_scoped3A : memref<!tpu.dma_semaphore, #tpu.memory_space<semaphore_mem>>) src(%dma_wait3A_28 : memref<128x16xf32, #tpu.memory_space<hbm>>) dst(%arg8 : memref<128x16xf32, #tpu.memory_space<vmem>>)
        tpu.yield
      }) : () -> ()
      %dma_start3A = arith.constant 0 : i32
      %dma_start3A_15 = arith.constant 0 : i32
      %dma_start3A_16 = tpu.memref_slice %arg5[%dma_start3A, %dma_start3A_15] : memref<107520x16xf32, #tpu.memory_space<hbm>> -> memref<107520x16xf32, #tpu.memory_space<hbm>>
      tpu.enqueue_indirect_dma source(%arg8 : memref<128x16xf32, #tpu.memory_space<vmem>>) target(%dma_start3A_16 : memref<107520x16xf32, #tpu.memory_space<hbm>>) offsets(%arg7 : memref<128xi32, #tpu.memory_space<vmem>>) semaphore(%arg9 : memref<!tpu.dma_semaphore, #tpu.memory_space<semaphore_mem>>)
      %dma_wait3A = arith.constant 0 : i32
      %dma_wait3A_17 = arith.constant 0 : i32
      %dma_wait3A_18 = tpu.memref_slice %arg5[%dma_wait3A, %dma_wait3A_17] : memref<107520x16xf32, #tpu.memory_space<hbm>> -> memref<107520x16xf32, #tpu.memory_space<hbm>>
      tpu.wait_indirect_dma semaphore(%arg9 : memref<!tpu.dma_semaphore, #tpu.memory_space<semaphore_mem>>) src(%arg8 : memref<128x16xf32, #tpu.memory_space<vmem>>) dst(%dma_wait3A_18 : memref<107520x16xf32, #tpu.memory_space<hbm>>)
      %add3A_19 = arith.constant 32 : i32
      %add3A_20 = arith.addi %while3A_10, %add3A_19 : i32
      scf.yield %add3A_20 : i32
    }
    "tpu.region"() ({
      %run_scoped3A = tpu.sem_alloc : memref<!tpu.dma_semaphore, #tpu.memory_space<semaphore_mem>>
      %dma_start3A = arith.constant 0 : i32
      %dma_start3A_10 = tpu.memref_slice %arg6[%dma_start3A] : memref<16xi32, #tpu.memory_space<vmem>> -> memref<8xi32, #tpu.memory_space<vmem>>
      %dma_start3A_11 = arith.constant 8 : i32
      %dma_start3A_12 = tpu.memref_slice %arg4[%dma_start3A_11] : memref<16xi32, #tpu.memory_space<hbm>> -> memref<8xi32, #tpu.memory_space<hbm>>
      %dma_start3A_13 = arith.constant 0 : i32
      %dma_start3A_14 = tpu.memref_slice %arg6[%dma_start3A_13] : memref<16xi32, #tpu.memory_space<vmem>> -> memref<8xi32, #tpu.memory_space<vmem>>
      %dma_start3A_15 = arith.constant 8 : i32
      %dma_start3A_16 = tpu.memref_slice %arg4[%dma_start3A_15] : memref<16xi32, #tpu.memory_space<hbm>> -> memref<8xi32, #tpu.memory_space<hbm>>
      tpu.enqueue_dma source(%dma_start3A_16 : memref<8xi32, #tpu.memory_space<hbm>>) target(%dma_start3A_14 : memref<8xi32, #tpu.memory_space<vmem>>) target_semaphore(%run_scoped3A : memref<!tpu.dma_semaphore, #tpu.memory_space<semaphore_mem>>)
      %dma_wait3A = arith.constant 0 : i32
      %dma_wait3A_17 = tpu.memref_slice %arg6[%dma_wait3A] : memref<16xi32, #tpu.memory_space<vmem>> -> memref<8xi32, #tpu.memory_space<vmem>>
      %dma_wait3A_18 = arith.constant 8 : i32
      %dma_wait3A_19 = tpu.memref_slice %arg4[%dma_wait3A_18] : memref<16xi32, #tpu.memory_space<hbm>> -> memref<8xi32, #tpu.memory_space<hbm>>
      %dma_wait3A_20 = arith.constant 0 : i32
      %dma_wait3A_21 = tpu.memref_slice %arg6[%dma_wait3A_20] : memref<16xi32, #tpu.memory_space<vmem>> -> memref<8xi32, #tpu.memory_space<vmem>>
      %dma_wait3A_22 = arith.constant 8 : i32
      %dma_wait3A_23 = tpu.memref_slice %arg4[%dma_wait3A_22] : memref<16xi32, #tpu.memory_space<hbm>> -> memref<8xi32, #tpu.memory_space<hbm>>
      tpu.wait_dma2 semaphore(%run_scoped3A : memref<!tpu.dma_semaphore, #tpu.memory_space<semaphore_mem>>) src(%dma_wait3A_23 : memref<8xi32, #tpu.memory_space<hbm>>) dst(%dma_wait3A_21 : memref<8xi32, #tpu.memory_space<vmem>>)
      tpu.yield
    }) : () -> ()
    %get3A_3 = arith.constant 0 : index
    %get3A_4 = tpu.vector_load %arg6[%get3A_3] {strides = array<i32>} : memref<16xi32, #tpu.memory_space<vmem>>, vector<16xi32>,
    %slice3A_5 = vector.extract_strided_slice %get3A_4 {offsets = [0], sizes = [1], strides = [1]} : vector<16xi32> to vector<1xi32>
    %squeeze3A_6 = vector.extract %slice3A_5[0] : i32 from vector<1xi32>
    %div3A_7 = arith.constant 128 : i32
    %div3A_8 = arith.divsi %squeeze3A_6, %div3A_7 : i32
    %while3A_9 = scf.while (%while3A_10 = %add3A) : (i32) -> i32 {
      %lt3A = arith.cmpi slt, %while3A_10, %div3A_8 : i32
      scf.condition(%lt3A) %while3A_10 : i32
    } do {
    ^bb0(%while3A_10: i32):
      %mul3A_11 = arith.constant 128 : i32
      %mul3A_12 = arith.muli %while3A_10, %mul3A_11 : i32
      %add3A_13 = arith.constant 148480 : i32
      %add3A_14 = arith.addi %add3A_13, %mul3A_12 : i32
      %multiple_of3A = tpu.assume_multiple %add3A_14, 128 : i32
      "tpu.region"() ({
        %run_scoped3A = tpu.sem_alloc : memref<!tpu.dma_semaphore, #tpu.memory_space<semaphore_mem>>
        %dma_start3A_21 = tpu.memref_slice %arg3[%multiple_of3A] : memref<296960xi32, #tpu.memory_space<hbm>> -> memref<128xi32, #tpu.memory_space<hbm>>
        %dma_start3A_22 = tpu.memref_slice %arg3[%multiple_of3A] : memref<296960xi32, #tpu.memory_space<hbm>> -> memref<128xi32, #tpu.memory_space<hbm>>
        tpu.enqueue_dma source(%dma_start3A_22 : memref<128xi32, #tpu.memory_space<hbm>>) target(%arg7 : memref<128xi32, #tpu.memory_space<vmem>>) target_semaphore(%run_scoped3A : memref<!tpu.dma_semaphore, #tpu.memory_space<semaphore_mem>>)
        %dma_wait3A_23 = tpu.memref_slice %arg3[%multiple_of3A] : memref<296960xi32, #tpu.memory_space<hbm>> -> memref<128xi32, #tpu.memory_space<hbm>>
        %dma_wait3A_24 = tpu.memref_slice %arg3[%multiple_of3A] : memref<296960xi32, #tpu.memory_space<hbm>> -> memref<128xi32, #tpu.memory_space<hbm>>
        tpu.wait_dma2 semaphore(%run_scoped3A : memref<!tpu.dma_semaphore, #tpu.memory_space<semaphore_mem>>) src(%dma_wait3A_24 : memref<128xi32, #tpu.memory_space<hbm>>) dst(%arg7 : memref<128xi32, #tpu.memory_space<vmem>>)
        tpu.yield
      }) : () -> ()
      "tpu.region"() ({
        %run_scoped3A = tpu.sem_alloc : memref<!tpu.dma_semaphore, #tpu.memory_space<semaphore_mem>>
        %dma_start3A_21 = arith.constant 0 : i32
        %dma_start3A_22 = tpu.memref_slice %arg2[%multiple_of3A, %dma_start3A_21] : memref<296960x16xf32, #tpu.memory_space<hbm>> -> memref<128x16xf32, #tpu.memory_space<hbm>>
        %dma_start3A_23 = arith.constant 0 : i32
        %dma_start3A_24 = tpu.memref_slice %arg2[%multiple_of3A, %dma_start3A_23] : memref<296960x16xf32, #tpu.memory_space<hbm>> -> memref<128x16xf32, #tpu.memory_space<hbm>>
        tpu.enqueue_dma source(%dma_start3A_24 : memref<128x16xf32, #tpu.memory_space<hbm>>) target(%arg8 : memref<128x16xf32, #tpu.memory_space<vmem>>) target_semaphore(%run_scoped3A : memref<!tpu.dma_semaphore, #tpu.memory_space<semaphore_mem>>)
        %dma_wait3A_25 = arith.constant 0 : i32
        %dma_wait3A_26 = tpu.memref_slice %arg2[%multiple_of3A, %dma_wait3A_25] : memref<296960x16xf32, #tpu.memory_space<hbm>> -> memref<128x16xf32, #tpu.memory_space<hbm>>
        %dma_wait3A_27 = arith.constant 0 : i32
        %dma_wait3A_28 = tpu.memref_slice %arg2[%multiple_of3A, %dma_wait3A_27] : memref<296960x16xf32, #tpu.memory_space<hbm>> -> memref<128x16xf32, #tpu.memory_space<hbm>>
        tpu.wait_dma2 semaphore(%run_scoped3A : memref<!tpu.dma_semaphore, #tpu.memory_space<semaphore_mem>>) src(%dma_wait3A_28 : memref<128x16xf32, #tpu.memory_space<hbm>>) dst(%arg8 : memref<128x16xf32, #tpu.memory_space<vmem>>)
        tpu.yield
      }) : () -> ()
      %dma_start3A = arith.constant 0 : i32
      %dma_start3A_15 = arith.constant 0 : i32
      %dma_start3A_16 = tpu.memref_slice %arg5[%dma_start3A, %dma_start3A_15] : memref<107520x16xf32, #tpu.memory_space<hbm>> -> memref<107520x16xf32, #tpu.memory_space<hbm>>
      tpu.enqueue_indirect_dma source(%arg8 : memref<128x16xf32, #tpu.memory_space<vmem>>) target(%dma_start3A_16 : memref<107520x16xf32, #tpu.memory_space<hbm>>) offsets(%arg7 : memref<128xi32, #tpu.memory_space<vmem>>) semaphore(%arg9 : memref<!tpu.dma_semaphore, #tpu.memory_space<semaphore_mem>>)
      %dma_wait3A = arith.constant 0 : i32
      %dma_wait3A_17 = arith.constant 0 : i32
      %dma_wait3A_18 = tpu.memref_slice %arg5[%dma_wait3A, %dma_wait3A_17] : memref<107520x16xf32, #tpu.memory_space<hbm>> -> memref<107520x16xf32, #tpu.memory_space<hbm>>
      tpu.wait_indirect_dma semaphore(%arg9 : memref<!tpu.dma_semaphore, #tpu.memory_space<semaphore_mem>>) src(%arg8 : memref<128x16xf32, #tpu.memory_space<vmem>>) dst(%dma_wait3A_18 : memref<107520x16xf32, #tpu.memory_space<hbm>>)
      %add3A_19 = arith.constant 32 : i32
      %add3A_20 = arith.addi %while3A_10, %add3A_19 : i32
      scf.yield %add3A_20 : i32
    }
    return
  }
}

</mosaic_0001>

<sc_bundles>
// kernel: kernel.4.cloned.1.call-start
scs
__scs_entry_jumppad:
0x0: {  	(pc) =	sbr.rel $0x88, $3  }
0x1: {  	(tag) =	ssettag $0x0;
	lr =	simm.s32 $0x1  }
0x2: {  	[smem:$0x3F9F] =	sst lr;
	_ =	strace $0xD0000000  }
0x3: {  	_ = 	snop  }
0x4: {  	_ = 	snop  }
0x5: {  	_ = 	snop  }
0x6: {  	_ = 	snop  }
0x7: {  	_ = 	snop  }
__scs_overlays_trampoline_lowered:
0x8: {  	[smem:$0x3FAE] =	sst s0  }
0x9: {  	[smem:$0x3FAF] =	sst s1  }
0xa: {  	[smem:$0x3FB0] =	sst s2  }
0xb: {  	[smem:$0x3FB1] =	sst s3  }
0xc: {  	[smem:$0x3FB2] =	sst s4  }
0xd: {  	[smem:$0x3FB3] =	sst s5  }
0xe: {  	[smem:$0x3FB4] =	sst s6  }
0xf: {  	[smem:$0x3FB5] =	sst s7  }
0x10: {  	[smem:$0x3FB6] =	sst s8  }
0x11: {  	[smem:$0x3FB7] =	sst s9;
	s0 =	simm.s32 @!p0 $0x0  }
0x12: {  	s1 =	sld [smem:$0x3F9D];
	s0 =	simm.s32 @p0 $0x1  }
0x13: {  	[smem:$0x3FB8] =	sst s0;
	s0 =	simm.s32 @!p1 $0x0  }
0x14: {  	s2 =	sld [smem:$0x3F9C];
	s0 =	simm.s32 @p1 $0x1  }
0x15: {  	[smem:$0x3FB9] =	sst s0;
	s0 =	simm.s32 @!p2 $0x0  }
0x16: {  	s3 =	sld [smem:$0x3FDB];
	s0 =	simm.s32 @p2 $0x1  }
0x17: {  	s4 =	simm.s32 $0x1BF5;
	[smem:$0x3FBB] =	sst s0  }
0x18: {  	s0 =	sld [smem:$0x3F9E];
	_ =	swait.ge [sflag:s4], $0x0  }
0x19: {  	s7 =	sld [smem:$0x3F9F]  }
0x1a: {  	s8 =	sadd.s32 $0xFFFFE003, lr  }
0x1b: {  	s9 =	sadd.s32 $0xFFFFFEF7, lr;
	s5 =	simm.s32 $0xFFFFFFFF;
	p2 =	slt.u32 s8, $0xFFFFF086  }
0x1c: {  	p1 =	slt.u32 s9, $0xF7A;
	s5 =	simm.s32 @!p2 $0x0  }
0x1d: {  	s5 =	simm.s32 @p1 $0x1;
	p0 =	seq.s32 s7, s2  }
0x1e: {  	s7 =	smul.u32 @!p0 $0xF7A, s2;
	p2 =	seq.s32 @!p0 s5, $0x0  }
0x1f: {  	s9 =	smul.u32 $0xF7A, s1;
	s8 =	simm.s32 @!p0 $0x1BF5;
	p2 =	por !p2, p0  }
0x20: {  	[sflag:s8] =	ssyncset.s32 @!p0 $0xFFFFF086;
	s6 =	sadd.s32 @!p0 s3, s7;
	s7 =	simm.s32 @!p0 $0x108  }
0x21: {  	s3 =	sadd.s32 s3, s9;
	s6 =	sadd.s32 @!p0 $0x88, s6;
	s7 =	simm.s32 @p2 $0x1082  }
0x22: {  	[simem:s7], [sflag:s8] =	dma.local @!p0 [hbm:s6], $0xF7A  }
0x23: {  	s9 =	sor.u32 $0xD0000000, s2;
	s6 =	simm.s32 $0x108;
	_ =	swait.ge @!p0 [sflag:s8], $0x0  }
0x24: {  	s3 =	sadd.s32 $0x88, s3;
	s6 =	simm.s32 @!p1 $0x1082;
	[sflag:s4] =	ssyncset.s32 $0xFFFFF086  }
0x25: {  	[simem:s6], [sflag:s4] =	dma.local [hbm:s3], $0xF7A  }
0x26: {  	[smem:$0x3F9F] =	sst s1;
	(tag) =	ssettag s2;
	_ =	strace s9  }
0x27: {  	s1 =	sld [smem:$0x3FAF]  }
0x28: {  	s2 =	sld [smem:$0x3FB0]  }
0x29: {  	s4 =	sld [smem:$0x3FB2]  }
0x2a: {  	p0 =	seq.s32 s5, $0x0;
	s5 =	sld [smem:$0x3FB3]  }
0x2b: {  	s6 =	sld [smem:$0x3FB4]  }
0x2c: {  	s7 =	sld [smem:$0x3FB5]  }
0x2d: {  	s3 =	simm.s32 $0x108;
	s8 =	sld [smem:$0x3FB6]  }
0x2e: {  	s3 =	simm.s32 @!p0 $0x1082;
	s9 =	sld [smem:$0x3FB7]  }
0x2f: {  	lr =	sadd.s32 s0, s3;
	s0 =	sld [smem:$0x3FAE]  }
0x30: {  	s3 =	sld [smem:$0x3FB1]  }
0x31: {  	[smem:$0x3FBA] =	sst s10  }
0x32: {  	s10 =	sld [smem:$0x3FB8];
	_ =	sdelay $0x3  }
0x33: {  	p0 =	seq.s32 s10, $0x1;
	s10 =	sld [smem:$0x3FBA];
	_ =	sdelay $0x3  }
0x34: {  	[smem:$0x3FBA] =	sst s10  }
0x35: {  	s10 =	sld [smem:$0x3FB9];
	_ =	sdelay $0x3  }
0x36: {  	p1 =	seq.s32 s10, $0x1;
	s10 =	sld [smem:$0x3FBA];
	_ =	sdelay $0x3  }
0x37: {  	[smem:$0x3FBA] =	sst s10  }
0x38: {  	s10 =	sld [smem:$0x3FBB]  }
0x39: {  	_ = 	snop;
	(pc) =	sbr.ind lr, $3  }
0x3a: {  	_ = 	snop  }
0x3b: {  	_ = 	snop  }
0x3c: {  	p2 =	seq.s32 s10, $0x1;
	s10 =	sld [smem:$0x3FBA]  }
0x3d: {  	_ =	shalt  }
0x3e: {  	_ =	shalt  }
0x3f: {  	_ =	shalt  }
0x40: {  	_ =	shalt  }
0x41: {  	_ =	shalt  }
0x42: {  	_ =	shalt  }
0x43: {  	_ =	shalt  }
0x44: {  	_ =	shalt  }
0x45: {  	_ =	shalt  }
0x46: {  	_ =	shalt  }
0x47: {  	_ =	shalt  }
0x48: {  	_ =	shalt  }
0x49: {  	_ =	shalt  }
0x4a: {  	_ =	shalt  }
0x4b: {  	_ =	shalt  }
0x4c: {  	_ =	shalt  }
0x4d: {  	_ =	shalt  }
0x4e: {  	_ =	shalt  }
0x4f: {  	_ =	shalt  }
0x50: {  	_ =	shalt  }
0x51: {  	_ =	shalt  }
0x52: {  	_ =	shalt  }
0x53: {  	_ =	shalt  }
0x54: {  	_ =	shalt  }
0x55: {  	_ =	shalt  }
0x56: {  	_ =	shalt  }
0x57: {  	_ =	shalt  }
0x58: {  	_ =	shalt  }
0x59: {  	_ =	shalt  }
0x5a: {  	_ =	shalt  }
0x5b: {  	_ =	shalt  }
0x5c: {  	_ =	shalt  }
0x5d: {  	_ =	shalt  }
0x5e: {  	_ =	shalt  }
0x5f: {  	_ =	shalt  }
0x60: {  	_ =	shalt  }
0x61: {  	_ =	shalt  }
0x62: {  	_ =	shalt  }
0x63: {  	_ =	shalt  }
0x64: {  	_ =	shalt  }
0x65: {  	_ =	shalt  }
0x66: {  	_ =	shalt  }
0x67: {  	_ =	shalt  }
0x68: {  	_ =	shalt  }
0x69: {  	_ =	shalt  }
0x6a: {  	_ =	shalt  }
0x6b: {  	_ =	shalt  }
0x6c: {  	_ =	shalt  }
0x6d: {  	_ =	shalt  }
0x6e: {  	_ =	shalt  }
0x6f: {  	_ =	shalt  }
0x70: {  	_ =	shalt  }
0x71: {  	_ =	shalt  }
0x72: {  	_ =	shalt  }
0x73: {  	_ =	shalt  }
0x74: {  	_ =	shalt  }
0x75: {  	_ =	shalt  }
0x76: {  	_ =	shalt  }
0x77: {  	_ =	shalt  }
0x78: {  	_ =	shalt  }
0x79: {  	_ =	shalt  }
0x7a: {  	_ =	shalt  }
0x7b: {  	_ =	shalt  }
0x7c: {  	_ =	shalt  }
0x7d: {  	_ =	shalt  }
0x7e: {  	_ =	shalt  }
0x7f: {  	_ =	shalt  }
0x80: {  	_ =	shalt  }
0x81: {  	_ =	shalt  }
0x82: {  	_ =	shalt  }
0x83: {  	_ =	shalt  }
0x84: {  	_ =	shalt  }
0x85: {  	_ =	shalt  }
0x86: {  	_ =	shalt  }
0x87: {  	_ =	shalt  }
.Lfunc_end0:
.L_simem_size_0:
called_computation_lowered:
.L_overlay_start_0:
0x88: {  	s2 =	sld [smem:$0x3FD9]  }
0x89: {  	s3 =	sld [smem:$0x3FFE];
	_ =	sdelay $0x1  }
0x8a: {  	s1 =	srdreg.scid  }
0x8b: {  	s0 =	sand.u32 $0x1, s1  }
0x8c: {  	s17 =	sshll.u32 s0, $0xA;
	s2 =	sadd.s32 s3, s2  }
0x8d: {  	s2 =	sadd.s32 s2, s17  }
0x8e: {  	[smem:$0x3FC6] =	sst s2  }
0x8f: {  	_ = 	snop  }
0x90: {  	s2 =	sld [smem:$0x3FC8]  }
0x91: {  	s18 =	sld [smem:$0x3FD0];
	(tm) =	ssettm $0x1  }
0x92: {  	s4 =	sld [smem:$0x3FFB];
	_ =	sdelay $0x3  }
0x93: {  	_ =	strace s4  }
0x94: {  	s4 =	sld [smem:$0x3FFC];
	_ =	sdelay $0x3  }
0x95: {  	_ =	strace s4  }
0x96: {  	s4 =	sld [smem:$0x3FFD];
	_ =	sdelay $0x3  }
0x97: {  	_ =	strace s4  }
0x98: {  	_ =	strace $0x8FFFFFFF  }
0x99: {  	s19 =	sld [smem:$0x3FDB];
	_ =	sdelay $0x1  }
0x9a: {  	s5 =	simm.s32 $_scs_section_size  }
0x9b: {  	s6 =	simm.s32 $_size__tile_overlayer_lowered;
	s7 =	simm.s32 $_tile_overlayer_lowered  }
0x9c: {  	s22 =	simm.s32 $0x1BFF;
	s21 =	sshll.u32 s7, $0x1;
	s4 =	sadd.s32 s5, s19  }
0x9d: {  	s8 =	simm.s32 $0x0;
	s20 =	sshll.u32 s6, $0x1;
	s6 =	sadd.s32 s21, s4  }
0x9e: {  	[timem:s8], [sflag:s22] =	dma.local [hbm:s6], s20  }
0x9f: {  	_ =	swait.ge [sflag:s22], s20  }
0xa0: {  	s5 =	ssub.s32 $0x0, s20;
	[sflag:s22] =	ssyncset.done $0x0  }
0xa1: {  	[sflag:s22] =	ssyncadd.s32 s5;
	_ =	sdelay $0x1  }
0xa2: {  	s23 =	simm.s32 $0x1B8B  }
0xa3: {  	_ =	swait.ge [sflag:s23], $0x1  }
0xa4: {  	[sflag:s23] =	ssyncset.done $0x0  }
0xa5: {  	s25 =	simm.s32 $0x1B8E;
	s24 =	sld [smem:$0x3FFE];
	[sflag:s23] =	ssyncadd.s32 $0xFFFFFFFF  }
0xa6: {  	s26 =	simm.s32 $execute0_lowered;
	[smem:$0x3FD2] =	sst s25  }
0xa7: {  	s6 =	sshll.u32 s26, $0x1;
	_ =	strace $0x80000046;
	[dreg:$0x1] =	wrdreg $0xFFFFFFFF  }
0xa8: {  	s28 =	simm.s32 $_size_execute0_lowered;
	s4 =	sadd.s32 s4, s6;
	[dreg:$0x0] =	wrdreg $0x0  }
0xa9: {  	s6 =	sshll.u32 s28, $0x1;
	[dreg:$0x2] =	wrdreg s4  }
0xaa: {  	[dreg:$0x3] =	wrdreg s6  }
0xab: {  	[dreg:$0x4] =	wrdreg $0xC0  }
0xac: {  	_ =	task [dreg:s8], $0x5FFFF  }
0xad: {  	[dreg:$0x1] =	wrdreg $0xFFFFFFFF  }
0xae: {  	[dreg:$0x0] =	wrdreg $0x60  }
0xaf: {  	[dreg:$0x2] =	wrdreg s24  }
0xb0: {  	[dreg:$0x3] =	wrdreg s2  }
0xb1: {  	[dreg:$0x4] =	wrdreg s18  }
0xb2: {  	[dreg:$0x5] =	wrdreg $0x1A7000  }
0xb3: {  	[dreg:$0x6] =	wrdreg $0x1A8400  }
0xb4: {  	[dreg:$0x7] =	wrdreg $0x1CC800  }
0xb5: {  	[dreg:$0x8] =	wrdreg $0x9  }
0xb6: {  	_ =	task.clear_ibuf [dreg:s8], $0x9FFFF;
	_ =	strace $0x90000046  }
0xb7: {  	s29 =	simm.s32 $0x9;
	_ =	strace $0x80000048  }
0xb8: {  	_ =	swait.ge [sflag:s29], $0x1  }
0xb9: {  	[sflag:s29] =	ssyncadd.s32 $0xFFFFFFFF  }
0xba: {  	_ =	strace $0x90000048  }
0xbb: {  	_ =	sfence  }
0xbc: {  	s30 =	sld [smem:$0x0];
	_ =	sdelay $0x2  }
0xbd: {  	s31 =	sshll.u32 s1, $0xD;
	s1 =	sshrl.u32 s1, $0x2  }
0xbe: {  	s3 =	sand.u32 $0x4000, s31;
	s1 =	sadd.s32 s1, s30  }
0xbf: {  	s0 =	sor.u32 s3, s0;
	s1 =	sshll.u32 s1, $0x11  }
0xc0: {  	s0 =	sor.u32 s1, s0  }
0xc1: {  	s0 =	sadd.s32 $0x8F2B, s0  }
0xc2: {  	[sflag:s0] =	ssyncadd.remote.s32 $0x1  }
0xc3: {  	_ =	sfence.sel $0xFFFF  }
0xc4: {  	[dreg:$0x0] =	wrdreg $0xFFFFFFFF;
	(pc) =	sbr.abs _section_cstart, $3  }
0xc5: {  	[dreg:$0x1] =	wrdreg $0xFFFFFFFF  }
0xc6: {  	_ =	task.clear_ibuf [dreg:s8], $0x2FFFF;
	_ =	strace $0x9FFFFFFF  }
0xc7: {  	(tm) =	ssettm $0x7FFFFFFF  }
tec
execute0_lowered:
.L_overlay_start_1:
0x0: {  	(tag) =	ssettag $0x1  }
0x1: {  	s3 =	rddreg [dreg:$0x0]  }
0x2: {  	s0 =	rddreg [dreg:$0x2]  }
0x3: {  	v0 =	vimm.s32 $0xF80;
	vm0 =	vcmask $0x300;
	s15 =	rddreg [dreg:$0x3];
	v6 =	vimm.s32 $0xEDCBA987  }
0x4: {  	s2 =	rddreg [dreg:$0x4];
	v5 =	vimm.s32 $0x1;
	v7 =	vimm.s32 $0x65432100;
	v9 =	vimm.s32 $0x87654321  }
0x5: {  	s17 =	stileid.u32;
	s4 =	rddreg [dreg:$0x5];
	s6 =	simm.s32 $0x0;
	v0 =	vsel vm0, $0x0, v0;
	vm0 =	vcmask $0x704;
	v6 =	vunpack.c.l.s4.s8 v6  }
0x6: {  	s1 =	srdreg.scid;
	s8 =	simm.s32 $0x13E;
	s26 =	simm.s32 $0x19B80;
	v8 =	vunpack.c.l.s4.s8 v7;
	v7 =	vimm.s32 $0xFFEDCBA9;
	v9 =	vunpack.c.l.s4.s8 v9  }
0x7: {  	s28 =	simm.s32 $0x1A580;
	s31 =	simm.s32 $0x1;
	s30 =	simm.s32 $0x19B00;
	v0 =	vsel vm0, $0x80, v0;
	vm0 =	vcmask $0xB08;
	v11 =	vunpack.c.l.s4.s8 v7  }
0x8: {  	s16 =	simm.s32 $0x19F00;
	s29 =	simm.s32 $0x1A000;
	[dreg:$0x8] =	wrdreg s0;
	v7 =	vlaneseq.u32;
	v0 =	vsel vm0, $0x100, v0;
	vm0 =	vcmask $0xF0C  }
0x9: {  	s5 =	smul.u32 $0x1A00, s17;
	[smem:$0x7FF] =	sst s6;
	s1 =	sand.u32 $0x1, s1;
	v10 =	vunpack.c.0.s8.s32 v6;
	v6 =	vimm.s32 $0xF;
	v12 =	vunpack.c.0.s8.s32 v8  }
0xa: {  	s9 =	sadd.s32 $0x4000, s3;
	s10 =	sshrl.u32 s17, $0x3;
	s19 =	smul.u32 $0x14, s17;
	v13 =	vunpack.c.0.s8.s32 v9;
	v8 =	vimm.s32 $0x140;
	v14 =	vor.u32 $0x24310, v7  }
0xb: {  	s11 =	sadd.s32 $0x6000, s3;
	s13 =	sshll.u32 s17, $0x7;
	s22 =	smul.u32 $0xA00, s17;
	v15 =	vor.u32 $0x24320, v7;
	v16 =	vor.u32 $0x24330, v7;
	v17 =	vor.u32 $0x24340, v7  }
0xc: {  	s21 =	sadd.s32 $0x3FEA, s17;
	s7 =	ssub.s32 $0x0, s1;
	s10 =	smul.u32 $0x3000, s10;
	v18 =	vmul.u32 $0x10, v7;
	v19 =	vor.u32 $0x24350, v7;
	v20 =	vor.u32 $0x24360, v7  }
0xd: {  	p0 =	seq.s32 s1, $0x0;
	s12 =	ssub.s32 $0x2, s1;
	s14 =	smul.u32 $0x24400, s1;
	v21 =	vor.u32 $0x24370, v7;
	v0 =	vsel vm0, $0x180, v0;
	vm0 =	vcmask $0x1310  }
0xe: {  	s13 =	sand.u32 $0x380, s13;
	[dreg:$0xd] =	wrdreg s5;
	s5 =	sshrl.u32 s5, $0x3;
	v11 =	vunpack.c.0.s8.s32 v11;
	v0 =	vsel vm0, $0x200, v0;
	vm0 =	vcmask $0x1714  }
0xf: {  	s7 =	sand.u32 $0x13E, s7;
	_ =	strace $0x80000047;
	[dreg:$0x7] =	wrdreg s11;
	v10 =	vand.u32 $0xF, v10;
	v22 =	vor.u32 $0x1, v18;
	v23 =	vor.u32 $0x2, v18  }
0x10: {  	s8 =	simm.s32 @!p0 $0x27B;
	s18 =	sshrl.u32 s12, $0x1;
	[dreg:$0x9] =	wrdreg s14;
	v24 =	vor.u32 $0x3, v18;
	v25 =	vor.u32 $0x4, v18;
	v26 =	vor.u32 $0x5, v18  }
0x11: {  	s24 =	sor.u32 $0x1, s19;
	p0 =	sne.s32 s17, $0x0;
	[dreg:$0xa] =	wrdreg s21;
	v27 =	vor.u32 $0x6, v18;
	v28 =	vor.u32 $0x7, v18;
	v29 =	vor.u32 $0x8, v18  }
0x12: {  	s5 =	sadd.s32 s5, s3;
	s3 =	sadd.s32 s1, s3;
	[dreg:$0xe] =	wrdreg s19;
	v30 =	vor.u32 $0x9, v18;
	v31 =	vor.u32 $0xA, v18;
	v32 =	vor.u32 $0xB, v18  }
0x13: {  	s10 =	sshrl.u32 s10, $0x2;
	s11 =	ssub.s32 s12, s18;
	[dreg:$0x14] =	wrdreg s24;
	v33 =	vor.u32 $0xC, v18;
	v34 =	vor.u32 $0xD, v18;
	v35 =	vor.u32 $0xE, v18  }
0x14: {  	s25 =	sshll.u32 s7, $0x7;
	[dreg:$0x12] =	wrdreg s22;
	s1 =	smul.u32 $0x48800, s1;
	v36 =	vor.u32 $0xF, v18;
	v0 =	vsel vm0, $0x280, v0;
	vm0 =	vcmask $0x1B18  }
0x15: {  	[dreg:$0xc] =	wrdreg s26;
	s24 =	simm.s32 $0x3200;
	s26 =	simm.s32 $0x3380;
	v9 =	vcombine.low v12, v10;
	v0 =	vsel vm0, $0x300, v0;
	vm0 =	vcmask $0x1F1C  }
0x16: {  	s12 =	simm.s32 $0x19D00;
	s14 =	simm.s32 $0x19E00;
	s5 =	sadd.s32 $0xC00, s5;
	v10 =	vor.u32 $0x80000000, v7;
	v0 =	vsel vm0, $0x380, v0;
	vm0 =	vcmask $0x2320  }
0x17: {  	s10 =	sadd.s32 s10, s15;
	s3 =	sadd.s32 $0x97000, s3;
	[dreg:$0xf] =	wrdreg s5;
	v11 =	vcombine.low v13, v11;
	v0 =	vsel vm0, $0xC00, v0;
	vm0 =	vcmask $0x2724  }
0x18: {  	s23 =	smax.u32 s11, $0x1;
	s11 =	simm.s32 $0x19C00;
	[dreg:$0x11] =	wrdreg s3;
	v12 =	vadd.s32 $0x1, v7;
	v0 =	vsel vm0, $0xC80, v0;
	vm0 =	vcmask $0x2B28  }
.Ltmp0:
0x19: {  	s15 =	simm.s32 $0x0;
	[dreg:$0x13] =	wrdreg s23;
	v13 =	vor.u32 $0x24300, v7;
	v1 =	vsel vm0, $0xD00, v0;
	vm0 =	vcmask $0x2F2C;
	(pc) =	sbr.rel .LBB2_1-.Ltmp0, $4  }
0x1a: {  	s20 =	sadd.s32 s13, s10;
	s13 =	sadd.s32 s19, s7;
	[dreg:$0x16] =	wrdreg s1;
	v0 =	vmov s7;
	v2 =	vsel vm0, $0xD80, v1;
	vm0 =	vcmask $0x3330  }
0x1b: {  	s3 =	sadd.s32 s25, s22;
	s25 =	simm.s32 $0x3500;
	[dreg:$0x10] =	wrdreg s20;
	v1 =	vmov s8;
	v3 =	vsel vm0, $0xE00, v2;
	vm0 =	vcmask $0x3734  }
0x1c: {  	s10 =	simm.s32 $0x1A200;
	s5 =	simm.s32 $0x1A300;
	[dreg:$0x15] =	wrdreg s3;
	v2 =	vmov s17;
	v4 =	vsel vm0, $0xE80, v3;
	vm0 =	vcmask $0x3B38  }
0x1d: {  	s20 =	simm.s32 $0x2;
	s3 =	simm.s32 $0x9B00;
	s17 =	simm.s32 $0x1A100;
	v3 =	vimm.s32 $0x0;
	v4 =	vsel vm0, $0xF00, v4;
	vm0 =	vcmask $0x3F3C  }
.LBB2_20:
0x1e: {  	[tilespmem:$0x1A400] =	vst @!p0 v37;
	s0 =	simm.s32 @!p0 $0x0;
	s1 =	simm.s32 @!p0 $0x1A400;
	s15 =	rddreg [dreg:$0x11]  }
0x1f: {  	[hbm4b:s15+s0] =	stream.linear.scatter @!p0 [tilespmem:s1], [sflag:$0x2], $0x8, $0x38;
	[tilespmem:$0x1F0C0] =	vst v63  }
0x20: {  	s0 =	simm.s32 @!p0 $0x2  }
0x21: {  	_ =	swait.ge @!p0 [sflag:s0], $0x8  }
0x22: {  	s22 =	rddreg [dreg:$0x17]  }
0x23: {  	s23 =	rddreg [dreg:$0x13];
	s15 =	sadd.s32 $0x1, s22  }
0x24: {  	p1 =	sne.s32 s15, s23  }
.Ltmp1:
0x25: {  	_ = 	snop;
	(pc) =	sbr.rel @!p1 .LBB2_21-.Ltmp1, $3  }
0x26: {  	_ =	sdelay $0x1  }
0x27: {  	[sflag:s0] =	ssyncset.done @!p0 $0x0  }
0x28: {  	[sflag:s0] =	ssyncadd.s32 @!p0 $0xFFFFFFF8  }
.LBB2_1:
0x29: {  	s1 =	smul.u32 $0xCCCD, s6;
	s0 =	rddreg [dreg:$0xf]  }
0x2a: {  	[tilespmem:s6], [sflag:$0x2] =	stream.linear.gather [hbm4b:s0+s6], $0x1A00, $0x38;
	[tilespmem:$0x1F0C0] =	vst v63  }
0x2b: {  	[dreg:$0x17] =	wrdreg s15;
	s21 =	sshrl.u32 s1, $0x14  }
0x2c: {  	s15 =	simm.s32 $0x2;
	s0 =	simm.s32 $0x1;
	s22 =	smul.u32 $0x14, s21  }
0x2d: {  	s18 =	sshrl.u32 s1, $0x17;
	s23 =	sshrl.u32 s1, $0xD;
	s1 =	smul.u32 $0xCCCD, s0  }
0x2e: {  	_ =	swait.ge [sflag:s20], $0x1A00;
	s19 =	smul.u32 $0x3000, s18;
	s22 =	ssub.s32 $0x0, s22  }
0x2f: {  	[sflag:s20] =	ssyncset.done $0x0;
	s23 =	sand.u32 $0x380, s23;
	s21 =	sshll.u32 s22, $0x7  }
0x30: {  	[sflag:s20] =	ssyncadd.s32 $0xFFFFE600;
	s19 =	sshrl.u32 s19, $0x2;
	s18 =	sand.u32 $0xC00, s21  }
.LBB2_2:
0x31: {  	p1 =	sne.s32 s15, $0x13F;
	s22 =	sshll.u32 s22, $0x4;
	s18 =	sadd.s32 s18, s19  }
0x32: {  	s19 =	smov.u32 s0;
	s0 =	smov.u32 s15;
	s21 =	sshrl.u32 s1, $0x14  }
0x33: {  	s22 =	sand.u32 $0x70, s22;
	s18 =	sor.u32 s23, s18;
	s21 =	smul.u32 $0x14, s21  }
.Ltmp2:
0x34: {  	s18 =	sor.u32 s22, s18;
	(pc) =	sbr.rel @p1 .LBB2_2-.Ltmp2, $4  }
0x35: {  	s23 =	sshrl.u32 s1, $0x17;
	[tilespmem:s18+$0x1A00] =	vst v3  }
0x36: {  	s22 =	ssub.s32 s19, s21;
	s18 =	sshrl.u32 s1, $0xD;
	s19 =	smul.u32 $0x3000, s23  }
0x37: {  	s1 =	smul.u32 $0xCCCD, s15;
	s21 =	sshll.u32 s22, $0x7;
	s23 =	sand.u32 $0x380, s18  }
0x38: {  	s15 =	sadd.s32 $0x1, s15;
	s18 =	sand.u32 $0xC00, s21;
	s19 =	sshrl.u32 s19, $0x2  }
0x39: {  	s15 =	sshrl.u32 s1, $0x14  }
0x3a: {  	s15 =	smul.u32 $0x14, s15  }
0x3b: {  	s18 =	sadd.s32 s18, s19;
	s21 =	sshrl.u32 s1, $0x17  }
0x3c: {  	s22 =	sshll.u32 s22, $0x4;
	s19 =	smul.u32 $0x3000, s21;
	s0 =	ssub.s32 s0, s15  }
0x3d: {  	s18 =	sor.u32 s23, s18;
	s23 =	sshrl.u32 s1, $0xD;
	s21 =	sshll.u32 s0, $0x7  }
0x3e: {  	s1 =	sand.u32 $0x380, s23;
	s19 =	sshrl.u32 s19, $0x2;
	s21 =	sand.u32 $0xC00, s21  }
0x3f: {  	s15 =	sand.u32 $0x70, s22;
	s0 =	sshll.u32 s0, $0x4;
	s19 =	sadd.s32 s21, s19  }
0x40: {  	s15 =	sor.u32 s15, s18;
	s0 =	sand.u32 $0x70, s0;
	s1 =	sor.u32 s1, s19  }
0x41: {  	[tilespmem:s15+$0x1A00] =	vst v3;
	s0 =	sor.u32 s0, s1  }
0x42: {  	s18 =	simm.s32 $0x1A00;
	s1 =	simm.s32 $0x0;
	[tilespmem:s0+$0x1A00] =	vst v3;
	s0 =	simm.s32 $0x0  }
.LBB2_4:
0x43: {  	s15 =	sshra.s32 s1, $0x2  }
0x44: {  	v37 =	vld [tilespmem:s15+$0x0];
	_ =	sdelay $0x4  }
0x45: {  	v37 =	vshrl.u32 v37, $0xC  }
0x46: {  	v38 =	vsub.s32 v37, v0  }
0x47: {  	vm1 =	vgt.s32 v38, $0x0  }
0x48: {  	v38 =	vnsel vm1, $0x0, v38  }
0x49: {  	v38 =	vmin.u32 v38, $0x13F  }
0x4a: {  	vm2 =	vlt.u32 v37, v1;
	v39 =	vshll.u32 v38, $0x3  }
0x4b: {  	vm1 =	vge.u32 v37, v0;
	v62 =	vand.u32 $0x7F, v38;
	v63 =	vand.u32 $0xC00, v39  }
0x4c: {  	vm1 =	vmand vm1, vm2;
	v37 =	vor.u32 v62, v63  }
0x4d: {  	p1 =	sne.s32 s1, $0x67C0;
	v37 =	vadd.s32 v4, v37  }
.Ltmp3:
0x4e: {  	_ = 	snop;
	(pc) =	sbr.rel @p1 .LBB2_4-.Ltmp3, $2  }
0x4f: {  	_ =	sdelay $0x2  }
0x50: {  	s1 =	sadd.s32 $0x40, s1;
	[tilespmem:v37+s18+$0x0] =	vst.idx.add.s32.msk vm1, v5  }
0x51: {  	s1 =	sand.u32 $0x70, s0;
	s22 =	sand.u32 $0xC00, s0  }
0x52: {  	s0 =	sor.u32 s1, s22  }
0x53: {  	v37 =	vld [tilespmem:s0+$0x1A80]  }
0x54: {  	v38 =	vld [tilespmem:s0+$0x1A00]  }
0x55: {  	v39 =	vld [tilespmem:s0+$0x1B00]  }
0x56: {  	v40 =	vld [tilespmem:s0+$0x1B80]  }
0x57: {  	v41 =	vld [tilespmem:s0+$0x1C00]  }
0x58: {  	v42 =	vld [tilespmem:s0+$0x1C80]  }
0x59: {  	v54 =	vld [tilespmem:s0+$0x1D00];
	v37 =	vadd.s32 v38, v37  }
0x5a: {  	v55 =	vld [tilespmem:s0+$0x1D80];
	v37 =	vadd.s32 v39, v37  }
0x5b: {  	v56 =	vld [tilespmem:s0+$0x2600];
	v37 =	vadd.s32 v40, v37  }
0x5c: {  	v57 =	vld [tilespmem:s0+$0x2680];
	v37 =	vadd.s32 v41, v37  }
0x5d: {  	v58 =	vld [tilespmem:s0+$0x2700];
	v37 =	vadd.s32 v42, v37  }
0x5e: {  	v59 =	vld [tilespmem:s0+$0x2780];
	v37 =	vadd.s32 v54, v37  }
0x5f: {  	v60 =	vld [tilespmem:s0+$0x2800];
	v37 =	vadd.s32 v55, v37  }
0x60: {  	v61 =	vld [tilespmem:s0+$0x2880];
	v37 =	vadd.s32 v56, v37  }
0x61: {  	v62 =	vld [tilespmem:s0+$0x2900];
	v37 =	vadd.s32 v57, v37  }
0x62: {  	v63 =	vld [tilespmem:s0+$0x2980];
	v37 =	vadd.s32 v58, v37  }
0x63: {  	v37 =	vadd.s32 v59, v37  }
0x64: {  	v37 =	vadd.s32 v60, v37  }
0x65: {  	v37 =	vadd.s32 v61, v37  }
0x66: {  	s23 =	simm.s32 $0x10;
	s22 =	simm.s32 $0x80;
	v37 =	vadd.s32 v62, v37  }
0x67: {  	s1 =	sand.u32 $0x70, s23;
	s0 =	simm.s32 $0x3200;
	s15 =	sand.u32 $0xC00, s22;
	v37 =	vadd.s32 v63, v37  }
0x68: {  	s23 =	simm.s32 $0x20;
	s1 =	sor.u32 s1, s15;
	[tilespmem:s0+$0x0] =	vst v37  }
.LBB2_6:
0x69: {  	p1 =	sne.s32 s23, $0x130;
	v37 =	vld [tilespmem:s1+$0x1A80]  }
0x6a: {  	v38 =	vld [tilespmem:s1+$0x1A00]  }
0x6b: {  	v39 =	vld [tilespmem:s1+$0x1B00]  }
0x6c: {  	v40 =	vld [tilespmem:s1+$0x1B80]  }
0x6d: {  	v41 =	vld [tilespmem:s1+$0x1C00]  }
0x6e: {  	v42 =	vld [tilespmem:s1+$0x1C80]  }
0x6f: {  	v37 =	vadd.s32 v38, v37;
	v38 =	vld [tilespmem:s1+$0x1D00]  }
0x70: {  	v37 =	vadd.s32 v39, v37;
	v39 =	vld [tilespmem:s1+$0x1D80]  }
0x71: {  	v37 =	vadd.s32 v40, v37;
	v40 =	vld [tilespmem:s1+$0x2600]  }
0x72: {  	v37 =	vadd.s32 v41, v37;
	v41 =	vld [tilespmem:s1+$0x2680]  }
0x73: {  	v37 =	vadd.s32 v42, v37;
	v42 =	vld [tilespmem:s1+$0x2700]  }
0x74: {  	v37 =	vadd.s32 v38, v37;
	v38 =	vld [tilespmem:s1+$0x2780]  }
0x75: {  	v37 =	vadd.s32 v39, v37;
	v39 =	vld [tilespmem:s1+$0x2800]  }
0x76: {  	v37 =	vadd.s32 v40, v37;
	v40 =	vld [tilespmem:s1+$0x2880]  }
0x77: {  	v37 =	vadd.s32 v41, v37;
	v41 =	vld [tilespmem:s1+$0x2900]  }
0x78: {  	v37 =	vadd.s32 v42, v37;
	v42 =	vld [tilespmem:s1+$0x2980]  }
0x79: {  	v37 =	vadd.s32 v38, v37  }
.Ltmp4:
0x7a: {  	v37 =	vadd.s32 v39, v37;
	(pc) =	sbr.rel @p1 .LBB2_6-.Ltmp4, $4  }
0x7b: {  	v37 =	vadd.s32 v40, v37  }
0x7c: {  	s22 =	sadd.s32 $0x80, s22;
	v37 =	vadd.s32 v41, v37  }
0x7d: {  	s0 =	sadd.s32 $0x10, s0;
	s15 =	sand.u32 $0xC00, s22;
	s1 =	sand.u32 $0x70, s23;
	v37 =	vadd.s32 v42, v37  }
0x7e: {  	s23 =	sadd.s32 $0x10, s23;
	s1 =	sor.u32 s1, s15;
	[tilespmem:s0+$0x0] =	vst v37  }
0x7f: {  	v37 =	vld [tilespmem:s1+$0x1A80]  }
0x80: {  	v38 =	vld [tilespmem:s1+$0x1A00]  }
0x81: {  	v39 =	vld [tilespmem:s1+$0x1B00]  }
0x82: {  	v40 =	vld [tilespmem:s1+$0x1B80]  }
0x83: {  	v41 =	vld [tilespmem:s1+$0x1C00]  }
0x84: {  	v42 =	vld [tilespmem:s1+$0x1C80]  }
0x85: {  	v48 =	vld [tilespmem:s1+$0x1D00];
	v37 =	vadd.s32 v38, v37  }
0x86: {  	v49 =	vld [tilespmem:s1+$0x1D80];
	v37 =	vadd.s32 v39, v37  }
0x87: {  	v50 =	vld [tilespmem:s1+$0x2600];
	v37 =	vadd.s32 v40, v37  }
0x88: {  	v51 =	vld [tilespmem:s1+$0x2680];
	v37 =	vadd.s32 v41, v37  }
0x89: {  	v52 =	vld [tilespmem:s1+$0x2700];
	v37 =	vadd.s32 v42, v37  }
0x8a: {  	v53 =	vld [tilespmem:s1+$0x2780];
	v37 =	vadd.s32 v48, v37  }
0x8b: {  	v54 =	vld [tilespmem:s1+$0x2800];
	v37 =	vadd.s32 v49, v37  }
0x8c: {  	v55 =	vld [tilespmem:s1+$0x2880];
	v37 =	vadd.s32 v50, v37  }
0x8d: {  	v56 =	vld [tilespmem:s1+$0x2900];
	v37 =	vadd.s32 v51, v37  }
0x8e: {  	v57 =	vld [tilespmem:s1+$0x2980];
	v37 =	vadd.s32 v52, v37  }
0x8f: {  	v37 =	vadd.s32 v53, v37  }
0x90: {  	v37 =	vadd.s32 v54, v37  }
0x91: {  	v37 =	vadd.s32 v55, v37  }
0x92: {  	v37 =	vadd.s32 v56, v37  }
0x93: {  	s0 =	sadd.s32 $0x10, s0;
	s19 =	simm.s32 $0x0;
	v37 =	vadd.s32 v57, v37  }
0x94: {  	s21 =	rddreg [dreg:$0x10];
	s15 =	simm.s32 $0x80;
	s18 =	simm.s32 $0x400;
	[tilespmem:s0+$0x0] =	vst v37  }
0x95: {  	[spmem:s21] =	stream.strided.scatter [tilespmem:s24], [sflag:$0x2], $0x180, s18, s15, $0x38;
	[tilespmem:$0x1F0C0] =	vst v63  }
0x96: {  	v37 =	vmov s19;
	_ =	swait.ge [sflag:s20], $0x180  }
0x97: {  	v58 =	vshll.u32 v37, $0x3;
	[sflag:s20] =	ssyncset.done $0x0  }
0x98: {  	v59 =	vand.u32 $0x7F, v37;
	v38 =	vand.u32 $0xC00, v58;
	[sflag:s20] =	ssyncadd.s32 $0xFFFFFE80  }
0x99: {  	v38 =	vor.u32 v59, v38;
	[bflag:$0x0] =	sbarrier.arrive $0xFFFF  }
0x9a: {  	v38 =	vadd.s32 v4, v38;
	s22 =	rddreg [dreg:$0x3]  }
0x9b: {  	[tilespmem:s25], [sflag:$0x2] =	stream.linear.gather [spmem:s22], $0x1800, $0x38;
	[tilespmem:$0x1F0C0] =	vst v63  }
0x9c: {  	_ =	swait.ge [sflag:s20], $0x1800  }
0x9d: {  	[sflag:s20] =	ssyncset.done $0x0  }
0x9e: {  	[sflag:s20] =	ssyncadd.s32 $0xFFFFE800  }
0x9f: {  	v38 =	vld.idx.msk [tilespmem:v38+s25+$0x0], $0xffff;
	_ =	sdelay $0x4  }
0xa0: {  	(xrf0) =	vadd.scan.msk.s32 $0xffff, v38;
	_ =	sdelay $0x5  }
0xa1: {  	s23 =	simm.s32 $0x1;
	v60, _, _ =	vpop (xrf0)  }
0xa2: {  	v39 =	vmov s23;
	v38 =	vsub.s32 v60, v38  }
0xa3: {  	v62 =	vshll.u32 v39, $0x3;
	v61 =	vperm.xlane v38, v2  }
0xa4: {  	v43 =	vand.u32 $0x7F, v39;
	v42 =	vand.u32 $0xC00, v62;
	v38 =	vimm.s32 $0x0  }
0xa5: {  	v42 =	vor.u32 v43, v42;
	v41 =	vadd.s32 v38, v61  }
0xa6: {  	v40 =	vperm.xlane v60, v6;
	[tilespmem:v37+s24+$0x0] =	vst.idx.msk $0x1, v41;
	v41 =	vadd.s32 v4, v42;
	_ =	sdelay $0x1  }
0xa7: {  	v63 =	vadd.s32 $0x7F, v40  }
0xa8: {  	s0 =	simm.s32 $0x2;
	s21 =	rddreg [dreg:$0x12];
	v42 =	vand.u32 $0xFFFFFF80, v63;
	[tilespmem:v37+s26+$0x0] =	vst.idx.msk $0x1, v38  }
.LBB2_8:
0xa9: {  	p1 =	sne.s32 s0, $0x13F;
	[tilespmem:v37+s28+$0x0] =	vst.idx.msk $0x1, v40;
	v38 =	vadd.s32 v38, v42;
	v37 =	vmov v39;
	s1 =	smov.u32 s0;
	s0 =	sadd.s32 $0x1, s0  }
0xaa: {  	v40 =	vld.idx.msk [tilespmem:v41+s25+$0x0], $0xffff;
	_ =	sdelay $0x5  }
0xab: {  	(xrf0) =	vadd.scan.msk.s32 $0xffff, v40;
	_ =	sdelay $0x4  }
0xac: {  	v39 =	vmov s1  }
0xad: {  	v41 =	vshll.u32 v39, $0x3;
	v42, _, _ =	vpop (xrf0)  }
0xae: {  	v43 =	vand.u32 $0x7F, v39;
	v41 =	vand.u32 $0xC00, v41;
	v40 =	vsub.s32 v42, v40  }
.Ltmp5:
0xaf: {  	v41 =	vor.u32 v43, v41;
	v43 =	vperm.xlane v40, v2;
	(pc) =	sbr.rel @p1 .LBB2_8-.Ltmp5, $4  }
0xb0: {  	v41 =	vadd.s32 v4, v41;
	v40 =	vperm.xlane v42, v6  }
0xb1: {  	v42 =	vadd.s32 v38, v43  }
0xb2: {  	[tilespmem:v37+s24+$0x0] =	vst.idx.msk $0x1, v42;
	v42 =	vadd.s32 $0x7F, v40  }
0xb3: {  	[tilespmem:v37+s26+$0x0] =	vst.idx.msk $0x1, v38;
	v42 =	vand.u32 $0xFFFFFF80, v42  }
0xb4: {  	_ =	sdelay $0x3  }
0xb5: {  	[tilespmem:v37+s28+$0x0] =	vst.idx.msk $0x1, v40  }
0xb6: {  	v37 =	vld.idx.msk [tilespmem:v41+s25+$0x0], $0xffff;
	_ =	sdelay $0x4  }
0xb7: {  	(xrf0) =	vadd.scan.msk.s32 $0xffff, v37;
	_ =	sdelay $0x5  }
0xb8: {  	v55, _, _ =	vpop (xrf0)  }
0xb9: {  	v37 =	vsub.s32 v55, v37  }
0xba: {  	v37 =	vperm.xlane v37, v2  }
0xbb: {  	v38 =	vadd.s32 v38, v42;
	v40 =	vperm.xlane v55, v6  }
0xbc: {  	v37 =	vadd.s32 v38, v37  }
0xbd: {  	v56 =	vadd.s32 $0x7F, v40;
	[tilespmem:v39+s24+$0x0] =	vst.idx.msk $0x1, v37  }
0xbe: {  	v37 =	vand.u32 $0xFFFFFF80, v56;
	[tilespmem:v39+s26+$0x0] =	vst.idx.msk $0x1, v38  }
0xbf: {  	v37 =	vadd.s32 v38, v37;
	[tilespmem:v39+s28+$0x0] =	vst.idx.msk $0x1, v40  }
0xc0: {  	s0 =	simm.s32 $0x0;
	[tilespmem:v8+s26+$0x0] =	vst.idx.msk $0x1, v37  }
0xc1: {  	v57 =	vld [tilespmem:s0+$0x0];
	_ =	sdelay $0x4  }
0xc2: {  	v58 =	vshrl.u32 v57, $0xC  }
0xc3: {  	vm1 =	vge.u32 v58, v0;
	vm2 =	vlt.u32 v58, v1;
	v39 =	vsub.s32 v58, v0  }
0xc4: {  	vm1 =	vmand vm1, vm2;
	v39 =	vxor.u32 $0x80000000, v39  }
0xc5: {  	v39 =	vnsel vm1, $0x8007FFFF, v39  }
0xc6: {  	(xrf1) =	vsort.ascd.msk.u32 $0xffff, v39, v7;
	_ =	sdelay $0xd  }
0xc7: {  	v39, v59, _ =	vpop (xrf1)  }
0xc8: {  	v60 =	vxor.u32 $0x80000000, v39  }
0xc9: {  	s1 =	rddreg [dreg:$0xd];
	v61 =	vperm.xlane v60, v9  }
0xca: {  	v62 =	vor.u32 s1, v7;
	v63 =	vmov s1;
	v44 =	vshrl.u32 v59, $0x1B  }
0xcb: {  	v42 =	vand.u32 $0xFFF, v62;
	v44 =	vand.u32 $0x10, v44;
	vm1 =	veq.s32 v60, v61  }
0xcc: {  	v45 =	vperm.xlane v60, v11;
	vm2 =	vgt.s32 v60, $0x0;
	v43 =	vsel vm1, $0x80000000, v10  }
0xcd: {  	v42 =	vmul.u32 $0x1A, v42;
	v40 =	vadd.s32 v59, v44;
	v41 =	vnsel vm2, $0x0, v60;
	(xrf0) =	vmax.scan.msk.u32 $0xffff, v43  }
0xce: {  	v38 =	vperm.xlane v57, v40;
	vm3 =	vne.s32 v60, v45;
	v43 =	vshrl.u32 v63, $0xC  }
0xcf: {  	vm1 =	vne.s32 v39, $0x8007FFFF;
	vm2 =	vmor vm3, vm0;
	v42 =	vadd.s32 v43, v42  }
0xd0: {  	vm2 =	vmand vm1, vm2;
	v39 =	vperm.xlane v42, v40;
	v40 =	vmin.u32 v41, $0x13F;
	_ =	sdelay $0x2  }
0xd1: {  	s22 =	simm.s32 $0x40;
	s23 =	simm.s32 $0x80;
	v41, _, _ =	vpop (xrf0)  }
.LBB2_10:
0xd2: {  	p1 =	sne.s32 s23, $0x67C0;
	v41 =	vxor.u32 $0x80000000, v41  }
0xd3: {  	v42 =	vld.idx.msk [tilespmem:v40+s24+$0x0], $0xffff;
	v43 =	vsub.s32 v12, v41  }
0xd4: {  	s15 =	sshra.s32 s22, $0x2;
	s22 =	smov.u32 s23;
	[tilespmem:v40+s24+$0x0] =	vst.idx.add.s32.msk vm2, v43  }
0xd5: {  	v40 =	vld [tilespmem:s15+$0x0];
	[tilespmem:s0+$0x6700] =	vst v39  }
0xd6: {  	[tilespmem:s0+$0x8100] =	vst v38;
	_ =	sdelay $0x2  }
0xd7: {  	v38 =	vsub.s32 v42, v41  }
0xd8: {  	v38 =	vadd.s32 v7, v38;
	v39 =	vshrl.u32 v40, $0xC  }
0xd9: {  	vm2 =	vge.u32 v39, v0;
	vm3 =	vlt.u32 v39, v1;
	v39 =	vsub.s32 v39, v0  }
0xda: {  	v38 =	vnsel vm1, $0x24300, v38;
	vm2 =	vmand vm2, vm3;
	v39 =	vxor.u32 $0x80000000, v39  }
0xdb: {  	v39 =	vnsel vm2, $0x8007FFFF, v39;
	[tilespmem:s0+$0x4D00] =	vst v38;
	s0 =	smov.u32 s15  }
0xdc: {  	(xrf1) =	vsort.ascd.msk.u32 $0xffff, v39, v7;
	_ =	sdelay $0xb  }
0xdd: {  	s1 =	sadd.s32 $0x10, s1  }
0xde: {  	v38 =	vor.u32 s1, v7  }
0xdf: {  	v39 =	vmov s1;
	v38 =	vand.u32 $0xFFF, v38;
	v41, v42, _ =	vpop (xrf1)  }
0xe0: {  	v38 =	vmul.u32 $0x1A, v38;
	v43 =	vxor.u32 $0x80000000, v41;
	v44 =	vshrl.u32 v42, $0x1B  }
0xe1: {  	v39 =	vshrl.u32 v39, $0xC;
	v44 =	vand.u32 $0x10, v44;
	v45 =	vperm.xlane v43, v9  }
0xe2: {  	v39 =	vadd.s32 v39, v38;
	v42 =	vadd.s32 v42, v44  }
0xe3: {  	v38 =	vperm.xlane v40, v42;
	v39 =	vperm.xlane v39, v42;
	vm1 =	veq.s32 v43, v45  }
0xe4: {  	v42 =	vperm.xlane v43, v11;
	v40 =	vsel vm1, $0x80000000, v10  }
0xe5: {  	(xrf0) =	vmax.scan.msk.u32 $0xffff, v40  }
0xe6: {  	vm2 =	vgt.s32 v43, $0x0;
	vm3 =	vne.s32 v43, v42  }
.Ltmp6:
0xe7: {  	vm1 =	vne.s32 v41, $0x8007FFFF;
	v40 =	vnsel vm2, $0x0, v43;
	vm2 =	vmor vm3, vm0;
	(pc) =	sbr.rel @p1 .LBB2_10-.Ltmp6, $2  }
0xe8: {  	v40 =	vmin.u32 v40, $0x13F;
	vm2 =	vmand vm1, vm2;
	_ =	sdelay $0x2  }
0xe9: {  	s23 =	sadd.s32 $0x40, s23;
	v41, _, _ =	vpop (xrf0)  }
0xea: {  	_ =	sdelay $0x2  }
0xeb: {  	v41 =	vxor.u32 $0x80000000, v41  }
0xec: {  	v42 =	vld.idx.msk [tilespmem:v40+s24+$0x0], $0xffff;
	v43 =	vsub.s32 v12, v41  }
0xed: {  	s15 =	sshra.s32 s22, $0x2;
	[tilespmem:v40+s24+$0x0] =	vst.idx.add.s32.msk vm2, v43  }
0xee: {  	v40 =	vld [tilespmem:s15+$0x0];
	_ =	sdelay $0x4  }
0xef: {  	v52 =	vshrl.u32 v40, $0xC  }
0xf0: {  	vm2 =	vge.u32 v52, v0;
	vm3 =	vlt.u32 v52, v1;
	v43 =	vsub.s32 v52, v0  }
0xf1: {  	vm2 =	vmand vm2, vm3;
	v43 =	vxor.u32 $0x80000000, v43  }
0xf2: {  	v43 =	vnsel vm2, $0x8007FFFF, v43  }
0xf3: {  	(xrf1) =	vsort.ascd.msk.u32 $0xffff, v43, v7;
	_ =	sdelay $0xd  }
0xf4: {  	v43, v44, _ =	vpop (xrf1)  }
0xf5: {  	v45 =	vxor.u32 $0x80000000, v43  }
0xf6: {  	v46 =	vperm.xlane v45, v9  }
0xf7: {  	vm2 =	vgt.s32 v45, $0x0  }
0xf8: {  	v53 =	vnsel vm2, $0x0, v45;
	vm3 =	veq.s32 v45, v46  }
0xf9: {  	v48 =	vperm.xlane v45, v11;
	v46 =	vmin.u32 v53, $0x13F;
	v47 =	vsel vm3, $0x80000000, v10  }
0xfa: {  	v41 =	vsub.s32 v42, v41;
	(xrf0) =	vmax.scan.msk.u32 $0xffff, v47  }
0xfb: {  	[tilespmem:s0+$0x6700] =	vst v39;
	v54 =	vadd.s32 v7, v41;
	vm2 =	vne.s32 v45, v48  }
0xfc: {  	s1 =	sadd.s32 $0x10, s1;
	[tilespmem:s0+$0x8100] =	vst v38;
	v55 =	vnsel vm1, $0x24300, v54;
	vm1 =	vne.s32 v43, $0x8007FFFF;
	vm2 =	vmor vm2, vm0  }
0xfd: {  	v56 =	vor.u32 s1, v7;
	[tilespmem:s0+$0x4D00] =	vst v55;
	vm2 =	vmand vm1, vm2  }
0xfe: {  	v38 =	vand.u32 $0xFFF, v56;
	v57 =	vld.idx.msk [tilespmem:v46+s24+$0x0], $0xffff  }
0xff: {  	v58 =	vmov s1;
	v38 =	vmul.u32 $0x1A, v38;
	v59 =	vshrl.u32 v44, $0x1B  }
0x100: {  	v41 =	vshrl.u32 v58, $0xC;
	v42 =	vand.u32 $0x10, v59;
	v60, _, _ =	vpop (xrf0)  }
0x101: {  	v38 =	vadd.s32 v41, v38;
	v61 =	vadd.s32 v44, v42;
	v62 =	vxor.u32 $0x80000000, v60  }
0x102: {  	v38 =	vperm.xlane v38, v61;
	v43 =	vsub.s32 v12, v62  }
0x103: {  	v40 =	vperm.xlane v40, v61;
	v39 =	vsub.s32 v57, v62;
	[tilespmem:v46+s24+$0x0] =	vst.idx.add.s32.msk vm2, v43  }
0x104: {  	v63 =	vadd.s32 v7, v39;
	[tilespmem:s15+$0x6700] =	vst v38  }
0x105: {  	[tilespmem:s15+$0x8100] =	vst v40;
	v38 =	vnsel vm1, $0x24300, v63  }
0x106: {  	s18 =	simm.s32 $0x1A00;
	s19 =	simm.s32 $0x4D00;
	s22 =	simm.s32 $0x6700;
	[tilespmem:s15+$0x4D00] =	vst v38  }
0x107: {  	[spmem:s2] =	stream.indirect.scatter [tilespmem:s22], [sflag:$0x1], $0x1, s19, s18, $0xb8;
	[tilespmem:$0x1F0C0] =	vst v63  }
0x108: {  	_ =	swait.ge [sflag:s31], $0x1A00  }
0x109: {  	[sflag:s31] =	ssyncset.done $0x0  }
.Ltmp7:
0x10a: {  	s23 =	simm.s32 $0x8100;
	[sflag:s31] =	ssyncadd.s32 $0xFFFFE600;
	(pc) =	sbr.rel .LBB2_12-.Ltmp7, $4  }
0x10b: {  	[spmem:s4] =	stream.indirect.scatter [tilespmem:s23], [sflag:$0x1], $0x1, s19, s18, $0xb8;
	[tilespmem:$0x1F0C0] =	vst v63  }
0x10c: {  	_ =	swait.ge [sflag:s31], $0x1A00  }
0x10d: {  	v37 =	vperm.xlane v37, v3;
	[sflag:s31] =	ssyncset.done $0x0;
	s1 =	rddreg [dreg:$0xe]  }
0x10e: {  	s0 =	simm.s32 $0x0;
	s22 =	rddreg [dreg:$0x14];
	[sflag:s31] =	ssyncadd.s32 $0xFFFFE600  }
.LBB2_14:
0x10f: {  	s0 =	sadd.s32 $0x80, s0  }
0x110: {  	p1 =	sne.s32 s0, $0xA00  }
.Ltmp8:
0x111: {  	_ = 	snop;
	(pc) =	sbr.rel @!p1 .LBB2_15-.Ltmp8, $2  }
0x112: {  	_ =	sdelay $0x2  }
0x113: {  	s22 =	sadd.s32 $0x1, s22;
	s1 =	sadd.s32 $0x1, s1  }
.LBB2_12:
0x114: {  	s15 =	sadd.s32 s22, s7  }
0x115: {  	s15 =	sadd.s32 $0xFFFFFFFF, s15  }
0x116: {  	p1 =	sge.u32 s15, s8  }
.Ltmp9:
0x117: {  	_ = 	snop;
	(pc) =	sbr.rel @p1 .LBB2_14-.Ltmp9, $1  }
0x118: {  	_ =	sdelay $0x3  }
0x119: {  	s15 =	sadd.s32 s0, s21  }
0x11a: {  	s18 =	sadd.s32 $0xFFFFFFFF, s22;
	p1 =	sne.s32 s15, $0x0;
	s15 =	simm.s32 $0x1  }
0x11b: {  	s19 =	sshra.s32 s18, $0x1F;
	s15 =	simm.s32 @!p1 $0x0  }
0x11c: {  	s23 =	sand.u32 $0x7, s18;
	s15 =	sor.u32 s15, s19  }
0x11d: {  	p2 =	sne.s32 s23, $0x0;
	p4 =	sne.s32 s15, $0x1  }
0x11e: {  	p1 =	por !p2, !p4  }
0x11f: {  	s15 =	simm.s32 $0xFFFFFFFF;
	p1 =	por !p1, !p1  }
0x120: {  	s15 =	simm.s32 @!p1 $0x0  }
0x121: {  	s15 =	sshll.u32 s15, $0x3  }
0x122: {  	s23 =	sadd.s32 s15, s1  }
0x123: {  	s15 =	sadd.s32 s15, s18;
	s19 =	sxor.u32 $0xFFFFFFFF, s23  }
0x124: {  	s15 =	sand.u32 $0xFFFFFFF8, s15;
	s19 =	sor.u32 $0x7, s19  }
0x125: {  	v38 =	vld [tilespmem:s15+$0x3380];
	s19 =	sadd.s32 s22, s19  }
0x126: {  	v40 =	vld [tilespmem:s15+$0x1A580];
	v39 =	vmov s19  }
0x127: {  	v39 =	vshrl.u32 v39, $0x1B  }
0x128: {  	v39 =	vand.u32 $0x10, v39  }
0x129: {  	v39 =	vadd.s32 s19, v39  }
0x12a: {  	v38 =	vperm.xlane v38, v39  }
0x12b: {  	v39 =	vperm.xlane v40, v39  }
0x12c: {  	(v2sf) =	vpush v38, $0x0  }
0x12d: {  	(v2sf) =	vpush v39, $0x0  }
0x12e: {  	s23 =	sand.u32 $0x7, s22  }
0x12f: {  	p5 =	slt.s32 s18, $0xFFFFFFFF;
	p6 =	sne.s32 s23, $0x0  }
0x130: {  	p1 =	por !p6, !p5  }
0x131: {  	s15 =	simm.s32 $0xFFFFFFFF;
	p1 =	por !p1, !p1  }
0x132: {  	s15 =	simm.s32 @!p1 $0x0  }
0x133: {  	s15 =	sshll.u32 s15, $0x3  }
0x134: {  	s15 =	sadd.s32 s15, s22  }
0x135: {  	s15 =	sand.u32 $0xFFFFFFF8, s15  }
0x136: {  	v53 =	vld [tilespmem:s15+$0x3380];
	_ =	sdelay $0x2  }
0x137: {  	s15 =	ssub.s32 s22, s15  }
0x138: {  	v54 =	vmov s15  }
0x139: {  	s23 =	rddreg [dreg:$0x15];
	v38 =	vperm.xlane v53, v54;
	s18 =	spop (v2sf)  }
0x13a: {  	s23 =	sadd.s32 s0, s23;
	s19 =	spop (v2sf)  }
0x13b: {  	v56 =	vor.u32 s23, v7;
	v38 =	vbroadcast v38, $0x0;
	s15 =	sadd.s32 s18, s19  }
0x13c: {  	v40 =	vand.u32 $0x38F, v56;
	v55 =	vadd.s32 s15, v7;
	s19 =	sadd.s32 $0x10, s15  }
0x13d: {  	v57 =	vor.u32 $0x1A000, v40;
	vm1 =	vlt.s32 v55, v38;
	v41 =	vadd.s32 s19, v7;
	s19 =	sadd.s32 $0x10, s23  }
0x13e: {  	[tilespmem:$0x1A480] =	vst v57;
	v39 =	vsel vm1, v55, v13;
	vm1 =	vlt.s32 v41, v38;
	v58 =	vor.u32 s19, v7;
	s19 =	sadd.s32 $0x20, s15  }
0x13f: {  	[tilespmem:$0x1A500] =	vst v39;
	v59 =	vsel vm1, v41, v14;
	v40 =	vand.u32 $0x39F, v58;
	v60 =	vadd.s32 s19, v7;
	s19 =	sadd.s32 $0x20, s23  }
0x140: {  	[tilespmem:$0x1A510] =	vst v59;
	v61 =	vor.u32 $0x1A000, v40;
	vm1 =	vlt.s32 v60, v38;
	v62 =	vor.u32 s19, v7;
	s19 =	sadd.s32 $0x30, s15  }
0x141: {  	[tilespmem:$0x1A490] =	vst v61;
	v63 =	vsel vm1, v60, v15;
	v40 =	vand.u32 $0x3AF, v62;
	v44 =	vadd.s32 s19, v7;
	s19 =	sadd.s32 $0x30, s23  }
0x142: {  	[tilespmem:$0x1A520] =	vst v63;
	v45 =	vor.u32 $0x1A000, v40;
	vm1 =	vlt.s32 v44, v38;
	v46 =	vor.u32 s19, v7;
	s19 =	sadd.s32 $0x40, s15  }
0x143: {  	[tilespmem:$0x1A4A0] =	vst v45;
	v47 =	vsel vm1, v44, v16;
	v40 =	vand.u32 $0x3BF, v46;
	v48 =	vadd.s32 s19, v7;
	s19 =	sadd.s32 $0x40, s23  }
0x144: {  	[tilespmem:$0x1A530] =	vst v47;
	v49 =	vor.u32 $0x1A000, v40;
	vm1 =	vlt.s32 v48, v38;
	v50 =	vor.u32 s19, v7;
	s19 =	sadd.s32 $0x50, s15  }
0x145: {  	[tilespmem:$0x1A4B0] =	vst v49;
	v51 =	vsel vm1, v48, v17;
	v40 =	vand.u32 $0x3CF, v50;
	v52 =	vadd.s32 s19, v7;
	s19 =	sadd.s32 $0x50, s23  }
0x146: {  	[tilespmem:$0x1A540] =	vst v51;
	v53 =	vor.u32 $0x1A000, v40;
	vm1 =	vlt.s32 v52, v38;
	v54 =	vor.u32 s19, v7;
	s19 =	sadd.s32 $0x60, s15  }
0x147: {  	[tilespmem:$0x1A4C0] =	vst v53;
	v55 =	vsel vm1, v52, v19;
	v40 =	vand.u32 $0x3DF, v54;
	v56 =	vadd.s32 s19, v7;
	s19 =	sadd.s32 $0x60, s23  }
0x148: {  	s15 =	sadd.s32 $0x70, s15;
	[tilespmem:$0x1A550] =	vst v55;
	v57 =	vor.u32 $0x1A000, v40;
	vm1 =	vlt.s32 v56, v38;
	v58 =	vor.u32 s19, v7  }
0x149: {  	v60 =	vadd.s32 s15, v7;
	s23 =	sadd.s32 $0x70, s23;
	[tilespmem:$0x1A4D0] =	vst v57;
	v59 =	vsel vm1, v56, v20;
	v40 =	vand.u32 $0x3EF, v58  }
0x14a: {  	v62 =	vor.u32 s23, v7;
	vm1 =	vlt.s32 v60, v38;
	[tilespmem:$0x1A560] =	vst v59;
	v61 =	vor.u32 $0x1A000, v40  }
0x14b: {  	v38 =	vand.u32 $0x3FF, v62;
	v63 =	vsel vm1, v60, v21;
	[tilespmem:$0x1A4E0] =	vst v61  }
0x14c: {  	s18 =	simm.s32 $0x80;
	v38 =	vor.u32 $0x1A000, v38;
	[tilespmem:$0x1A570] =	vst v63  }
.Ltmp10:
0x14d: {  	s19 =	simm.s32 $0x1A500;
	s23 =	simm.s32 $0x1A480;
	[tilespmem:$0x1A4F0] =	vst v38;
	(pc) =	sbr.rel .LBB2_14-.Ltmp10, $4  }
0x14e: {  	[spmem:s2] =	stream.indirect.scatter [tilespmem:s23], [sflag:$0x1], $0x1, s19, s18, $0xb8;
	[tilespmem:$0x1F0C0] =	vst v63  }
0x14f: {  	_ =	swait.ge [sflag:s31], $0x80  }
0x150: {  	[sflag:s31] =	ssyncset.done $0x0  }
0x151: {  	[sflag:s31] =	ssyncadd.s32 $0xFFFFFF80  }
.LBB2_15:
.Ltmp11:
0x152: {  	(pc) =	sbr.rel .LBB2_16-.Ltmp11, $3  }
0x153: {  	_ =	sdelay $0x1  }
0x154: {  	[bflag:$0x0] =	sbarrier.arrive $0xFFFF  }
0x155: {  	s1 =	simm.s32 $0x0  }
.LBB2_19:
0x156: {  	s1 =	sadd.s32 $0x1, s1  }
0x157: {  	p1 =	sne.s32 s1, $0x14  }
.Ltmp12:
0x158: {  	_ = 	snop;
	(pc) =	sbr.rel @!p1 .LBB2_20-.Ltmp12, $1  }
0x159: {  	_ =	sdelay $0x3  }
.LBB2_16:
0x15a: {  	s0 =	sadd.s32 s1, s13  }
0x15b: {  	p1 =	sge.u32 s0, s8  }
0x15c: {  	p2 =	sgt.u32 @!p1 s0, $0x279  }
0x15d: {  	p3 =	por !p2, p1  }
0x15e: {  	p2 =	por p2, p1;
	s15 =	simm.s32 @!p3 $0x0;
	s18 =	simm.s32 @!p3 $0x9B00  }
0x15f: {  	[tilespmem:s18], [sflag:$0x2] =	stream.linear.gather @!p3 [hbm4b:s9+s15], $0x10000, $0x38;
	[tilespmem:$0x1F0C0] =	vst v63  }
0x160: {  	s19 =	simm.s32 @!p2 $0x13D6400;
	s15 =	sshll.u32 @!p2 s0, $0xC;
	s18 =	rddreg [dreg:$0x1]  }
0x161: {  	s21 =	simm.s32 @!p2 $0x9B00;
	s15 =	sadd.s32 @!p2 s18, s15;
	s18 =	simm.s32 @!p2 $0x8000  }
0x162: {  	[tilespmem:s21], [sflag:$0x2] =	stream.strided.gather @!p2 [hbm4b:s15+s18], $0x10000, s19, s18, $0x38;
	[tilespmem:$0x1F0C0] =	vst v63  }
0x163: {  	p2 =	sne.s32 @!p1 s0, s7  }
0x164: {  	s15 =	ssub.s32 @!p1 s0, s7;
	s18 =	simm.s32 @!p1 $0x1;
	p2 =	por !p2, p1  }
0x165: {  	s19 =	sshra.s32 @!p1 s15, $0x1F;
	s18 =	simm.s32 @p2 $0x0  }
0x166: {  	s21 =	sadd.s32 @!p1 $0x1, s15;
	s18 =	sor.u32 @!p1 s18, s19;
	s19 =	sand.u32 @!p1 $0x7, s15  }
0x167: {  	p2 =	sne.s32 @!p1 s18, $0x1;
	p3 =	sne.s32 @!p1 s19, $0x0;
	s18 =	sand.u32 @!p1 $0x7, s21  }
0x168: {  	p2 =	por @!p1 !p3, !p2;
	p3 =	slt.s32 @!p1 s15, $0xFFFFFFFF;
	p4 =	sne.s32 @!p1 s18, $0x0  }
0x169: {  	s22 =	simm.s32 @!p1 $0xFFFFFFFF;
	p3 =	por @!p1 !p4, !p3;
	p2 =	por @!p1 !p2, !p2  }
0x16a: {  	s19 =	simm.s32 @!p1 $0xFFFFFFFF;
	p2 =	por !p2, p1;
	p3 =	por @!p1 !p3, !p3  }
0x16b: {  	s18 =	simm.s32 @!p1 $0x2;
	s19 =	simm.s32 @p2 $0x0;
	p2 =	por !p3, p1  }
0x16c: {  	_ =	swait.ge @!p1 [sflag:s18], $0x10000;
	s19 =	sshll.u32 @!p1 s19, $0x3;
	s22 =	simm.s32 @p2 $0x0  }
0x16d: {  	[sflag:s18] =	ssyncset.done @!p1 $0x0;
	s19 =	sadd.s32 @!p1 s19, s15;
	s22 =	sshll.u32 @!p1 s22, $0x3  }
0x16e: {  	[sflag:s18] =	ssyncadd.s32 @!p1 $0xFFFF0000;
	s18 =	sand.u32 @!p1 $0xFFFFFFF8, s19;
	s19 =	sadd.s32 @!p1 s22, s21  }
0x16f: {  	v38 =	vld @!p1 [tilespmem:s18+$0x3380];
	s19 =	sand.u32 @!p1 $0xFFFFFFF8, s19  }
0x170: {  	v39 =	vld @!p1 [tilespmem:s19+$0x3380]  }
0x171: {  	s15 =	ssub.s32 @!p1 s15, s18  }
0x172: {  	v40 =	vmov @!p1 s15;
	s15 =	ssub.s32 @!p1 s21, s19  }
0x173: {  	v40 =	vadd.s32 @!p1 $0x10, v40;
	v41 =	vmov @!p1 s15  }
0x174: {  	v38 =	vperm.xlane @!p1 v38, v40;
	v40 =	vadd.s32 @!p1 $0x10, v41  }
0x175: {  	v39 =	vperm.xlane @!p1 v39, v40  }
0x176: {  	(v2sf) =	vpush @!p1 v38, $0x0  }
0x177: {  	(v2sf) =	vpush @!p1 v39, $0x0;
	_ =	sdelay $0xd  }
0x178: {  	s23 =	spop @!p1 (v2sf)  }
0x179: {  	s15 =	spop @!p1 (v2sf)  }
0x17a: {  	s15 =	ssub.s32 @!p1 s15, s23  }
0x17b: {  	p2 =	slt.s32 @!p1 s15, $0x80  }
0x17c: {  	p2 =	por p1, p2  }
.Ltmp13:
0x17d: {  	_ = 	snop;
	(pc) =	sbr.rel @p2 .LBB2_19-.Ltmp13, $1  }
0x17e: {  	_ =	sdelay $0x3  }
0x17f: {  	s18 =	sshra.s32 @!p1 s15, $0x1F;
	s0 =	sshll.u32 s0, $0xC;
	s21 =	sand.u32 $0x78, s23  }
0x180: {  	s19 =	sshll.u32 s23, $0x1;
	s18 =	sshrl.u32 @!p1 s18, $0x19;
	[dreg:$0xb] =	wrdreg s21  }
0x181: {  	s21 =	rddreg [dreg:$0x16];
	s15 =	sadd.s32 @!p1 s18, s15;
	s18 =	sand.u32 $0x7, s23  }
0x182: {  	v38 =	vmov s0;
	s0 =	sadd.s32 s19, s21;
	s22 =	sshra.s32 @!p1 s15, $0x7;
	p1 =	seq.s32 s18, $0x0  }
.LBB2_18:
0x183: {  	s15 =	sand.u32 $0xFFFFFF80, s23  }
0x184: {  	s18 =	sadd.s32 s15, s2  }
0x185: {  	[tilespmem:s30], [sflag:$0x2] =	stream.linear.gather [spmem:s18], $0x80, $0x38;
	[tilespmem:$0x1F0C0] =	vst v63  }
0x186: {  	_ =	swait.ge [sflag:s20], $0x80  }
0x187: {  	[sflag:s20] =	ssyncset.done $0x0  }
0x188: {  	s15 =	sadd.s32 s15, s4;
	s21 =	rddreg [dreg:$0xc];
	[sflag:s20] =	ssyncadd.s32 $0xFFFFFF80  }
0x189: {  	[tilespmem:s21], [sflag:$0x2] =	stream.linear.gather [spmem:s15], $0x80, $0x38;
	[tilespmem:$0x1F0C0] =	vst v63  }
0x18a: {  	_ =	swait.ge [sflag:s20], $0x80  }
0x18b: {  	[sflag:s20] =	ssyncset.done $0x0  }
0x18c: {  	[sflag:s20] =	ssyncadd.s32 $0xFFFFFF80  }
0x18d: {  	v39 =	vld [tilespmem:$0x19B80];
	_ =	sdelay $0x4  }
0x18e: {  	v39 =	vsub.s32 v39, v38  }
0x18f: {  	vm1 =	vgt.s32 v39, $0x0  }
0x190: {  	v39 =	vnsel vm1, $0x0, v39  }
0x191: {  	v39 =	vmin.u32 v39, $0xFFF  }
0x192: {  	v40 =	vshll.u32 v39, $0x3  }
0x193: {  	v39 =	vand.u32 $0x7F, v39;
	v40 =	vand.u32 $0x7C00, v40  }
0x194: {  	v39 =	vor.u32 v39, v40;
	_ =	sdelay $0x4  }
0x195: {  	v40 =	vld.idx.msk [tilespmem:v39+s3+$0x0], $0xffff  }
0x196: {  	v41 =	vor.u32 $0x80, v39;
	_ =	sdelay $0x3  }
0x197: {  	[tilespmem:v18+s11+$0x0] =	vst.idx.msk $0xffff, v40  }
0x198: {  	v40 =	vld.idx.msk [tilespmem:v41+s3+$0x0], $0xffff  }
0x199: {  	v46 =	vor.u32 $0x100, v39;
	_ =	sdelay $0x3  }
0x19a: {  	[tilespmem:v22+s11+$0x0] =	vst.idx.msk $0xffff, v40  }
0x19b: {  	v40 =	vld.idx.msk [tilespmem:v46+s3+$0x0], $0xffff  }
0x19c: {  	v47 =	vor.u32 $0x180, v39;
	_ =	sdelay $0x3  }
0x19d: {  	[tilespmem:v23+s11+$0x0] =	vst.idx.msk $0xffff, v40  }
0x19e: {  	v40 =	vld.idx.msk [tilespmem:v47+s3+$0x0], $0xffff  }
0x19f: {  	v48 =	vor.u32 $0x200, v39;
	_ =	sdelay $0x3  }
0x1a0: {  	[tilespmem:v24+s11+$0x0] =	vst.idx.msk $0xffff, v40  }
0x1a1: {  	v40 =	vld.idx.msk [tilespmem:v48+s3+$0x0], $0xffff  }
0x1a2: {  	v49 =	vor.u32 $0x280, v39;
	_ =	sdelay $0x3  }
0x1a3: {  	[tilespmem:v25+s11+$0x0] =	vst.idx.msk $0xffff, v40  }
0x1a4: {  	v40 =	vld.idx.msk [tilespmem:v49+s3+$0x0], $0xffff  }
0x1a5: {  	v50 =	vor.u32 $0x300, v39;
	_ =	sdelay $0x3  }
0x1a6: {  	[tilespmem:v26+s11+$0x0] =	vst.idx.msk $0xffff, v40  }
0x1a7: {  	v40 =	vld.idx.msk [tilespmem:v50+s3+$0x0], $0xffff  }
0x1a8: {  	v51 =	vor.u32 $0x380, v39;
	_ =	sdelay $0x3  }
0x1a9: {  	[tilespmem:v27+s11+$0x0] =	vst.idx.msk $0xffff, v40  }
0x1aa: {  	v40 =	vld.idx.msk [tilespmem:v51+s3+$0x0], $0xffff  }
0x1ab: {  	v52 =	vor.u32 $0x8000, v39;
	_ =	sdelay $0x3  }
0x1ac: {  	[tilespmem:v28+s11+$0x0] =	vst.idx.msk $0xffff, v40  }
0x1ad: {  	v40 =	vld.idx.msk [tilespmem:v52+s3+$0x0], $0xffff  }
0x1ae: {  	v53 =	vor.u32 $0x8080, v39;
	_ =	sdelay $0x3  }
0x1af: {  	[tilespmem:v29+s11+$0x0] =	vst.idx.msk $0xffff, v40  }
0x1b0: {  	v40 =	vld.idx.msk [tilespmem:v53+s3+$0x0], $0xffff  }
0x1b1: {  	v54 =	vor.u32 $0x8100, v39;
	_ =	sdelay $0x3  }
0x1b2: {  	[tilespmem:v30+s11+$0x0] =	vst.idx.msk $0xffff, v40  }
0x1b3: {  	v40 =	vld.idx.msk [tilespmem:v54+s3+$0x0], $0xffff  }
0x1b4: {  	v55 =	vor.u32 $0x8180, v39;
	_ =	sdelay $0x3  }
0x1b5: {  	[tilespmem:v31+s11+$0x0] =	vst.idx.msk $0xffff, v40  }
0x1b6: {  	v40 =	vld.idx.msk [tilespmem:v55+s3+$0x0], $0xffff  }
0x1b7: {  	v56 =	vor.u32 $0x8200, v39;
	_ =	sdelay $0x3  }
0x1b8: {  	[tilespmem:v32+s11+$0x0] =	vst.idx.msk $0xffff, v40  }
0x1b9: {  	v40 =	vld.idx.msk [tilespmem:v56+s3+$0x0], $0xffff  }
0x1ba: {  	v57 =	vor.u32 $0x8280, v39;
	_ =	sdelay $0x3  }
0x1bb: {  	[tilespmem:v33+s11+$0x0] =	vst.idx.msk $0xffff, v40  }
0x1bc: {  	v40 =	vld.idx.msk [tilespmem:v57+s3+$0x0], $0xffff  }
0x1bd: {  	v58 =	vor.u32 $0x8300, v39;
	_ =	sdelay $0x3  }
0x1be: {  	[tilespmem:v34+s11+$0x0] =	vst.idx.msk $0xffff, v40  }
0x1bf: {  	v40 =	vld.idx.msk [tilespmem:v58+s3+$0x0], $0xffff  }
0x1c0: {  	v39 =	vor.u32 $0x8380, v39;
	_ =	sdelay $0x3  }
0x1c1: {  	[tilespmem:v35+s11+$0x0] =	vst.idx.msk $0xffff, v40  }
0x1c2: {  	v39 =	vld.idx.msk [tilespmem:v39+s3+$0x0], $0xffff;
	_ =	sdelay $0x4  }
0x1c3: {  	[tilespmem:v36+s11+$0x0] =	vst.idx.msk $0xffff, v39  }
0x1c4: {  	v39 =	vld [tilespmem:$0x19B90];
	_ =	sdelay $0x4  }
0x1c5: {  	v39 =	vsub.s32 v39, v38  }
0x1c6: {  	vm1 =	vgt.s32 v39, $0x0  }
0x1c7: {  	v39 =	vnsel vm1, $0x0, v39  }
0x1c8: {  	v39 =	vmin.u32 v39, $0xFFF  }
0x1c9: {  	v59 =	vshll.u32 v39, $0x3  }
0x1ca: {  	v39 =	vand.u32 $0x7F, v39;
	v40 =	vand.u32 $0x7C00, v59  }
0x1cb: {  	v39 =	vor.u32 v39, v40;
	_ =	sdelay $0x4  }
0x1cc: {  	v40 =	vld.idx.msk [tilespmem:v39+s3+$0x0], $0xffff  }
0x1cd: {  	v60 =	vor.u32 $0x80, v39;
	_ =	sdelay $0x3  }
0x1ce: {  	[tilespmem:v18+s12+$0x0] =	vst.idx.msk $0xffff, v40  }
0x1cf: {  	v40 =	vld.idx.msk [tilespmem:v60+s3+$0x0], $0xffff  }
0x1d0: {  	v61 =	vor.u32 $0x100, v39;
	_ =	sdelay $0x3  }
0x1d1: {  	[tilespmem:v22+s12+$0x0] =	vst.idx.msk $0xffff, v40  }
0x1d2: {  	v40 =	vld.idx.msk [tilespmem:v61+s3+$0x0], $0xffff  }
0x1d3: {  	v62 =	vor.u32 $0x180, v39;
	_ =	sdelay $0x3  }
0x1d4: {  	[tilespmem:v23+s12+$0x0] =	vst.idx.msk $0xffff, v40  }
0x1d5: {  	v40 =	vld.idx.msk [tilespmem:v62+s3+$0x0], $0xffff  }
0x1d6: {  	v63 =	vor.u32 $0x200, v39;
	_ =	sdelay $0x3  }
0x1d7: {  	[tilespmem:v24+s12+$0x0] =	vst.idx.msk $0xffff, v40  }
0x1d8: {  	v40 =	vld.idx.msk [tilespmem:v63+s3+$0x0], $0xffff  }
0x1d9: {  	v44 =	vor.u32 $0x280, v39;
	_ =	sdelay $0x3  }
0x1da: {  	[tilespmem:v25+s12+$0x0] =	vst.idx.msk $0xffff, v40  }
0x1db: {  	v40 =	vld.idx.msk [tilespmem:v44+s3+$0x0], $0xffff  }
0x1dc: {  	v45 =	vor.u32 $0x300, v39;
	_ =	sdelay $0x3  }
0x1dd: {  	[tilespmem:v26+s12+$0x0] =	vst.idx.msk $0xffff, v40  }
0x1de: {  	v40 =	vld.idx.msk [tilespmem:v45+s3+$0x0], $0xffff  }
0x1df: {  	v46 =	vor.u32 $0x380, v39;
	_ =	sdelay $0x3  }
0x1e0: {  	[tilespmem:v27+s12+$0x0] =	vst.idx.msk $0xffff, v40  }
0x1e1: {  	v40 =	vld.idx.msk [tilespmem:v46+s3+$0x0], $0xffff  }
0x1e2: {  	v47 =	vor.u32 $0x8000, v39;
	_ =	sdelay $0x3  }
0x1e3: {  	[tilespmem:v28+s12+$0x0] =	vst.idx.msk $0xffff, v40  }
0x1e4: {  	v40 =	vld.idx.msk [tilespmem:v47+s3+$0x0], $0xffff  }
0x1e5: {  	v48 =	vor.u32 $0x8080, v39;
	_ =	sdelay $0x3  }
0x1e6: {  	[tilespmem:v29+s12+$0x0] =	vst.idx.msk $0xffff, v40  }
0x1e7: {  	v40 =	vld.idx.msk [tilespmem:v48+s3+$0x0], $0xffff  }
0x1e8: {  	v49 =	vor.u32 $0x8100, v39;
	_ =	sdelay $0x3  }
0x1e9: {  	[tilespmem:v30+s12+$0x0] =	vst.idx.msk $0xffff, v40  }
0x1ea: {  	v40 =	vld.idx.msk [tilespmem:v49+s3+$0x0], $0xffff  }
0x1eb: {  	v50 =	vor.u32 $0x8180, v39;
	_ =	sdelay $0x3  }
0x1ec: {  	[tilespmem:v31+s12+$0x0] =	vst.idx.msk $0xffff, v40  }
0x1ed: {  	v40 =	vld.idx.msk [tilespmem:v50+s3+$0x0], $0xffff  }
0x1ee: {  	v51 =	vor.u32 $0x8200, v39;
	_ =	sdelay $0x3  }
0x1ef: {  	[tilespmem:v32+s12+$0x0] =	vst.idx.msk $0xffff, v40  }
0x1f0: {  	v40 =	vld.idx.msk [tilespmem:v51+s3+$0x0], $0xffff  }
0x1f1: {  	v52 =	vor.u32 $0x8280, v39;
	_ =	sdelay $0x3  }
0x1f2: {  	[tilespmem:v33+s12+$0x0] =	vst.idx.msk $0xffff, v40  }
0x1f3: {  	v40 =	vld.idx.msk [tilespmem:v52+s3+$0x0], $0xffff  }
0x1f4: {  	v53 =	vor.u32 $0x8300, v39;
	_ =	sdelay $0x3  }
0x1f5: {  	[tilespmem:v34+s12+$0x0] =	vst.idx.msk $0xffff, v40  }
0x1f6: {  	v40 =	vld.idx.msk [tilespmem:v53+s3+$0x0], $0xffff  }
0x1f7: {  	v39 =	vor.u32 $0x8380, v39;
	_ =	sdelay $0x3  }
0x1f8: {  	[tilespmem:v35+s12+$0x0] =	vst.idx.msk $0xffff, v40  }
0x1f9: {  	v39 =	vld.idx.msk [tilespmem:v39+s3+$0x0], $0xffff;
	_ =	sdelay $0x4  }
0x1fa: {  	[tilespmem:v36+s12+$0x0] =	vst.idx.msk $0xffff, v39  }
0x1fb: {  	v39 =	vld [tilespmem:$0x19BA0];
	_ =	sdelay $0x4  }
0x1fc: {  	v39 =	vsub.s32 v39, v38  }
0x1fd: {  	vm1 =	vgt.s32 v39, $0x0  }
0x1fe: {  	v39 =	vnsel vm1, $0x0, v39  }
0x1ff: {  	v39 =	vmin.u32 v39, $0xFFF  }
0x200: {  	v54 =	vshll.u32 v39, $0x3  }
0x201: {  	v39 =	vand.u32 $0x7F, v39;
	v40 =	vand.u32 $0x7C00, v54  }
0x202: {  	v39 =	vor.u32 v39, v40;
	_ =	sdelay $0x4  }
0x203: {  	v40 =	vld.idx.msk [tilespmem:v39+s3+$0x0], $0xffff  }
0x204: {  	v55 =	vor.u32 $0x80, v39;
	_ =	sdelay $0x3  }
0x205: {  	[tilespmem:v18+s14+$0x0] =	vst.idx.msk $0xffff, v40  }
0x206: {  	v40 =	vld.idx.msk [tilespmem:v55+s3+$0x0], $0xffff  }
0x207: {  	v56 =	vor.u32 $0x100, v39;
	_ =	sdelay $0x3  }
0x208: {  	[tilespmem:v22+s14+$0x0] =	vst.idx.msk $0xffff, v40  }
0x209: {  	v40 =	vld.idx.msk [tilespmem:v56+s3+$0x0], $0xffff  }
0x20a: {  	v57 =	vor.u32 $0x180, v39;
	_ =	sdelay $0x3  }
0x20b: {  	[tilespmem:v23+s14+$0x0] =	vst.idx.msk $0xffff, v40  }
0x20c: {  	v40 =	vld.idx.msk [tilespmem:v57+s3+$0x0], $0xffff  }
0x20d: {  	v58 =	vor.u32 $0x200, v39;
	_ =	sdelay $0x3  }
0x20e: {  	[tilespmem:v24+s14+$0x0] =	vst.idx.msk $0xffff, v40  }
0x20f: {  	v40 =	vld.idx.msk [tilespmem:v58+s3+$0x0], $0xffff  }
0x210: {  	v59 =	vor.u32 $0x280, v39;
	_ =	sdelay $0x3  }
0x211: {  	[tilespmem:v25+s14+$0x0] =	vst.idx.msk $0xffff, v40  }
0x212: {  	v40 =	vld.idx.msk [tilespmem:v59+s3+$0x0], $0xffff  }
0x213: {  	v60 =	vor.u32 $0x300, v39;
	_ =	sdelay $0x3  }
0x214: {  	[tilespmem:v26+s14+$0x0] =	vst.idx.msk $0xffff, v40  }
0x215: {  	v40 =	vld.idx.msk [tilespmem:v60+s3+$0x0], $0xffff  }
0x216: {  	v61 =	vor.u32 $0x380, v39;
	_ =	sdelay $0x3  }
0x217: {  	[tilespmem:v27+s14+$0x0] =	vst.idx.msk $0xffff, v40  }
0x218: {  	v40 =	vld.idx.msk [tilespmem:v61+s3+$0x0], $0xffff  }
0x219: {  	v62 =	vor.u32 $0x8000, v39;
	_ =	sdelay $0x3  }
0x21a: {  	[tilespmem:v28+s14+$0x0] =	vst.idx.msk $0xffff, v40  }
0x21b: {  	v40 =	vld.idx.msk [tilespmem:v62+s3+$0x0], $0xffff  }
0x21c: {  	v63 =	vor.u32 $0x8080, v39;
	_ =	sdelay $0x3  }
0x21d: {  	[tilespmem:v29+s14+$0x0] =	vst.idx.msk $0xffff, v40  }
0x21e: {  	v40 =	vld.idx.msk [tilespmem:v63+s3+$0x0], $0xffff  }
0x21f: {  	v44 =	vor.u32 $0x8100, v39;
	_ =	sdelay $0x3  }
0x220: {  	[tilespmem:v30+s14+$0x0] =	vst.idx.msk $0xffff, v40  }
0x221: {  	v40 =	vld.idx.msk [tilespmem:v44+s3+$0x0], $0xffff  }
0x222: {  	v45 =	vor.u32 $0x8180, v39;
	_ =	sdelay $0x3  }
0x223: {  	[tilespmem:v31+s14+$0x0] =	vst.idx.msk $0xffff, v40  }
0x224: {  	v40 =	vld.idx.msk [tilespmem:v45+s3+$0x0], $0xffff  }
0x225: {  	v46 =	vor.u32 $0x8200, v39;
	_ =	sdelay $0x3  }
0x226: {  	[tilespmem:v32+s14+$0x0] =	vst.idx.msk $0xffff, v40  }
0x227: {  	v40 =	vld.idx.msk [tilespmem:v46+s3+$0x0], $0xffff  }
0x228: {  	v47 =	vor.u32 $0x8280, v39;
	_ =	sdelay $0x3  }
0x229: {  	[tilespmem:v33+s14+$0x0] =	vst.idx.msk $0xffff, v40  }
0x22a: {  	v40 =	vld.idx.msk [tilespmem:v47+s3+$0x0], $0xffff  }
0x22b: {  	v48 =	vor.u32 $0x8300, v39;
	_ =	sdelay $0x3  }
0x22c: {  	[tilespmem:v34+s14+$0x0] =	vst.idx.msk $0xffff, v40  }
0x22d: {  	v40 =	vld.idx.msk [tilespmem:v48+s3+$0x0], $0xffff  }
0x22e: {  	v39 =	vor.u32 $0x8380, v39;
	_ =	sdelay $0x3  }
0x22f: {  	[tilespmem:v35+s14+$0x0] =	vst.idx.msk $0xffff, v40  }
0x230: {  	v39 =	vld.idx.msk [tilespmem:v39+s3+$0x0], $0xffff;
	_ =	sdelay $0x4  }
0x231: {  	[tilespmem:v36+s14+$0x0] =	vst.idx.msk $0xffff, v39  }
0x232: {  	v39 =	vld [tilespmem:$0x19BB0];
	_ =	sdelay $0x4  }
0x233: {  	v39 =	vsub.s32 v39, v38  }
0x234: {  	vm1 =	vgt.s32 v39, $0x0  }
0x235: {  	v39 =	vnsel vm1, $0x0, v39  }
0x236: {  	v39 =	vmin.u32 v39, $0xFFF  }
0x237: {  	v49 =	vshll.u32 v39, $0x3  }
0x238: {  	v39 =	vand.u32 $0x7F, v39;
	v40 =	vand.u32 $0x7C00, v49  }
0x239: {  	v39 =	vor.u32 v39, v40;
	_ =	sdelay $0x4  }
0x23a: {  	v40 =	vld.idx.msk [tilespmem:v39+s3+$0x0], $0xffff  }
0x23b: {  	v50 =	vor.u32 $0x80, v39;
	_ =	sdelay $0x3  }
0x23c: {  	[tilespmem:v18+s16+$0x0] =	vst.idx.msk $0xffff, v40  }
0x23d: {  	v40 =	vld.idx.msk [tilespmem:v50+s3+$0x0], $0xffff  }
0x23e: {  	v51 =	vor.u32 $0x100, v39;
	_ =	sdelay $0x3  }
0x23f: {  	[tilespmem:v22+s16+$0x0] =	vst.idx.msk $0xffff, v40  }
0x240: {  	v40 =	vld.idx.msk [tilespmem:v51+s3+$0x0], $0xffff  }
0x241: {  	v52 =	vor.u32 $0x180, v39;
	_ =	sdelay $0x3  }
0x242: {  	[tilespmem:v23+s16+$0x0] =	vst.idx.msk $0xffff, v40  }
0x243: {  	v40 =	vld.idx.msk [tilespmem:v52+s3+$0x0], $0xffff  }
0x244: {  	v53 =	vor.u32 $0x200, v39;
	_ =	sdelay $0x3  }
0x245: {  	[tilespmem:v24+s16+$0x0] =	vst.idx.msk $0xffff, v40  }
0x246: {  	v40 =	vld.idx.msk [tilespmem:v53+s3+$0x0], $0xffff  }
0x247: {  	v54 =	vor.u32 $0x280, v39;
	_ =	sdelay $0x3  }
0x248: {  	[tilespmem:v25+s16+$0x0] =	vst.idx.msk $0xffff, v40  }
0x249: {  	v40 =	vld.idx.msk [tilespmem:v54+s3+$0x0], $0xffff  }
0x24a: {  	v55 =	vor.u32 $0x300, v39;
	_ =	sdelay $0x3  }
0x24b: {  	[tilespmem:v26+s16+$0x0] =	vst.idx.msk $0xffff, v40  }
0x24c: {  	v40 =	vld.idx.msk [tilespmem:v55+s3+$0x0], $0xffff  }
0x24d: {  	v56 =	vor.u32 $0x380, v39;
	_ =	sdelay $0x3  }
0x24e: {  	[tilespmem:v27+s16+$0x0] =	vst.idx.msk $0xffff, v40  }
0x24f: {  	v40 =	vld.idx.msk [tilespmem:v56+s3+$0x0], $0xffff  }
0x250: {  	v57 =	vor.u32 $0x8000, v39;
	_ =	sdelay $0x3  }
0x251: {  	[tilespmem:v28+s16+$0x0] =	vst.idx.msk $0xffff, v40  }
0x252: {  	v40 =	vld.idx.msk [tilespmem:v57+s3+$0x0], $0xffff  }
0x253: {  	v58 =	vor.u32 $0x8080, v39;
	_ =	sdelay $0x3  }
0x254: {  	[tilespmem:v29+s16+$0x0] =	vst.idx.msk $0xffff, v40  }
0x255: {  	v40 =	vld.idx.msk [tilespmem:v58+s3+$0x0], $0xffff  }
0x256: {  	v59 =	vor.u32 $0x8100, v39;
	_ =	sdelay $0x3  }
0x257: {  	[tilespmem:v30+s16+$0x0] =	vst.idx.msk $0xffff, v40  }
0x258: {  	v40 =	vld.idx.msk [tilespmem:v59+s3+$0x0], $0xffff  }
0x259: {  	v60 =	vor.u32 $0x8180, v39;
	_ =	sdelay $0x3  }
0x25a: {  	[tilespmem:v31+s16+$0x0] =	vst.idx.msk $0xffff, v40  }
0x25b: {  	v40 =	vld.idx.msk [tilespmem:v60+s3+$0x0], $0xffff  }
0x25c: {  	v61 =	vor.u32 $0x8200, v39;
	_ =	sdelay $0x3  }
0x25d: {  	[tilespmem:v32+s16+$0x0] =	vst.idx.msk $0xffff, v40  }
0x25e: {  	v40 =	vld.idx.msk [tilespmem:v61+s3+$0x0], $0xffff  }
0x25f: {  	v62 =	vor.u32 $0x8280, v39;
	_ =	sdelay $0x3  }
0x260: {  	[tilespmem:v33+s16+$0x0] =	vst.idx.msk $0xffff, v40  }
0x261: {  	v40 =	vld.idx.msk [tilespmem:v62+s3+$0x0], $0xffff  }
0x262: {  	v63 =	vor.u32 $0x8300, v39;
	_ =	sdelay $0x3  }
0x263: {  	[tilespmem:v34+s16+$0x0] =	vst.idx.msk $0xffff, v40  }
0x264: {  	v40 =	vld.idx.msk [tilespmem:v63+s3+$0x0], $0xffff  }
0x265: {  	v39 =	vor.u32 $0x8380, v39;
	_ =	sdelay $0x3  }
0x266: {  	[tilespmem:v35+s16+$0x0] =	vst.idx.msk $0xffff, v40  }
0x267: {  	v39 =	vld.idx.msk [tilespmem:v39+s3+$0x0], $0xffff;
	_ =	sdelay $0x4  }
0x268: {  	[tilespmem:v36+s16+$0x0] =	vst.idx.msk $0xffff, v39  }
0x269: {  	v39 =	vld [tilespmem:$0x19BC0];
	_ =	sdelay $0x4  }
0x26a: {  	v39 =	vsub.s32 v39, v38  }
0x26b: {  	vm1 =	vgt.s32 v39, $0x0  }
0x26c: {  	v39 =	vnsel vm1, $0x0, v39  }
0x26d: {  	v39 =	vmin.u32 v39, $0xFFF  }
0x26e: {  	v44 =	vshll.u32 v39, $0x3  }
0x26f: {  	v39 =	vand.u32 $0x7F, v39;
	v40 =	vand.u32 $0x7C00, v44  }
0x270: {  	v39 =	vor.u32 v39, v40;
	_ =	sdelay $0x4  }
0x271: {  	v40 =	vld.idx.msk [tilespmem:v39+s3+$0x0], $0xffff  }
0x272: {  	v45 =	vor.u32 $0x80, v39;
	_ =	sdelay $0x3  }
0x273: {  	[tilespmem:v18+s29+$0x0] =	vst.idx.msk $0xffff, v40  }
0x274: {  	v40 =	vld.idx.msk [tilespmem:v45+s3+$0x0], $0xffff  }
0x275: {  	v46 =	vor.u32 $0x100, v39;
	_ =	sdelay $0x3  }
0x276: {  	[tilespmem:v22+s29+$0x0] =	vst.idx.msk $0xffff, v40  }
0x277: {  	v40 =	vld.idx.msk [tilespmem:v46+s3+$0x0], $0xffff  }
0x278: {  	v47 =	vor.u32 $0x180, v39;
	_ =	sdelay $0x3  }
0x279: {  	[tilespmem:v23+s29+$0x0] =	vst.idx.msk $0xffff, v40  }
0x27a: {  	v40 =	vld.idx.msk [tilespmem:v47+s3+$0x0], $0xffff  }
0x27b: {  	v48 =	vor.u32 $0x200, v39;
	_ =	sdelay $0x3  }
0x27c: {  	[tilespmem:v24+s29+$0x0] =	vst.idx.msk $0xffff, v40  }
0x27d: {  	v40 =	vld.idx.msk [tilespmem:v48+s3+$0x0], $0xffff  }
0x27e: {  	v49 =	vor.u32 $0x280, v39;
	_ =	sdelay $0x3  }
0x27f: {  	[tilespmem:v25+s29+$0x0] =	vst.idx.msk $0xffff, v40  }
0x280: {  	v40 =	vld.idx.msk [tilespmem:v49+s3+$0x0], $0xffff  }
0x281: {  	v50 =	vor.u32 $0x300, v39;
	_ =	sdelay $0x3  }
0x282: {  	[tilespmem:v26+s29+$0x0] =	vst.idx.msk $0xffff, v40  }
0x283: {  	v40 =	vld.idx.msk [tilespmem:v50+s3+$0x0], $0xffff  }
0x284: {  	v51 =	vor.u32 $0x380, v39;
	_ =	sdelay $0x3  }
0x285: {  	[tilespmem:v27+s29+$0x0] =	vst.idx.msk $0xffff, v40  }
0x286: {  	v40 =	vld.idx.msk [tilespmem:v51+s3+$0x0], $0xffff  }
0x287: {  	v52 =	vor.u32 $0x8000, v39;
	_ =	sdelay $0x3  }
0x288: {  	[tilespmem:v28+s29+$0x0] =	vst.idx.msk $0xffff, v40  }
0x289: {  	v40 =	vld.idx.msk [tilespmem:v52+s3+$0x0], $0xffff  }
0x28a: {  	v53 =	vor.u32 $0x8080, v39;
	_ =	sdelay $0x3  }
0x28b: {  	[tilespmem:v29+s29+$0x0] =	vst.idx.msk $0xffff, v40  }
0x28c: {  	v40 =	vld.idx.msk [tilespmem:v53+s3+$0x0], $0xffff  }
0x28d: {  	v54 =	vor.u32 $0x8100, v39;
	_ =	sdelay $0x3  }
0x28e: {  	[tilespmem:v30+s29+$0x0] =	vst.idx.msk $0xffff, v40  }
0x28f: {  	v40 =	vld.idx.msk [tilespmem:v54+s3+$0x0], $0xffff  }
0x290: {  	v55 =	vor.u32 $0x8180, v39;
	_ =	sdelay $0x3  }
0x291: {  	[tilespmem:v31+s29+$0x0] =	vst.idx.msk $0xffff, v40  }
0x292: {  	v40 =	vld.idx.msk [tilespmem:v55+s3+$0x0], $0xffff  }
0x293: {  	v56 =	vor.u32 $0x8200, v39;
	_ =	sdelay $0x3  }
0x294: {  	[tilespmem:v32+s29+$0x0] =	vst.idx.msk $0xffff, v40  }
0x295: {  	v40 =	vld.idx.msk [tilespmem:v56+s3+$0x0], $0xffff  }
0x296: {  	v57 =	vor.u32 $0x8280, v39;
	_ =	sdelay $0x3  }
0x297: {  	[tilespmem:v33+s29+$0x0] =	vst.idx.msk $0xffff, v40  }
0x298: {  	v40 =	vld.idx.msk [tilespmem:v57+s3+$0x0], $0xffff  }
0x299: {  	v58 =	vor.u32 $0x8300, v39;
	_ =	sdelay $0x3  }
0x29a: {  	[tilespmem:v34+s29+$0x0] =	vst.idx.msk $0xffff, v40  }
0x29b: {  	v40 =	vld.idx.msk [tilespmem:v58+s3+$0x0], $0xffff  }
0x29c: {  	v39 =	vor.u32 $0x8380, v39;
	_ =	sdelay $0x3  }
0x29d: {  	[tilespmem:v35+s29+$0x0] =	vst.idx.msk $0xffff, v40  }
0x29e: {  	v39 =	vld.idx.msk [tilespmem:v39+s3+$0x0], $0xffff;
	_ =	sdelay $0x4  }
0x29f: {  	[tilespmem:v36+s29+$0x0] =	vst.idx.msk $0xffff, v39  }
0x2a0: {  	v39 =	vld [tilespmem:$0x19BD0];
	_ =	sdelay $0x4  }
0x2a1: {  	v39 =	vsub.s32 v39, v38  }
0x2a2: {  	vm1 =	vgt.s32 v39, $0x0  }
0x2a3: {  	v39 =	vnsel vm1, $0x0, v39  }
0x2a4: {  	v39 =	vmin.u32 v39, $0xFFF  }
0x2a5: {  	v59 =	vshll.u32 v39, $0x3  }
0x2a6: {  	v39 =	vand.u32 $0x7F, v39;
	v40 =	vand.u32 $0x7C00, v59  }
0x2a7: {  	v39 =	vor.u32 v39, v40;
	_ =	sdelay $0x4  }
0x2a8: {  	v40 =	vld.idx.msk [tilespmem:v39+s3+$0x0], $0xffff  }
0x2a9: {  	v60 =	vor.u32 $0x80, v39;
	_ =	sdelay $0x3  }
0x2aa: {  	[tilespmem:v18+s17+$0x0] =	vst.idx.msk $0xffff, v40  }
0x2ab: {  	v40 =	vld.idx.msk [tilespmem:v60+s3+$0x0], $0xffff  }
0x2ac: {  	v61 =	vor.u32 $0x100, v39;
	_ =	sdelay $0x3  }
0x2ad: {  	[tilespmem:v22+s17+$0x0] =	vst.idx.msk $0xffff, v40  }
0x2ae: {  	v40 =	vld.idx.msk [tilespmem:v61+s3+$0x0], $0xffff  }
0x2af: {  	v62 =	vor.u32 $0x180, v39;
	_ =	sdelay $0x3  }
0x2b0: {  	[tilespmem:v23+s17+$0x0] =	vst.idx.msk $0xffff, v40  }
0x2b1: {  	v40 =	vld.idx.msk [tilespmem:v62+s3+$0x0], $0xffff  }
0x2b2: {  	v63 =	vor.u32 $0x200, v39;
	_ =	sdelay $0x3  }
0x2b3: {  	[tilespmem:v24+s17+$0x0] =	vst.idx.msk $0xffff, v40  }
0x2b4: {  	v40 =	vld.idx.msk [tilespmem:v63+s3+$0x0], $0xffff  }
0x2b5: {  	v44 =	vor.u32 $0x280, v39;
	_ =	sdelay $0x3  }
0x2b6: {  	[tilespmem:v25+s17+$0x0] =	vst.idx.msk $0xffff, v40  }
0x2b7: {  	v40 =	vld.idx.msk [tilespmem:v44+s3+$0x0], $0xffff  }
0x2b8: {  	v45 =	vor.u32 $0x300, v39;
	_ =	sdelay $0x3  }
0x2b9: {  	[tilespmem:v26+s17+$0x0] =	vst.idx.msk $0xffff, v40  }
0x2ba: {  	v40 =	vld.idx.msk [tilespmem:v45+s3+$0x0], $0xffff  }
0x2bb: {  	v46 =	vor.u32 $0x380, v39;
	_ =	sdelay $0x3  }
0x2bc: {  	[tilespmem:v27+s17+$0x0] =	vst.idx.msk $0xffff, v40  }
0x2bd: {  	v40 =	vld.idx.msk [tilespmem:v46+s3+$0x0], $0xffff  }
0x2be: {  	v47 =	vor.u32 $0x8000, v39;
	_ =	sdelay $0x3  }
0x2bf: {  	[tilespmem:v28+s17+$0x0] =	vst.idx.msk $0xffff, v40  }
0x2c0: {  	v40 =	vld.idx.msk [tilespmem:v47+s3+$0x0], $0xffff  }
0x2c1: {  	v48 =	vor.u32 $0x8080, v39;
	_ =	sdelay $0x3  }
0x2c2: {  	[tilespmem:v29+s17+$0x0] =	vst.idx.msk $0xffff, v40  }
0x2c3: {  	v40 =	vld.idx.msk [tilespmem:v48+s3+$0x0], $0xffff  }
0x2c4: {  	v49 =	vor.u32 $0x8100, v39;
	_ =	sdelay $0x3  }
0x2c5: {  	[tilespmem:v30+s17+$0x0] =	vst.idx.msk $0xffff, v40  }
0x2c6: {  	v40 =	vld.idx.msk [tilespmem:v49+s3+$0x0], $0xffff  }
0x2c7: {  	v50 =	vor.u32 $0x8180, v39;
	_ =	sdelay $0x3  }
0x2c8: {  	[tilespmem:v31+s17+$0x0] =	vst.idx.msk $0xffff, v40  }
0x2c9: {  	v40 =	vld.idx.msk [tilespmem:v50+s3+$0x0], $0xffff  }
0x2ca: {  	v51 =	vor.u32 $0x8200, v39;
	_ =	sdelay $0x3  }
0x2cb: {  	[tilespmem:v32+s17+$0x0] =	vst.idx.msk $0xffff, v40  }
0x2cc: {  	v40 =	vld.idx.msk [tilespmem:v51+s3+$0x0], $0xffff  }
0x2cd: {  	v52 =	vor.u32 $0x8280, v39;
	_ =	sdelay $0x3  }
0x2ce: {  	[tilespmem:v33+s17+$0x0] =	vst.idx.msk $0xffff, v40  }
0x2cf: {  	v40 =	vld.idx.msk [tilespmem:v52+s3+$0x0], $0xffff  }
0x2d0: {  	v53 =	vor.u32 $0x8300, v39;
	_ =	sdelay $0x3  }
0x2d1: {  	[tilespmem:v34+s17+$0x0] =	vst.idx.msk $0xffff, v40  }
0x2d2: {  	v40 =	vld.idx.msk [tilespmem:v53+s3+$0x0], $0xffff  }
0x2d3: {  	v39 =	vor.u32 $0x8380, v39;
	_ =	sdelay $0x3  }
0x2d4: {  	[tilespmem:v35+s17+$0x0] =	vst.idx.msk $0xffff, v40  }
0x2d5: {  	v39 =	vld.idx.msk [tilespmem:v39+s3+$0x0], $0xffff;
	_ =	sdelay $0x4  }
0x2d6: {  	[tilespmem:v36+s17+$0x0] =	vst.idx.msk $0xffff, v39  }
0x2d7: {  	v39 =	vld [tilespmem:$0x19BE0];
	_ =	sdelay $0x4  }
0x2d8: {  	v39 =	vsub.s32 v39, v38  }
0x2d9: {  	vm1 =	vgt.s32 v39, $0x0  }
0x2da: {  	v39 =	vnsel vm1, $0x0, v39  }
0x2db: {  	v39 =	vmin.u32 v39, $0xFFF  }
0x2dc: {  	v54 =	vshll.u32 v39, $0x3  }
0x2dd: {  	v39 =	vand.u32 $0x7F, v39;
	v40 =	vand.u32 $0x7C00, v54  }
0x2de: {  	v39 =	vor.u32 v39, v40;
	_ =	sdelay $0x4  }
0x2df: {  	v40 =	vld.idx.msk [tilespmem:v39+s3+$0x0], $0xffff  }
0x2e0: {  	v55 =	vor.u32 $0x80, v39;
	_ =	sdelay $0x3  }
0x2e1: {  	[tilespmem:v18+s10+$0x0] =	vst.idx.msk $0xffff, v40  }
0x2e2: {  	v40 =	vld.idx.msk [tilespmem:v55+s3+$0x0], $0xffff  }
0x2e3: {  	v56 =	vor.u32 $0x100, v39;
	_ =	sdelay $0x3  }
0x2e4: {  	[tilespmem:v22+s10+$0x0] =	vst.idx.msk $0xffff, v40  }
0x2e5: {  	v40 =	vld.idx.msk [tilespmem:v56+s3+$0x0], $0xffff  }
0x2e6: {  	v57 =	vor.u32 $0x180, v39;
	_ =	sdelay $0x3  }
0x2e7: {  	[tilespmem:v23+s10+$0x0] =	vst.idx.msk $0xffff, v40  }
0x2e8: {  	v40 =	vld.idx.msk [tilespmem:v57+s3+$0x0], $0xffff  }
0x2e9: {  	v58 =	vor.u32 $0x200, v39;
	_ =	sdelay $0x3  }
0x2ea: {  	[tilespmem:v24+s10+$0x0] =	vst.idx.msk $0xffff, v40  }
0x2eb: {  	v40 =	vld.idx.msk [tilespmem:v58+s3+$0x0], $0xffff  }
0x2ec: {  	v59 =	vor.u32 $0x280, v39;
	_ =	sdelay $0x3  }
0x2ed: {  	[tilespmem:v25+s10+$0x0] =	vst.idx.msk $0xffff, v40  }
0x2ee: {  	v40 =	vld.idx.msk [tilespmem:v59+s3+$0x0], $0xffff  }
0x2ef: {  	v60 =	vor.u32 $0x300, v39;
	_ =	sdelay $0x3  }
0x2f0: {  	[tilespmem:v26+s10+$0x0] =	vst.idx.msk $0xffff, v40  }
0x2f1: {  	v40 =	vld.idx.msk [tilespmem:v60+s3+$0x0], $0xffff  }
0x2f2: {  	v61 =	vor.u32 $0x380, v39;
	_ =	sdelay $0x3  }
0x2f3: {  	[tilespmem:v27+s10+$0x0] =	vst.idx.msk $0xffff, v40  }
0x2f4: {  	v40 =	vld.idx.msk [tilespmem:v61+s3+$0x0], $0xffff  }
0x2f5: {  	v62 =	vor.u32 $0x8000, v39;
	_ =	sdelay $0x3  }
0x2f6: {  	[tilespmem:v28+s10+$0x0] =	vst.idx.msk $0xffff, v40  }
0x2f7: {  	v40 =	vld.idx.msk [tilespmem:v62+s3+$0x0], $0xffff  }
0x2f8: {  	v63 =	vor.u32 $0x8080, v39;
	_ =	sdelay $0x3  }
0x2f9: {  	[tilespmem:v29+s10+$0x0] =	vst.idx.msk $0xffff, v40  }
0x2fa: {  	v40 =	vld.idx.msk [tilespmem:v63+s3+$0x0], $0xffff  }
0x2fb: {  	v44 =	vor.u32 $0x8100, v39;
	_ =	sdelay $0x3  }
0x2fc: {  	[tilespmem:v30+s10+$0x0] =	vst.idx.msk $0xffff, v40  }
0x2fd: {  	v40 =	vld.idx.msk [tilespmem:v44+s3+$0x0], $0xffff  }
0x2fe: {  	v45 =	vor.u32 $0x8180, v39;
	_ =	sdelay $0x3  }
0x2ff: {  	[tilespmem:v31+s10+$0x0] =	vst.idx.msk $0xffff, v40  }
0x300: {  	v40 =	vld.idx.msk [tilespmem:v45+s3+$0x0], $0xffff  }
0x301: {  	v46 =	vor.u32 $0x8200, v39;
	_ =	sdelay $0x3  }
0x302: {  	[tilespmem:v32+s10+$0x0] =	vst.idx.msk $0xffff, v40  }
0x303: {  	v40 =	vld.idx.msk [tilespmem:v46+s3+$0x0], $0xffff  }
0x304: {  	v47 =	vor.u32 $0x8280, v39;
	_ =	sdelay $0x3  }
0x305: {  	[tilespmem:v33+s10+$0x0] =	vst.idx.msk $0xffff, v40  }
0x306: {  	v40 =	vld.idx.msk [tilespmem:v47+s3+$0x0], $0xffff  }
0x307: {  	v48 =	vor.u32 $0x8300, v39;
	_ =	sdelay $0x3  }
0x308: {  	[tilespmem:v34+s10+$0x0] =	vst.idx.msk $0xffff, v40  }
0x309: {  	v40 =	vld.idx.msk [tilespmem:v48+s3+$0x0], $0xffff  }
0x30a: {  	v39 =	vor.u32 $0x8380, v39;
	_ =	sdelay $0x3  }
0x30b: {  	[tilespmem:v35+s10+$0x0] =	vst.idx.msk $0xffff, v40  }
0x30c: {  	v39 =	vld.idx.msk [tilespmem:v39+s3+$0x0], $0xffff;
	_ =	sdelay $0x4  }
0x30d: {  	[tilespmem:v36+s10+$0x0] =	vst.idx.msk $0xffff, v39  }
0x30e: {  	v39 =	vld [tilespmem:$0x19BF0];
	_ =	sdelay $0x4  }
0x30f: {  	v39 =	vsub.s32 v39, v38  }
0x310: {  	vm1 =	vgt.s32 v39, $0x0  }
0x311: {  	v39 =	vnsel vm1, $0x0, v39  }
0x312: {  	v39 =	vmin.u32 v39, $0xFFF  }
0x313: {  	v49 =	vshll.u32 v39, $0x3  }
0x314: {  	v39 =	vand.u32 $0x7F, v39;
	v40 =	vand.u32 $0x7C00, v49  }
0x315: {  	v39 =	vor.u32 v39, v40;
	_ =	sdelay $0x4  }
0x316: {  	v40 =	vld.idx.msk [tilespmem:v39+s3+$0x0], $0xffff  }
0x317: {  	v50 =	vor.u32 $0x80, v39;
	_ =	sdelay $0x3  }
0x318: {  	[tilespmem:v18+s5+$0x0] =	vst.idx.msk $0xffff, v40  }
0x319: {  	v40 =	vld.idx.msk [tilespmem:v50+s3+$0x0], $0xffff  }
0x31a: {  	v51 =	vor.u32 $0x100, v39;
	_ =	sdelay $0x3  }
0x31b: {  	[tilespmem:v22+s5+$0x0] =	vst.idx.msk $0xffff, v40  }
0x31c: {  	v40 =	vld.idx.msk [tilespmem:v51+s3+$0x0], $0xffff  }
0x31d: {  	v52 =	vor.u32 $0x180, v39;
	_ =	sdelay $0x3  }
0x31e: {  	[tilespmem:v23+s5+$0x0] =	vst.idx.msk $0xffff, v40  }
0x31f: {  	v40 =	vld.idx.msk [tilespmem:v52+s3+$0x0], $0xffff  }
0x320: {  	v53 =	vor.u32 $0x200, v39;
	_ =	sdelay $0x3  }
0x321: {  	[tilespmem:v24+s5+$0x0] =	vst.idx.msk $0xffff, v40  }
0x322: {  	v40 =	vld.idx.msk [tilespmem:v53+s3+$0x0], $0xffff  }
0x323: {  	v54 =	vor.u32 $0x280, v39;
	_ =	sdelay $0x3  }
0x324: {  	[tilespmem:v25+s5+$0x0] =	vst.idx.msk $0xffff, v40  }
0x325: {  	v40 =	vld.idx.msk [tilespmem:v54+s3+$0x0], $0xffff  }
0x326: {  	v55 =	vor.u32 $0x300, v39;
	_ =	sdelay $0x3  }
0x327: {  	[tilespmem:v26+s5+$0x0] =	vst.idx.msk $0xffff, v40  }
0x328: {  	v40 =	vld.idx.msk [tilespmem:v55+s3+$0x0], $0xffff  }
0x329: {  	v56 =	vor.u32 $0x380, v39;
	_ =	sdelay $0x3  }
0x32a: {  	[tilespmem:v27+s5+$0x0] =	vst.idx.msk $0xffff, v40  }
0x32b: {  	v40 =	vld.idx.msk [tilespmem:v56+s3+$0x0], $0xffff  }
0x32c: {  	v57 =	vor.u32 $0x8000, v39;
	_ =	sdelay $0x3  }
0x32d: {  	[tilespmem:v28+s5+$0x0] =	vst.idx.msk $0xffff, v40  }
0x32e: {  	v40 =	vld.idx.msk [tilespmem:v57+s3+$0x0], $0xffff  }
0x32f: {  	v58 =	vor.u32 $0x8080, v39;
	_ =	sdelay $0x3  }
0x330: {  	[tilespmem:v29+s5+$0x0] =	vst.idx.msk $0xffff, v40  }
0x331: {  	v40 =	vld.idx.msk [tilespmem:v58+s3+$0x0], $0xffff  }
0x332: {  	v59 =	vor.u32 $0x8100, v39;
	_ =	sdelay $0x3  }
0x333: {  	[tilespmem:v30+s5+$0x0] =	vst.idx.msk $0xffff, v40  }
0x334: {  	v40 =	vld.idx.msk [tilespmem:v59+s3+$0x0], $0xffff  }
0x335: {  	v60 =	vor.u32 $0x8180, v39;
	_ =	sdelay $0x3  }
0x336: {  	[tilespmem:v31+s5+$0x0] =	vst.idx.msk $0xffff, v40  }
0x337: {  	v40 =	vld.idx.msk [tilespmem:v60+s3+$0x0], $0xffff  }
0x338: {  	v61 =	vor.u32 $0x8200, v39;
	_ =	sdelay $0x3  }
0x339: {  	[tilespmem:v32+s5+$0x0] =	vst.idx.msk $0xffff, v40  }
0x33a: {  	v40 =	vld.idx.msk [tilespmem:v61+s3+$0x0], $0xffff  }
0x33b: {  	v62 =	vor.u32 $0x8280, v39;
	_ =	sdelay $0x3  }
0x33c: {  	[tilespmem:v33+s5+$0x0] =	vst.idx.msk $0xffff, v40  }
0x33d: {  	v40 =	vld.idx.msk [tilespmem:v62+s3+$0x0], $0xffff  }
0x33e: {  	v63 =	vor.u32 $0x8300, v39;
	_ =	sdelay $0x3  }
0x33f: {  	[tilespmem:v34+s5+$0x0] =	vst.idx.msk $0xffff, v40  }
0x340: {  	v40 =	vld.idx.msk [tilespmem:v63+s3+$0x0], $0xffff  }
0x341: {  	v39 =	vor.u32 $0x8380, v39;
	_ =	sdelay $0x3  }
0x342: {  	[tilespmem:v35+s5+$0x0] =	vst.idx.msk $0xffff, v40  }
0x343: {  	v39 =	vld.idx.msk [tilespmem:v39+s3+$0x0], $0xffff;
	_ =	sdelay $0x3  }
0x344: {  	s21 =	sand.u32 $0x1FFFFFFE, s0;
	s18 =	rddreg [dreg:$0x7]  }
0x345: {  	s15 =	sadd.s32 s18, s21;
	[tilespmem:v36+s5+$0x0] =	vst.idx.msk $0xffff, v39  }
0x346: {  	[hbm4b:s15+s6] =	stream.linear.scatter [tilespmem:s11], [sflag:$0x2], $0x800, $0x38;
	[tilespmem:$0x1F0C0] =	vst v63  }
0x347: {  	s19 =	rddreg [dreg:$0x9];
	_ =	swait.ge [sflag:s20], $0x800  }
0x348: {  	s15 =	sld [smem:$0x7FF];
	_ =	sdelay $0x2  }
0x349: {  	p2 =	sne.s32 @!p1 s15, $0x1  }
0x34a: {  	s18 =	rddreg [dreg:$0xa];
	[sflag:s20] =	ssyncset.done $0x0;
	p2 =	por !p2, p1  }
0x34b: {  	[sflag:s20] =	ssyncadd.s32 $0xFFFFF800;
	s18 =	sor.u32 @!p2 $0x100000, s18  }
0x34c: {  	s15 =	rddreg [dreg:$0xb];
	[smem:s18], [sflag:$0x0] =	smem.add.s32 @!p2 $0x5DB;
	s18 =	simm.s32 @!p2 $0x0  }
0x34d: {  	s21 =	simm.s32 @!p2 $0x1;
	_ =	swait.done @!p2 [sflag:s18]  }
0x34e: {  	s19 =	sadd.s32 s23, s19;
	[smem:$0x7FF] =	sst @!p2 s21  }
0x34f: {  	s19 =	sand.u32 $0xFFFFFF80, s19;
	_ =	sint @!p2 $0x2  }
0x350: {  	s22 =	sadd.s32 $0xFFFFFFFF, s22;
	s15 =	sor.u32 s15, s19;
	_ =	swait.notdone @!p2 [sflag:s18]  }
0x351: {  	s15 =	sshrl.u32 s15, $0x3;
	p2 =	sne.s32 s22, $0x0;
	s21 =	rddreg [dreg:$0x8]  }
.Ltmp14:
0x352: {  	s15 =	sadd.s32 s21, s15;
	(pc) =	sbr.rel @p2 .LBB2_18-.Ltmp14, $4  }
0x353: {  	[hbm4b:s15+s6] =	stream.linear.scatter [tilespmem:s30], [sflag:$0x2], $0x80, $0x38;
	[tilespmem:$0x1F0C0] =	vst v63  }
0x354: {  	_ =	swait.ge [sflag:s20], $0x80  }
0x355: {  	[sflag:s20] =	ssyncset.done $0x0  }
0x356: {  	s0 =	sadd.s32 $0x100, s0;
	s23 =	sadd.s32 $0x80, s23;
	[sflag:s20] =	ssyncadd.s32 $0xFFFFFF80  }
.Ltmp15:
0x357: {  	_ = 	snop;
	(pc) =	sbr.rel .LBB2_19-.Ltmp15, $1  }
0x358: {  	_ =	sdelay $0x3  }
.LBB2_21:
0x359: {  	_ =	sfence.sel $0x180000  }
0x35a: {  	[bflag:$0x0] =	sbarrier.arrive $0xFFFF  }
0x35b: {  	_ =	strace $0x90000047  }
0x35c: {  	[bflag:$0x2] =	sbarrier.arrive $0xFFFF  }
0x35d: {  	s0 =	rddreg [dreg:$0x6]  }
0x35e: {  	s0 =	sadd.s32 @!p0 $0x100000, s0  }
0x35f: {  	[sflag:s0] =	ssyncadd.tile.s32 @!p0 $0x1;
	_ =	shalt  }
.Lfunc_end2:
_tile_overlayer_lowered:
.L_overlay_start_2:
0x360: {  	(tag) =	ssettag $0x2  }
0x361: {  	s0 =	rddreg [dreg:$0x0];
	s2 =	stileid.u32  }
0x362: {  	s1 =	rddreg [dreg:$0x1];
	p0 =	sne.s32 s2, $0x0  }
0x363: {  	s3 =	rddreg [dreg:$0x2];
	[bflag:$0x3] =	sbarrier.arrive $0xFFFF;
	s2 =	simm.s32 @!p0 $0x1C02  }
0x364: {  	[timem:s3], [sflag:s2] =	dma.local @!p0 [hbm:s0], s1  }
0x365: {  	s0 =	simm.s32 @!p0 $0x2  }
0x366: {  	_ =	swait.ge @!p0 [sflag:s0], s1  }
0x367: {  	s1 =	ssub.s32 @!p0 $0x0, s1;
	[sflag:s0] =	ssyncset.done @!p0 $0x0  }
0x368: {  	[sflag:s0] =	ssyncadd.s32 @!p0 s1  }
0x369: {  	[bflag:$0x3] =	sbarrier.arrive $0xFFFF  }
0x36a: {  	_ =	shalt  }

// kernel: kernel.7.cloned.1.call-start
scs
__scs_entry_jumppad:
0x0: {  	(pc) =	sbr.rel $0x88, $3  }
0x1: {  	(tag) =	ssettag $0x0;
	lr =	simm.s32 $0x1  }
0x2: {  	[smem:$0x3F9F] =	sst lr;
	_ =	strace $0xD0000000  }
0x3: {  	_ = 	snop  }
0x4: {  	_ = 	snop  }
0x5: {  	_ = 	snop  }
0x6: {  	_ = 	snop  }
0x7: {  	_ = 	snop  }
__scs_overlays_trampoline_lowered:
0x8: {  	[smem:$0x3FAE] =	sst s0  }
0x9: {  	[smem:$0x3FAF] =	sst s1  }
0xa: {  	[smem:$0x3FB0] =	sst s2  }
0xb: {  	[smem:$0x3FB1] =	sst s3  }
0xc: {  	[smem:$0x3FB2] =	sst s4  }
0xd: {  	[smem:$0x3FB3] =	sst s5  }
0xe: {  	[smem:$0x3FB4] =	sst s6  }
0xf: {  	[smem:$0x3FB5] =	sst s7  }
0x10: {  	[smem:$0x3FB6] =	sst s8  }
0x11: {  	[smem:$0x3FB7] =	sst s9;
	s0 =	simm.s32 @!p0 $0x0  }
0x12: {  	s1 =	sld [smem:$0x3F9D];
	s0 =	simm.s32 @p0 $0x1  }
0x13: {  	[smem:$0x3FB8] =	sst s0;
	s0 =	simm.s32 @!p1 $0x0  }
0x14: {  	s2 =	sld [smem:$0x3F9C];
	s0 =	simm.s32 @p1 $0x1  }
0x15: {  	[smem:$0x3FB9] =	sst s0;
	s0 =	simm.s32 @!p2 $0x0  }
0x16: {  	s3 =	sld [smem:$0x3FDB];
	s0 =	simm.s32 @p2 $0x1  }
0x17: {  	s4 =	simm.s32 $0x1BF5;
	[smem:$0x3FBB] =	sst s0  }
0x18: {  	s0 =	sld [smem:$0x3F9E];
	_ =	swait.ge [sflag:s4], $0x0  }
0x19: {  	s7 =	sld [smem:$0x3F9F]  }
0x1a: {  	s8 =	sadd.s32 $0xFFFFE003, lr  }
0x1b: {  	s9 =	sadd.s32 $0xFFFFFEF7, lr;
	s5 =	simm.s32 $0xFFFFFFFF;
	p2 =	slt.u32 s8, $0xFFFFF086  }
0x1c: {  	p1 =	slt.u32 s9, $0xF7A;
	s5 =	simm.s32 @!p2 $0x0  }
0x1d: {  	s5 =	simm.s32 @p1 $0x1;
	p0 =	seq.s32 s7, s2  }
0x1e: {  	s7 =	smul.u32 @!p0 $0xF7A, s2;
	p2 =	seq.s32 @!p0 s5, $0x0  }
0x1f: {  	s9 =	smul.u32 $0xF7A, s1;
	s8 =	simm.s32 @!p0 $0x1BF5;
	p2 =	por !p2, p0  }
0x20: {  	[sflag:s8] =	ssyncset.s32 @!p0 $0xFFFFF086;
	s6 =	sadd.s32 @!p0 s3, s7;
	s7 =	simm.s32 @!p0 $0x108  }
0x21: {  	s3 =	sadd.s32 s3, s9;
	s6 =	sadd.s32 @!p0 $0x88, s6;
	s7 =	simm.s32 @p2 $0x1082  }
0x22: {  	[simem:s7], [sflag:s8] =	dma.local @!p0 [hbm:s6], $0xF7A  }
0x23: {  	s9 =	sor.u32 $0xD0000000, s2;
	s6 =	simm.s32 $0x108;
	_ =	swait.ge @!p0 [sflag:s8], $0x0  }
0x24: {  	s3 =	sadd.s32 $0x88, s3;
	s6 =	simm.s32 @!p1 $0x1082;
	[sflag:s4] =	ssyncset.s32 $0xFFFFF086  }
0x25: {  	[simem:s6], [sflag:s4] =	dma.local [hbm:s3], $0xF7A  }
0x26: {  	[smem:$0x3F9F] =	sst s1;
	(tag) =	ssettag s2;
	_ =	strace s9  }
0x27: {  	s1 =	sld [smem:$0x3FAF]  }
0x28: {  	s2 =	sld [smem:$0x3FB0]  }
0x29: {  	s4 =	sld [smem:$0x3FB2]  }
0x2a: {  	p0 =	seq.s32 s5, $0x0;
	s5 =	sld [smem:$0x3FB3]  }
0x2b: {  	s6 =	sld [smem:$0x3FB4]  }
0x2c: {  	s7 =	sld [smem:$0x3FB5]  }
0x2d: {  	s3 =	simm.s32 $0x108;
	s8 =	sld [smem:$0x3FB6]  }
0x2e: {  	s3 =	simm.s32 @!p0 $0x1082;
	s9 =	sld [smem:$0x3FB7]  }
0x2f: {  	lr =	sadd.s32 s0, s3;
	s0 =	sld [smem:$0x3FAE]  }
0x30: {  	s3 =	sld [smem:$0x3FB1]  }
0x31: {  	[smem:$0x3FBA] =	sst s10  }
0x32: {  	s10 =	sld [smem:$0x3FB8];
	_ =	sdelay $0x3  }
0x33: {  	p0 =	seq.s32 s10, $0x1;
	s10 =	sld [smem:$0x3FBA];
	_ =	sdelay $0x3  }
0x34: {  	[smem:$0x3FBA] =	sst s10  }
0x35: {  	s10 =	sld [smem:$0x3FB9];
	_ =	sdelay $0x3  }
0x36: {  	p1 =	seq.s32 s10, $0x1;
	s10 =	sld [smem:$0x3FBA];
	_ =	sdelay $0x3  }
0x37: {  	[smem:$0x3FBA] =	sst s10  }
0x38: {  	s10 =	sld [smem:$0x3FBB]  }
0x39: {  	_ = 	snop;
	(pc) =	sbr.ind lr, $3  }
0x3a: {  	_ = 	snop  }
0x3b: {  	_ = 	snop  }
0x3c: {  	p2 =	seq.s32 s10, $0x1;
	s10 =	sld [smem:$0x3FBA]  }
0x3d: {  	_ =	shalt  }
0x3e: {  	_ =	shalt  }
0x3f: {  	_ =	shalt  }
0x40: {  	_ =	shalt  }
0x41: {  	_ =	shalt  }
0x42: {  	_ =	shalt  }
0x43: {  	_ =	shalt  }
0x44: {  	_ =	shalt  }
0x45: {  	_ =	shalt  }
0x46: {  	_ =	shalt  }
0x47: {  	_ =	shalt  }
0x48: {  	_ =	shalt  }
0x49: {  	_ =	shalt  }
0x4a: {  	_ =	shalt  }
0x4b: {  	_ =	shalt  }
0x4c: {  	_ =	shalt  }
0x4d: {  	_ =	shalt  }
0x4e: {  	_ =	shalt  }
0x4f: {  	_ =	shalt  }
0x50: {  	_ =	shalt  }
0x51: {  	_ =	shalt  }
0x52: {  	_ =	shalt  }
0x53: {  	_ =	shalt  }
0x54: {  	_ =	shalt  }
0x55: {  	_ =	shalt  }
0x56: {  	_ =	shalt  }
0x57: {  	_ =	shalt  }
0x58: {  	_ =	shalt  }
0x59: {  	_ =	shalt  }
0x5a: {  	_ =	shalt  }
0x5b: {  	_ =	shalt  }
0x5c: {  	_ =	shalt  }
0x5d: {  	_ =	shalt  }
0x5e: {  	_ =	shalt  }
0x5f: {  	_ =	shalt  }
0x60: {  	_ =	shalt  }
0x61: {  	_ =	shalt  }
0x62: {  	_ =	shalt  }
0x63: {  	_ =	shalt  }
0x64: {  	_ =	shalt  }
0x65: {  	_ =	shalt  }
0x66: {  	_ =	shalt  }
0x67: {  	_ =	shalt  }
0x68: {  	_ =	shalt  }
0x69: {  	_ =	shalt  }
0x6a: {  	_ =	shalt  }
0x6b: {  	_ =	shalt  }
0x6c: {  	_ =	shalt  }
0x6d: {  	_ =	shalt  }
0x6e: {  	_ =	shalt  }
0x6f: {  	_ =	shalt  }
0x70: {  	_ =	shalt  }
0x71: {  	_ =	shalt  }
0x72: {  	_ =	shalt  }
0x73: {  	_ =	shalt  }
0x74: {  	_ =	shalt  }
0x75: {  	_ =	shalt  }
0x76: {  	_ =	shalt  }
0x77: {  	_ =	shalt  }
0x78: {  	_ =	shalt  }
0x79: {  	_ =	shalt  }
0x7a: {  	_ =	shalt  }
0x7b: {  	_ =	shalt  }
0x7c: {  	_ =	shalt  }
0x7d: {  	_ =	shalt  }
0x7e: {  	_ =	shalt  }
0x7f: {  	_ =	shalt  }
0x80: {  	_ =	shalt  }
0x81: {  	_ =	shalt  }
0x82: {  	_ =	shalt  }
0x83: {  	_ =	shalt  }
0x84: {  	_ =	shalt  }
0x85: {  	_ =	shalt  }
0x86: {  	_ =	shalt  }
0x87: {  	_ =	shalt  }
.Lfunc_end0:
.L_simem_size_0:
called_computation.1_lowered:
.L_overlay_start_0:
0x88: {  	s2 =	sld [smem:$0x3FD9]  }
0x89: {  	s3 =	sld [smem:$0x3FFE];
	_ =	sdelay $0x1  }
0x8a: {  	s1 =	srdreg.scid  }
0x8b: {  	s0 =	sand.u32 $0x1, s1  }
0x8c: {  	s17 =	sshll.u32 s0, $0xA;
	s2 =	sadd.s32 s3, s2  }
0x8d: {  	s2 =	sadd.s32 s2, s17  }
0x8e: {  	[smem:$0x3FC6] =	sst s2  }
0x8f: {  	_ = 	snop  }
0x90: {  	s2 =	sld [smem:$0x3FD0];
	(tm) =	ssettm $0x1  }
0x91: {  	s18 =	sld [smem:$0x3FFB];
	_ =	sdelay $0x3  }
0x92: {  	_ =	strace s18  }
0x93: {  	s3 =	sld [smem:$0x3FFC];
	_ =	sdelay $0x3  }
0x94: {  	_ =	strace s3  }
0x95: {  	s3 =	sld [smem:$0x3FFD];
	_ =	sdelay $0x3  }
0x96: {  	_ =	strace s3  }
0x97: {  	_ =	strace $0x8FFFFFFF  }
0x98: {  	s19 =	sld [smem:$0x3FDB];
	_ =	sdelay $0x1  }
0x99: {  	s4 =	simm.s32 $_scs_section_size  }
0x9a: {  	s5 =	simm.s32 $_size__tile_overlayer_lowered;
	s6 =	simm.s32 $_tile_overlayer_lowered  }
0x9b: {  	s22 =	simm.s32 $0x1BFF;
	s21 =	sshll.u32 s6, $0x1;
	s3 =	sadd.s32 s4, s19  }
0x9c: {  	s7 =	simm.s32 $0x0;
	s20 =	sshll.u32 s5, $0x1;
	s5 =	sadd.s32 s21, s3  }
0x9d: {  	[timem:s7], [sflag:s22] =	dma.local [hbm:s5], s20  }
0x9e: {  	_ =	swait.ge [sflag:s22], s20  }
0x9f: {  	s4 =	ssub.s32 $0x0, s20;
	[sflag:s22] =	ssyncset.done $0x0  }
0xa0: {  	[sflag:s22] =	ssyncadd.s32 s4;
	_ =	sdelay $0x1  }
0xa1: {  	s23 =	simm.s32 $0x1B8B  }
0xa2: {  	_ =	swait.ge [sflag:s23], $0x1  }
0xa3: {  	[sflag:s23] =	ssyncset.done $0x0  }
0xa4: {  	s25 =	simm.s32 $0x1B8E;
	s24 =	sld [smem:$0x3FFE];
	[sflag:s23] =	ssyncadd.s32 $0xFFFFFFFF  }
0xa5: {  	s26 =	simm.s32 $execute0_lowered;
	[smem:$0x3FD2] =	sst s25  }
0xa6: {  	s5 =	sshll.u32 s26, $0x1;
	_ =	strace $0x80000049;
	[dreg:$0x1] =	wrdreg $0xFFFFFFFF  }
0xa7: {  	s28 =	simm.s32 $_size_execute0_lowered;
	s3 =	sadd.s32 s3, s5;
	[dreg:$0x0] =	wrdreg $0x0  }
0xa8: {  	s5 =	sshll.u32 s28, $0x1;
	[dreg:$0x2] =	wrdreg s3  }
0xa9: {  	[dreg:$0x3] =	wrdreg s5  }
0xaa: {  	[dreg:$0x4] =	wrdreg $0xC0  }
0xab: {  	_ =	task [dreg:s7], $0x5FFFF  }
0xac: {  	[dreg:$0x1] =	wrdreg $0xFFFFFFFF  }
0xad: {  	[dreg:$0x0] =	wrdreg $0x60  }
0xae: {  	[dreg:$0x2] =	wrdreg s24  }
0xaf: {  	[dreg:$0x3] =	wrdreg s2  }
0xb0: {  	[dreg:$0x4] =	wrdreg $0x9  }
0xb1: {  	_ =	task.clear_ibuf [dreg:s7], $0x5FFFF;
	_ =	strace $0x90000049  }
0xb2: {  	s29 =	simm.s32 $0x9;
	_ =	strace $0x8000004B  }
0xb3: {  	_ =	swait.ge [sflag:s29], $0x1  }
0xb4: {  	[sflag:s29] =	ssyncadd.s32 $0xFFFFFFFF  }
0xb5: {  	_ =	strace $0x9000004B  }
0xb6: {  	_ =	sfence  }
0xb7: {  	s30 =	sld [smem:$0x0];
	_ =	sdelay $0x2  }
0xb8: {  	s31 =	sshll.u32 s1, $0xD;
	s1 =	sshrl.u32 s1, $0x2  }
0xb9: {  	s3 =	sand.u32 $0x4000, s31;
	s1 =	sadd.s32 s1, s30  }
0xba: {  	s0 =	sor.u32 s3, s0;
	s1 =	sshll.u32 s1, $0x11  }
0xbb: {  	s0 =	sor.u32 s1, s0  }
0xbc: {  	s0 =	sadd.s32 $0x8F2B, s0  }
0xbd: {  	[sflag:s0] =	ssyncadd.remote.s32 $0x1  }
0xbe: {  	_ =	sfence.sel $0xFFFF  }
0xbf: {  	[dreg:$0x0] =	wrdreg $0xFFFFFFFF;
	(pc) =	sbr.abs _section_cstart, $3  }
0xc0: {  	[dreg:$0x1] =	wrdreg $0xFFFFFFFF  }
0xc1: {  	_ =	task.clear_ibuf [dreg:s7], $0x2FFFF;
	_ =	strace $0x9FFFFFFF  }
0xc2: {  	(tm) =	ssettm $0x7FFFFFFF  }
0xc3: {  	_ =	shalt  }
tec
execute0_lowered:
.L_overlay_start_1:
0x0: {  	(tag) =	ssettag $0x1  }
0x1: {  	s7 =	rddreg [dreg:$0x0]  }
0x2: {  	s12 =	rddreg [dreg:$0x1]  }
0x3: {  	s0 =	rddreg [dreg:$0x2];
	s1 =	simm.s32 $0x0  }
0x4: {  	s2 =	srdreg.scid;
	s15 =	simm.s32 $0x90;
	s16 =	simm.s32 $0x80  }
0x5: {  	s17 =	simm.s32 $0x1;
	s18 =	simm.s32 $0x0;
	[smem:$0x7FF] =	sst s1  }
0x6: {  	s3 =	sadd.s32 $0x6000, s7;
	s10 =	sand.u32 $0x1, s2;
	s4 =	sadd.s32 $0x97000, s7  }
0x7: {  	s2 =	stileid.u32;
	s5 =	sadd.s32 $0x97200, s7;
	s7 =	sadd.s32 $0x97001, s7  }
0x8: {  	_ =	strace $0x8000004A;
	s6 =	ssub.s32 $0x2, s10;
	s9 =	sshll.u32 s2, $0x1  }
0x9: {  	s29 =	sshll.u32 s2, $0x8;
	s11 =	sshll.u32 s10, $0x7;
	s13 =	sshll.u32 s2, $0x9  }
0xa: {  	s14 =	sshll.u32 s10, $0x8;
	s30 =	sshll.u32 s2, $0x5;
	s8 =	sshrl.u32 s6, $0x1  }
.Ltmp0:
0xb: {  	s11 =	sor.u32 s11, s29;
	s8 =	ssub.s32 s6, s8;
	(pc) =	sbr.rel .LBB2_1-.Ltmp0, $4  }
0xc: {  	s6 =	sor.u32 s10, s9;
	s9 =	sor.u32 s14, s13;
	s11 =	sadd.s32 $0x24400, s11  }
0xd: {  	s13 =	sadd.s32 s30, s12;
	s10 =	sshll.u32 s10, $0x4;
	s14 =	simm.s32 $0x10  }
0xe: {  	s8 =	smax.u32 s8, $0x1;
	s31 =	sshrl.u32 s11, $0x3;
	s10 =	sadd.s32 s10, s13  }
0xf: {  	s11 =	sshll.u32 s11, $0x1;
	s13 =	simm.s32 $0x2;
	s12 =	sadd.s32 s31, s12  }
.LBB2_8:
0x10: {  	[sflag:s17] =	ssyncadd.s32 $0xFFFFF800  }
.LBB2_9:
0x11: {  	s18 =	sadd.s32 $0x1, s18  }
0x12: {  	p0 =	sne.s32 s18, s8  }
.Ltmp1:
0x13: {  	_ = 	snop;
	(pc) =	sbr.rel @!p0 .LBB2_10-.Ltmp1, $1  }
0x14: {  	_ =	sdelay $0x3  }
.LBB2_1:
0x15: {  	[tilespmem:s1], [sflag:$0x2] =	stream.linear.gather [hbm4b:s4+s1], $0x8, $0x38;
	[tilespmem:$0x890] =	vst v63  }
0x16: {  	_ =	swait.ge [sflag:s13], $0x8  }
0x17: {  	[sflag:s13] =	ssyncset.done $0x0  }
0x18: {  	[sflag:s13] =	ssyncadd.s32 $0xFFFFFFF8  }
0x19: {  	v0 =	vld [tilespmem:$0x0];
	_ =	sdelay $0x4  }
0x1a: {  	(v2sf) =	vpush v0, $0x0;
	_ =	sdelay $0xe  }
0x1b: {  	s19 =	spop (v2sf)  }
0x1c: {  	s20 =	sshra.s32 s19, $0x1F  }
0x1d: {  	s20 =	sshrl.u32 s20, $0x19  }
0x1e: {  	s19 =	sadd.s32 s20, s19  }
0x1f: {  	s19 =	sshra.s32 s19, $0x7  }
0x20: {  	p0 =	sge.s32 s6, s19  }
.Ltmp2:
0x21: {  	_ = 	snop;
	(pc) =	sbr.rel @p0 .LBB2_5-.Ltmp2, $1  }
0x22: {  	_ =	sdelay $0x3  }
0x23: {  	[tilespmem:s14], [sflag:$0x2] =	stream.linear.gather [hbm4b:s10+s1], $0x80, $0x38;
	[tilespmem:$0x890] =	vst v63  }
0x24: {  	_ =	swait.ge [sflag:s13], $0x80  }
0x25: {  	s20 =	sand.u32 $0x1FFFFF00, s9;
	[sflag:s13] =	ssyncset.done $0x0  }
0x26: {  	s20 =	sadd.s32 s3, s20;
	[sflag:s13] =	ssyncadd.s32 $0xFFFFFF80  }
0x27: {  	[tilespmem:s15], [sflag:$0x2] =	stream.linear.gather [hbm4b:s20+s1], $0x800, $0x38;
	[tilespmem:$0x890] =	vst v63  }
0x28: {  	s20 =	sadd.s32 $0x20, s6  }
0x29: {  	_ =	swait.ge [sflag:s13], $0x800;
	p0 =	slt.s32 s20, s19  }
.Ltmp3:
0x2a: {  	[sflag:s13] =	ssyncset.done $0x0;
	(pc) =	sbr.rel @!p0 .LBB2_4-.Ltmp3, $4  }
0x2b: {  	[sflag:s13] =	ssyncadd.s32 $0xFFFFF800  }
0x2c: {  	[hbm4b:s5+s16] =	stream.indirect.scatter [tilespmem:s15], [sflag:$0x1], $0x10, s14, s16, $0xb8;
	[tilespmem:$0x890] =	vst v63  }
0x2d: {  	_ =	swait.ge [sflag:s17], $0x800  }
0x2e: {  	s21 =	sadd.s32 $0x200, s10;
	s22 =	smov.u32 s9;
	[sflag:s17] =	ssyncset.done $0x0  }
.LBB2_3:
0x2f: {  	s20 =	sadd.s32 $0x20, s20;
	[sflag:s17] =	ssyncadd.s32 $0xFFFFF800;
	s22 =	sadd.s32 $0x2000, s22  }
0x30: {  	[tilespmem:s14], [sflag:$0x2] =	stream.linear.gather [hbm4b:s21+s1], $0x80, $0x38;
	[tilespmem:$0x890] =	vst v63  }
0x31: {  	p0 =	slt.s32 s20, s19;
	_ =	swait.ge [sflag:s13], $0x80  }
0x32: {  	s23 =	sand.u32 $0x1FFFFF00, s22;
	[sflag:s13] =	ssyncset.done $0x0  }
0x33: {  	s23 =	sadd.s32 s3, s23;
	[sflag:s13] =	ssyncadd.s32 $0xFFFFFF80  }
0x34: {  	[tilespmem:s15], [sflag:$0x2] =	stream.linear.gather [hbm4b:s23+s1], $0x800, $0x38;
	[tilespmem:$0x890] =	vst v63  }
0x35: {  	_ =	swait.ge [sflag:s13], $0x800  }
.Ltmp4:
0x36: {  	[sflag:s13] =	ssyncset.done $0x0;
	(pc) =	sbr.rel @p0 .LBB2_3-.Ltmp4, $4  }
0x37: {  	[sflag:s13] =	ssyncadd.s32 $0xFFFFF800  }
0x38: {  	[hbm4b:s5+s16] =	stream.indirect.scatter [tilespmem:s15], [sflag:$0x1], $0x10, s14, s16, $0xb8;
	[tilespmem:$0x890] =	vst v63  }
0x39: {  	_ =	swait.ge [sflag:s17], $0x800  }
0x3a: {  	s21 =	sadd.s32 $0x200, s21;
	[sflag:s17] =	ssyncset.done $0x0  }
.LBB2_4:
0x3b: {  	[sflag:s17] =	ssyncadd.s32 $0xFFFFF800  }
.LBB2_5:
0x3c: {  	[tilespmem:s1], [sflag:$0x2] =	stream.linear.gather [hbm4b:s7+s1], $0x8, $0x38;
	[tilespmem:$0x890] =	vst v63  }
0x3d: {  	_ =	swait.ge [sflag:s13], $0x8  }
0x3e: {  	[sflag:s13] =	ssyncset.done $0x0  }
0x3f: {  	[sflag:s13] =	ssyncadd.s32 $0xFFFFFFF8  }
0x40: {  	v0 =	vld [tilespmem:$0x0];
	_ =	sdelay $0x4  }
0x41: {  	(v2sf) =	vpush v0, $0x0;
	_ =	sdelay $0xe  }
0x42: {  	s19 =	spop (v2sf)  }
0x43: {  	s20 =	sshra.s32 s19, $0x1F  }
0x44: {  	s20 =	sshrl.u32 s20, $0x19  }
0x45: {  	s19 =	sadd.s32 s20, s19  }
0x46: {  	s19 =	sshra.s32 s19, $0x7  }
0x47: {  	p0 =	sge.s32 s6, s19  }
.Ltmp5:
0x48: {  	_ = 	snop;
	(pc) =	sbr.rel @p0 .LBB2_9-.Ltmp5, $1  }
0x49: {  	_ =	sdelay $0x3  }
0x4a: {  	[tilespmem:s14], [sflag:$0x2] =	stream.linear.gather [hbm4b:s12+s1], $0x80, $0x38;
	[tilespmem:$0x890] =	vst v63  }
0x4b: {  	_ =	swait.ge [sflag:s13], $0x80  }
0x4c: {  	s20 =	sand.u32 $0x1FFFFF00, s11;
	[sflag:s13] =	ssyncset.done $0x0  }
0x4d: {  	s20 =	sadd.s32 s3, s20;
	[sflag:s13] =	ssyncadd.s32 $0xFFFFFF80  }
0x4e: {  	[tilespmem:s15], [sflag:$0x2] =	stream.linear.gather [hbm4b:s20+s1], $0x800, $0x38;
	[tilespmem:$0x890] =	vst v63  }
0x4f: {  	s20 =	sadd.s32 $0x20, s6  }
0x50: {  	_ =	swait.ge [sflag:s13], $0x800;
	p0 =	slt.s32 s20, s19  }
.Ltmp6:
0x51: {  	[sflag:s13] =	ssyncset.done $0x0;
	(pc) =	sbr.rel @!p0 .LBB2_8-.Ltmp6, $4  }
0x52: {  	[sflag:s13] =	ssyncadd.s32 $0xFFFFF800  }
0x53: {  	[hbm4b:s5+s16] =	stream.indirect.scatter [tilespmem:s15], [sflag:$0x1], $0x10, s14, s16, $0xb8;
	[tilespmem:$0x890] =	vst v63  }
0x54: {  	_ =	swait.ge [sflag:s17], $0x800  }
0x55: {  	s21 =	sadd.s32 $0x200, s12;
	s22 =	smov.u32 s11;
	[sflag:s17] =	ssyncset.done $0x0  }
.LBB2_7:
0x56: {  	s20 =	sadd.s32 $0x20, s20;
	[sflag:s17] =	ssyncadd.s32 $0xFFFFF800;
	s22 =	sadd.s32 $0x2000, s22  }
0x57: {  	[tilespmem:s14], [sflag:$0x2] =	stream.linear.gather [hbm4b:s21+s1], $0x80, $0x38;
	[tilespmem:$0x890] =	vst v63  }
0x58: {  	p0 =	slt.s32 s20, s19;
	_ =	swait.ge [sflag:s13], $0x80  }
0x59: {  	s23 =	sand.u32 $0x1FFFFF00, s22;
	[sflag:s13] =	ssyncset.done $0x0  }
0x5a: {  	s23 =	sadd.s32 s3, s23;
	[sflag:s13] =	ssyncadd.s32 $0xFFFFFF80  }
0x5b: {  	[tilespmem:s15], [sflag:$0x2] =	stream.linear.gather [hbm4b:s23+s1], $0x800, $0x38;
	[tilespmem:$0x890] =	vst v63  }
0x5c: {  	_ =	swait.ge [sflag:s13], $0x800  }
.Ltmp7:
0x5d: {  	[sflag:s13] =	ssyncset.done $0x0;
	(pc) =	sbr.rel @p0 .LBB2_7-.Ltmp7, $4  }
0x5e: {  	[sflag:s13] =	ssyncadd.s32 $0xFFFFF800  }
0x5f: {  	[hbm4b:s5+s16] =	stream.indirect.scatter [tilespmem:s15], [sflag:$0x1], $0x10, s14, s16, $0xb8;
	[tilespmem:$0x890] =	vst v63  }
0x60: {  	_ =	swait.ge [sflag:s17], $0x800  }
0x61: {  	s21 =	sadd.s32 $0x200, s21;
	[sflag:s17] =	ssyncset.done $0x0  }
.Ltmp8:
0x62: {  	_ = 	snop;
	(pc) =	sbr.rel .LBB2_8-.Ltmp8, $1  }
0x63: {  	_ =	sdelay $0x3  }
.LBB2_10:
0x64: {  	_ =	sfence.sel $0x180000  }
0x65: {  	[bflag:$0x0] =	sbarrier.arrive $0xFFFF  }
0x66: {  	p0 =	sne.s32 s2, $0x0;
	_ =	strace $0x9000004A  }
0x67: {  	s0 =	sadd.s32 @!p0 $0x100000, s0;
	[bflag:$0x2] =	sbarrier.arrive $0xFFFF  }
0x68: {  	[sflag:s0] =	ssyncadd.tile.s32 @!p0 $0x1;
	_ =	shalt  }
.Lfunc_end2:
_tile_overlayer_lowered:
.L_overlay_start_2:
0x69: {  	(tag) =	ssettag $0x2  }
0x6a: {  	s0 =	rddreg [dreg:$0x0];
	s2 =	stileid.u32  }
0x6b: {  	s1 =	rddreg [dreg:$0x1];
	p0 =	sne.s32 s2, $0x0  }
0x6c: {  	s3 =	rddreg [dreg:$0x2];
	[bflag:$0x3] =	sbarrier.arrive $0xFFFF;
	s2 =	simm.s32 @!p0 $0x1C02  }
0x6d: {  	[timem:s3], [sflag:s2] =	dma.local @!p0 [hbm:s0], s1  }
0x6e: {  	s0 =	simm.s32 @!p0 $0x2  }
0x6f: {  	_ =	swait.ge @!p0 [sflag:s0], s1  }
0x70: {  	s1 =	ssub.s32 @!p0 $0x0, s1;
	[sflag:s0] =	ssyncset.done @!p0 $0x0  }
0x71: {  	[sflag:s0] =	ssyncadd.s32 @!p0 s1  }
0x72: {  	[bflag:$0x3] =	sbarrier.arrive $0xFFFF  }
0x73: {  	_ =	shalt  }

</sc_bundles>
